<compile_context>
chip_gen: v7x
topology: tpu7x:2x2x1
jax: 0.10.2.dev20260603
libtpu: 0.0.44.dev20260713+nightly
codegen_flags: <defaults>
</compile_context>

<pallas_src>
import functools

import jax
import jax.numpy as jnp
from jax import lax
from jax.experimental import pallas as pl
from jax.experimental.pallas import tpu as pltpu
from jax.experimental.pallas import tpu_sc as plsc

N_CLASSES = 100000
N_EMBS = 90000
N_MISS = N_CLASSES - N_EMBS
TEXT_DIM = 768
EMB_DIM = 64
BATCH = 16384
CW = 128
HALF_E = N_EMBS // 2
HALF_M = N_MISS // 2
N_PACKED = N_CLASSES // 2

NC, NS, L = 2, 16, 16
NW = NC * NS
B_PER_W = BATCH // NW
CH = 64
NCH = B_PER_W // CH

PB = 1800
MB = 1000


def _project(e, w, b):
    y = lax.dot_general(
        e, w, (((1,), (1,)), ((), ())), preferred_element_type=jnp.float32
    ) + b
    mean = jnp.mean(y, axis=1, keepdims=True)
    d = y - mean
    var = jnp.sum(d * d, axis=1, keepdims=True) * (1.0 / (EMB_DIM - 1))
    return y * lax.rsqrt(var)


def _proj_body(elo_ref, ehi_ref, w_ref, b_ref, out_ref):
    w = w_ref[...]
    b = b_ref[...]
    z_lo = _project(elo_ref[...], w, b)
    z_hi = _project(ehi_ref[...], w, b)
    out_ref[...] = jnp.concatenate([z_lo, z_hi], axis=1)


def _miss_body(mlo_ref, mhi_ref, c_ref, out_ref):
    del c_ref
    out_ref[...] = jnp.concatenate([mlo_ref[...], mhi_ref[...]], axis=1)


def _sc_mesh():
    return plsc.VectorSubcoreMesh(
        core_axis_name="c", subcore_axis_name="s", num_cores=NC, num_subcores=NS
    )


@functools.partial(
    pl.kernel,
    mesh=_sc_mesh(),
    out_type=[
        jax.ShapeDtypeStruct((BATCH, CW), jnp.float32),
        jax.ShapeDtypeStruct((NW, NCH, CH), jnp.float32),
        jax.ShapeDtypeStruct((NW, NCH, CH), jnp.int32),
    ],
    scratch_types=[
        pltpu.VMEM((NCH, CH), jnp.int32),
        pltpu.VMEM((NCH, CH), jnp.int32),
        pltpu.VMEM((NCH, CH), jnp.int32),
        pltpu.VMEM((NCH, CH), jnp.float32),
        pltpu.VMEM((B_PER_W, CW), jnp.float32),
        pltpu.SemaphoreType.DMA,
        pltpu.SemaphoreType.DMA,
        pltpu.SemaphoreType.DMA,
    ],
)
def _sc_gather(x_hbm, indmap_hbm, embmap_hbm, scales_hbm, comb_hbm,
               rows_out, scl_out, code_out,
               xv, indv, emv, sclv, gv, sem_g, sem_r, sem_w):
    wid = lax.axis_index("s") * NC + lax.axis_index("c")
    base = wid * B_PER_W

    for j in range(NCH):
        pltpu.sync_copy(x_hbm.at[pl.ds(base + j * CH, CH)], xv.at[j])
    descs = []
    for j in range(NCH):
        descs.append(pltpu.async_copy(indmap_hbm.at[xv.at[j]], indv.at[j], sem_g))
        descs.append(pltpu.async_copy(scales_hbm.at[xv.at[j]], sclv.at[j], sem_g))
        descs.append(pltpu.async_copy(embmap_hbm.at[xv.at[j]], emv.at[j], sem_g))
    for d in descs:
        d.wait()

    for j in range(NCH):
        for i in range(CH // L):
            sl = pl.ds(i * L, L)
            ind = indv[j, sl]
            miss = ind < 0
            s = jnp.maximum(ind, 0)
            rp = s >= HALF_E
            pp = jnp.where(rp, s - HALF_E, s)
            em = jnp.minimum(jnp.maximum(emv[j, sl], 0), N_MISS - 1)
            rm = em >= HALF_M
            pm = jnp.where(rm, em - HALF_M, em) + HALF_E
            p = jnp.where(miss, pm, pp)
            right = jnp.where(miss, rm, rp)
            indv[j, sl] = jnp.minimum(p, N_PACKED - 1)
            emv[j, sl] = (jnp.where(right, 1, 0)
                          + jnp.where(miss, 2, 0))
    d_code = pltpu.async_copy(emv, code_out.at[wid], sem_w)
    d_scl = pltpu.async_copy(sclv, scl_out.at[wid], sem_w)

    gdescs = []
    for j in range(NCH):
        gdescs.append(
            pltpu.async_copy(comb_hbm.at[indv.at[j]], gv.at[pl.ds(j * CH, CH)],
                             sem_r)
        )
    for d in gdescs:
        d.wait()
    pltpu.sync_copy(gv, rows_out.at[pl.ds(base, B_PER_W)])
    d_code.wait()
    d_scl.wait()


_OUT_BLK = 2048


def _final_body(g_ref, scl_ref, code_ref, out_ref):
    g = g_ref[...]
    code = code_ref[...]
    right = lax.rem(code, 2) == 1
    half = jnp.where(right, g[:, EMB_DIM:], g[:, :EMB_DIM])
    out_ref[...] = jnp.where(code >= 2, half, scl_ref[...] * half)


def kernel(x, indmap, embmap, embs, W1, b1, scales, missing_w):
    scales1 = scales.reshape(N_CLASSES)
    b2 = b1.reshape(1, EMB_DIM)

    comb = pl.pallas_call(
        _proj_body,
        grid=(HALF_E // PB,),
        in_specs=[
            pl.BlockSpec((PB, TEXT_DIM), lambda i: (i, 0)),
            pl.BlockSpec((PB, TEXT_DIM), lambda i: (HALF_E // PB + i, 0)),
            pl.BlockSpec((EMB_DIM, TEXT_DIM), lambda i: (0, 0)),
            pl.BlockSpec((1, EMB_DIM), lambda i: (0, 0)),
        ],
        out_specs=pl.BlockSpec((PB, CW), lambda i: (i, 0)),
        out_shape=jax.ShapeDtypeStruct((N_PACKED, CW), jnp.float32),
    )(embs, embs, W1, b2)

    comb = pl.pallas_call(
        _miss_body,
        grid=(HALF_M // MB,),
        in_specs=[
            pl.BlockSpec((MB, EMB_DIM), lambda i: (i, 0)),
            pl.BlockSpec((MB, EMB_DIM), lambda i: (HALF_M // MB + i, 0)),
            pl.BlockSpec((8, CW), lambda i: (0, 0)),
        ],
        out_specs=pl.BlockSpec((MB, CW), lambda i: (HALF_E // MB + i, 0)),
        out_shape=jax.ShapeDtypeStruct((N_PACKED, CW), jnp.float32),
        input_output_aliases={2: 0},
    )(missing_w, missing_w, comb)

    rows, scl, code = _sc_gather(x, indmap, embmap, scales1, comb)
    scl2 = scl.reshape(BATCH, 1)
    code2 = code.reshape(BATCH, 1)

    out = pl.pallas_call(
        _final_body,
        grid=(BATCH // _OUT_BLK,),
        in_specs=[
            pl.BlockSpec((_OUT_BLK, CW), lambda i: (i, 0)),
            pl.BlockSpec((_OUT_BLK, 1), lambda i: (i, 0)),
            pl.BlockSpec((_OUT_BLK, 1), lambda i: (i, 0)),
        ],
        out_specs=pl.BlockSpec((_OUT_BLK, EMB_DIM), lambda i: (i, 0)),
        out_shape=jax.ShapeDtypeStruct((BATCH, EMB_DIM), jnp.float32),
    )(rows, scl2, code2)
    return out

# --- scband reference (transcript-rebuilt; emitter-appended) ---
"""Pipeline reference for scband-text-encoder-80255758893652 (READ-ONLY COPY).

The authoritative reference and input builder live on the scoring server;
editing this copy changes nothing except your own understanding.
"""

import jax, jax.numpy as jnp
import numpy as np

N_CLASSES = 100000
N_EMBS = 90000
TEXT_DIM = 768
EMB_DIM = 64
BATCH = 16384


def setup_inputs(seed: int = 0) -> dict:
    key = jax.random.key(seed)
    ks = jax.random.split(key, 6)
    # class-id queries (forward arg)
    x = jax.random.randint(ks[0], (BATCH,), 0, N_CLASSES, dtype=jnp.int32)
    # index maps (buffers): classes [0, N_EMBS) have a precomputed text embedding,
    # classes [N_EMBS, N_CLASSES) are 'missing' and use the learned missing_emb table
    indmap = np.full((N_CLASSES,), -1, dtype=np.int32)
    indmap[:N_EMBS] = np.arange(N_EMBS, dtype=np.int32)
    embmap = np.full((N_CLASSES,), -1, dtype=np.int32)
    embmap[N_EMBS:] = np.arange(N_CLASSES - N_EMBS, dtype=np.int32)
    # frozen text embedding table (buffer)
    embs = jax.random.normal(ks[1], (N_EMBS, TEXT_DIM), dtype=jnp.float32)
    # linear1 (text_hidden_dim == 0 -> single projection TEXT_DIM -> EMB_DIM)
    W1 = jax.random.normal(ks[2], (EMB_DIM, TEXT_DIM), dtype=jnp.float32) * 0.02
    b1 = jnp.zeros((EMB_DIM,), dtype=jnp.float32)
    # per-class scales (nn.Parameter; randomized here instead of zeros so the output is nontrivial)
    scales = jax.random.normal(ks[3], (N_CLASSES, 1), dtype=jnp.float32) * 0.1
    # missing_emb embedding table
    missing_w = jax.random.normal(ks[4], (N_CLASSES - N_EMBS, EMB_DIM), dtype=jnp.float32)
    return {"x": x, "indmap": jnp.asarray(indmap), "embmap": jnp.asarray(embmap),
            "embs": embs, "W1": W1, "b1": b1, "scales": scales, "missing_w": missing_w}


def reference(x, indmap, embmap, embs, W1, b1, scales, missing_w):
    # inds = self.indmap[x]
    inds = jnp.take(indmap, x)
    # out = self.embs[inds]  (rows with inds == -1 are overwritten later, so clamp is safe)
    safe_inds = jnp.where(inds < 0, 0, inds)
    out = jnp.take(embs, safe_inds, axis=0)
    # out = self.linear1(out)
    out = out @ W1.T + b1
    # out = self.scales[x] * (out / out.std(dim=1)[:, None])  (torch std is unbiased)
    std = jnp.std(out, axis=1, ddof=1)
    out = jnp.take(scales, x, axis=0) * (out / std[:, None])
    # out[inds == -1] = self.missing_emb(self.embmap[x[inds == -1]])
    em = jnp.take(embmap, x)
    em_safe = jnp.where(em < 0, 0, em)
    repl = jnp.take(missing_w, em_safe, axis=0)
    mask = (inds == -1)[:, None]
    out = jnp.where(mask, repl, out)
    return out

if __name__ == "__main__":
    import jax
    _d = setup_inputs()
    print(jax.jit(kernel)(*tuple(_d.values())))

</pallas_src>

<mosaic_0001>
#map = affine_map<(d0, d1) -> (0)>
#map1 = affine_map<(d0, d1) -> (0, 0)>
#map2 = affine_map<(d0, d1) -> (0, 0, 0)>
module attributes {stable_mosaic.version = 14 : i64} {
  func.func @_sc_gather(%arg0: i32, %arg1: i32, %arg2: memref<16384xi32, #tpu.memory_space<hbm>>, %arg3: memref<100000xi32, #tpu.memory_space<hbm>>, %arg4: memref<100000xi32, #tpu.memory_space<hbm>>, %arg5: memref<100000xf32, #tpu.memory_space<hbm>>, %arg6: memref<50000x128xf32, #tpu.memory_space<hbm>>, %arg7: memref<16384x128xf32, #tpu.memory_space<hbm>>, %arg8: memref<32x8x64xf32, #tpu.memory_space<hbm>>, %arg9: memref<32x8x64xi32, #tpu.memory_space<hbm>>, %arg10: memref<8x64xi32, #tpu.memory_space<vmem>>, %arg11: memref<8x64xi32, #tpu.memory_space<vmem>>, %arg12: memref<8x64xi32, #tpu.memory_space<vmem>>, %arg13: memref<8x64xf32, #tpu.memory_space<vmem>>, %arg14: memref<512x128xf32, #tpu.memory_space<vmem>>, %arg15: memref<!tpu.dma_semaphore, #tpu.memory_space<semaphore_mem>>, %arg16: memref<!tpu.dma_semaphore, #tpu.memory_space<semaphore_mem>>, %arg17: memref<!tpu.dma_semaphore, #tpu.memory_space<semaphore_mem>>) attributes {dimension_semantics = [#tpu.dimension_semantics<core_parallel>, #tpu.dimension_semantics<subcore_parallel>], iteration_bounds = array<i64: 2, 16>, scalar_prefetch = 0 : i64, scratch_operands = 8 : i64, tpu.core_type = #tpu.core_type<sc_vector_subcore>, window_params = [{transform_indices = #map}, {transform_indices = #map}, {transform_indices = #map}, {transform_indices = #map}, {transform_indices = #map1}, {transform_indices = #map1}, {transform_indices = #map2}, {transform_indices = #map2}]} {
    %mul3A = arith.constant 2 : i32
    %mul3A_0 = arith.muli %arg1, %mul3A : i32
    %add3A = arith.addi %mul3A_0, %arg0 : i32
    %mul3A_1 = arith.constant 512 : i32
    %mul3A_2 = arith.muli %add3A, %mul3A_1 : i32
    %add3A_3 = arith.constant 0 : i32
    %add3A_4 = arith.addi %mul3A_2, %add3A_3 : i32
    %run_scoped3A = arith.constant 0 : i32
    "tpu.region"() ({
      %run_scoped3A_2830 = tpu.sem_alloc : memref<!tpu.dma_semaphore, #tpu.memory_space<semaphore_mem>>
      %dma_start3A_2831 = arith.constant 0 : i32
      %dma_start3A_2832 = tpu.memref_slice %arg10[%run_scoped3A, %dma_start3A_2831] : memref<8x64xi32, #tpu.memory_space<vmem>> -> memref<1x64xi32, #tpu.memory_space<vmem>>
      %dma_start3A_2833 = tpu.memref_squeeze %dma_start3A_2832 : memref<1x64xi32, #tpu.memory_space<vmem>> -> memref<64xi32, #tpu.memory_space<vmem>>
      %dma_start3A_2834 = tpu.memref_slice %arg2[%add3A_4] : memref<16384xi32, #tpu.memory_space<hbm>> -> memref<64xi32, #tpu.memory_space<hbm>>
      %dma_start3A_2835 = arith.constant 0 : i32
      %dma_start3A_2836 = tpu.memref_slice %arg10[%run_scoped3A, %dma_start3A_2835] : memref<8x64xi32, #tpu.memory_space<vmem>> -> memref<1x64xi32, #tpu.memory_space<vmem>>
      %dma_start3A_2837 = tpu.memref_squeeze %dma_start3A_2836 : memref<1x64xi32, #tpu.memory_space<vmem>> -> memref<64xi32, #tpu.memory_space<vmem>>
      %dma_start3A_2838 = tpu.memref_slice %arg2[%add3A_4] : memref<16384xi32, #tpu.memory_space<hbm>> -> memref<64xi32, #tpu.memory_space<hbm>>
      tpu.enqueue_dma source(%dma_start3A_2838 : memref<64xi32, #tpu.memory_space<hbm>>) target(%dma_start3A_2837 : memref<64xi32, #tpu.memory_space<vmem>>) target_semaphore(%run_scoped3A_2830 : memref<!tpu.dma_semaphore, #tpu.memory_space<semaphore_mem>>)
      %dma_wait3A_2839 = arith.constant 0 : i32
      %dma_wait3A_2840 = tpu.memref_slice %arg10[%run_scoped3A, %dma_wait3A_2839] : memref<8x64xi32, #tpu.memory_space<vmem>> -> memref<1x64xi32, #tpu.memory_space<vmem>>
      %dma_wait3A_2841 = tpu.memref_squeeze %dma_wait3A_2840 : memref<1x64xi32, #tpu.memory_space<vmem>> -> memref<64xi32, #tpu.memory_space<vmem>>
      %dma_wait3A_2842 = tpu.memref_slice %arg2[%add3A_4] : memref<16384xi32, #tpu.memory_space<hbm>> -> memref<64xi32, #tpu.memory_space<hbm>>
      %dma_wait3A_2843 = arith.constant 0 : i32
      %dma_wait3A_2844 = tpu.memref_slice %arg10[%run_scoped3A, %dma_wait3A_2843] : memref<8x64xi32, #tpu.memory_space<vmem>> -> memref<1x64xi32, #tpu.memory_space<vmem>>
      %dma_wait3A_2845 = tpu.memref_squeeze %dma_wait3A_2844 : memref<1x64xi32, #tpu.memory_space<vmem>> -> memref<64xi32, #tpu.memory_space<vmem>>
      %dma_wait3A_2846 = tpu.memref_slice %arg2[%add3A_4] : memref<16384xi32, #tpu.memory_space<hbm>> -> memref<64xi32, #tpu.memory_space<hbm>>
      tpu.wait_dma2 semaphore(%run_scoped3A_2830 : memref<!tpu.dma_semaphore, #tpu.memory_space<semaphore_mem>>) src(%dma_wait3A_2846 : memref<64xi32, #tpu.memory_space<hbm>>) dst(%dma_wait3A_2845 : memref<64xi32, #tpu.memory_space<vmem>>)
      tpu.yield
    }) : () -> ()
    %add3A_5 = arith.constant 64 : i32
    %add3A_6 = arith.addi %mul3A_2, %add3A_5 : i32
    %run_scoped3A_7 = arith.constant 1 : i32
    "tpu.region"() ({
      %run_scoped3A_2830 = tpu.sem_alloc : memref<!tpu.dma_semaphore, #tpu.memory_space<semaphore_mem>>
      %dma_start3A_2831 = arith.constant 0 : i32
      %dma_start3A_2832 = tpu.memref_slice %arg10[%run_scoped3A_7, %dma_start3A_2831] : memref<8x64xi32, #tpu.memory_space<vmem>> -> memref<1x64xi32, #tpu.memory_space<vmem>>
      %dma_start3A_2833 = tpu.memref_squeeze %dma_start3A_2832 : memref<1x64xi32, #tpu.memory_space<vmem>> -> memref<64xi32, #tpu.memory_space<vmem>>
      %dma_start3A_2834 = tpu.memref_slice %arg2[%add3A_6] : memref<16384xi32, #tpu.memory_space<hbm>> -> memref<64xi32, #tpu.memory_space<hbm>>
      %dma_start3A_2835 = arith.constant 0 : i32
      %dma_start3A_2836 = tpu.memref_slice %arg10[%run_scoped3A_7, %dma_start3A_2835] : memref<8x64xi32, #tpu.memory_space<vmem>> -> memref<1x64xi32, #tpu.memory_space<vmem>>
      %dma_start3A_2837 = tpu.memref_squeeze %dma_start3A_2836 : memref<1x64xi32, #tpu.memory_space<vmem>> -> memref<64xi32, #tpu.memory_space<vmem>>
      %dma_start3A_2838 = tpu.memref_slice %arg2[%add3A_6] : memref<16384xi32, #tpu.memory_space<hbm>> -> memref<64xi32, #tpu.memory_space<hbm>>
      tpu.enqueue_dma source(%dma_start3A_2838 : memref<64xi32, #tpu.memory_space<hbm>>) target(%dma_start3A_2837 : memref<64xi32, #tpu.memory_space<vmem>>) target_semaphore(%run_scoped3A_2830 : memref<!tpu.dma_semaphore, #tpu.memory_space<semaphore_mem>>)
      %dma_wait3A_2839 = arith.constant 0 : i32
      %dma_wait3A_2840 = tpu.memref_slice %arg10[%run_scoped3A_7, %dma_wait3A_2839] : memref<8x64xi32, #tpu.memory_space<vmem>> -> memref<1x64xi32, #tpu.memory_space<vmem>>
      %dma_wait3A_2841 = tpu.memref_squeeze %dma_wait3A_2840 : memref<1x64xi32, #tpu.memory_space<vmem>> -> memref<64xi32, #tpu.memory_space<vmem>>
      %dma_wait3A_2842 = tpu.memref_slice %arg2[%add3A_6] : memref<16384xi32, #tpu.memory_space<hbm>> -> memref<64xi32, #tpu.memory_space<hbm>>
      %dma_wait3A_2843 = arith.constant 0 : i32
      %dma_wait3A_2844 = tpu.memref_slice %arg10[%run_scoped3A_7, %dma_wait3A_2843] : memref<8x64xi32, #tpu.memory_space<vmem>> -> memref<1x64xi32, #tpu.memory_space<vmem>>
      %dma_wait3A_2845 = tpu.memref_squeeze %dma_wait3A_2844 : memref<1x64xi32, #tpu.memory_space<vmem>> -> memref<64xi32, #tpu.memory_space<vmem>>
      %dma_wait3A_2846 = tpu.memref_slice %arg2[%add3A_6] : memref<16384xi32, #tpu.memory_space<hbm>> -> memref<64xi32, #tpu.memory_space<hbm>>
      tpu.wait_dma2 semaphore(%run_scoped3A_2830 : memref<!tpu.dma_semaphore, #tpu.memory_space<semaphore_mem>>) src(%dma_wait3A_2846 : memref<64xi32, #tpu.memory_space<hbm>>) dst(%dma_wait3A_2845 : memref<64xi32, #tpu.memory_space<vmem>>)
      tpu.yield
    }) : () -> ()
    %add3A_8 = arith.constant 128 : i32
    %add3A_9 = arith.addi %mul3A_2, %add3A_8 : i32
    %run_scoped3A_10 = arith.constant 2 : i32
    "tpu.region"() ({
      %run_scoped3A_2830 = tpu.sem_alloc : memref<!tpu.dma_semaphore, #tpu.memory_space<semaphore_mem>>
      %dma_start3A_2831 = arith.constant 0 : i32
      %dma_start3A_2832 = tpu.memref_slice %arg10[%run_scoped3A_10, %dma_start3A_2831] : memref<8x64xi32, #tpu.memory_space<vmem>> -> memref<1x64xi32, #tpu.memory_space<vmem>>
      %dma_start3A_2833 = tpu.memref_squeeze %dma_start3A_2832 : memref<1x64xi32, #tpu.memory_space<vmem>> -> memref<64xi32, #tpu.memory_space<vmem>>
      %dma_start3A_2834 = tpu.memref_slice %arg2[%add3A_9] : memref<16384xi32, #tpu.memory_space<hbm>> -> memref<64xi32, #tpu.memory_space<hbm>>
      %dma_start3A_2835 = arith.constant 0 : i32
      %dma_start3A_2836 = tpu.memref_slice %arg10[%run_scoped3A_10, %dma_start3A_2835] : memref<8x64xi32, #tpu.memory_space<vmem>> -> memref<1x64xi32, #tpu.memory_space<vmem>>
      %dma_start3A_2837 = tpu.memref_squeeze %dma_start3A_2836 : memref<1x64xi32, #tpu.memory_space<vmem>> -> memref<64xi32, #tpu.memory_space<vmem>>
      %dma_start3A_2838 = tpu.memref_slice %arg2[%add3A_9] : memref<16384xi32, #tpu.memory_space<hbm>> -> memref<64xi32, #tpu.memory_space<hbm>>
      tpu.enqueue_dma source(%dma_start3A_2838 : memref<64xi32, #tpu.memory_space<hbm>>) target(%dma_start3A_2837 : memref<64xi32, #tpu.memory_space<vmem>>) target_semaphore(%run_scoped3A_2830 : memref<!tpu.dma_semaphore, #tpu.memory_space<semaphore_mem>>)
      %dma_wait3A_2839 = arith.constant 0 : i32
      %dma_wait3A_2840 = tpu.memref_slice %arg10[%run_scoped3A_10, %dma_wait3A_2839] : memref<8x64xi32, #tpu.memory_space<vmem>> -> memref<1x64xi32, #tpu.memory_space<vmem>>
      %dma_wait3A_2841 = tpu.memref_squeeze %dma_wait3A_2840 : memref<1x64xi32, #tpu.memory_space<vmem>> -> memref<64xi32, #tpu.memory_space<vmem>>
      %dma_wait3A_2842 = tpu.memref_slice %arg2[%add3A_9] : memref<16384xi32, #tpu.memory_space<hbm>> -> memref<64xi32, #tpu.memory_space<hbm>>
      %dma_wait3A_2843 = arith.constant 0 : i32
      %dma_wait3A_2844 = tpu.memref_slice %arg10[%run_scoped3A_10, %dma_wait3A_2843] : memref<8x64xi32, #tpu.memory_space<vmem>> -> memref<1x64xi32, #tpu.memory_space<vmem>>
      %dma_wait3A_2845 = tpu.memref_squeeze %dma_wait3A_2844 : memref<1x64xi32, #tpu.memory_space<vmem>> -> memref<64xi32, #tpu.memory_space<vmem>>
      %dma_wait3A_2846 = tpu.memref_slice %arg2[%add3A_9] : memref<16384xi32, #tpu.memory_space<hbm>> -> memref<64xi32, #tpu.memory_space<hbm>>
      tpu.wait_dma2 semaphore(%run_scoped3A_2830 : memref<!tpu.dma_semaphore, #tpu.memory_space<semaphore_mem>>) src(%dma_wait3A_2846 : memref<64xi32, #tpu.memory_space<hbm>>) dst(%dma_wait3A_2845 : memref<64xi32, #tpu.memory_space<vmem>>)
      tpu.yield
    }) : () -> ()
    %add3A_11 = arith.constant 192 : i32
    %add3A_12 = arith.addi %mul3A_2, %add3A_11 : i32
    %run_scoped3A_13 = arith.constant 3 : i32
    "tpu.region"() ({
      %run_scoped3A_2830 = tpu.sem_alloc : memref<!tpu.dma_semaphore, #tpu.memory_space<semaphore_mem>>
      %dma_start3A_2831 = arith.constant 0 : i32
      %dma_start3A_2832 = tpu.memref_slice %arg10[%run_scoped3A_13, %dma_start3A_2831] : memref<8x64xi32, #tpu.memory_space<vmem>> -> memref<1x64xi32, #tpu.memory_space<vmem>>
      %dma_start3A_2833 = tpu.memref_squeeze %dma_start3A_2832 : memref<1x64xi32, #tpu.memory_space<vmem>> -> memref<64xi32, #tpu.memory_space<vmem>>
      %dma_start3A_2834 = tpu.memref_slice %arg2[%add3A_12] : memref<16384xi32, #tpu.memory_space<hbm>> -> memref<64xi32, #tpu.memory_space<hbm>>
      %dma_start3A_2835 = arith.constant 0 : i32
      %dma_start3A_2836 = tpu.memref_slice %arg10[%run_scoped3A_13, %dma_start3A_2835] : memref<8x64xi32, #tpu.memory_space<vmem>> -> memref<1x64xi32, #tpu.memory_space<vmem>>
      %dma_start3A_2837 = tpu.memref_squeeze %dma_start3A_2836 : memref<1x64xi32, #tpu.memory_space<vmem>> -> memref<64xi32, #tpu.memory_space<vmem>>
      %dma_start3A_2838 = tpu.memref_slice %arg2[%add3A_12] : memref<16384xi32, #tpu.memory_space<hbm>> -> memref<64xi32, #tpu.memory_space<hbm>>
      tpu.enqueue_dma source(%dma_start3A_2838 : memref<64xi32, #tpu.memory_space<hbm>>) target(%dma_start3A_2837 : memref<64xi32, #tpu.memory_space<vmem>>) target_semaphore(%run_scoped3A_2830 : memref<!tpu.dma_semaphore, #tpu.memory_space<semaphore_mem>>)
      %dma_wait3A_2839 = arith.constant 0 : i32
      %dma_wait3A_2840 = tpu.memref_slice %arg10[%run_scoped3A_13, %dma_wait3A_2839] : memref<8x64xi32, #tpu.memory_space<vmem>> -> memref<1x64xi32, #tpu.memory_space<vmem>>
      %dma_wait3A_2841 = tpu.memref_squeeze %dma_wait3A_2840 : memref<1x64xi32, #tpu.memory_space<vmem>> -> memref<64xi32, #tpu.memory_space<vmem>>
      %dma_wait3A_2842 = tpu.memref_slice %arg2[%add3A_12] : memref<16384xi32, #tpu.memory_space<hbm>> -> memref<64xi32, #tpu.memory_space<hbm>>
      %dma_wait3A_2843 = arith.constant 0 : i32
      %dma_wait3A_2844 = tpu.memref_slice %arg10[%run_scoped3A_13, %dma_wait3A_2843] : memref<8x64xi32, #tpu.memory_space<vmem>> -> memref<1x64xi32, #tpu.memory_space<vmem>>
      %dma_wait3A_2845 = tpu.memref_squeeze %dma_wait3A_2844 : memref<1x64xi32, #tpu.memory_space<vmem>> -> memref<64xi32, #tpu.memory_space<vmem>>
      %dma_wait3A_2846 = tpu.memref_slice %arg2[%add3A_12] : memref<16384xi32, #tpu.memory_space<hbm>> -> memref<64xi32, #tpu.memory_space<hbm>>
      tpu.wait_dma2 semaphore(%run_scoped3A_2830 : memref<!tpu.dma_semaphore, #tpu.memory_space<semaphore_mem>>) src(%dma_wait3A_2846 : memref<64xi32, #tpu.memory_space<hbm>>) dst(%dma_wait3A_2845 : memref<64xi32, #tpu.memory_space<vmem>>)
      tpu.yield
    }) : () -> ()
    %add3A_14 = arith.constant 256 : i32
    %add3A_15 = arith.addi %mul3A_2, %add3A_14 : i32
    %run_scoped3A_16 = arith.constant 4 : i32
    "tpu.region"() ({
      %run_scoped3A_2830 = tpu.sem_alloc : memref<!tpu.dma_semaphore, #tpu.memory_space<semaphore_mem>>
      %dma_start3A_2831 = arith.constant 0 : i32
      %dma_start3A_2832 = tpu.memref_slice %arg10[%run_scoped3A_16, %dma_start3A_2831] : memref<8x64xi32, #tpu.memory_space<vmem>> -> memref<1x64xi32, #tpu.memory_space<vmem>>
      %dma_start3A_2833 = tpu.memref_squeeze %dma_start3A_2832 : memref<1x64xi32, #tpu.memory_space<vmem>> -> memref<64xi32, #tpu.memory_space<vmem>>
      %dma_start3A_2834 = tpu.memref_slice %arg2[%add3A_15] : memref<16384xi32, #tpu.memory_space<hbm>> -> memref<64xi32, #tpu.memory_space<hbm>>
      %dma_start3A_2835 = arith.constant 0 : i32
      %dma_start3A_2836 = tpu.memref_slice %arg10[%run_scoped3A_16, %dma_start3A_2835] : memref<8x64xi32, #tpu.memory_space<vmem>> -> memref<1x64xi32, #tpu.memory_space<vmem>>
      %dma_start3A_2837 = tpu.memref_squeeze %dma_start3A_2836 : memref<1x64xi32, #tpu.memory_space<vmem>> -> memref<64xi32, #tpu.memory_space<vmem>>
      %dma_start3A_2838 = tpu.memref_slice %arg2[%add3A_15] : memref<16384xi32, #tpu.memory_space<hbm>> -> memref<64xi32, #tpu.memory_space<hbm>>
      tpu.enqueue_dma source(%dma_start3A_2838 : memref<64xi32, #tpu.memory_space<hbm>>) target(%dma_start3A_2837 : memref<64xi32, #tpu.memory_space<vmem>>) target_semaphore(%run_scoped3A_2830 : memref<!tpu.dma_semaphore, #tpu.memory_space<semaphore_mem>>)
      %dma_wait3A_2839 = arith.constant 0 : i32
      %dma_wait3A_2840 = tpu.memref_slice %arg10[%run_scoped3A_16, %dma_wait3A_2839] : memref<8x64xi32, #tpu.memory_space<vmem>> -> memref<1x64xi32, #tpu.memory_space<vmem>>
      %dma_wait3A_2841 = tpu.memref_squeeze %dma_wait3A_2840 : memref<1x64xi32, #tpu.memory_space<vmem>> -> memref<64xi32, #tpu.memory_space<vmem>>
      %dma_wait3A_2842 = tpu.memref_slice %arg2[%add3A_15] : memref<16384xi32, #tpu.memory_space<hbm>> -> memref<64xi32, #tpu.memory_space<hbm>>
      %dma_wait3A_2843 = arith.constant 0 : i32
      %dma_wait3A_2844 = tpu.memref_slice %arg10[%run_scoped3A_16, %dma_wait3A_2843] : memref<8x64xi32, #tpu.memory_space<vmem>> -> memref<1x64xi32, #tpu.memory_space<vmem>>
      %dma_wait3A_2845 = tpu.memref_squeeze %dma_wait3A_2844 : memref<1x64xi32, #tpu.memory_space<vmem>> -> memref<64xi32, #tpu.memory_space<vmem>>
      %dma_wait3A_2846 = tpu.memref_slice %arg2[%add3A_15] : memref<16384xi32, #tpu.memory_space<hbm>> -> memref<64xi32, #tpu.memory_space<hbm>>
      tpu.wait_dma2 semaphore(%run_scoped3A_2830 : memref<!tpu.dma_semaphore, #tpu.memory_space<semaphore_mem>>) src(%dma_wait3A_2846 : memref<64xi32, #tpu.memory_space<hbm>>) dst(%dma_wait3A_2845 : memref<64xi32, #tpu.memory_space<vmem>>)
      tpu.yield
    }) : () -> ()
    %add3A_17 = arith.constant 320 : i32
    %add3A_18 = arith.addi %mul3A_2, %add3A_17 : i32
    %run_scoped3A_19 = arith.constant 5 : i32
    "tpu.region"() ({
      %run_scoped3A_2830 = tpu.sem_alloc : memref<!tpu.dma_semaphore, #tpu.memory_space<semaphore_mem>>
      %dma_start3A_2831 = arith.constant 0 : i32
      %dma_start3A_2832 = tpu.memref_slice %arg10[%run_scoped3A_19, %dma_start3A_2831] : memref<8x64xi32, #tpu.memory_space<vmem>> -> memref<1x64xi32, #tpu.memory_space<vmem>>
      %dma_start3A_2833 = tpu.memref_squeeze %dma_start3A_2832 : memref<1x64xi32, #tpu.memory_space<vmem>> -> memref<64xi32, #tpu.memory_space<vmem>>
      %dma_start3A_2834 = tpu.memref_slice %arg2[%add3A_18] : memref<16384xi32, #tpu.memory_space<hbm>> -> memref<64xi32, #tpu.memory_space<hbm>>
      %dma_start3A_2835 = arith.constant 0 : i32
      %dma_start3A_2836 = tpu.memref_slice %arg10[%run_scoped3A_19, %dma_start3A_2835] : memref<8x64xi32, #tpu.memory_space<vmem>> -> memref<1x64xi32, #tpu.memory_space<vmem>>
      %dma_start3A_2837 = tpu.memref_squeeze %dma_start3A_2836 : memref<1x64xi32, #tpu.memory_space<vmem>> -> memref<64xi32, #tpu.memory_space<vmem>>
      %dma_start3A_2838 = tpu.memref_slice %arg2[%add3A_18] : memref<16384xi32, #tpu.memory_space<hbm>> -> memref<64xi32, #tpu.memory_space<hbm>>
      tpu.enqueue_dma source(%dma_start3A_2838 : memref<64xi32, #tpu.memory_space<hbm>>) target(%dma_start3A_2837 : memref<64xi32, #tpu.memory_space<vmem>>) target_semaphore(%run_scoped3A_2830 : memref<!tpu.dma_semaphore, #tpu.memory_space<semaphore_mem>>)
      %dma_wait3A_2839 = arith.constant 0 : i32
      %dma_wait3A_2840 = tpu.memref_slice %arg10[%run_scoped3A_19, %dma_wait3A_2839] : memref<8x64xi32, #tpu.memory_space<vmem>> -> memref<1x64xi32, #tpu.memory_space<vmem>>
      %dma_wait3A_2841 = tpu.memref_squeeze %dma_wait3A_2840 : memref<1x64xi32, #tpu.memory_space<vmem>> -> memref<64xi32, #tpu.memory_space<vmem>>
      %dma_wait3A_2842 = tpu.memref_slice %arg2[%add3A_18] : memref<16384xi32, #tpu.memory_space<hbm>> -> memref<64xi32, #tpu.memory_space<hbm>>
      %dma_wait3A_2843 = arith.constant 0 : i32
      %dma_wait3A_2844 = tpu.memref_slice %arg10[%run_scoped3A_19, %dma_wait3A_2843] : memref<8x64xi32, #tpu.memory_space<vmem>> -> memref<1x64xi32, #tpu.memory_space<vmem>>
      %dma_wait3A_2845 = tpu.memref_squeeze %dma_wait3A_2844 : memref<1x64xi32, #tpu.memory_space<vmem>> -> memref<64xi32, #tpu.memory_space<vmem>>
      %dma_wait3A_2846 = tpu.memref_slice %arg2[%add3A_18] : memref<16384xi32, #tpu.memory_space<hbm>> -> memref<64xi32, #tpu.memory_space<hbm>>
      tpu.wait_dma2 semaphore(%run_scoped3A_2830 : memref<!tpu.dma_semaphore, #tpu.memory_space<semaphore_mem>>) src(%dma_wait3A_2846 : memref<64xi32, #tpu.memory_space<hbm>>) dst(%dma_wait3A_2845 : memref<64xi32, #tpu.memory_space<vmem>>)
      tpu.yield
    }) : () -> ()
    %add3A_20 = arith.constant 384 : i32
    %add3A_21 = arith.addi %mul3A_2, %add3A_20 : i32
    %run_scoped3A_22 = arith.constant 6 : i32
    "tpu.region"() ({
      %run_scoped3A_2830 = tpu.sem_alloc : memref<!tpu.dma_semaphore, #tpu.memory_space<semaphore_mem>>
      %dma_start3A_2831 = arith.constant 0 : i32
      %dma_start3A_2832 = tpu.memref_slice %arg10[%run_scoped3A_22, %dma_start3A_2831] : memref<8x64xi32, #tpu.memory_space<vmem>> -> memref<1x64xi32, #tpu.memory_space<vmem>>
      %dma_start3A_2833 = tpu.memref_squeeze %dma_start3A_2832 : memref<1x64xi32, #tpu.memory_space<vmem>> -> memref<64xi32, #tpu.memory_space<vmem>>
      %dma_start3A_2834 = tpu.memref_slice %arg2[%add3A_21] : memref<16384xi32, #tpu.memory_space<hbm>> -> memref<64xi32, #tpu.memory_space<hbm>>
      %dma_start3A_2835 = arith.constant 0 : i32
      %dma_start3A_2836 = tpu.memref_slice %arg10[%run_scoped3A_22, %dma_start3A_2835] : memref<8x64xi32, #tpu.memory_space<vmem>> -> memref<1x64xi32, #tpu.memory_space<vmem>>
      %dma_start3A_2837 = tpu.memref_squeeze %dma_start3A_2836 : memref<1x64xi32, #tpu.memory_space<vmem>> -> memref<64xi32, #tpu.memory_space<vmem>>
      %dma_start3A_2838 = tpu.memref_slice %arg2[%add3A_21] : memref<16384xi32, #tpu.memory_space<hbm>> -> memref<64xi32, #tpu.memory_space<hbm>>
      tpu.enqueue_dma source(%dma_start3A_2838 : memref<64xi32, #tpu.memory_space<hbm>>) target(%dma_start3A_2837 : memref<64xi32, #tpu.memory_space<vmem>>) target_semaphore(%run_scoped3A_2830 : memref<!tpu.dma_semaphore, #tpu.memory_space<semaphore_mem>>)
      %dma_wait3A_2839 = arith.constant 0 : i32
      %dma_wait3A_2840 = tpu.memref_slice %arg10[%run_scoped3A_22, %dma_wait3A_2839] : memref<8x64xi32, #tpu.memory_space<vmem>> -> memref<1x64xi32, #tpu.memory_space<vmem>>
      %dma_wait3A_2841 = tpu.memref_squeeze %dma_wait3A_2840 : memref<1x64xi32, #tpu.memory_space<vmem>> -> memref<64xi32, #tpu.memory_space<vmem>>
      %dma_wait3A_2842 = tpu.memref_slice %arg2[%add3A_21] : memref<16384xi32, #tpu.memory_space<hbm>> -> memref<64xi32, #tpu.memory_space<hbm>>
      %dma_wait3A_2843 = arith.constant 0 : i32
      %dma_wait3A_2844 = tpu.memref_slice %arg10[%run_scoped3A_22, %dma_wait3A_2843] : memref<8x64xi32, #tpu.memory_space<vmem>> -> memref<1x64xi32, #tpu.memory_space<vmem>>
      %dma_wait3A_2845 = tpu.memref_squeeze %dma_wait3A_2844 : memref<1x64xi32, #tpu.memory_space<vmem>> -> memref<64xi32, #tpu.memory_space<vmem>>
      %dma_wait3A_2846 = tpu.memref_slice %arg2[%add3A_21] : memref<16384xi32, #tpu.memory_space<hbm>> -> memref<64xi32, #tpu.memory_space<hbm>>
      tpu.wait_dma2 semaphore(%run_scoped3A_2830 : memref<!tpu.dma_semaphore, #tpu.memory_space<semaphore_mem>>) src(%dma_wait3A_2846 : memref<64xi32, #tpu.memory_space<hbm>>) dst(%dma_wait3A_2845 : memref<64xi32, #tpu.memory_space<vmem>>)
      tpu.yield
    }) : () -> ()
    %add3A_23 = arith.constant 448 : i32
    %add3A_24 = arith.addi %mul3A_2, %add3A_23 : i32
    %run_scoped3A_25 = arith.constant 7 : i32
    "tpu.region"() ({
      %run_scoped3A_2830 = tpu.sem_alloc : memref<!tpu.dma_semaphore, #tpu.memory_space<semaphore_mem>>
      %dma_start3A_2831 = arith.constant 0 : i32
      %dma_start3A_2832 = tpu.memref_slice %arg10[%run_scoped3A_25, %dma_start3A_2831] : memref<8x64xi32, #tpu.memory_space<vmem>> -> memref<1x64xi32, #tpu.memory_space<vmem>>
      %dma_start3A_2833 = tpu.memref_squeeze %dma_start3A_2832 : memref<1x64xi32, #tpu.memory_space<vmem>> -> memref<64xi32, #tpu.memory_space<vmem>>
      %dma_start3A_2834 = tpu.memref_slice %arg2[%add3A_24] : memref<16384xi32, #tpu.memory_space<hbm>> -> memref<64xi32, #tpu.memory_space<hbm>>
      %dma_start3A_2835 = arith.constant 0 : i32
      %dma_start3A_2836 = tpu.memref_slice %arg10[%run_scoped3A_25, %dma_start3A_2835] : memref<8x64xi32, #tpu.memory_space<vmem>> -> memref<1x64xi32, #tpu.memory_space<vmem>>
      %dma_start3A_2837 = tpu.memref_squeeze %dma_start3A_2836 : memref<1x64xi32, #tpu.memory_space<vmem>> -> memref<64xi32, #tpu.memory_space<vmem>>
      %dma_start3A_2838 = tpu.memref_slice %arg2[%add3A_24] : memref<16384xi32, #tpu.memory_space<hbm>> -> memref<64xi32, #tpu.memory_space<hbm>>
      tpu.enqueue_dma source(%dma_start3A_2838 : memref<64xi32, #tpu.memory_space<hbm>>) target(%dma_start3A_2837 : memref<64xi32, #tpu.memory_space<vmem>>) target_semaphore(%run_scoped3A_2830 : memref<!tpu.dma_semaphore, #tpu.memory_space<semaphore_mem>>)
      %dma_wait3A_2839 = arith.constant 0 : i32
      %dma_wait3A_2840 = tpu.memref_slice %arg10[%run_scoped3A_25, %dma_wait3A_2839] : memref<8x64xi32, #tpu.memory_space<vmem>> -> memref<1x64xi32, #tpu.memory_space<vmem>>
      %dma_wait3A_2841 = tpu.memref_squeeze %dma_wait3A_2840 : memref<1x64xi32, #tpu.memory_space<vmem>> -> memref<64xi32, #tpu.memory_space<vmem>>
      %dma_wait3A_2842 = tpu.memref_slice %arg2[%add3A_24] : memref<16384xi32, #tpu.memory_space<hbm>> -> memref<64xi32, #tpu.memory_space<hbm>>
      %dma_wait3A_2843 = arith.constant 0 : i32
      %dma_wait3A_2844 = tpu.memref_slice %arg10[%run_scoped3A_25, %dma_wait3A_2843] : memref<8x64xi32, #tpu.memory_space<vmem>> -> memref<1x64xi32, #tpu.memory_space<vmem>>
      %dma_wait3A_2845 = tpu.memref_squeeze %dma_wait3A_2844 : memref<1x64xi32, #tpu.memory_space<vmem>> -> memref<64xi32, #tpu.memory_space<vmem>>
      %dma_wait3A_2846 = tpu.memref_slice %arg2[%add3A_24] : memref<16384xi32, #tpu.memory_space<hbm>> -> memref<64xi32, #tpu.memory_space<hbm>>
      tpu.wait_dma2 semaphore(%run_scoped3A_2830 : memref<!tpu.dma_semaphore, #tpu.memory_space<semaphore_mem>>) src(%dma_wait3A_2846 : memref<64xi32, #tpu.memory_space<hbm>>) dst(%dma_wait3A_2845 : memref<64xi32, #tpu.memory_space<vmem>>)
      tpu.yield
    }) : () -> ()
    %dma_start3A = arith.constant 0 : i32
    %dma_start3A_26 = arith.constant 0 : i32
    %dma_start3A_27 = arith.constant 0 : i32
    %dma_start3A_28 = tpu.memref_slice %arg11[%dma_start3A_26, %dma_start3A_27] : memref<8x64xi32, #tpu.memory_space<vmem>> -> memref<1x64xi32, #tpu.memory_space<vmem>>
    %dma_start3A_29 = tpu.memref_squeeze %dma_start3A_28 : memref<1x64xi32, #tpu.memory_space<vmem>> -> memref<64xi32, #tpu.memory_space<vmem>>
    %dma_start3A_30 = arith.constant 0 : i32
    %dma_start3A_31 = tpu.memref_slice %arg10[%dma_start3A, %dma_start3A_30] : memref<8x64xi32, #tpu.memory_space<vmem>> -> memref<1x64xi32, #tpu.memory_space<vmem>>
    %dma_start3A_32 = tpu.memref_squeeze %dma_start3A_31 : memref<1x64xi32, #tpu.memory_space<vmem>> -> memref<64xi32, #tpu.memory_space<vmem>>
    %dma_start3A_33 = arith.constant 0 : i32
    %dma_start3A_34 = tpu.memref_slice %arg3[%dma_start3A_33] : memref<100000xi32, #tpu.memory_space<hbm>> -> memref<100000xi32, #tpu.memory_space<hbm>>
    tpu.enqueue_indirect_dma source(%dma_start3A_34 : memref<100000xi32, #tpu.memory_space<hbm>>) target(%dma_start3A_29 : memref<64xi32, #tpu.memory_space<vmem>>) offsets(%dma_start3A_32 : memref<64xi32, #tpu.memory_space<vmem>>) semaphore(%arg15 : memref<!tpu.dma_semaphore, #tpu.memory_space<semaphore_mem>>)
    %dma_start3A_35 = arith.constant 0 : i32
    %dma_start3A_36 = arith.constant 0 : i32
    %dma_start3A_37 = arith.constant 0 : i32
    %dma_start3A_38 = tpu.memref_slice %arg13[%dma_start3A_36, %dma_start3A_37] : memref<8x64xf32, #tpu.memory_space<vmem>> -> memref<1x64xf32, #tpu.memory_space<vmem>>
    %dma_start3A_39 = tpu.memref_squeeze %dma_start3A_38 : memref<1x64xf32, #tpu.memory_space<vmem>> -> memref<64xf32, #tpu.memory_space<vmem>>
    %dma_start3A_40 = arith.constant 0 : i32
    %dma_start3A_41 = tpu.memref_slice %arg10[%dma_start3A_35, %dma_start3A_40] : memref<8x64xi32, #tpu.memory_space<vmem>> -> memref<1x64xi32, #tpu.memory_space<vmem>>
    %dma_start3A_42 = tpu.memref_squeeze %dma_start3A_41 : memref<1x64xi32, #tpu.memory_space<vmem>> -> memref<64xi32, #tpu.memory_space<vmem>>
    %dma_start3A_43 = arith.constant 0 : i32
    %dma_start3A_44 = tpu.memref_slice %arg5[%dma_start3A_43] : memref<100000xf32, #tpu.memory_space<hbm>> -> memref<100000xf32, #tpu.memory_space<hbm>>
    tpu.enqueue_indirect_dma source(%dma_start3A_44 : memref<100000xf32, #tpu.memory_space<hbm>>) target(%dma_start3A_39 : memref<64xf32, #tpu.memory_space<vmem>>) offsets(%dma_start3A_42 : memref<64xi32, #tpu.memory_space<vmem>>) semaphore(%arg15 : memref<!tpu.dma_semaphore, #tpu.memory_space<semaphore_mem>>)
    %dma_start3A_45 = arith.constant 0 : i32
    %dma_start3A_46 = arith.constant 0 : i32
    %dma_start3A_47 = arith.constant 0 : i32
    %dma_start3A_48 = tpu.memref_slice %arg12[%dma_start3A_46, %dma_start3A_47] : memref<8x64xi32, #tpu.memory_space<vmem>> -> memref<1x64xi32, #tpu.memory_space<vmem>>
    %dma_start3A_49 = tpu.memref_squeeze %dma_start3A_48 : memref<1x64xi32, #tpu.memory_space<vmem>> -> memref<64xi32, #tpu.memory_space<vmem>>
    %dma_start3A_50 = arith.constant 0 : i32
    %dma_start3A_51 = tpu.memref_slice %arg10[%dma_start3A_45, %dma_start3A_50] : memref<8x64xi32, #tpu.memory_space<vmem>> -> memref<1x64xi32, #tpu.memory_space<vmem>>
    %dma_start3A_52 = tpu.memref_squeeze %dma_start3A_51 : memref<1x64xi32, #tpu.memory_space<vmem>> -> memref<64xi32, #tpu.memory_space<vmem>>
    %dma_start3A_53 = arith.constant 0 : i32
    %dma_start3A_54 = tpu.memref_slice %arg4[%dma_start3A_53] : memref<100000xi32, #tpu.memory_space<hbm>> -> memref<100000xi32, #tpu.memory_space<hbm>>
    tpu.enqueue_indirect_dma source(%dma_start3A_54 : memref<100000xi32, #tpu.memory_space<hbm>>) target(%dma_start3A_49 : memref<64xi32, #tpu.memory_space<vmem>>) offsets(%dma_start3A_52 : memref<64xi32, #tpu.memory_space<vmem>>) semaphore(%arg15 : memref<!tpu.dma_semaphore, #tpu.memory_space<semaphore_mem>>)
    %dma_start3A_55 = arith.constant 1 : i32
    %dma_start3A_56 = arith.constant 1 : i32
    %dma_start3A_57 = arith.constant 0 : i32
    %dma_start3A_58 = tpu.memref_slice %arg11[%dma_start3A_56, %dma_start3A_57] : memref<8x64xi32, #tpu.memory_space<vmem>> -> memref<1x64xi32, #tpu.memory_space<vmem>>
    %dma_start3A_59 = tpu.memref_squeeze %dma_start3A_58 : memref<1x64xi32, #tpu.memory_space<vmem>> -> memref<64xi32, #tpu.memory_space<vmem>>
    %dma_start3A_60 = arith.constant 0 : i32
    %dma_start3A_61 = tpu.memref_slice %arg10[%dma_start3A_55, %dma_start3A_60] : memref<8x64xi32, #tpu.memory_space<vmem>> -> memref<1x64xi32, #tpu.memory_space<vmem>>
    %dma_start3A_62 = tpu.memref_squeeze %dma_start3A_61 : memref<1x64xi32, #tpu.memory_space<vmem>> -> memref<64xi32, #tpu.memory_space<vmem>>
    %dma_start3A_63 = arith.constant 0 : i32
    %dma_start3A_64 = tpu.memref_slice %arg3[%dma_start3A_63] : memref<100000xi32, #tpu.memory_space<hbm>> -> memref<100000xi32, #tpu.memory_space<hbm>>
    tpu.enqueue_indirect_dma source(%dma_start3A_64 : memref<100000xi32, #tpu.memory_space<hbm>>) target(%dma_start3A_59 : memref<64xi32, #tpu.memory_space<vmem>>) offsets(%dma_start3A_62 : memref<64xi32, #tpu.memory_space<vmem>>) semaphore(%arg15 : memref<!tpu.dma_semaphore, #tpu.memory_space<semaphore_mem>>)
    %dma_start3A_65 = arith.constant 1 : i32
    %dma_start3A_66 = arith.constant 1 : i32
    %dma_start3A_67 = arith.constant 0 : i32
    %dma_start3A_68 = tpu.memref_slice %arg13[%dma_start3A_66, %dma_start3A_67] : memref<8x64xf32, #tpu.memory_space<vmem>> -> memref<1x64xf32, #tpu.memory_space<vmem>>
    %dma_start3A_69 = tpu.memref_squeeze %dma_start3A_68 : memref<1x64xf32, #tpu.memory_space<vmem>> -> memref<64xf32, #tpu.memory_space<vmem>>
    %dma_start3A_70 = arith.constant 0 : i32
    %dma_start3A_71 = tpu.memref_slice %arg10[%dma_start3A_65, %dma_start3A_70] : memref<8x64xi32, #tpu.memory_space<vmem>> -> memref<1x64xi32, #tpu.memory_space<vmem>>
    %dma_start3A_72 = tpu.memref_squeeze %dma_start3A_71 : memref<1x64xi32, #tpu.memory_space<vmem>> -> memref<64xi32, #tpu.memory_space<vmem>>
    %dma_start3A_73 = arith.constant 0 : i32
    %dma_start3A_74 = tpu.memref_slice %arg5[%dma_start3A_73] : memref<100000xf32, #tpu.memory_space<hbm>> -> memref<100000xf32, #tpu.memory_space<hbm>>
    tpu.enqueue_indirect_dma source(%dma_start3A_74 : memref<100000xf32, #tpu.memory_space<hbm>>) target(%dma_start3A_69 : memref<64xf32, #tpu.memory_space<vmem>>) offsets(%dma_start3A_72 : memref<64xi32, #tpu.memory_space<vmem>>) semaphore(%arg15 : memref<!tpu.dma_semaphore, #tpu.memory_space<semaphore_mem>>)
    %dma_start3A_75 = arith.constant 1 : i32
    %dma_start3A_76 = arith.constant 1 : i32
    %dma_start3A_77 = arith.constant 0 : i32
    %dma_start3A_78 = tpu.memref_slice %arg12[%dma_start3A_76, %dma_start3A_77] : memref<8x64xi32, #tpu.memory_space<vmem>> -> memref<1x64xi32, #tpu.memory_space<vmem>>
    %dma_start3A_79 = tpu.memref_squeeze %dma_start3A_78 : memref<1x64xi32, #tpu.memory_space<vmem>> -> memref<64xi32, #tpu.memory_space<vmem>>
    %dma_start3A_80 = arith.constant 0 : i32
    %dma_start3A_81 = tpu.memref_slice %arg10[%dma_start3A_75, %dma_start3A_80] : memref<8x64xi32, #tpu.memory_space<vmem>> -> memref<1x64xi32, #tpu.memory_space<vmem>>
    %dma_start3A_82 = tpu.memref_squeeze %dma_start3A_81 : memref<1x64xi32, #tpu.memory_space<vmem>> -> memref<64xi32, #tpu.memory_space<vmem>>
    %dma_start3A_83 = arith.constant 0 : i32
    %dma_start3A_84 = tpu.memref_slice %arg4[%dma_start3A_83] : memref<100000xi32, #tpu.memory_space<hbm>> -> memref<100000xi32, #tpu.memory_space<hbm>>
    tpu.enqueue_indirect_dma source(%dma_start3A_84 : memref<100000xi32, #tpu.memory_space<hbm>>) target(%dma_start3A_79 : memref<64xi32, #tpu.memory_space<vmem>>) offsets(%dma_start3A_82 : memref<64xi32, #tpu.memory_space<vmem>>) semaphore(%arg15 : memref<!tpu.dma_semaphore, #tpu.memory_space<semaphore_mem>>)
    %dma_start3A_85 = arith.constant 2 : i32
    %dma_start3A_86 = arith.constant 2 : i32
    %dma_start3A_87 = arith.constant 0 : i32
    %dma_start3A_88 = tpu.memref_slice %arg11[%dma_start3A_86, %dma_start3A_87] : memref<8x64xi32, #tpu.memory_space<vmem>> -> memref<1x64xi32, #tpu.memory_space<vmem>>
    %dma_start3A_89 = tpu.memref_squeeze %dma_start3A_88 : memref<1x64xi32, #tpu.memory_space<vmem>> -> memref<64xi32, #tpu.memory_space<vmem>>
    %dma_start3A_90 = arith.constant 0 : i32
    %dma_start3A_91 = tpu.memref_slice %arg10[%dma_start3A_85, %dma_start3A_90] : memref<8x64xi32, #tpu.memory_space<vmem>> -> memref<1x64xi32, #tpu.memory_space<vmem>>
    %dma_start3A_92 = tpu.memref_squeeze %dma_start3A_91 : memref<1x64xi32, #tpu.memory_space<vmem>> -> memref<64xi32, #tpu.memory_space<vmem>>
    %dma_start3A_93 = arith.constant 0 : i32
    %dma_start3A_94 = tpu.memref_slice %arg3[%dma_start3A_93] : memref<100000xi32, #tpu.memory_space<hbm>> -> memref<100000xi32, #tpu.memory_space<hbm>>
    tpu.enqueue_indirect_dma source(%dma_start3A_94 : memref<100000xi32, #tpu.memory_space<hbm>>) target(%dma_start3A_89 : memref<64xi32, #tpu.memory_space<vmem>>) offsets(%dma_start3A_92 : memref<64xi32, #tpu.memory_space<vmem>>) semaphore(%arg15 : memref<!tpu.dma_semaphore, #tpu.memory_space<semaphore_mem>>)
    %dma_start3A_95 = arith.constant 2 : i32
    %dma_start3A_96 = arith.constant 2 : i32
    %dma_start3A_97 = arith.constant 0 : i32
    %dma_start3A_98 = tpu.memref_slice %arg13[%dma_start3A_96, %dma_start3A_97] : memref<8x64xf32, #tpu.memory_space<vmem>> -> memref<1x64xf32, #tpu.memory_space<vmem>>
    %dma_start3A_99 = tpu.memref_squeeze %dma_start3A_98 : memref<1x64xf32, #tpu.memory_space<vmem>> -> memref<64xf32, #tpu.memory_space<vmem>>
    %dma_start3A_100 = arith.constant 0 : i32
    %dma_start3A_101 = tpu.memref_slice %arg10[%dma_start3A_95, %dma_start3A_100] : memref<8x64xi32, #tpu.memory_space<vmem>> -> memref<1x64xi32, #tpu.memory_space<vmem>>
    %dma_start3A_102 = tpu.memref_squeeze %dma_start3A_101 : memref<1x64xi32, #tpu.memory_space<vmem>> -> memref<64xi32, #tpu.memory_space<vmem>>
    %dma_start3A_103 = arith.constant 0 : i32
    %dma_start3A_104 = tpu.memref_slice %arg5[%dma_start3A_103] : memref<100000xf32, #tpu.memory_space<hbm>> -> memref<100000xf32, #tpu.memory_space<hbm>>
    tpu.enqueue_indirect_dma source(%dma_start3A_104 : memref<100000xf32, #tpu.memory_space<hbm>>) target(%dma_start3A_99 : memref<64xf32, #tpu.memory_space<vmem>>) offsets(%dma_start3A_102 : memref<64xi32, #tpu.memory_space<vmem>>) semaphore(%arg15 : memref<!tpu.dma_semaphore, #tpu.memory_space<semaphore_mem>>)
    %dma_start3A_105 = arith.constant 2 : i32
    %dma_start3A_106 = arith.constant 2 : i32
    %dma_start3A_107 = arith.constant 0 : i32
    %dma_start3A_108 = tpu.memref_slice %arg12[%dma_start3A_106, %dma_start3A_107] : memref<8x64xi32, #tpu.memory_space<vmem>> -> memref<1x64xi32, #tpu.memory_space<vmem>>
    %dma_start3A_109 = tpu.memref_squeeze %dma_start3A_108 : memref<1x64xi32, #tpu.memory_space<vmem>> -> memref<64xi32, #tpu.memory_space<vmem>>
    %dma_start3A_110 = arith.constant 0 : i32
    %dma_start3A_111 = tpu.memref_slice %arg10[%dma_start3A_105, %dma_start3A_110] : memref<8x64xi32, #tpu.memory_space<vmem>> -> memref<1x64xi32, #tpu.memory_space<vmem>>
    %dma_start3A_112 = tpu.memref_squeeze %dma_start3A_111 : memref<1x64xi32, #tpu.memory_space<vmem>> -> memref<64xi32, #tpu.memory_space<vmem>>
    %dma_start3A_113 = arith.constant 0 : i32
    %dma_start3A_114 = tpu.memref_slice %arg4[%dma_start3A_113] : memref<100000xi32, #tpu.memory_space<hbm>> -> memref<100000xi32, #tpu.memory_space<hbm>>
    tpu.enqueue_indirect_dma source(%dma_start3A_114 : memref<100000xi32, #tpu.memory_space<hbm>>) target(%dma_start3A_109 : memref<64xi32, #tpu.memory_space<vmem>>) offsets(%dma_start3A_112 : memref<64xi32, #tpu.memory_space<vmem>>) semaphore(%arg15 : memref<!tpu.dma_semaphore, #tpu.memory_space<semaphore_mem>>)
    %dma_start3A_115 = arith.constant 3 : i32
    %dma_start3A_116 = arith.constant 3 : i32
    %dma_start3A_117 = arith.constant 0 : i32
    %dma_start3A_118 = tpu.memref_slice %arg11[%dma_start3A_116, %dma_start3A_117] : memref<8x64xi32, #tpu.memory_space<vmem>> -> memref<1x64xi32, #tpu.memory_space<vmem>>
    %dma_start3A_119 = tpu.memref_squeeze %dma_start3A_118 : memref<1x64xi32, #tpu.memory_space<vmem>> -> memref<64xi32, #tpu.memory_space<vmem>>
    %dma_start3A_120 = arith.constant 0 : i32
    %dma_start3A_121 = tpu.memref_slice %arg10[%dma_start3A_115, %dma_start3A_120] : memref<8x64xi32, #tpu.memory_space<vmem>> -> memref<1x64xi32, #tpu.memory_space<vmem>>
    %dma_start3A_122 = tpu.memref_squeeze %dma_start3A_121 : memref<1x64xi32, #tpu.memory_space<vmem>> -> memref<64xi32, #tpu.memory_space<vmem>>
    %dma_start3A_123 = arith.constant 0 : i32
    %dma_start3A_124 = tpu.memref_slice %arg3[%dma_start3A_123] : memref<100000xi32, #tpu.memory_space<hbm>> -> memref<100000xi32, #tpu.memory_space<hbm>>
    tpu.enqueue_indirect_dma source(%dma_start3A_124 : memref<100000xi32, #tpu.memory_space<hbm>>) target(%dma_start3A_119 : memref<64xi32, #tpu.memory_space<vmem>>) offsets(%dma_start3A_122 : memref<64xi32, #tpu.memory_space<vmem>>) semaphore(%arg15 : memref<!tpu.dma_semaphore, #tpu.memory_space<semaphore_mem>>)
    %dma_start3A_125 = arith.constant 3 : i32
    %dma_start3A_126 = arith.constant 3 : i32
    %dma_start3A_127 = arith.constant 0 : i32
    %dma_start3A_128 = tpu.memref_slice %arg13[%dma_start3A_126, %dma_start3A_127] : memref<8x64xf32, #tpu.memory_space<vmem>> -> memref<1x64xf32, #tpu.memory_space<vmem>>
    %dma_start3A_129 = tpu.memref_squeeze %dma_start3A_128 : memref<1x64xf32, #tpu.memory_space<vmem>> -> memref<64xf32, #tpu.memory_space<vmem>>
    %dma_start3A_130 = arith.constant 0 : i32
    %dma_start3A_131 = tpu.memref_slice %arg10[%dma_start3A_125, %dma_start3A_130] : memref<8x64xi32, #tpu.memory_space<vmem>> -> memref<1x64xi32, #tpu.memory_space<vmem>>
    %dma_start3A_132 = tpu.memref_squeeze %dma_start3A_131 : memref<1x64xi32, #tpu.memory_space<vmem>> -> memref<64xi32, #tpu.memory_space<vmem>>
    %dma_start3A_133 = arith.constant 0 : i32
    %dma_start3A_134 = tpu.memref_slice %arg5[%dma_start3A_133] : memref<100000xf32, #tpu.memory_space<hbm>> -> memref<100000xf32, #tpu.memory_space<hbm>>
    tpu.enqueue_indirect_dma source(%dma_start3A_134 : memref<100000xf32, #tpu.memory_space<hbm>>) target(%dma_start3A_129 : memref<64xf32, #tpu.memory_space<vmem>>) offsets(%dma_start3A_132 : memref<64xi32, #tpu.memory_space<vmem>>) semaphore(%arg15 : memref<!tpu.dma_semaphore, #tpu.memory_space<semaphore_mem>>)
    %dma_start3A_135 = arith.constant 3 : i32
    %dma_start3A_136 = arith.constant 3 : i32
    %dma_start3A_137 = arith.constant 0 : i32
    %dma_start3A_138 = tpu.memref_slice %arg12[%dma_start3A_136, %dma_start3A_137] : memref<8x64xi32, #tpu.memory_space<vmem>> -> memref<1x64xi32, #tpu.memory_space<vmem>>
    %dma_start3A_139 = tpu.memref_squeeze %dma_start3A_138 : memref<1x64xi32, #tpu.memory_space<vmem>> -> memref<64xi32, #tpu.memory_space<vmem>>
    %dma_start3A_140 = arith.constant 0 : i32
    %dma_start3A_141 = tpu.memref_slice %arg10[%dma_start3A_135, %dma_start3A_140] : memref<8x64xi32, #tpu.memory_space<vmem>> -> memref<1x64xi32, #tpu.memory_space<vmem>>
    %dma_start3A_142 = tpu.memref_squeeze %dma_start3A_141 : memref<1x64xi32, #tpu.memory_space<vmem>> -> memref<64xi32, #tpu.memory_space<vmem>>
    %dma_start3A_143 = arith.constant 0 : i32
    %dma_start3A_144 = tpu.memref_slice %arg4[%dma_start3A_143] : memref<100000xi32, #tpu.memory_space<hbm>> -> memref<100000xi32, #tpu.memory_space<hbm>>
    tpu.enqueue_indirect_dma source(%dma_start3A_144 : memref<100000xi32, #tpu.memory_space<hbm>>) target(%dma_start3A_139 : memref<64xi32, #tpu.memory_space<vmem>>) offsets(%dma_start3A_142 : memref<64xi32, #tpu.memory_space<vmem>>) semaphore(%arg15 : memref<!tpu.dma_semaphore, #tpu.memory_space<semaphore_mem>>)
    %dma_start3A_145 = arith.constant 4 : i32
    %dma_start3A_146 = arith.constant 4 : i32
    %dma_start3A_147 = arith.constant 0 : i32
    %dma_start3A_148 = tpu.memref_slice %arg11[%dma_start3A_146, %dma_start3A_147] : memref<8x64xi32, #tpu.memory_space<vmem>> -> memref<1x64xi32, #tpu.memory_space<vmem>>
    %dma_start3A_149 = tpu.memref_squeeze %dma_start3A_148 : memref<1x64xi32, #tpu.memory_space<vmem>> -> memref<64xi32, #tpu.memory_space<vmem>>
    %dma_start3A_150 = arith.constant 0 : i32
    %dma_start3A_151 = tpu.memref_slice %arg10[%dma_start3A_145, %dma_start3A_150] : memref<8x64xi32, #tpu.memory_space<vmem>> -> memref<1x64xi32, #tpu.memory_space<vmem>>
    %dma_start3A_152 = tpu.memref_squeeze %dma_start3A_151 : memref<1x64xi32, #tpu.memory_space<vmem>> -> memref<64xi32, #tpu.memory_space<vmem>>
    %dma_start3A_153 = arith.constant 0 : i32
    %dma_start3A_154 = tpu.memref_slice %arg3[%dma_start3A_153] : memref<100000xi32, #tpu.memory_space<hbm>> -> memref<100000xi32, #tpu.memory_space<hbm>>
    tpu.enqueue_indirect_dma source(%dma_start3A_154 : memref<100000xi32, #tpu.memory_space<hbm>>) target(%dma_start3A_149 : memref<64xi32, #tpu.memory_space<vmem>>) offsets(%dma_start3A_152 : memref<64xi32, #tpu.memory_space<vmem>>) semaphore(%arg15 : memref<!tpu.dma_semaphore, #tpu.memory_space<semaphore_mem>>)
    %dma_start3A_155 = arith.constant 4 : i32
    %dma_start3A_156 = arith.constant 4 : i32
    %dma_start3A_157 = arith.constant 0 : i32
    %dma_start3A_158 = tpu.memref_slice %arg13[%dma_start3A_156, %dma_start3A_157] : memref<8x64xf32, #tpu.memory_space<vmem>> -> memref<1x64xf32, #tpu.memory_space<vmem>>
    %dma_start3A_159 = tpu.memref_squeeze %dma_start3A_158 : memref<1x64xf32, #tpu.memory_space<vmem>> -> memref<64xf32, #tpu.memory_space<vmem>>
    %dma_start3A_160 = arith.constant 0 : i32
    %dma_start3A_161 = tpu.memref_slice %arg10[%dma_start3A_155, %dma_start3A_160] : memref<8x64xi32, #tpu.memory_space<vmem>> -> memref<1x64xi32, #tpu.memory_space<vmem>>
    %dma_start3A_162 = tpu.memref_squeeze %dma_start3A_161 : memref<1x64xi32, #tpu.memory_space<vmem>> -> memref<64xi32, #tpu.memory_space<vmem>>
    %dma_start3A_163 = arith.constant 0 : i32
    %dma_start3A_164 = tpu.memref_slice %arg5[%dma_start3A_163] : memref<100000xf32, #tpu.memory_space<hbm>> -> memref<100000xf32, #tpu.memory_space<hbm>>
    tpu.enqueue_indirect_dma source(%dma_start3A_164 : memref<100000xf32, #tpu.memory_space<hbm>>) target(%dma_start3A_159 : memref<64xf32, #tpu.memory_space<vmem>>) offsets(%dma_start3A_162 : memref<64xi32, #tpu.memory_space<vmem>>) semaphore(%arg15 : memref<!tpu.dma_semaphore, #tpu.memory_space<semaphore_mem>>)
    %dma_start3A_165 = arith.constant 4 : i32
    %dma_start3A_166 = arith.constant 4 : i32
    %dma_start3A_167 = arith.constant 0 : i32
    %dma_start3A_168 = tpu.memref_slice %arg12[%dma_start3A_166, %dma_start3A_167] : memref<8x64xi32, #tpu.memory_space<vmem>> -> memref<1x64xi32, #tpu.memory_space<vmem>>
    %dma_start3A_169 = tpu.memref_squeeze %dma_start3A_168 : memref<1x64xi32, #tpu.memory_space<vmem>> -> memref<64xi32, #tpu.memory_space<vmem>>
    %dma_start3A_170 = arith.constant 0 : i32
    %dma_start3A_171 = tpu.memref_slice %arg10[%dma_start3A_165, %dma_start3A_170] : memref<8x64xi32, #tpu.memory_space<vmem>> -> memref<1x64xi32, #tpu.memory_space<vmem>>
    %dma_start3A_172 = tpu.memref_squeeze %dma_start3A_171 : memref<1x64xi32, #tpu.memory_space<vmem>> -> memref<64xi32, #tpu.memory_space<vmem>>
    %dma_start3A_173 = arith.constant 0 : i32
    %dma_start3A_174 = tpu.memref_slice %arg4[%dma_start3A_173] : memref<100000xi32, #tpu.memory_space<hbm>> -> memref<100000xi32, #tpu.memory_space<hbm>>
    tpu.enqueue_indirect_dma source(%dma_start3A_174 : memref<100000xi32, #tpu.memory_space<hbm>>) target(%dma_start3A_169 : memref<64xi32, #tpu.memory_space<vmem>>) offsets(%dma_start3A_172 : memref<64xi32, #tpu.memory_space<vmem>>) semaphore(%arg15 : memref<!tpu.dma_semaphore, #tpu.memory_space<semaphore_mem>>)
    %dma_start3A_175 = arith.constant 5 : i32
    %dma_start3A_176 = arith.constant 5 : i32
    %dma_start3A_177 = arith.constant 0 : i32
    %dma_start3A_178 = tpu.memref_slice %arg11[%dma_start3A_176, %dma_start3A_177] : memref<8x64xi32, #tpu.memory_space<vmem>> -> memref<1x64xi32, #tpu.memory_space<vmem>>
    %dma_start3A_179 = tpu.memref_squeeze %dma_start3A_178 : memref<1x64xi32, #tpu.memory_space<vmem>> -> memref<64xi32, #tpu.memory_space<vmem>>
    %dma_start3A_180 = arith.constant 0 : i32
    %dma_start3A_181 = tpu.memref_slice %arg10[%dma_start3A_175, %dma_start3A_180] : memref<8x64xi32, #tpu.memory_space<vmem>> -> memref<1x64xi32, #tpu.memory_space<vmem>>
    %dma_start3A_182 = tpu.memref_squeeze %dma_start3A_181 : memref<1x64xi32, #tpu.memory_space<vmem>> -> memref<64xi32, #tpu.memory_space<vmem>>
    %dma_start3A_183 = arith.constant 0 : i32
    %dma_start3A_184 = tpu.memref_slice %arg3[%dma_start3A_183] : memref<100000xi32, #tpu.memory_space<hbm>> -> memref<100000xi32, #tpu.memory_space<hbm>>
    tpu.enqueue_indirect_dma source(%dma_start3A_184 : memref<100000xi32, #tpu.memory_space<hbm>>) target(%dma_start3A_179 : memref<64xi32, #tpu.memory_space<vmem>>) offsets(%dma_start3A_182 : memref<64xi32, #tpu.memory_space<vmem>>) semaphore(%arg15 : memref<!tpu.dma_semaphore, #tpu.memory_space<semaphore_mem>>)
    %dma_start3A_185 = arith.constant 5 : i32
    %dma_start3A_186 = arith.constant 5 : i32
    %dma_start3A_187 = arith.constant 0 : i32
    %dma_start3A_188 = tpu.memref_slice %arg13[%dma_start3A_186, %dma_start3A_187] : memref<8x64xf32, #tpu.memory_space<vmem>> -> memref<1x64xf32, #tpu.memory_space<vmem>>
    %dma_start3A_189 = tpu.memref_squeeze %dma_start3A_188 : memref<1x64xf32, #tpu.memory_space<vmem>> -> memref<64xf32, #tpu.memory_space<vmem>>
    %dma_start3A_190 = arith.constant 0 : i32
    %dma_start3A_191 = tpu.memref_slice %arg10[%dma_start3A_185, %dma_start3A_190] : memref<8x64xi32, #tpu.memory_space<vmem>> -> memref<1x64xi32, #tpu.memory_space<vmem>>
    %dma_start3A_192 = tpu.memref_squeeze %dma_start3A_191 : memref<1x64xi32, #tpu.memory_space<vmem>> -> memref<64xi32, #tpu.memory_space<vmem>>
    %dma_start3A_193 = arith.constant 0 : i32
    %dma_start3A_194 = tpu.memref_slice %arg5[%dma_start3A_193] : memref<100000xf32, #tpu.memory_space<hbm>> -> memref<100000xf32, #tpu.memory_space<hbm>>
    tpu.enqueue_indirect_dma source(%dma_start3A_194 : memref<100000xf32, #tpu.memory_space<hbm>>) target(%dma_start3A_189 : memref<64xf32, #tpu.memory_space<vmem>>) offsets(%dma_start3A_192 : memref<64xi32, #tpu.memory_space<vmem>>) semaphore(%arg15 : memref<!tpu.dma_semaphore, #tpu.memory_space<semaphore_mem>>)
    %dma_start3A_195 = arith.constant 5 : i32
    %dma_start3A_196 = arith.constant 5 : i32
    %dma_start3A_197 = arith.constant 0 : i32
    %dma_start3A_198 = tpu.memref_slice %arg12[%dma_start3A_196, %dma_start3A_197] : memref<8x64xi32, #tpu.memory_space<vmem>> -> memref<1x64xi32, #tpu.memory_space<vmem>>
    %dma_start3A_199 = tpu.memref_squeeze %dma_start3A_198 : memref<1x64xi32, #tpu.memory_space<vmem>> -> memref<64xi32, #tpu.memory_space<vmem>>
    %dma_start3A_200 = arith.constant 0 : i32
    %dma_start3A_201 = tpu.memref_slice %arg10[%dma_start3A_195, %dma_start3A_200] : memref<8x64xi32, #tpu.memory_space<vmem>> -> memref<1x64xi32, #tpu.memory_space<vmem>>
    %dma_start3A_202 = tpu.memref_squeeze %dma_start3A_201 : memref<1x64xi32, #tpu.memory_space<vmem>> -> memref<64xi32, #tpu.memory_space<vmem>>
    %dma_start3A_203 = arith.constant 0 : i32
    %dma_start3A_204 = tpu.memref_slice %arg4[%dma_start3A_203] : memref<100000xi32, #tpu.memory_space<hbm>> -> memref<100000xi32, #tpu.memory_space<hbm>>
    tpu.enqueue_indirect_dma source(%dma_start3A_204 : memref<100000xi32, #tpu.memory_space<hbm>>) target(%dma_start3A_199 : memref<64xi32, #tpu.memory_space<vmem>>) offsets(%dma_start3A_202 : memref<64xi32, #tpu.memory_space<vmem>>) semaphore(%arg15 : memref<!tpu.dma_semaphore, #tpu.memory_space<semaphore_mem>>)
    %dma_start3A_205 = arith.constant 6 : i32
    %dma_start3A_206 = arith.constant 6 : i32
    %dma_start3A_207 = arith.constant 0 : i32
    %dma_start3A_208 = tpu.memref_slice %arg11[%dma_start3A_206, %dma_start3A_207] : memref<8x64xi32, #tpu.memory_space<vmem>> -> memref<1x64xi32, #tpu.memory_space<vmem>>
    %dma_start3A_209 = tpu.memref_squeeze %dma_start3A_208 : memref<1x64xi32, #tpu.memory_space<vmem>> -> memref<64xi32, #tpu.memory_space<vmem>>
    %dma_start3A_210 = arith.constant 0 : i32
    %dma_start3A_211 = tpu.memref_slice %arg10[%dma_start3A_205, %dma_start3A_210] : memref<8x64xi32, #tpu.memory_space<vmem>> -> memref<1x64xi32, #tpu.memory_space<vmem>>
    %dma_start3A_212 = tpu.memref_squeeze %dma_start3A_211 : memref<1x64xi32, #tpu.memory_space<vmem>> -> memref<64xi32, #tpu.memory_space<vmem>>
    %dma_start3A_213 = arith.constant 0 : i32
    %dma_start3A_214 = tpu.memref_slice %arg3[%dma_start3A_213] : memref<100000xi32, #tpu.memory_space<hbm>> -> memref<100000xi32, #tpu.memory_space<hbm>>
    tpu.enqueue_indirect_dma source(%dma_start3A_214 : memref<100000xi32, #tpu.memory_space<hbm>>) target(%dma_start3A_209 : memref<64xi32, #tpu.memory_space<vmem>>) offsets(%dma_start3A_212 : memref<64xi32, #tpu.memory_space<vmem>>) semaphore(%arg15 : memref<!tpu.dma_semaphore, #tpu.memory_space<semaphore_mem>>)
    %dma_start3A_215 = arith.constant 6 : i32
    %dma_start3A_216 = arith.constant 6 : i32
    %dma_start3A_217 = arith.constant 0 : i32
    %dma_start3A_218 = tpu.memref_slice %arg13[%dma_start3A_216, %dma_start3A_217] : memref<8x64xf32, #tpu.memory_space<vmem>> -> memref<1x64xf32, #tpu.memory_space<vmem>>
    %dma_start3A_219 = tpu.memref_squeeze %dma_start3A_218 : memref<1x64xf32, #tpu.memory_space<vmem>> -> memref<64xf32, #tpu.memory_space<vmem>>
    %dma_start3A_220 = arith.constant 0 : i32
    %dma_start3A_221 = tpu.memref_slice %arg10[%dma_start3A_215, %dma_start3A_220] : memref<8x64xi32, #tpu.memory_space<vmem>> -> memref<1x64xi32, #tpu.memory_space<vmem>>
    %dma_start3A_222 = tpu.memref_squeeze %dma_start3A_221 : memref<1x64xi32, #tpu.memory_space<vmem>> -> memref<64xi32, #tpu.memory_space<vmem>>
    %dma_start3A_223 = arith.constant 0 : i32
    %dma_start3A_224 = tpu.memref_slice %arg5[%dma_start3A_223] : memref<100000xf32, #tpu.memory_space<hbm>> -> memref<100000xf32, #tpu.memory_space<hbm>>
    tpu.enqueue_indirect_dma source(%dma_start3A_224 : memref<100000xf32, #tpu.memory_space<hbm>>) target(%dma_start3A_219 : memref<64xf32, #tpu.memory_space<vmem>>) offsets(%dma_start3A_222 : memref<64xi32, #tpu.memory_space<vmem>>) semaphore(%arg15 : memref<!tpu.dma_semaphore, #tpu.memory_space<semaphore_mem>>)
    %dma_start3A_225 = arith.constant 6 : i32
    %dma_start3A_226 = arith.constant 6 : i32
    %dma_start3A_227 = arith.constant 0 : i32
    %dma_start3A_228 = tpu.memref_slice %arg12[%dma_start3A_226, %dma_start3A_227] : memref<8x64xi32, #tpu.memory_space<vmem>> -> memref<1x64xi32, #tpu.memory_space<vmem>>
    %dma_start3A_229 = tpu.memref_squeeze %dma_start3A_228 : memref<1x64xi32, #tpu.memory_space<vmem>> -> memref<64xi32, #tpu.memory_space<vmem>>
    %dma_start3A_230 = arith.constant 0 : i32
    %dma_start3A_231 = tpu.memref_slice %arg10[%dma_start3A_225, %dma_start3A_230] : memref<8x64xi32, #tpu.memory_space<vmem>> -> memref<1x64xi32, #tpu.memory_space<vmem>>
    %dma_start3A_232 = tpu.memref_squeeze %dma_start3A_231 : memref<1x64xi32, #tpu.memory_space<vmem>> -> memref<64xi32, #tpu.memory_space<vmem>>
    %dma_start3A_233 = arith.constant 0 : i32
    %dma_start3A_234 = tpu.memref_slice %arg4[%dma_start3A_233] : memref<100000xi32, #tpu.memory_space<hbm>> -> memref<100000xi32, #tpu.memory_space<hbm>>
    tpu.enqueue_indirect_dma source(%dma_start3A_234 : memref<100000xi32, #tpu.memory_space<hbm>>) target(%dma_start3A_229 : memref<64xi32, #tpu.memory_space<vmem>>) offsets(%dma_start3A_232 : memref<64xi32, #tpu.memory_space<vmem>>) semaphore(%arg15 : memref<!tpu.dma_semaphore, #tpu.memory_space<semaphore_mem>>)
    %dma_start3A_235 = arith.constant 7 : i32
    %dma_start3A_236 = arith.constant 7 : i32
    %dma_start3A_237 = arith.constant 0 : i32
    %dma_start3A_238 = tpu.memref_slice %arg11[%dma_start3A_236, %dma_start3A_237] : memref<8x64xi32, #tpu.memory_space<vmem>> -> memref<1x64xi32, #tpu.memory_space<vmem>>
    %dma_start3A_239 = tpu.memref_squeeze %dma_start3A_238 : memref<1x64xi32, #tpu.memory_space<vmem>> -> memref<64xi32, #tpu.memory_space<vmem>>
    %dma_start3A_240 = arith.constant 0 : i32
    %dma_start3A_241 = tpu.memref_slice %arg10[%dma_start3A_235, %dma_start3A_240] : memref<8x64xi32, #tpu.memory_space<vmem>> -> memref<1x64xi32, #tpu.memory_space<vmem>>
    %dma_start3A_242 = tpu.memref_squeeze %dma_start3A_241 : memref<1x64xi32, #tpu.memory_space<vmem>> -> memref<64xi32, #tpu.memory_space<vmem>>
    %dma_start3A_243 = arith.constant 0 : i32
    %dma_start3A_244 = tpu.memref_slice %arg3[%dma_start3A_243] : memref<100000xi32, #tpu.memory_space<hbm>> -> memref<100000xi32, #tpu.memory_space<hbm>>
    tpu.enqueue_indirect_dma source(%dma_start3A_244 : memref<100000xi32, #tpu.memory_space<hbm>>) target(%dma_start3A_239 : memref<64xi32, #tpu.memory_space<vmem>>) offsets(%dma_start3A_242 : memref<64xi32, #tpu.memory_space<vmem>>) semaphore(%arg15 : memref<!tpu.dma_semaphore, #tpu.memory_space<semaphore_mem>>)
    %dma_start3A_245 = arith.constant 7 : i32
    %dma_start3A_246 = arith.constant 7 : i32
    %dma_start3A_247 = arith.constant 0 : i32
    %dma_start3A_248 = tpu.memref_slice %arg13[%dma_start3A_246, %dma_start3A_247] : memref<8x64xf32, #tpu.memory_space<vmem>> -> memref<1x64xf32, #tpu.memory_space<vmem>>
    %dma_start3A_249 = tpu.memref_squeeze %dma_start3A_248 : memref<1x64xf32, #tpu.memory_space<vmem>> -> memref<64xf32, #tpu.memory_space<vmem>>
    %dma_start3A_250 = arith.constant 0 : i32
    %dma_start3A_251 = tpu.memref_slice %arg10[%dma_start3A_245, %dma_start3A_250] : memref<8x64xi32, #tpu.memory_space<vmem>> -> memref<1x64xi32, #tpu.memory_space<vmem>>
    %dma_start3A_252 = tpu.memref_squeeze %dma_start3A_251 : memref<1x64xi32, #tpu.memory_space<vmem>> -> memref<64xi32, #tpu.memory_space<vmem>>
    %dma_start3A_253 = arith.constant 0 : i32
    %dma_start3A_254 = tpu.memref_slice %arg5[%dma_start3A_253] : memref<100000xf32, #tpu.memory_space<hbm>> -> memref<100000xf32, #tpu.memory_space<hbm>>
    tpu.enqueue_indirect_dma source(%dma_start3A_254 : memref<100000xf32, #tpu.memory_space<hbm>>) target(%dma_start3A_249 : memref<64xf32, #tpu.memory_space<vmem>>) offsets(%dma_start3A_252 : memref<64xi32, #tpu.memory_space<vmem>>) semaphore(%arg15 : memref<!tpu.dma_semaphore, #tpu.memory_space<semaphore_mem>>)
    %dma_start3A_255 = arith.constant 7 : i32
    %dma_start3A_256 = arith.constant 7 : i32
    %dma_start3A_257 = arith.constant 0 : i32
    %dma_start3A_258 = tpu.memref_slice %arg12[%dma_start3A_256, %dma_start3A_257] : memref<8x64xi32, #tpu.memory_space<vmem>> -> memref<1x64xi32, #tpu.memory_space<vmem>>
    %dma_start3A_259 = tpu.memref_squeeze %dma_start3A_258 : memref<1x64xi32, #tpu.memory_space<vmem>> -> memref<64xi32, #tpu.memory_space<vmem>>
    %dma_start3A_260 = arith.constant 0 : i32
    %dma_start3A_261 = tpu.memref_slice %arg10[%dma_start3A_255, %dma_start3A_260] : memref<8x64xi32, #tpu.memory_space<vmem>> -> memref<1x64xi32, #tpu.memory_space<vmem>>
    %dma_start3A_262 = tpu.memref_squeeze %dma_start3A_261 : memref<1x64xi32, #tpu.memory_space<vmem>> -> memref<64xi32, #tpu.memory_space<vmem>>
    %dma_start3A_263 = arith.constant 0 : i32
    %dma_start3A_264 = tpu.memref_slice %arg4[%dma_start3A_263] : memref<100000xi32, #tpu.memory_space<hbm>> -> memref<100000xi32, #tpu.memory_space<hbm>>
    tpu.enqueue_indirect_dma source(%dma_start3A_264 : memref<100000xi32, #tpu.memory_space<hbm>>) target(%dma_start3A_259 : memref<64xi32, #tpu.memory_space<vmem>>) offsets(%dma_start3A_262 : memref<64xi32, #tpu.memory_space<vmem>>) semaphore(%arg15 : memref<!tpu.dma_semaphore, #tpu.memory_space<semaphore_mem>>)
    %dma_wait3A = arith.constant 0 : i32
    %dma_wait3A_265 = arith.constant 0 : i32
    %dma_wait3A_266 = arith.constant 0 : i32
    %dma_wait3A_267 = tpu.memref_slice %arg11[%dma_wait3A_265, %dma_wait3A_266] : memref<8x64xi32, #tpu.memory_space<vmem>> -> memref<1x64xi32, #tpu.memory_space<vmem>>
    %dma_wait3A_268 = tpu.memref_squeeze %dma_wait3A_267 : memref<1x64xi32, #tpu.memory_space<vmem>> -> memref<64xi32, #tpu.memory_space<vmem>>
    %dma_wait3A_269 = arith.constant 0 : i32
    %dma_wait3A_270 = tpu.memref_slice %arg10[%dma_wait3A, %dma_wait3A_269] : memref<8x64xi32, #tpu.memory_space<vmem>> -> memref<1x64xi32, #tpu.memory_space<vmem>>
    %dma_wait3A_271 = tpu.memref_squeeze %dma_wait3A_270 : memref<1x64xi32, #tpu.memory_space<vmem>> -> memref<64xi32, #tpu.memory_space<vmem>>
    %dma_wait3A_272 = arith.constant 0 : i32
    %dma_wait3A_273 = tpu.memref_slice %arg3[%dma_wait3A_272] : memref<100000xi32, #tpu.memory_space<hbm>> -> memref<100000xi32, #tpu.memory_space<hbm>>
    tpu.wait_indirect_dma semaphore(%arg15 : memref<!tpu.dma_semaphore, #tpu.memory_space<semaphore_mem>>) src(%dma_wait3A_273 : memref<100000xi32, #tpu.memory_space<hbm>>) dst(%dma_wait3A_268 : memref<64xi32, #tpu.memory_space<vmem>>)
    %dma_wait3A_274 = arith.constant 0 : i32
    %dma_wait3A_275 = arith.constant 0 : i32
    %dma_wait3A_276 = arith.constant 0 : i32
    %dma_wait3A_277 = tpu.memref_slice %arg13[%dma_wait3A_275, %dma_wait3A_276] : memref<8x64xf32, #tpu.memory_space<vmem>> -> memref<1x64xf32, #tpu.memory_space<vmem>>
    %dma_wait3A_278 = tpu.memref_squeeze %dma_wait3A_277 : memref<1x64xf32, #tpu.memory_space<vmem>> -> memref<64xf32, #tpu.memory_space<vmem>>
    %dma_wait3A_279 = arith.constant 0 : i32
    %dma_wait3A_280 = tpu.memref_slice %arg10[%dma_wait3A_274, %dma_wait3A_279] : memref<8x64xi32, #tpu.memory_space<vmem>> -> memref<1x64xi32, #tpu.memory_space<vmem>>
    %dma_wait3A_281 = tpu.memref_squeeze %dma_wait3A_280 : memref<1x64xi32, #tpu.memory_space<vmem>> -> memref<64xi32, #tpu.memory_space<vmem>>
    %dma_wait3A_282 = arith.constant 0 : i32
    %dma_wait3A_283 = tpu.memref_slice %arg5[%dma_wait3A_282] : memref<100000xf32, #tpu.memory_space<hbm>> -> memref<100000xf32, #tpu.memory_space<hbm>>
    tpu.wait_indirect_dma semaphore(%arg15 : memref<!tpu.dma_semaphore, #tpu.memory_space<semaphore_mem>>) src(%dma_wait3A_283 : memref<100000xf32, #tpu.memory_space<hbm>>) dst(%dma_wait3A_278 : memref<64xf32, #tpu.memory_space<vmem>>)
    %dma_wait3A_284 = arith.constant 0 : i32
    %dma_wait3A_285 = arith.constant 0 : i32
    %dma_wait3A_286 = arith.constant 0 : i32
    %dma_wait3A_287 = tpu.memref_slice %arg12[%dma_wait3A_285, %dma_wait3A_286] : memref<8x64xi32, #tpu.memory_space<vmem>> -> memref<1x64xi32, #tpu.memory_space<vmem>>
    %dma_wait3A_288 = tpu.memref_squeeze %dma_wait3A_287 : memref<1x64xi32, #tpu.memory_space<vmem>> -> memref<64xi32, #tpu.memory_space<vmem>>
    %dma_wait3A_289 = arith.constant 0 : i32
    %dma_wait3A_290 = tpu.memref_slice %arg10[%dma_wait3A_284, %dma_wait3A_289] : memref<8x64xi32, #tpu.memory_space<vmem>> -> memref<1x64xi32, #tpu.memory_space<vmem>>
    %dma_wait3A_291 = tpu.memref_squeeze %dma_wait3A_290 : memref<1x64xi32, #tpu.memory_space<vmem>> -> memref<64xi32, #tpu.memory_space<vmem>>
    %dma_wait3A_292 = arith.constant 0 : i32
    %dma_wait3A_293 = tpu.memref_slice %arg4[%dma_wait3A_292] : memref<100000xi32, #tpu.memory_space<hbm>> -> memref<100000xi32, #tpu.memory_space<hbm>>
    tpu.wait_indirect_dma semaphore(%arg15 : memref<!tpu.dma_semaphore, #tpu.memory_space<semaphore_mem>>) src(%dma_wait3A_293 : memref<100000xi32, #tpu.memory_space<hbm>>) dst(%dma_wait3A_288 : memref<64xi32, #tpu.memory_space<vmem>>)
    %dma_wait3A_294 = arith.constant 1 : i32
    %dma_wait3A_295 = arith.constant 1 : i32
    %dma_wait3A_296 = arith.constant 0 : i32
    %dma_wait3A_297 = tpu.memref_slice %arg11[%dma_wait3A_295, %dma_wait3A_296] : memref<8x64xi32, #tpu.memory_space<vmem>> -> memref<1x64xi32, #tpu.memory_space<vmem>>
    %dma_wait3A_298 = tpu.memref_squeeze %dma_wait3A_297 : memref<1x64xi32, #tpu.memory_space<vmem>> -> memref<64xi32, #tpu.memory_space<vmem>>
    %dma_wait3A_299 = arith.constant 0 : i32
    %dma_wait3A_300 = tpu.memref_slice %arg10[%dma_wait3A_294, %dma_wait3A_299] : memref<8x64xi32, #tpu.memory_space<vmem>> -> memref<1x64xi32, #tpu.memory_space<vmem>>
    %dma_wait3A_301 = tpu.memref_squeeze %dma_wait3A_300 : memref<1x64xi32, #tpu.memory_space<vmem>> -> memref<64xi32, #tpu.memory_space<vmem>>
    %dma_wait3A_302 = arith.constant 0 : i32
    %dma_wait3A_303 = tpu.memref_slice %arg3[%dma_wait3A_302] : memref<100000xi32, #tpu.memory_space<hbm>> -> memref<100000xi32, #tpu.memory_space<hbm>>
    tpu.wait_indirect_dma semaphore(%arg15 : memref<!tpu.dma_semaphore, #tpu.memory_space<semaphore_mem>>) src(%dma_wait3A_303 : memref<100000xi32, #tpu.memory_space<hbm>>) dst(%dma_wait3A_298 : memref<64xi32, #tpu.memory_space<vmem>>)
    %dma_wait3A_304 = arith.constant 1 : i32
    %dma_wait3A_305 = arith.constant 1 : i32
    %dma_wait3A_306 = arith.constant 0 : i32
    %dma_wait3A_307 = tpu.memref_slice %arg13[%dma_wait3A_305, %dma_wait3A_306] : memref<8x64xf32, #tpu.memory_space<vmem>> -> memref<1x64xf32, #tpu.memory_space<vmem>>
    %dma_wait3A_308 = tpu.memref_squeeze %dma_wait3A_307 : memref<1x64xf32, #tpu.memory_space<vmem>> -> memref<64xf32, #tpu.memory_space<vmem>>
    %dma_wait3A_309 = arith.constant 0 : i32
    %dma_wait3A_310 = tpu.memref_slice %arg10[%dma_wait3A_304, %dma_wait3A_309] : memref<8x64xi32, #tpu.memory_space<vmem>> -> memref<1x64xi32, #tpu.memory_space<vmem>>
    %dma_wait3A_311 = tpu.memref_squeeze %dma_wait3A_310 : memref<1x64xi32, #tpu.memory_space<vmem>> -> memref<64xi32, #tpu.memory_space<vmem>>
    %dma_wait3A_312 = arith.constant 0 : i32
    %dma_wait3A_313 = tpu.memref_slice %arg5[%dma_wait3A_312] : memref<100000xf32, #tpu.memory_space<hbm>> -> memref<100000xf32, #tpu.memory_space<hbm>>
    tpu.wait_indirect_dma semaphore(%arg15 : memref<!tpu.dma_semaphore, #tpu.memory_space<semaphore_mem>>) src(%dma_wait3A_313 : memref<100000xf32, #tpu.memory_space<hbm>>) dst(%dma_wait3A_308 : memref<64xf32, #tpu.memory_space<vmem>>)
    %dma_wait3A_314 = arith.constant 1 : i32
    %dma_wait3A_315 = arith.constant 1 : i32
    %dma_wait3A_316 = arith.constant 0 : i32
    %dma_wait3A_317 = tpu.memref_slice %arg12[%dma_wait3A_315, %dma_wait3A_316] : memref<8x64xi32, #tpu.memory_space<vmem>> -> memref<1x64xi32, #tpu.memory_space<vmem>>
    %dma_wait3A_318 = tpu.memref_squeeze %dma_wait3A_317 : memref<1x64xi32, #tpu.memory_space<vmem>> -> memref<64xi32, #tpu.memory_space<vmem>>
    %dma_wait3A_319 = arith.constant 0 : i32
    %dma_wait3A_320 = tpu.memref_slice %arg10[%dma_wait3A_314, %dma_wait3A_319] : memref<8x64xi32, #tpu.memory_space<vmem>> -> memref<1x64xi32, #tpu.memory_space<vmem>>
    %dma_wait3A_321 = tpu.memref_squeeze %dma_wait3A_320 : memref<1x64xi32, #tpu.memory_space<vmem>> -> memref<64xi32, #tpu.memory_space<vmem>>
    %dma_wait3A_322 = arith.constant 0 : i32
    %dma_wait3A_323 = tpu.memref_slice %arg4[%dma_wait3A_322] : memref<100000xi32, #tpu.memory_space<hbm>> -> memref<100000xi32, #tpu.memory_space<hbm>>
    tpu.wait_indirect_dma semaphore(%arg15 : memref<!tpu.dma_semaphore, #tpu.memory_space<semaphore_mem>>) src(%dma_wait3A_323 : memref<100000xi32, #tpu.memory_space<hbm>>) dst(%dma_wait3A_318 : memref<64xi32, #tpu.memory_space<vmem>>)
    %dma_wait3A_324 = arith.constant 2 : i32
    %dma_wait3A_325 = arith.constant 2 : i32
    %dma_wait3A_326 = arith.constant 0 : i32
    %dma_wait3A_327 = tpu.memref_slice %arg11[%dma_wait3A_325, %dma_wait3A_326] : memref<8x64xi32, #tpu.memory_space<vmem>> -> memref<1x64xi32, #tpu.memory_space<vmem>>
    %dma_wait3A_328 = tpu.memref_squeeze %dma_wait3A_327 : memref<1x64xi32, #tpu.memory_space<vmem>> -> memref<64xi32, #tpu.memory_space<vmem>>
    %dma_wait3A_329 = arith.constant 0 : i32
    %dma_wait3A_330 = tpu.memref_slice %arg10[%dma_wait3A_324, %dma_wait3A_329] : memref<8x64xi32, #tpu.memory_space<vmem>> -> memref<1x64xi32, #tpu.memory_space<vmem>>
    %dma_wait3A_331 = tpu.memref_squeeze %dma_wait3A_330 : memref<1x64xi32, #tpu.memory_space<vmem>> -> memref<64xi32, #tpu.memory_space<vmem>>
    %dma_wait3A_332 = arith.constant 0 : i32
    %dma_wait3A_333 = tpu.memref_slice %arg3[%dma_wait3A_332] : memref<100000xi32, #tpu.memory_space<hbm>> -> memref<100000xi32, #tpu.memory_space<hbm>>
    tpu.wait_indirect_dma semaphore(%arg15 : memref<!tpu.dma_semaphore, #tpu.memory_space<semaphore_mem>>) src(%dma_wait3A_333 : memref<100000xi32, #tpu.memory_space<hbm>>) dst(%dma_wait3A_328 : memref<64xi32, #tpu.memory_space<vmem>>)
    %dma_wait3A_334 = arith.constant 2 : i32
    %dma_wait3A_335 = arith.constant 2 : i32
    %dma_wait3A_336 = arith.constant 0 : i32
    %dma_wait3A_337 = tpu.memref_slice %arg13[%dma_wait3A_335, %dma_wait3A_336] : memref<8x64xf32, #tpu.memory_space<vmem>> -> memref<1x64xf32, #tpu.memory_space<vmem>>
    %dma_wait3A_338 = tpu.memref_squeeze %dma_wait3A_337 : memref<1x64xf32, #tpu.memory_space<vmem>> -> memref<64xf32, #tpu.memory_space<vmem>>
    %dma_wait3A_339 = arith.constant 0 : i32
    %dma_wait3A_340 = tpu.memref_slice %arg10[%dma_wait3A_334, %dma_wait3A_339] : memref<8x64xi32, #tpu.memory_space<vmem>> -> memref<1x64xi32, #tpu.memory_space<vmem>>
    %dma_wait3A_341 = tpu.memref_squeeze %dma_wait3A_340 : memref<1x64xi32, #tpu.memory_space<vmem>> -> memref<64xi32, #tpu.memory_space<vmem>>
    %dma_wait3A_342 = arith.constant 0 : i32
    %dma_wait3A_343 = tpu.memref_slice %arg5[%dma_wait3A_342] : memref<100000xf32, #tpu.memory_space<hbm>> -> memref<100000xf32, #tpu.memory_space<hbm>>
    tpu.wait_indirect_dma semaphore(%arg15 : memref<!tpu.dma_semaphore, #tpu.memory_space<semaphore_mem>>) src(%dma_wait3A_343 : memref<100000xf32, #tpu.memory_space<hbm>>) dst(%dma_wait3A_338 : memref<64xf32, #tpu.memory_space<vmem>>)
    %dma_wait3A_344 = arith.constant 2 : i32
    %dma_wait3A_345 = arith.constant 2 : i32
    %dma_wait3A_346 = arith.constant 0 : i32
    %dma_wait3A_347 = tpu.memref_slice %arg12[%dma_wait3A_345, %dma_wait3A_346] : memref<8x64xi32, #tpu.memory_space<vmem>> -> memref<1x64xi32, #tpu.memory_space<vmem>>
    %dma_wait3A_348 = tpu.memref_squeeze %dma_wait3A_347 : memref<1x64xi32, #tpu.memory_space<vmem>> -> memref<64xi32, #tpu.memory_space<vmem>>
    %dma_wait3A_349 = arith.constant 0 : i32
    %dma_wait3A_350 = tpu.memref_slice %arg10[%dma_wait3A_344, %dma_wait3A_349] : memref<8x64xi32, #tpu.memory_space<vmem>> -> memref<1x64xi32, #tpu.memory_space<vmem>>
    %dma_wait3A_351 = tpu.memref_squeeze %dma_wait3A_350 : memref<1x64xi32, #tpu.memory_space<vmem>> -> memref<64xi32, #tpu.memory_space<vmem>>
    %dma_wait3A_352 = arith.constant 0 : i32
    %dma_wait3A_353 = tpu.memref_slice %arg4[%dma_wait3A_352] : memref<100000xi32, #tpu.memory_space<hbm>> -> memref<100000xi32, #tpu.memory_space<hbm>>
    tpu.wait_indirect_dma semaphore(%arg15 : memref<!tpu.dma_semaphore, #tpu.memory_space<semaphore_mem>>) src(%dma_wait3A_353 : memref<100000xi32, #tpu.memory_space<hbm>>) dst(%dma_wait3A_348 : memref<64xi32, #tpu.memory_space<vmem>>)
    %dma_wait3A_354 = arith.constant 3 : i32
    %dma_wait3A_355 = arith.constant 3 : i32
    %dma_wait3A_356 = arith.constant 0 : i32
    %dma_wait3A_357 = tpu.memref_slice %arg11[%dma_wait3A_355, %dma_wait3A_356] : memref<8x64xi32, #tpu.memory_space<vmem>> -> memref<1x64xi32, #tpu.memory_space<vmem>>
    %dma_wait3A_358 = tpu.memref_squeeze %dma_wait3A_357 : memref<1x64xi32, #tpu.memory_space<vmem>> -> memref<64xi32, #tpu.memory_space<vmem>>
    %dma_wait3A_359 = arith.constant 0 : i32
    %dma_wait3A_360 = tpu.memref_slice %arg10[%dma_wait3A_354, %dma_wait3A_359] : memref<8x64xi32, #tpu.memory_space<vmem>> -> memref<1x64xi32, #tpu.memory_space<vmem>>
    %dma_wait3A_361 = tpu.memref_squeeze %dma_wait3A_360 : memref<1x64xi32, #tpu.memory_space<vmem>> -> memref<64xi32, #tpu.memory_space<vmem>>
    %dma_wait3A_362 = arith.constant 0 : i32
    %dma_wait3A_363 = tpu.memref_slice %arg3[%dma_wait3A_362] : memref<100000xi32, #tpu.memory_space<hbm>> -> memref<100000xi32, #tpu.memory_space<hbm>>
    tpu.wait_indirect_dma semaphore(%arg15 : memref<!tpu.dma_semaphore, #tpu.memory_space<semaphore_mem>>) src(%dma_wait3A_363 : memref<100000xi32, #tpu.memory_space<hbm>>) dst(%dma_wait3A_358 : memref<64xi32, #tpu.memory_space<vmem>>)
    %dma_wait3A_364 = arith.constant 3 : i32
    %dma_wait3A_365 = arith.constant 3 : i32
    %dma_wait3A_366 = arith.constant 0 : i32
    %dma_wait3A_367 = tpu.memref_slice %arg13[%dma_wait3A_365, %dma_wait3A_366] : memref<8x64xf32, #tpu.memory_space<vmem>> -> memref<1x64xf32, #tpu.memory_space<vmem>>
    %dma_wait3A_368 = tpu.memref_squeeze %dma_wait3A_367 : memref<1x64xf32, #tpu.memory_space<vmem>> -> memref<64xf32, #tpu.memory_space<vmem>>
    %dma_wait3A_369 = arith.constant 0 : i32
    %dma_wait3A_370 = tpu.memref_slice %arg10[%dma_wait3A_364, %dma_wait3A_369] : memref<8x64xi32, #tpu.memory_space<vmem>> -> memref<1x64xi32, #tpu.memory_space<vmem>>
    %dma_wait3A_371 = tpu.memref_squeeze %dma_wait3A_370 : memref<1x64xi32, #tpu.memory_space<vmem>> -> memref<64xi32, #tpu.memory_space<vmem>>
    %dma_wait3A_372 = arith.constant 0 : i32
    %dma_wait3A_373 = tpu.memref_slice %arg5[%dma_wait3A_372] : memref<100000xf32, #tpu.memory_space<hbm>> -> memref<100000xf32, #tpu.memory_space<hbm>>
    tpu.wait_indirect_dma semaphore(%arg15 : memref<!tpu.dma_semaphore, #tpu.memory_space<semaphore_mem>>) src(%dma_wait3A_373 : memref<100000xf32, #tpu.memory_space<hbm>>) dst(%dma_wait3A_368 : memref<64xf32, #tpu.memory_space<vmem>>)
    %dma_wait3A_374 = arith.constant 3 : i32
    %dma_wait3A_375 = arith.constant 3 : i32
    %dma_wait3A_376 = arith.constant 0 : i32
    %dma_wait3A_377 = tpu.memref_slice %arg12[%dma_wait3A_375, %dma_wait3A_376] : memref<8x64xi32, #tpu.memory_space<vmem>> -> memref<1x64xi32, #tpu.memory_space<vmem>>
    %dma_wait3A_378 = tpu.memref_squeeze %dma_wait3A_377 : memref<1x64xi32, #tpu.memory_space<vmem>> -> memref<64xi32, #tpu.memory_space<vmem>>
    %dma_wait3A_379 = arith.constant 0 : i32
    %dma_wait3A_380 = tpu.memref_slice %arg10[%dma_wait3A_374, %dma_wait3A_379] : memref<8x64xi32, #tpu.memory_space<vmem>> -> memref<1x64xi32, #tpu.memory_space<vmem>>
    %dma_wait3A_381 = tpu.memref_squeeze %dma_wait3A_380 : memref<1x64xi32, #tpu.memory_space<vmem>> -> memref<64xi32, #tpu.memory_space<vmem>>
    %dma_wait3A_382 = arith.constant 0 : i32
    %dma_wait3A_383 = tpu.memref_slice %arg4[%dma_wait3A_382] : memref<100000xi32, #tpu.memory_space<hbm>> -> memref<100000xi32, #tpu.memory_space<hbm>>
    tpu.wait_indirect_dma semaphore(%arg15 : memref<!tpu.dma_semaphore, #tpu.memory_space<semaphore_mem>>) src(%dma_wait3A_383 : memref<100000xi32, #tpu.memory_space<hbm>>) dst(%dma_wait3A_378 : memref<64xi32, #tpu.memory_space<vmem>>)
    %dma_wait3A_384 = arith.constant 4 : i32
    %dma_wait3A_385 = arith.constant 4 : i32
    %dma_wait3A_386 = arith.constant 0 : i32
    %dma_wait3A_387 = tpu.memref_slice %arg11[%dma_wait3A_385, %dma_wait3A_386] : memref<8x64xi32, #tpu.memory_space<vmem>> -> memref<1x64xi32, #tpu.memory_space<vmem>>
    %dma_wait3A_388 = tpu.memref_squeeze %dma_wait3A_387 : memref<1x64xi32, #tpu.memory_space<vmem>> -> memref<64xi32, #tpu.memory_space<vmem>>
    %dma_wait3A_389 = arith.constant 0 : i32
    %dma_wait3A_390 = tpu.memref_slice %arg10[%dma_wait3A_384, %dma_wait3A_389] : memref<8x64xi32, #tpu.memory_space<vmem>> -> memref<1x64xi32, #tpu.memory_space<vmem>>
    %dma_wait3A_391 = tpu.memref_squeeze %dma_wait3A_390 : memref<1x64xi32, #tpu.memory_space<vmem>> -> memref<64xi32, #tpu.memory_space<vmem>>
    %dma_wait3A_392 = arith.constant 0 : i32
    %dma_wait3A_393 = tpu.memref_slice %arg3[%dma_wait3A_392] : memref<100000xi32, #tpu.memory_space<hbm>> -> memref<100000xi32, #tpu.memory_space<hbm>>
    tpu.wait_indirect_dma semaphore(%arg15 : memref<!tpu.dma_semaphore, #tpu.memory_space<semaphore_mem>>) src(%dma_wait3A_393 : memref<100000xi32, #tpu.memory_space<hbm>>) dst(%dma_wait3A_388 : memref<64xi32, #tpu.memory_space<vmem>>)
    %dma_wait3A_394 = arith.constant 4 : i32
    %dma_wait3A_395 = arith.constant 4 : i32
    %dma_wait3A_396 = arith.constant 0 : i32
    %dma_wait3A_397 = tpu.memref_slice %arg13[%dma_wait3A_395, %dma_wait3A_396] : memref<8x64xf32, #tpu.memory_space<vmem>> -> memref<1x64xf32, #tpu.memory_space<vmem>>
    %dma_wait3A_398 = tpu.memref_squeeze %dma_wait3A_397 : memref<1x64xf32, #tpu.memory_space<vmem>> -> memref<64xf32, #tpu.memory_space<vmem>>
    %dma_wait3A_399 = arith.constant 0 : i32
    %dma_wait3A_400 = tpu.memref_slice %arg10[%dma_wait3A_394, %dma_wait3A_399] : memref<8x64xi32, #tpu.memory_space<vmem>> -> memref<1x64xi32, #tpu.memory_space<vmem>>
    %dma_wait3A_401 = tpu.memref_squeeze %dma_wait3A_400 : memref<1x64xi32, #tpu.memory_space<vmem>> -> memref<64xi32, #tpu.memory_space<vmem>>
    %dma_wait3A_402 = arith.constant 0 : i32
    %dma_wait3A_403 = tpu.memref_slice %arg5[%dma_wait3A_402] : memref<100000xf32, #tpu.memory_space<hbm>> -> memref<100000xf32, #tpu.memory_space<hbm>>
    tpu.wait_indirect_dma semaphore(%arg15 : memref<!tpu.dma_semaphore, #tpu.memory_space<semaphore_mem>>) src(%dma_wait3A_403 : memref<100000xf32, #tpu.memory_space<hbm>>) dst(%dma_wait3A_398 : memref<64xf32, #tpu.memory_space<vmem>>)
    %dma_wait3A_404 = arith.constant 4 : i32
    %dma_wait3A_405 = arith.constant 4 : i32
    %dma_wait3A_406 = arith.constant 0 : i32
    %dma_wait3A_407 = tpu.memref_slice %arg12[%dma_wait3A_405, %dma_wait3A_406] : memref<8x64xi32, #tpu.memory_space<vmem>> -> memref<1x64xi32, #tpu.memory_space<vmem>>
    %dma_wait3A_408 = tpu.memref_squeeze %dma_wait3A_407 : memref<1x64xi32, #tpu.memory_space<vmem>> -> memref<64xi32, #tpu.memory_space<vmem>>
    %dma_wait3A_409 = arith.constant 0 : i32
    %dma_wait3A_410 = tpu.memref_slice %arg10[%dma_wait3A_404, %dma_wait3A_409] : memref<8x64xi32, #tpu.memory_space<vmem>> -> memref<1x64xi32, #tpu.memory_space<vmem>>
    %dma_wait3A_411 = tpu.memref_squeeze %dma_wait3A_410 : memref<1x64xi32, #tpu.memory_space<vmem>> -> memref<64xi32, #tpu.memory_space<vmem>>
    %dma_wait3A_412 = arith.constant 0 : i32
    %dma_wait3A_413 = tpu.memref_slice %arg4[%dma_wait3A_412] : memref<100000xi32, #tpu.memory_space<hbm>> -> memref<100000xi32, #tpu.memory_space<hbm>>
    tpu.wait_indirect_dma semaphore(%arg15 : memref<!tpu.dma_semaphore, #tpu.memory_space<semaphore_mem>>) src(%dma_wait3A_413 : memref<100000xi32, #tpu.memory_space<hbm>>) dst(%dma_wait3A_408 : memref<64xi32, #tpu.memory_space<vmem>>)
    %dma_wait3A_414 = arith.constant 5 : i32
    %dma_wait3A_415 = arith.constant 5 : i32
    %dma_wait3A_416 = arith.constant 0 : i32
    %dma_wait3A_417 = tpu.memref_slice %arg11[%dma_wait3A_415, %dma_wait3A_416] : memref<8x64xi32, #tpu.memory_space<vmem>> -> memref<1x64xi32, #tpu.memory_space<vmem>>
    %dma_wait3A_418 = tpu.memref_squeeze %dma_wait3A_417 : memref<1x64xi32, #tpu.memory_space<vmem>> -> memref<64xi32, #tpu.memory_space<vmem>>
    %dma_wait3A_419 = arith.constant 0 : i32
    %dma_wait3A_420 = tpu.memref_slice %arg10[%dma_wait3A_414, %dma_wait3A_419] : memref<8x64xi32, #tpu.memory_space<vmem>> -> memref<1x64xi32, #tpu.memory_space<vmem>>
    %dma_wait3A_421 = tpu.memref_squeeze %dma_wait3A_420 : memref<1x64xi32, #tpu.memory_space<vmem>> -> memref<64xi32, #tpu.memory_space<vmem>>
    %dma_wait3A_422 = arith.constant 0 : i32
    %dma_wait3A_423 = tpu.memref_slice %arg3[%dma_wait3A_422] : memref<100000xi32, #tpu.memory_space<hbm>> -> memref<100000xi32, #tpu.memory_space<hbm>>
    tpu.wait_indirect_dma semaphore(%arg15 : memref<!tpu.dma_semaphore, #tpu.memory_space<semaphore_mem>>) src(%dma_wait3A_423 : memref<100000xi32, #tpu.memory_space<hbm>>) dst(%dma_wait3A_418 : memref<64xi32, #tpu.memory_space<vmem>>)
    %dma_wait3A_424 = arith.constant 5 : i32
    %dma_wait3A_425 = arith.constant 5 : i32
    %dma_wait3A_426 = arith.constant 0 : i32
    %dma_wait3A_427 = tpu.memref_slice %arg13[%dma_wait3A_425, %dma_wait3A_426] : memref<8x64xf32, #tpu.memory_space<vmem>> -> memref<1x64xf32, #tpu.memory_space<vmem>>
    %dma_wait3A_428 = tpu.memref_squeeze %dma_wait3A_427 : memref<1x64xf32, #tpu.memory_space<vmem>> -> memref<64xf32, #tpu.memory_space<vmem>>
    %dma_wait3A_429 = arith.constant 0 : i32
    %dma_wait3A_430 = tpu.memref_slice %arg10[%dma_wait3A_424, %dma_wait3A_429] : memref<8x64xi32, #tpu.memory_space<vmem>> -> memref<1x64xi32, #tpu.memory_space<vmem>>
    %dma_wait3A_431 = tpu.memref_squeeze %dma_wait3A_430 : memref<1x64xi32, #tpu.memory_space<vmem>> -> memref<64xi32, #tpu.memory_space<vmem>>
    %dma_wait3A_432 = arith.constant 0 : i32
    %dma_wait3A_433 = tpu.memref_slice %arg5[%dma_wait3A_432] : memref<100000xf32, #tpu.memory_space<hbm>> -> memref<100000xf32, #tpu.memory_space<hbm>>
    tpu.wait_indirect_dma semaphore(%arg15 : memref<!tpu.dma_semaphore, #tpu.memory_space<semaphore_mem>>) src(%dma_wait3A_433 : memref<100000xf32, #tpu.memory_space<hbm>>) dst(%dma_wait3A_428 : memref<64xf32, #tpu.memory_space<vmem>>)
    %dma_wait3A_434 = arith.constant 5 : i32
    %dma_wait3A_435 = arith.constant 5 : i32
    %dma_wait3A_436 = arith.constant 0 : i32
    %dma_wait3A_437 = tpu.memref_slice %arg12[%dma_wait3A_435, %dma_wait3A_436] : memref<8x64xi32, #tpu.memory_space<vmem>> -> memref<1x64xi32, #tpu.memory_space<vmem>>
    %dma_wait3A_438 = tpu.memref_squeeze %dma_wait3A_437 : memref<1x64xi32, #tpu.memory_space<vmem>> -> memref<64xi32, #tpu.memory_space<vmem>>
    %dma_wait3A_439 = arith.constant 0 : i32
    %dma_wait3A_440 = tpu.memref_slice %arg10[%dma_wait3A_434, %dma_wait3A_439] : memref<8x64xi32, #tpu.memory_space<vmem>> -> memref<1x64xi32, #tpu.memory_space<vmem>>
    %dma_wait3A_441 = tpu.memref_squeeze %dma_wait3A_440 : memref<1x64xi32, #tpu.memory_space<vmem>> -> memref<64xi32, #tpu.memory_space<vmem>>
    %dma_wait3A_442 = arith.constant 0 : i32
    %dma_wait3A_443 = tpu.memref_slice %arg4[%dma_wait3A_442] : memref<100000xi32, #tpu.memory_space<hbm>> -> memref<100000xi32, #tpu.memory_space<hbm>>
    tpu.wait_indirect_dma semaphore(%arg15 : memref<!tpu.dma_semaphore, #tpu.memory_space<semaphore_mem>>) src(%dma_wait3A_443 : memref<100000xi32, #tpu.memory_space<hbm>>) dst(%dma_wait3A_438 : memref<64xi32, #tpu.memory_space<vmem>>)
    %dma_wait3A_444 = arith.constant 6 : i32
    %dma_wait3A_445 = arith.constant 6 : i32
    %dma_wait3A_446 = arith.constant 0 : i32
    %dma_wait3A_447 = tpu.memref_slice %arg11[%dma_wait3A_445, %dma_wait3A_446] : memref<8x64xi32, #tpu.memory_space<vmem>> -> memref<1x64xi32, #tpu.memory_space<vmem>>
    %dma_wait3A_448 = tpu.memref_squeeze %dma_wait3A_447 : memref<1x64xi32, #tpu.memory_space<vmem>> -> memref<64xi32, #tpu.memory_space<vmem>>
    %dma_wait3A_449 = arith.constant 0 : i32
    %dma_wait3A_450 = tpu.memref_slice %arg10[%dma_wait3A_444, %dma_wait3A_449] : memref<8x64xi32, #tpu.memory_space<vmem>> -> memref<1x64xi32, #tpu.memory_space<vmem>>
    %dma_wait3A_451 = tpu.memref_squeeze %dma_wait3A_450 : memref<1x64xi32, #tpu.memory_space<vmem>> -> memref<64xi32, #tpu.memory_space<vmem>>
    %dma_wait3A_452 = arith.constant 0 : i32
    %dma_wait3A_453 = tpu.memref_slice %arg3[%dma_wait3A_452] : memref<100000xi32, #tpu.memory_space<hbm>> -> memref<100000xi32, #tpu.memory_space<hbm>>
    tpu.wait_indirect_dma semaphore(%arg15 : memref<!tpu.dma_semaphore, #tpu.memory_space<semaphore_mem>>) src(%dma_wait3A_453 : memref<100000xi32, #tpu.memory_space<hbm>>) dst(%dma_wait3A_448 : memref<64xi32, #tpu.memory_space<vmem>>)
    %dma_wait3A_454 = arith.constant 6 : i32
    %dma_wait3A_455 = arith.constant 6 : i32
    %dma_wait3A_456 = arith.constant 0 : i32
    %dma_wait3A_457 = tpu.memref_slice %arg13[%dma_wait3A_455, %dma_wait3A_456] : memref<8x64xf32, #tpu.memory_space<vmem>> -> memref<1x64xf32, #tpu.memory_space<vmem>>
    %dma_wait3A_458 = tpu.memref_squeeze %dma_wait3A_457 : memref<1x64xf32, #tpu.memory_space<vmem>> -> memref<64xf32, #tpu.memory_space<vmem>>
    %dma_wait3A_459 = arith.constant 0 : i32
    %dma_wait3A_460 = tpu.memref_slice %arg10[%dma_wait3A_454, %dma_wait3A_459] : memref<8x64xi32, #tpu.memory_space<vmem>> -> memref<1x64xi32, #tpu.memory_space<vmem>>
    %dma_wait3A_461 = tpu.memref_squeeze %dma_wait3A_460 : memref<1x64xi32, #tpu.memory_space<vmem>> -> memref<64xi32, #tpu.memory_space<vmem>>
    %dma_wait3A_462 = arith.constant 0 : i32
    %dma_wait3A_463 = tpu.memref_slice %arg5[%dma_wait3A_462] : memref<100000xf32, #tpu.memory_space<hbm>> -> memref<100000xf32, #tpu.memory_space<hbm>>
    tpu.wait_indirect_dma semaphore(%arg15 : memref<!tpu.dma_semaphore, #tpu.memory_space<semaphore_mem>>) src(%dma_wait3A_463 : memref<100000xf32, #tpu.memory_space<hbm>>) dst(%dma_wait3A_458 : memref<64xf32, #tpu.memory_space<vmem>>)
    %dma_wait3A_464 = arith.constant 6 : i32
    %dma_wait3A_465 = arith.constant 6 : i32
    %dma_wait3A_466 = arith.constant 0 : i32
    %dma_wait3A_467 = tpu.memref_slice %arg12[%dma_wait3A_465, %dma_wait3A_466] : memref<8x64xi32, #tpu.memory_space<vmem>> -> memref<1x64xi32, #tpu.memory_space<vmem>>
    %dma_wait3A_468 = tpu.memref_squeeze %dma_wait3A_467 : memref<1x64xi32, #tpu.memory_space<vmem>> -> memref<64xi32, #tpu.memory_space<vmem>>
    %dma_wait3A_469 = arith.constant 0 : i32
    %dma_wait3A_470 = tpu.memref_slice %arg10[%dma_wait3A_464, %dma_wait3A_469] : memref<8x64xi32, #tpu.memory_space<vmem>> -> memref<1x64xi32, #tpu.memory_space<vmem>>
    %dma_wait3A_471 = tpu.memref_squeeze %dma_wait3A_470 : memref<1x64xi32, #tpu.memory_space<vmem>> -> memref<64xi32, #tpu.memory_space<vmem>>
    %dma_wait3A_472 = arith.constant 0 : i32
    %dma_wait3A_473 = tpu.memref_slice %arg4[%dma_wait3A_472] : memref<100000xi32, #tpu.memory_space<hbm>> -> memref<100000xi32, #tpu.memory_space<hbm>>
    tpu.wait_indirect_dma semaphore(%arg15 : memref<!tpu.dma_semaphore, #tpu.memory_space<semaphore_mem>>) src(%dma_wait3A_473 : memref<100000xi32, #tpu.memory_space<hbm>>) dst(%dma_wait3A_468 : memref<64xi32, #tpu.memory_space<vmem>>)
    %dma_wait3A_474 = arith.constant 7 : i32
    %dma_wait3A_475 = arith.constant 7 : i32
    %dma_wait3A_476 = arith.constant 0 : i32
    %dma_wait3A_477 = tpu.memref_slice %arg11[%dma_wait3A_475, %dma_wait3A_476] : memref<8x64xi32, #tpu.memory_space<vmem>> -> memref<1x64xi32, #tpu.memory_space<vmem>>
    %dma_wait3A_478 = tpu.memref_squeeze %dma_wait3A_477 : memref<1x64xi32, #tpu.memory_space<vmem>> -> memref<64xi32, #tpu.memory_space<vmem>>
    %dma_wait3A_479 = arith.constant 0 : i32
    %dma_wait3A_480 = tpu.memref_slice %arg10[%dma_wait3A_474, %dma_wait3A_479] : memref<8x64xi32, #tpu.memory_space<vmem>> -> memref<1x64xi32, #tpu.memory_space<vmem>>
    %dma_wait3A_481 = tpu.memref_squeeze %dma_wait3A_480 : memref<1x64xi32, #tpu.memory_space<vmem>> -> memref<64xi32, #tpu.memory_space<vmem>>
    %dma_wait3A_482 = arith.constant 0 : i32
    %dma_wait3A_483 = tpu.memref_slice %arg3[%dma_wait3A_482] : memref<100000xi32, #tpu.memory_space<hbm>> -> memref<100000xi32, #tpu.memory_space<hbm>>
    tpu.wait_indirect_dma semaphore(%arg15 : memref<!tpu.dma_semaphore, #tpu.memory_space<semaphore_mem>>) src(%dma_wait3A_483 : memref<100000xi32, #tpu.memory_space<hbm>>) dst(%dma_wait3A_478 : memref<64xi32, #tpu.memory_space<vmem>>)
    %dma_wait3A_484 = arith.constant 7 : i32
    %dma_wait3A_485 = arith.constant 7 : i32
    %dma_wait3A_486 = arith.constant 0 : i32
    %dma_wait3A_487 = tpu.memref_slice %arg13[%dma_wait3A_485, %dma_wait3A_486] : memref<8x64xf32, #tpu.memory_space<vmem>> -> memref<1x64xf32, #tpu.memory_space<vmem>>
    %dma_wait3A_488 = tpu.memref_squeeze %dma_wait3A_487 : memref<1x64xf32, #tpu.memory_space<vmem>> -> memref<64xf32, #tpu.memory_space<vmem>>
    %dma_wait3A_489 = arith.constant 0 : i32
    %dma_wait3A_490 = tpu.memref_slice %arg10[%dma_wait3A_484, %dma_wait3A_489] : memref<8x64xi32, #tpu.memory_space<vmem>> -> memref<1x64xi32, #tpu.memory_space<vmem>>
    %dma_wait3A_491 = tpu.memref_squeeze %dma_wait3A_490 : memref<1x64xi32, #tpu.memory_space<vmem>> -> memref<64xi32, #tpu.memory_space<vmem>>
    %dma_wait3A_492 = arith.constant 0 : i32
    %dma_wait3A_493 = tpu.memref_slice %arg5[%dma_wait3A_492] : memref<100000xf32, #tpu.memory_space<hbm>> -> memref<100000xf32, #tpu.memory_space<hbm>>
    tpu.wait_indirect_dma semaphore(%arg15 : memref<!tpu.dma_semaphore, #tpu.memory_space<semaphore_mem>>) src(%dma_wait3A_493 : memref<100000xf32, #tpu.memory_space<hbm>>) dst(%dma_wait3A_488 : memref<64xf32, #tpu.memory_space<vmem>>)
    %dma_wait3A_494 = arith.constant 7 : i32
    %dma_wait3A_495 = arith.constant 7 : i32
    %dma_wait3A_496 = arith.constant 0 : i32
    %dma_wait3A_497 = tpu.memref_slice %arg12[%dma_wait3A_495, %dma_wait3A_496] : memref<8x64xi32, #tpu.memory_space<vmem>> -> memref<1x64xi32, #tpu.memory_space<vmem>>
    %dma_wait3A_498 = tpu.memref_squeeze %dma_wait3A_497 : memref<1x64xi32, #tpu.memory_space<vmem>> -> memref<64xi32, #tpu.memory_space<vmem>>
    %dma_wait3A_499 = arith.constant 0 : i32
    %dma_wait3A_500 = tpu.memref_slice %arg10[%dma_wait3A_494, %dma_wait3A_499] : memref<8x64xi32, #tpu.memory_space<vmem>> -> memref<1x64xi32, #tpu.memory_space<vmem>>
    %dma_wait3A_501 = tpu.memref_squeeze %dma_wait3A_500 : memref<1x64xi32, #tpu.memory_space<vmem>> -> memref<64xi32, #tpu.memory_space<vmem>>
    %dma_wait3A_502 = arith.constant 0 : i32
    %dma_wait3A_503 = tpu.memref_slice %arg4[%dma_wait3A_502] : memref<100000xi32, #tpu.memory_space<hbm>> -> memref<100000xi32, #tpu.memory_space<hbm>>
    tpu.wait_indirect_dma semaphore(%arg15 : memref<!tpu.dma_semaphore, #tpu.memory_space<semaphore_mem>>) src(%dma_wait3A_503 : memref<100000xi32, #tpu.memory_space<hbm>>) dst(%dma_wait3A_498 : memref<64xi32, #tpu.memory_space<vmem>>)
    %get3A = arith.constant 0 : i32
    %get3A_504 = arith.index_cast %get3A : i32 to index
    %get3A_505 = arith.constant 0 : index
    %get3A_506 = tpu.vector_load %arg11[%get3A_504, %get3A_505] {strides = array<i32>} : memref<8x64xi32, #tpu.memory_space<vmem>>, vector<1x16xi32>,
    %get3A_507 = vector.shape_cast %get3A_506 : vector<1x16xi32> to vector<16xi32>
    %lt3A = arith.constant 0 : i32
    %lt3A_508 = vector.broadcast %lt3A : i32 to vector<16xi32>
    %lt3A_509 = arith.cmpi slt, %get3A_507, %lt3A_508 : vector<16xi32>
    %max3A = arith.constant 0 : i32
    %max3A_510 = vector.broadcast %max3A : i32 to vector<16xi32>
    %max3A_511 = arith.maxsi %get3A_507, %max3A_510 : vector<16xi32>
    %ge3A = arith.constant 45000 : i32
    %ge3A_512 = vector.broadcast %ge3A : i32 to vector<16xi32>
    %ge3A_513 = arith.cmpi sge, %max3A_511, %ge3A_512 : vector<16xi32>
    %sub3A = arith.constant 45000 : i32
    %sub3A_514 = vector.broadcast %sub3A : i32 to vector<16xi32>
    %sub3A_515 = arith.subi %max3A_511, %sub3A_514 : vector<16xi32>
    %select_n3A = arith.select %ge3A_513, %sub3A_515, %max3A_511 : vector<16xi1>, vector<16xi32>
    %get3A_516 = arith.constant 0 : i32
    %get3A_517 = arith.index_cast %get3A_516 : i32 to index
    %get3A_518 = arith.constant 0 : index
    %get3A_519 = tpu.vector_load %arg12[%get3A_517, %get3A_518] {strides = array<i32>} : memref<8x64xi32, #tpu.memory_space<vmem>>, vector<1x16xi32>,
    %get3A_520 = vector.shape_cast %get3A_519 : vector<1x16xi32> to vector<16xi32>
    %max3A_521 = arith.constant 0 : i32
    %max3A_522 = vector.broadcast %max3A_521 : i32 to vector<16xi32>
    %max3A_523 = arith.maxsi %get3A_520, %max3A_522 : vector<16xi32>
    %min3A = arith.constant 9999 : i32
    %min3A_524 = vector.broadcast %min3A : i32 to vector<16xi32>
    %min3A_525 = arith.minsi %max3A_523, %min3A_524 : vector<16xi32>
    %ge3A_526 = arith.constant 5000 : i32
    %ge3A_527 = vector.broadcast %ge3A_526 : i32 to vector<16xi32>
    %ge3A_528 = arith.cmpi sge, %min3A_525, %ge3A_527 : vector<16xi32>
    %sub3A_529 = arith.constant 5000 : i32
    %sub3A_530 = vector.broadcast %sub3A_529 : i32 to vector<16xi32>
    %sub3A_531 = arith.subi %min3A_525, %sub3A_530 : vector<16xi32>
    %select_n3A_532 = arith.select %ge3A_528, %sub3A_531, %min3A_525 : vector<16xi1>, vector<16xi32>
    %add3A_533 = arith.constant 45000 : i32
    %add3A_534 = vector.broadcast %add3A_533 : i32 to vector<16xi32>
    %add3A_535 = arith.addi %select_n3A_532, %add3A_534 : vector<16xi32>
    %select_n3A_536 = arith.select %lt3A_509, %add3A_535, %select_n3A : vector<16xi1>, vector<16xi32>
    %select_n3A_537 = arith.select %lt3A_509, %ge3A_528, %ge3A_513 : vector<16xi1>, vector<16xi1>
    %min3A_538 = arith.constant 49999 : i32
    %min3A_539 = vector.broadcast %min3A_538 : i32 to vector<16xi32>
    %min3A_540 = arith.minsi %select_n3A_536, %min3A_539 : vector<16xi32>
    %swap3A = arith.constant 0 : i32
    %swap3A_541 = arith.index_cast %swap3A : i32 to index
    %swap3A_542 = arith.constant 0 : index
    %swap3A_543 = tpu.vector_load %arg11[%swap3A_541, %swap3A_542] {strides = array<i32>} : memref<8x64xi32, #tpu.memory_space<vmem>>, vector<1x16xi32>,
    %swap3A_544 = vector.shape_cast %swap3A_543 : vector<1x16xi32> to vector<16xi32>
    %swap3A_545 = vector.shape_cast %min3A_540 : vector<16xi32> to vector<1x16xi32>
    tpu.vector_store %arg11[%swap3A_541, %swap3A_542], %swap3A_545 {strides = array<i32>} : memref<8x64xi32, #tpu.memory_space<vmem>>, vector<1x16xi32>,
    %jit3A = arith.constant 1 : i32
    %jit3A_546 = arith.constant 0 : i32
    %broadcast_in_dim3A = vector.broadcast %jit3A : i32 to vector<16xi32>
    %broadcast_in_dim3A_547 = vector.broadcast %jit3A_546 : i32 to vector<16xi32>
    %select_n3A_548 = arith.select %select_n3A_537, %broadcast_in_dim3A, %broadcast_in_dim3A_547 : vector<16xi1>, vector<16xi32>
    %jit3A_549 = arith.constant 2 : i32
    %jit3A_550 = arith.constant 0 : i32
    %broadcast_in_dim3A_551 = vector.broadcast %jit3A_549 : i32 to vector<16xi32>
    %broadcast_in_dim3A_552 = vector.broadcast %jit3A_550 : i32 to vector<16xi32>
    %select_n3A_553 = arith.select %lt3A_509, %broadcast_in_dim3A_551, %broadcast_in_dim3A_552 : vector<16xi1>, vector<16xi32>
    %add3A_554 = arith.addi %select_n3A_548, %select_n3A_553 : vector<16xi32>
    %swap3A_555 = arith.constant 0 : i32
    %swap3A_556 = arith.index_cast %swap3A_555 : i32 to index
    %swap3A_557 = arith.constant 0 : index
    %swap3A_558 = tpu.vector_load %arg12[%swap3A_556, %swap3A_557] {strides = array<i32>} : memref<8x64xi32, #tpu.memory_space<vmem>>, vector<1x16xi32>,
    %swap3A_559 = vector.shape_cast %swap3A_558 : vector<1x16xi32> to vector<16xi32>
    %swap3A_560 = vector.shape_cast %add3A_554 : vector<16xi32> to vector<1x16xi32>
    tpu.vector_store %arg12[%swap3A_556, %swap3A_557], %swap3A_560 {strides = array<i32>} : memref<8x64xi32, #tpu.memory_space<vmem>>, vector<1x16xi32>,
    %get3A_561 = arith.constant 0 : i32
    %get3A_562 = arith.index_cast %get3A_561 : i32 to index
    %get3A_563 = arith.constant 16 : index
    %get3A_564 = tpu.vector_load %arg11[%get3A_562, %get3A_563] {strides = array<i32>} : memref<8x64xi32, #tpu.memory_space<vmem>>, vector<1x16xi32>,
    %get3A_565 = vector.shape_cast %get3A_564 : vector<1x16xi32> to vector<16xi32>
    %lt3A_566 = arith.constant 0 : i32
    %lt3A_567 = vector.broadcast %lt3A_566 : i32 to vector<16xi32>
    %lt3A_568 = arith.cmpi slt, %get3A_565, %lt3A_567 : vector<16xi32>
    %max3A_569 = arith.constant 0 : i32
    %max3A_570 = vector.broadcast %max3A_569 : i32 to vector<16xi32>
    %max3A_571 = arith.maxsi %get3A_565, %max3A_570 : vector<16xi32>
    %ge3A_572 = arith.constant 45000 : i32
    %ge3A_573 = vector.broadcast %ge3A_572 : i32 to vector<16xi32>
    %ge3A_574 = arith.cmpi sge, %max3A_571, %ge3A_573 : vector<16xi32>
    %sub3A_575 = arith.constant 45000 : i32
    %sub3A_576 = vector.broadcast %sub3A_575 : i32 to vector<16xi32>
    %sub3A_577 = arith.subi %max3A_571, %sub3A_576 : vector<16xi32>
    %select_n3A_578 = arith.select %ge3A_574, %sub3A_577, %max3A_571 : vector<16xi1>, vector<16xi32>
    %get3A_579 = arith.constant 0 : i32
    %get3A_580 = arith.index_cast %get3A_579 : i32 to index
    %get3A_581 = arith.constant 16 : index
    %get3A_582 = tpu.vector_load %arg12[%get3A_580, %get3A_581] {strides = array<i32>} : memref<8x64xi32, #tpu.memory_space<vmem>>, vector<1x16xi32>,
    %get3A_583 = vector.shape_cast %get3A_582 : vector<1x16xi32> to vector<16xi32>
    %max3A_584 = arith.constant 0 : i32
    %max3A_585 = vector.broadcast %max3A_584 : i32 to vector<16xi32>
    %max3A_586 = arith.maxsi %get3A_583, %max3A_585 : vector<16xi32>
    %min3A_587 = arith.constant 9999 : i32
    %min3A_588 = vector.broadcast %min3A_587 : i32 to vector<16xi32>
    %min3A_589 = arith.minsi %max3A_586, %min3A_588 : vector<16xi32>
    %ge3A_590 = arith.constant 5000 : i32
    %ge3A_591 = vector.broadcast %ge3A_590 : i32 to vector<16xi32>
    %ge3A_592 = arith.cmpi sge, %min3A_589, %ge3A_591 : vector<16xi32>
    %sub3A_593 = arith.constant 5000 : i32
    %sub3A_594 = vector.broadcast %sub3A_593 : i32 to vector<16xi32>
    %sub3A_595 = arith.subi %min3A_589, %sub3A_594 : vector<16xi32>
    %select_n3A_596 = arith.select %ge3A_592, %sub3A_595, %min3A_589 : vector<16xi1>, vector<16xi32>
    %add3A_597 = arith.constant 45000 : i32
    %add3A_598 = vector.broadcast %add3A_597 : i32 to vector<16xi32>
    %add3A_599 = arith.addi %select_n3A_596, %add3A_598 : vector<16xi32>
    %select_n3A_600 = arith.select %lt3A_568, %add3A_599, %select_n3A_578 : vector<16xi1>, vector<16xi32>
    %select_n3A_601 = arith.select %lt3A_568, %ge3A_592, %ge3A_574 : vector<16xi1>, vector<16xi1>
    %min3A_602 = arith.constant 49999 : i32
    %min3A_603 = vector.broadcast %min3A_602 : i32 to vector<16xi32>
    %min3A_604 = arith.minsi %select_n3A_600, %min3A_603 : vector<16xi32>
    %swap3A_605 = arith.constant 0 : i32
    %swap3A_606 = arith.index_cast %swap3A_605 : i32 to index
    %swap3A_607 = arith.constant 16 : index
    %swap3A_608 = tpu.vector_load %arg11[%swap3A_606, %swap3A_607] {strides = array<i32>} : memref<8x64xi32, #tpu.memory_space<vmem>>, vector<1x16xi32>,
    %swap3A_609 = vector.shape_cast %swap3A_608 : vector<1x16xi32> to vector<16xi32>
    %swap3A_610 = vector.shape_cast %min3A_604 : vector<16xi32> to vector<1x16xi32>
    tpu.vector_store %arg11[%swap3A_606, %swap3A_607], %swap3A_610 {strides = array<i32>} : memref<8x64xi32, #tpu.memory_space<vmem>>, vector<1x16xi32>,
    %jit3A_611 = arith.constant 1 : i32
    %jit3A_612 = arith.constant 0 : i32
    %broadcast_in_dim3A_613 = vector.broadcast %jit3A_611 : i32 to vector<16xi32>
    %broadcast_in_dim3A_614 = vector.broadcast %jit3A_612 : i32 to vector<16xi32>
    %select_n3A_615 = arith.select %select_n3A_601, %broadcast_in_dim3A_613, %broadcast_in_dim3A_614 : vector<16xi1>, vector<16xi32>
    %jit3A_616 = arith.constant 2 : i32
    %jit3A_617 = arith.constant 0 : i32
    %broadcast_in_dim3A_618 = vector.broadcast %jit3A_616 : i32 to vector<16xi32>
    %broadcast_in_dim3A_619 = vector.broadcast %jit3A_617 : i32 to vector<16xi32>
    %select_n3A_620 = arith.select %lt3A_568, %broadcast_in_dim3A_618, %broadcast_in_dim3A_619 : vector<16xi1>, vector<16xi32>
    %add3A_621 = arith.addi %select_n3A_615, %select_n3A_620 : vector<16xi32>
    %swap3A_622 = arith.constant 0 : i32
    %swap3A_623 = arith.index_cast %swap3A_622 : i32 to index
    %swap3A_624 = arith.constant 16 : index
    %swap3A_625 = tpu.vector_load %arg12[%swap3A_623, %swap3A_624] {strides = array<i32>} : memref<8x64xi32, #tpu.memory_space<vmem>>, vector<1x16xi32>,
    %swap3A_626 = vector.shape_cast %swap3A_625 : vector<1x16xi32> to vector<16xi32>
    %swap3A_627 = vector.shape_cast %add3A_621 : vector<16xi32> to vector<1x16xi32>
    tpu.vector_store %arg12[%swap3A_623, %swap3A_624], %swap3A_627 {strides = array<i32>} : memref<8x64xi32, #tpu.memory_space<vmem>>, vector<1x16xi32>,
    %get3A_628 = arith.constant 0 : i32
    %get3A_629 = arith.index_cast %get3A_628 : i32 to index
    %get3A_630 = arith.constant 32 : index
    %get3A_631 = tpu.vector_load %arg11[%get3A_629, %get3A_630] {strides = array<i32>} : memref<8x64xi32, #tpu.memory_space<vmem>>, vector<1x16xi32>,
    %get3A_632 = vector.shape_cast %get3A_631 : vector<1x16xi32> to vector<16xi32>
    %lt3A_633 = arith.constant 0 : i32
    %lt3A_634 = vector.broadcast %lt3A_633 : i32 to vector<16xi32>
    %lt3A_635 = arith.cmpi slt, %get3A_632, %lt3A_634 : vector<16xi32>
    %max3A_636 = arith.constant 0 : i32
    %max3A_637 = vector.broadcast %max3A_636 : i32 to vector<16xi32>
    %max3A_638 = arith.maxsi %get3A_632, %max3A_637 : vector<16xi32>
    %ge3A_639 = arith.constant 45000 : i32
    %ge3A_640 = vector.broadcast %ge3A_639 : i32 to vector<16xi32>
    %ge3A_641 = arith.cmpi sge, %max3A_638, %ge3A_640 : vector<16xi32>
    %sub3A_642 = arith.constant 45000 : i32
    %sub3A_643 = vector.broadcast %sub3A_642 : i32 to vector<16xi32>
    %sub3A_644 = arith.subi %max3A_638, %sub3A_643 : vector<16xi32>
    %select_n3A_645 = arith.select %ge3A_641, %sub3A_644, %max3A_638 : vector<16xi1>, vector<16xi32>
    %get3A_646 = arith.constant 0 : i32
    %get3A_647 = arith.index_cast %get3A_646 : i32 to index
    %get3A_648 = arith.constant 32 : index
    %get3A_649 = tpu.vector_load %arg12[%get3A_647, %get3A_648] {strides = array<i32>} : memref<8x64xi32, #tpu.memory_space<vmem>>, vector<1x16xi32>,
    %get3A_650 = vector.shape_cast %get3A_649 : vector<1x16xi32> to vector<16xi32>
    %max3A_651 = arith.constant 0 : i32
    %max3A_652 = vector.broadcast %max3A_651 : i32 to vector<16xi32>
    %max3A_653 = arith.maxsi %get3A_650, %max3A_652 : vector<16xi32>
    %min3A_654 = arith.constant 9999 : i32
    %min3A_655 = vector.broadcast %min3A_654 : i32 to vector<16xi32>
    %min3A_656 = arith.minsi %max3A_653, %min3A_655 : vector<16xi32>
    %ge3A_657 = arith.constant 5000 : i32
    %ge3A_658 = vector.broadcast %ge3A_657 : i32 to vector<16xi32>
    %ge3A_659 = arith.cmpi sge, %min3A_656, %ge3A_658 : vector<16xi32>
    %sub3A_660 = arith.constant 5000 : i32
    %sub3A_661 = vector.broadcast %sub3A_660 : i32 to vector<16xi32>
    %sub3A_662 = arith.subi %min3A_656, %sub3A_661 : vector<16xi32>
    %select_n3A_663 = arith.select %ge3A_659, %sub3A_662, %min3A_656 : vector<16xi1>, vector<16xi32>
    %add3A_664 = arith.constant 45000 : i32
    %add3A_665 = vector.broadcast %add3A_664 : i32 to vector<16xi32>
    %add3A_666 = arith.addi %select_n3A_663, %add3A_665 : vector<16xi32>
    %select_n3A_667 = arith.select %lt3A_635, %add3A_666, %select_n3A_645 : vector<16xi1>, vector<16xi32>
    %select_n3A_668 = arith.select %lt3A_635, %ge3A_659, %ge3A_641 : vector<16xi1>, vector<16xi1>
    %min3A_669 = arith.constant 49999 : i32
    %min3A_670 = vector.broadcast %min3A_669 : i32 to vector<16xi32>
    %min3A_671 = arith.minsi %select_n3A_667, %min3A_670 : vector<16xi32>
    %swap3A_672 = arith.constant 0 : i32
    %swap3A_673 = arith.index_cast %swap3A_672 : i32 to index
    %swap3A_674 = arith.constant 32 : index
    %swap3A_675 = tpu.vector_load %arg11[%swap3A_673, %swap3A_674] {strides = array<i32>} : memref<8x64xi32, #tpu.memory_space<vmem>>, vector<1x16xi32>,
    %swap3A_676 = vector.shape_cast %swap3A_675 : vector<1x16xi32> to vector<16xi32>
    %swap3A_677 = vector.shape_cast %min3A_671 : vector<16xi32> to vector<1x16xi32>
    tpu.vector_store %arg11[%swap3A_673, %swap3A_674], %swap3A_677 {strides = array<i32>} : memref<8x64xi32, #tpu.memory_space<vmem>>, vector<1x16xi32>,
    %jit3A_678 = arith.constant 1 : i32
    %jit3A_679 = arith.constant 0 : i32
    %broadcast_in_dim3A_680 = vector.broadcast %jit3A_678 : i32 to vector<16xi32>
    %broadcast_in_dim3A_681 = vector.broadcast %jit3A_679 : i32 to vector<16xi32>
    %select_n3A_682 = arith.select %select_n3A_668, %broadcast_in_dim3A_680, %broadcast_in_dim3A_681 : vector<16xi1>, vector<16xi32>
    %jit3A_683 = arith.constant 2 : i32
    %jit3A_684 = arith.constant 0 : i32
    %broadcast_in_dim3A_685 = vector.broadcast %jit3A_683 : i32 to vector<16xi32>
    %broadcast_in_dim3A_686 = vector.broadcast %jit3A_684 : i32 to vector<16xi32>
    %select_n3A_687 = arith.select %lt3A_635, %broadcast_in_dim3A_685, %broadcast_in_dim3A_686 : vector<16xi1>, vector<16xi32>
    %add3A_688 = arith.addi %select_n3A_682, %select_n3A_687 : vector<16xi32>
    %swap3A_689 = arith.constant 0 : i32
    %swap3A_690 = arith.index_cast %swap3A_689 : i32 to index
    %swap3A_691 = arith.constant 32 : index
    %swap3A_692 = tpu.vector_load %arg12[%swap3A_690, %swap3A_691] {strides = array<i32>} : memref<8x64xi32, #tpu.memory_space<vmem>>, vector<1x16xi32>,
    %swap3A_693 = vector.shape_cast %swap3A_692 : vector<1x16xi32> to vector<16xi32>
    %swap3A_694 = vector.shape_cast %add3A_688 : vector<16xi32> to vector<1x16xi32>
    tpu.vector_store %arg12[%swap3A_690, %swap3A_691], %swap3A_694 {strides = array<i32>} : memref<8x64xi32, #tpu.memory_space<vmem>>, vector<1x16xi32>,
    %get3A_695 = arith.constant 0 : i32
    %get3A_696 = arith.index_cast %get3A_695 : i32 to index
    %get3A_697 = arith.constant 48 : index
    %get3A_698 = tpu.vector_load %arg11[%get3A_696, %get3A_697] {strides = array<i32>} : memref<8x64xi32, #tpu.memory_space<vmem>>, vector<1x16xi32>,
    %get3A_699 = vector.shape_cast %get3A_698 : vector<1x16xi32> to vector<16xi32>
    %lt3A_700 = arith.constant 0 : i32
    %lt3A_701 = vector.broadcast %lt3A_700 : i32 to vector<16xi32>
    %lt3A_702 = arith.cmpi slt, %get3A_699, %lt3A_701 : vector<16xi32>
    %max3A_703 = arith.constant 0 : i32
    %max3A_704 = vector.broadcast %max3A_703 : i32 to vector<16xi32>
    %max3A_705 = arith.maxsi %get3A_699, %max3A_704 : vector<16xi32>
    %ge3A_706 = arith.constant 45000 : i32
    %ge3A_707 = vector.broadcast %ge3A_706 : i32 to vector<16xi32>
    %ge3A_708 = arith.cmpi sge, %max3A_705, %ge3A_707 : vector<16xi32>
    %sub3A_709 = arith.constant 45000 : i32
    %sub3A_710 = vector.broadcast %sub3A_709 : i32 to vector<16xi32>
    %sub3A_711 = arith.subi %max3A_705, %sub3A_710 : vector<16xi32>
    %select_n3A_712 = arith.select %ge3A_708, %sub3A_711, %max3A_705 : vector<16xi1>, vector<16xi32>
    %get3A_713 = arith.constant 0 : i32
    %get3A_714 = arith.index_cast %get3A_713 : i32 to index
    %get3A_715 = arith.constant 48 : index
    %get3A_716 = tpu.vector_load %arg12[%get3A_714, %get3A_715] {strides = array<i32>} : memref<8x64xi32, #tpu.memory_space<vmem>>, vector<1x16xi32>,
    %get3A_717 = vector.shape_cast %get3A_716 : vector<1x16xi32> to vector<16xi32>
    %max3A_718 = arith.constant 0 : i32
    %max3A_719 = vector.broadcast %max3A_718 : i32 to vector<16xi32>
    %max3A_720 = arith.maxsi %get3A_717, %max3A_719 : vector<16xi32>
    %min3A_721 = arith.constant 9999 : i32
    %min3A_722 = vector.broadcast %min3A_721 : i32 to vector<16xi32>
    %min3A_723 = arith.minsi %max3A_720, %min3A_722 : vector<16xi32>
    %ge3A_724 = arith.constant 5000 : i32
    %ge3A_725 = vector.broadcast %ge3A_724 : i32 to vector<16xi32>
    %ge3A_726 = arith.cmpi sge, %min3A_723, %ge3A_725 : vector<16xi32>
    %sub3A_727 = arith.constant 5000 : i32
    %sub3A_728 = vector.broadcast %sub3A_727 : i32 to vector<16xi32>
    %sub3A_729 = arith.subi %min3A_723, %sub3A_728 : vector<16xi32>
    %select_n3A_730 = arith.select %ge3A_726, %sub3A_729, %min3A_723 : vector<16xi1>, vector<16xi32>
    %add3A_731 = arith.constant 45000 : i32
    %add3A_732 = vector.broadcast %add3A_731 : i32 to vector<16xi32>
    %add3A_733 = arith.addi %select_n3A_730, %add3A_732 : vector<16xi32>
    %select_n3A_734 = arith.select %lt3A_702, %add3A_733, %select_n3A_712 : vector<16xi1>, vector<16xi32>
    %select_n3A_735 = arith.select %lt3A_702, %ge3A_726, %ge3A_708 : vector<16xi1>, vector<16xi1>
    %min3A_736 = arith.constant 49999 : i32
    %min3A_737 = vector.broadcast %min3A_736 : i32 to vector<16xi32>
    %min3A_738 = arith.minsi %select_n3A_734, %min3A_737 : vector<16xi32>
    %swap3A_739 = arith.constant 0 : i32
    %swap3A_740 = arith.index_cast %swap3A_739 : i32 to index
    %swap3A_741 = arith.constant 48 : index
    %swap3A_742 = tpu.vector_load %arg11[%swap3A_740, %swap3A_741] {strides = array<i32>} : memref<8x64xi32, #tpu.memory_space<vmem>>, vector<1x16xi32>,
    %swap3A_743 = vector.shape_cast %swap3A_742 : vector<1x16xi32> to vector<16xi32>
    %swap3A_744 = vector.shape_cast %min3A_738 : vector<16xi32> to vector<1x16xi32>
    tpu.vector_store %arg11[%swap3A_740, %swap3A_741], %swap3A_744 {strides = array<i32>} : memref<8x64xi32, #tpu.memory_space<vmem>>, vector<1x16xi32>,
    %jit3A_745 = arith.constant 1 : i32
    %jit3A_746 = arith.constant 0 : i32
    %broadcast_in_dim3A_747 = vector.broadcast %jit3A_745 : i32 to vector<16xi32>
    %broadcast_in_dim3A_748 = vector.broadcast %jit3A_746 : i32 to vector<16xi32>
    %select_n3A_749 = arith.select %select_n3A_735, %broadcast_in_dim3A_747, %broadcast_in_dim3A_748 : vector<16xi1>, vector<16xi32>
    %jit3A_750 = arith.constant 2 : i32
    %jit3A_751 = arith.constant 0 : i32
    %broadcast_in_dim3A_752 = vector.broadcast %jit3A_750 : i32 to vector<16xi32>
    %broadcast_in_dim3A_753 = vector.broadcast %jit3A_751 : i32 to vector<16xi32>
    %select_n3A_754 = arith.select %lt3A_702, %broadcast_in_dim3A_752, %broadcast_in_dim3A_753 : vector<16xi1>, vector<16xi32>
    %add3A_755 = arith.addi %select_n3A_749, %select_n3A_754 : vector<16xi32>
    %swap3A_756 = arith.constant 0 : i32
    %swap3A_757 = arith.index_cast %swap3A_756 : i32 to index
    %swap3A_758 = arith.constant 48 : index
    %swap3A_759 = tpu.vector_load %arg12[%swap3A_757, %swap3A_758] {strides = array<i32>} : memref<8x64xi32, #tpu.memory_space<vmem>>, vector<1x16xi32>,
    %swap3A_760 = vector.shape_cast %swap3A_759 : vector<1x16xi32> to vector<16xi32>
    %swap3A_761 = vector.shape_cast %add3A_755 : vector<16xi32> to vector<1x16xi32>
    tpu.vector_store %arg12[%swap3A_757, %swap3A_758], %swap3A_761 {strides = array<i32>} : memref<8x64xi32, #tpu.memory_space<vmem>>, vector<1x16xi32>,
    %get3A_762 = arith.constant 1 : i32
    %get3A_763 = arith.index_cast %get3A_762 : i32 to index
    %get3A_764 = arith.constant 0 : index
    %get3A_765 = tpu.vector_load %arg11[%get3A_763, %get3A_764] {strides = array<i32>} : memref<8x64xi32, #tpu.memory_space<vmem>>, vector<1x16xi32>,
    %get3A_766 = vector.shape_cast %get3A_765 : vector<1x16xi32> to vector<16xi32>
    %lt3A_767 = arith.constant 0 : i32
    %lt3A_768 = vector.broadcast %lt3A_767 : i32 to vector<16xi32>
    %lt3A_769 = arith.cmpi slt, %get3A_766, %lt3A_768 : vector<16xi32>
    %max3A_770 = arith.constant 0 : i32
    %max3A_771 = vector.broadcast %max3A_770 : i32 to vector<16xi32>
    %max3A_772 = arith.maxsi %get3A_766, %max3A_771 : vector<16xi32>
    %ge3A_773 = arith.constant 45000 : i32
    %ge3A_774 = vector.broadcast %ge3A_773 : i32 to vector<16xi32>
    %ge3A_775 = arith.cmpi sge, %max3A_772, %ge3A_774 : vector<16xi32>
    %sub3A_776 = arith.constant 45000 : i32
    %sub3A_777 = vector.broadcast %sub3A_776 : i32 to vector<16xi32>
    %sub3A_778 = arith.subi %max3A_772, %sub3A_777 : vector<16xi32>
    %select_n3A_779 = arith.select %ge3A_775, %sub3A_778, %max3A_772 : vector<16xi1>, vector<16xi32>
    %get3A_780 = arith.constant 1 : i32
    %get3A_781 = arith.index_cast %get3A_780 : i32 to index
    %get3A_782 = arith.constant 0 : index
    %get3A_783 = tpu.vector_load %arg12[%get3A_781, %get3A_782] {strides = array<i32>} : memref<8x64xi32, #tpu.memory_space<vmem>>, vector<1x16xi32>,
    %get3A_784 = vector.shape_cast %get3A_783 : vector<1x16xi32> to vector<16xi32>
    %max3A_785 = arith.constant 0 : i32
    %max3A_786 = vector.broadcast %max3A_785 : i32 to vector<16xi32>
    %max3A_787 = arith.maxsi %get3A_784, %max3A_786 : vector<16xi32>
    %min3A_788 = arith.constant 9999 : i32
    %min3A_789 = vector.broadcast %min3A_788 : i32 to vector<16xi32>
    %min3A_790 = arith.minsi %max3A_787, %min3A_789 : vector<16xi32>
    %ge3A_791 = arith.constant 5000 : i32
    %ge3A_792 = vector.broadcast %ge3A_791 : i32 to vector<16xi32>
    %ge3A_793 = arith.cmpi sge, %min3A_790, %ge3A_792 : vector<16xi32>
    %sub3A_794 = arith.constant 5000 : i32
    %sub3A_795 = vector.broadcast %sub3A_794 : i32 to vector<16xi32>
    %sub3A_796 = arith.subi %min3A_790, %sub3A_795 : vector<16xi32>
    %select_n3A_797 = arith.select %ge3A_793, %sub3A_796, %min3A_790 : vector<16xi1>, vector<16xi32>
    %add3A_798 = arith.constant 45000 : i32
    %add3A_799 = vector.broadcast %add3A_798 : i32 to vector<16xi32>
    %add3A_800 = arith.addi %select_n3A_797, %add3A_799 : vector<16xi32>
    %select_n3A_801 = arith.select %lt3A_769, %add3A_800, %select_n3A_779 : vector<16xi1>, vector<16xi32>
    %select_n3A_802 = arith.select %lt3A_769, %ge3A_793, %ge3A_775 : vector<16xi1>, vector<16xi1>
    %min3A_803 = arith.constant 49999 : i32
    %min3A_804 = vector.broadcast %min3A_803 : i32 to vector<16xi32>
    %min3A_805 = arith.minsi %select_n3A_801, %min3A_804 : vector<16xi32>
    %swap3A_806 = arith.constant 1 : i32
    %swap3A_807 = arith.index_cast %swap3A_806 : i32 to index
    %swap3A_808 = arith.constant 0 : index
    %swap3A_809 = tpu.vector_load %arg11[%swap3A_807, %swap3A_808] {strides = array<i32>} : memref<8x64xi32, #tpu.memory_space<vmem>>, vector<1x16xi32>,
    %swap3A_810 = vector.shape_cast %swap3A_809 : vector<1x16xi32> to vector<16xi32>
    %swap3A_811 = vector.shape_cast %min3A_805 : vector<16xi32> to vector<1x16xi32>
    tpu.vector_store %arg11[%swap3A_807, %swap3A_808], %swap3A_811 {strides = array<i32>} : memref<8x64xi32, #tpu.memory_space<vmem>>, vector<1x16xi32>,
    %jit3A_812 = arith.constant 1 : i32
    %jit3A_813 = arith.constant 0 : i32
    %broadcast_in_dim3A_814 = vector.broadcast %jit3A_812 : i32 to vector<16xi32>
    %broadcast_in_dim3A_815 = vector.broadcast %jit3A_813 : i32 to vector<16xi32>
    %select_n3A_816 = arith.select %select_n3A_802, %broadcast_in_dim3A_814, %broadcast_in_dim3A_815 : vector<16xi1>, vector<16xi32>
    %jit3A_817 = arith.constant 2 : i32
    %jit3A_818 = arith.constant 0 : i32
    %broadcast_in_dim3A_819 = vector.broadcast %jit3A_817 : i32 to vector<16xi32>
    %broadcast_in_dim3A_820 = vector.broadcast %jit3A_818 : i32 to vector<16xi32>
    %select_n3A_821 = arith.select %lt3A_769, %broadcast_in_dim3A_819, %broadcast_in_dim3A_820 : vector<16xi1>, vector<16xi32>
    %add3A_822 = arith.addi %select_n3A_816, %select_n3A_821 : vector<16xi32>
    %swap3A_823 = arith.constant 1 : i32
    %swap3A_824 = arith.index_cast %swap3A_823 : i32 to index
    %swap3A_825 = arith.constant 0 : index
    %swap3A_826 = tpu.vector_load %arg12[%swap3A_824, %swap3A_825] {strides = array<i32>} : memref<8x64xi32, #tpu.memory_space<vmem>>, vector<1x16xi32>,
    %swap3A_827 = vector.shape_cast %swap3A_826 : vector<1x16xi32> to vector<16xi32>
    %swap3A_828 = vector.shape_cast %add3A_822 : vector<16xi32> to vector<1x16xi32>
    tpu.vector_store %arg12[%swap3A_824, %swap3A_825], %swap3A_828 {strides = array<i32>} : memref<8x64xi32, #tpu.memory_space<vmem>>, vector<1x16xi32>,
    %get3A_829 = arith.constant 1 : i32
    %get3A_830 = arith.index_cast %get3A_829 : i32 to index
    %get3A_831 = arith.constant 16 : index
    %get3A_832 = tpu.vector_load %arg11[%get3A_830, %get3A_831] {strides = array<i32>} : memref<8x64xi32, #tpu.memory_space<vmem>>, vector<1x16xi32>,
    %get3A_833 = vector.shape_cast %get3A_832 : vector<1x16xi32> to vector<16xi32>
    %lt3A_834 = arith.constant 0 : i32
    %lt3A_835 = vector.broadcast %lt3A_834 : i32 to vector<16xi32>
    %lt3A_836 = arith.cmpi slt, %get3A_833, %lt3A_835 : vector<16xi32>
    %max3A_837 = arith.constant 0 : i32
    %max3A_838 = vector.broadcast %max3A_837 : i32 to vector<16xi32>
    %max3A_839 = arith.maxsi %get3A_833, %max3A_838 : vector<16xi32>
    %ge3A_840 = arith.constant 45000 : i32
    %ge3A_841 = vector.broadcast %ge3A_840 : i32 to vector<16xi32>
    %ge3A_842 = arith.cmpi sge, %max3A_839, %ge3A_841 : vector<16xi32>
    %sub3A_843 = arith.constant 45000 : i32
    %sub3A_844 = vector.broadcast %sub3A_843 : i32 to vector<16xi32>
    %sub3A_845 = arith.subi %max3A_839, %sub3A_844 : vector<16xi32>
    %select_n3A_846 = arith.select %ge3A_842, %sub3A_845, %max3A_839 : vector<16xi1>, vector<16xi32>
    %get3A_847 = arith.constant 1 : i32
    %get3A_848 = arith.index_cast %get3A_847 : i32 to index
    %get3A_849 = arith.constant 16 : index
    %get3A_850 = tpu.vector_load %arg12[%get3A_848, %get3A_849] {strides = array<i32>} : memref<8x64xi32, #tpu.memory_space<vmem>>, vector<1x16xi32>,
    %get3A_851 = vector.shape_cast %get3A_850 : vector<1x16xi32> to vector<16xi32>
    %max3A_852 = arith.constant 0 : i32
    %max3A_853 = vector.broadcast %max3A_852 : i32 to vector<16xi32>
    %max3A_854 = arith.maxsi %get3A_851, %max3A_853 : vector<16xi32>
    %min3A_855 = arith.constant 9999 : i32
    %min3A_856 = vector.broadcast %min3A_855 : i32 to vector<16xi32>
    %min3A_857 = arith.minsi %max3A_854, %min3A_856 : vector<16xi32>
    %ge3A_858 = arith.constant 5000 : i32
    %ge3A_859 = vector.broadcast %ge3A_858 : i32 to vector<16xi32>
    %ge3A_860 = arith.cmpi sge, %min3A_857, %ge3A_859 : vector<16xi32>
    %sub3A_861 = arith.constant 5000 : i32
    %sub3A_862 = vector.broadcast %sub3A_861 : i32 to vector<16xi32>
    %sub3A_863 = arith.subi %min3A_857, %sub3A_862 : vector<16xi32>
    %select_n3A_864 = arith.select %ge3A_860, %sub3A_863, %min3A_857 : vector<16xi1>, vector<16xi32>
    %add3A_865 = arith.constant 45000 : i32
    %add3A_866 = vector.broadcast %add3A_865 : i32 to vector<16xi32>
    %add3A_867 = arith.addi %select_n3A_864, %add3A_866 : vector<16xi32>
    %select_n3A_868 = arith.select %lt3A_836, %add3A_867, %select_n3A_846 : vector<16xi1>, vector<16xi32>
    %select_n3A_869 = arith.select %lt3A_836, %ge3A_860, %ge3A_842 : vector<16xi1>, vector<16xi1>
    %min3A_870 = arith.constant 49999 : i32
    %min3A_871 = vector.broadcast %min3A_870 : i32 to vector<16xi32>
    %min3A_872 = arith.minsi %select_n3A_868, %min3A_871 : vector<16xi32>
    %swap3A_873 = arith.constant 1 : i32
    %swap3A_874 = arith.index_cast %swap3A_873 : i32 to index
    %swap3A_875 = arith.constant 16 : index
    %swap3A_876 = tpu.vector_load %arg11[%swap3A_874, %swap3A_875] {strides = array<i32>} : memref<8x64xi32, #tpu.memory_space<vmem>>, vector<1x16xi32>,
    %swap3A_877 = vector.shape_cast %swap3A_876 : vector<1x16xi32> to vector<16xi32>
    %swap3A_878 = vector.shape_cast %min3A_872 : vector<16xi32> to vector<1x16xi32>
    tpu.vector_store %arg11[%swap3A_874, %swap3A_875], %swap3A_878 {strides = array<i32>} : memref<8x64xi32, #tpu.memory_space<vmem>>, vector<1x16xi32>,
    %jit3A_879 = arith.constant 1 : i32
    %jit3A_880 = arith.constant 0 : i32
    %broadcast_in_dim3A_881 = vector.broadcast %jit3A_879 : i32 to vector<16xi32>
    %broadcast_in_dim3A_882 = vector.broadcast %jit3A_880 : i32 to vector<16xi32>
    %select_n3A_883 = arith.select %select_n3A_869, %broadcast_in_dim3A_881, %broadcast_in_dim3A_882 : vector<16xi1>, vector<16xi32>
    %jit3A_884 = arith.constant 2 : i32
    %jit3A_885 = arith.constant 0 : i32
    %broadcast_in_dim3A_886 = vector.broadcast %jit3A_884 : i32 to vector<16xi32>
    %broadcast_in_dim3A_887 = vector.broadcast %jit3A_885 : i32 to vector<16xi32>
    %select_n3A_888 = arith.select %lt3A_836, %broadcast_in_dim3A_886, %broadcast_in_dim3A_887 : vector<16xi1>, vector<16xi32>
    %add3A_889 = arith.addi %select_n3A_883, %select_n3A_888 : vector<16xi32>
    %swap3A_890 = arith.constant 1 : i32
    %swap3A_891 = arith.index_cast %swap3A_890 : i32 to index
    %swap3A_892 = arith.constant 16 : index
    %swap3A_893 = tpu.vector_load %arg12[%swap3A_891, %swap3A_892] {strides = array<i32>} : memref<8x64xi32, #tpu.memory_space<vmem>>, vector<1x16xi32>,
    %swap3A_894 = vector.shape_cast %swap3A_893 : vector<1x16xi32> to vector<16xi32>
    %swap3A_895 = vector.shape_cast %add3A_889 : vector<16xi32> to vector<1x16xi32>
    tpu.vector_store %arg12[%swap3A_891, %swap3A_892], %swap3A_895 {strides = array<i32>} : memref<8x64xi32, #tpu.memory_space<vmem>>, vector<1x16xi32>,
    %get3A_896 = arith.constant 1 : i32
    %get3A_897 = arith.index_cast %get3A_896 : i32 to index
    %get3A_898 = arith.constant 32 : index
    %get3A_899 = tpu.vector_load %arg11[%get3A_897, %get3A_898] {strides = array<i32>} : memref<8x64xi32, #tpu.memory_space<vmem>>, vector<1x16xi32>,
    %get3A_900 = vector.shape_cast %get3A_899 : vector<1x16xi32> to vector<16xi32>
    %lt3A_901 = arith.constant 0 : i32
    %lt3A_902 = vector.broadcast %lt3A_901 : i32 to vector<16xi32>
    %lt3A_903 = arith.cmpi slt, %get3A_900, %lt3A_902 : vector<16xi32>
    %max3A_904 = arith.constant 0 : i32
    %max3A_905 = vector.broadcast %max3A_904 : i32 to vector<16xi32>
    %max3A_906 = arith.maxsi %get3A_900, %max3A_905 : vector<16xi32>
    %ge3A_907 = arith.constant 45000 : i32
    %ge3A_908 = vector.broadcast %ge3A_907 : i32 to vector<16xi32>
    %ge3A_909 = arith.cmpi sge, %max3A_906, %ge3A_908 : vector<16xi32>
    %sub3A_910 = arith.constant 45000 : i32
    %sub3A_911 = vector.broadcast %sub3A_910 : i32 to vector<16xi32>
    %sub3A_912 = arith.subi %max3A_906, %sub3A_911 : vector<16xi32>
    %select_n3A_913 = arith.select %ge3A_909, %sub3A_912, %max3A_906 : vector<16xi1>, vector<16xi32>
    %get3A_914 = arith.constant 1 : i32
    %get3A_915 = arith.index_cast %get3A_914 : i32 to index
    %get3A_916 = arith.constant 32 : index
    %get3A_917 = tpu.vector_load %arg12[%get3A_915, %get3A_916] {strides = array<i32>} : memref<8x64xi32, #tpu.memory_space<vmem>>, vector<1x16xi32>,
    %get3A_918 = vector.shape_cast %get3A_917 : vector<1x16xi32> to vector<16xi32>
    %max3A_919 = arith.constant 0 : i32
    %max3A_920 = vector.broadcast %max3A_919 : i32 to vector<16xi32>
    %max3A_921 = arith.maxsi %get3A_918, %max3A_920 : vector<16xi32>
    %min3A_922 = arith.constant 9999 : i32
    %min3A_923 = vector.broadcast %min3A_922 : i32 to vector<16xi32>
    %min3A_924 = arith.minsi %max3A_921, %min3A_923 : vector<16xi32>
    %ge3A_925 = arith.constant 5000 : i32
    %ge3A_926 = vector.broadcast %ge3A_925 : i32 to vector<16xi32>
    %ge3A_927 = arith.cmpi sge, %min3A_924, %ge3A_926 : vector<16xi32>
    %sub3A_928 = arith.constant 5000 : i32
    %sub3A_929 = vector.broadcast %sub3A_928 : i32 to vector<16xi32>
    %sub3A_930 = arith.subi %min3A_924, %sub3A_929 : vector<16xi32>
    %select_n3A_931 = arith.select %ge3A_927, %sub3A_930, %min3A_924 : vector<16xi1>, vector<16xi32>
    %add3A_932 = arith.constant 45000 : i32
    %add3A_933 = vector.broadcast %add3A_932 : i32 to vector<16xi32>
    %add3A_934 = arith.addi %select_n3A_931, %add3A_933 : vector<16xi32>
    %select_n3A_935 = arith.select %lt3A_903, %add3A_934, %select_n3A_913 : vector<16xi1>, vector<16xi32>
    %select_n3A_936 = arith.select %lt3A_903, %ge3A_927, %ge3A_909 : vector<16xi1>, vector<16xi1>
    %min3A_937 = arith.constant 49999 : i32
    %min3A_938 = vector.broadcast %min3A_937 : i32 to vector<16xi32>
    %min3A_939 = arith.minsi %select_n3A_935, %min3A_938 : vector<16xi32>
    %swap3A_940 = arith.constant 1 : i32
    %swap3A_941 = arith.index_cast %swap3A_940 : i32 to index
    %swap3A_942 = arith.constant 32 : index
    %swap3A_943 = tpu.vector_load %arg11[%swap3A_941, %swap3A_942] {strides = array<i32>} : memref<8x64xi32, #tpu.memory_space<vmem>>, vector<1x16xi32>,
    %swap3A_944 = vector.shape_cast %swap3A_943 : vector<1x16xi32> to vector<16xi32>
    %swap3A_945 = vector.shape_cast %min3A_939 : vector<16xi32> to vector<1x16xi32>
    tpu.vector_store %arg11[%swap3A_941, %swap3A_942], %swap3A_945 {strides = array<i32>} : memref<8x64xi32, #tpu.memory_space<vmem>>, vector<1x16xi32>,
    %jit3A_946 = arith.constant 1 : i32
    %jit3A_947 = arith.constant 0 : i32
    %broadcast_in_dim3A_948 = vector.broadcast %jit3A_946 : i32 to vector<16xi32>
    %broadcast_in_dim3A_949 = vector.broadcast %jit3A_947 : i32 to vector<16xi32>
    %select_n3A_950 = arith.select %select_n3A_936, %broadcast_in_dim3A_948, %broadcast_in_dim3A_949 : vector<16xi1>, vector<16xi32>
    %jit3A_951 = arith.constant 2 : i32
    %jit3A_952 = arith.constant 0 : i32
    %broadcast_in_dim3A_953 = vector.broadcast %jit3A_951 : i32 to vector<16xi32>
    %broadcast_in_dim3A_954 = vector.broadcast %jit3A_952 : i32 to vector<16xi32>
    %select_n3A_955 = arith.select %lt3A_903, %broadcast_in_dim3A_953, %broadcast_in_dim3A_954 : vector<16xi1>, vector<16xi32>
    %add3A_956 = arith.addi %select_n3A_950, %select_n3A_955 : vector<16xi32>
    %swap3A_957 = arith.constant 1 : i32
    %swap3A_958 = arith.index_cast %swap3A_957 : i32 to index
    %swap3A_959 = arith.constant 32 : index
    %swap3A_960 = tpu.vector_load %arg12[%swap3A_958, %swap3A_959] {strides = array<i32>} : memref<8x64xi32, #tpu.memory_space<vmem>>, vector<1x16xi32>,
    %swap3A_961 = vector.shape_cast %swap3A_960 : vector<1x16xi32> to vector<16xi32>
    %swap3A_962 = vector.shape_cast %add3A_956 : vector<16xi32> to vector<1x16xi32>
    tpu.vector_store %arg12[%swap3A_958, %swap3A_959], %swap3A_962 {strides = array<i32>} : memref<8x64xi32, #tpu.memory_space<vmem>>, vector<1x16xi32>,
    %get3A_963 = arith.constant 1 : i32
    %get3A_964 = arith.index_cast %get3A_963 : i32 to index
    %get3A_965 = arith.constant 48 : index
    %get3A_966 = tpu.vector_load %arg11[%get3A_964, %get3A_965] {strides = array<i32>} : memref<8x64xi32, #tpu.memory_space<vmem>>, vector<1x16xi32>,
    %get3A_967 = vector.shape_cast %get3A_966 : vector<1x16xi32> to vector<16xi32>
    %lt3A_968 = arith.constant 0 : i32
    %lt3A_969 = vector.broadcast %lt3A_968 : i32 to vector<16xi32>
    %lt3A_970 = arith.cmpi slt, %get3A_967, %lt3A_969 : vector<16xi32>
    %max3A_971 = arith.constant 0 : i32
    %max3A_972 = vector.broadcast %max3A_971 : i32 to vector<16xi32>
    %max3A_973 = arith.maxsi %get3A_967, %max3A_972 : vector<16xi32>
    %ge3A_974 = arith.constant 45000 : i32
    %ge3A_975 = vector.broadcast %ge3A_974 : i32 to vector<16xi32>
    %ge3A_976 = arith.cmpi sge, %max3A_973, %ge3A_975 : vector<16xi32>
    %sub3A_977 = arith.constant 45000 : i32
    %sub3A_978 = vector.broadcast %sub3A_977 : i32 to vector<16xi32>
    %sub3A_979 = arith.subi %max3A_973, %sub3A_978 : vector<16xi32>
    %select_n3A_980 = arith.select %ge3A_976, %sub3A_979, %max3A_973 : vector<16xi1>, vector<16xi32>
    %get3A_981 = arith.constant 1 : i32
    %get3A_982 = arith.index_cast %get3A_981 : i32 to index
    %get3A_983 = arith.constant 48 : index
    %get3A_984 = tpu.vector_load %arg12[%get3A_982, %get3A_983] {strides = array<i32>} : memref<8x64xi32, #tpu.memory_space<vmem>>, vector<1x16xi32>,
    %get3A_985 = vector.shape_cast %get3A_984 : vector<1x16xi32> to vector<16xi32>
    %max3A_986 = arith.constant 0 : i32
    %max3A_987 = vector.broadcast %max3A_986 : i32 to vector<16xi32>
    %max3A_988 = arith.maxsi %get3A_985, %max3A_987 : vector<16xi32>
    %min3A_989 = arith.constant 9999 : i32
    %min3A_990 = vector.broadcast %min3A_989 : i32 to vector<16xi32>
    %min3A_991 = arith.minsi %max3A_988, %min3A_990 : vector<16xi32>
    %ge3A_992 = arith.constant 5000 : i32
    %ge3A_993 = vector.broadcast %ge3A_992 : i32 to vector<16xi32>
    %ge3A_994 = arith.cmpi sge, %min3A_991, %ge3A_993 : vector<16xi32>
    %sub3A_995 = arith.constant 5000 : i32
    %sub3A_996 = vector.broadcast %sub3A_995 : i32 to vector<16xi32>
    %sub3A_997 = arith.subi %min3A_991, %sub3A_996 : vector<16xi32>
    %select_n3A_998 = arith.select %ge3A_994, %sub3A_997, %min3A_991 : vector<16xi1>, vector<16xi32>
    %add3A_999 = arith.constant 45000 : i32
    %add3A_1000 = vector.broadcast %add3A_999 : i32 to vector<16xi32>
    %add3A_1001 = arith.addi %select_n3A_998, %add3A_1000 : vector<16xi32>
    %select_n3A_1002 = arith.select %lt3A_970, %add3A_1001, %select_n3A_980 : vector<16xi1>, vector<16xi32>
    %select_n3A_1003 = arith.select %lt3A_970, %ge3A_994, %ge3A_976 : vector<16xi1>, vector<16xi1>
    %min3A_1004 = arith.constant 49999 : i32
    %min3A_1005 = vector.broadcast %min3A_1004 : i32 to vector<16xi32>
    %min3A_1006 = arith.minsi %select_n3A_1002, %min3A_1005 : vector<16xi32>
    %swap3A_1007 = arith.constant 1 : i32
    %swap3A_1008 = arith.index_cast %swap3A_1007 : i32 to index
    %swap3A_1009 = arith.constant 48 : index
    %swap3A_1010 = tpu.vector_load %arg11[%swap3A_1008, %swap3A_1009] {strides = array<i32>} : memref<8x64xi32, #tpu.memory_space<vmem>>, vector<1x16xi32>,
    %swap3A_1011 = vector.shape_cast %swap3A_1010 : vector<1x16xi32> to vector<16xi32>
    %swap3A_1012 = vector.shape_cast %min3A_1006 : vector<16xi32> to vector<1x16xi32>
    tpu.vector_store %arg11[%swap3A_1008, %swap3A_1009], %swap3A_1012 {strides = array<i32>} : memref<8x64xi32, #tpu.memory_space<vmem>>, vector<1x16xi32>,
    %jit3A_1013 = arith.constant 1 : i32
    %jit3A_1014 = arith.constant 0 : i32
    %broadcast_in_dim3A_1015 = vector.broadcast %jit3A_1013 : i32 to vector<16xi32>
    %broadcast_in_dim3A_1016 = vector.broadcast %jit3A_1014 : i32 to vector<16xi32>
    %select_n3A_1017 = arith.select %select_n3A_1003, %broadcast_in_dim3A_1015, %broadcast_in_dim3A_1016 : vector<16xi1>, vector<16xi32>
    %jit3A_1018 = arith.constant 2 : i32
    %jit3A_1019 = arith.constant 0 : i32
    %broadcast_in_dim3A_1020 = vector.broadcast %jit3A_1018 : i32 to vector<16xi32>
    %broadcast_in_dim3A_1021 = vector.broadcast %jit3A_1019 : i32 to vector<16xi32>
    %select_n3A_1022 = arith.select %lt3A_970, %broadcast_in_dim3A_1020, %broadcast_in_dim3A_1021 : vector<16xi1>, vector<16xi32>
    %add3A_1023 = arith.addi %select_n3A_1017, %select_n3A_1022 : vector<16xi32>
    %swap3A_1024 = arith.constant 1 : i32
    %swap3A_1025 = arith.index_cast %swap3A_1024 : i32 to index
    %swap3A_1026 = arith.constant 48 : index
    %swap3A_1027 = tpu.vector_load %arg12[%swap3A_1025, %swap3A_1026] {strides = array<i32>} : memref<8x64xi32, #tpu.memory_space<vmem>>, vector<1x16xi32>,
    %swap3A_1028 = vector.shape_cast %swap3A_1027 : vector<1x16xi32> to vector<16xi32>
    %swap3A_1029 = vector.shape_cast %add3A_1023 : vector<16xi32> to vector<1x16xi32>
    tpu.vector_store %arg12[%swap3A_1025, %swap3A_1026], %swap3A_1029 {strides = array<i32>} : memref<8x64xi32, #tpu.memory_space<vmem>>, vector<1x16xi32>,
    %get3A_1030 = arith.constant 2 : i32
    %get3A_1031 = arith.index_cast %get3A_1030 : i32 to index
    %get3A_1032 = arith.constant 0 : index
    %get3A_1033 = tpu.vector_load %arg11[%get3A_1031, %get3A_1032] {strides = array<i32>} : memref<8x64xi32, #tpu.memory_space<vmem>>, vector<1x16xi32>,
    %get3A_1034 = vector.shape_cast %get3A_1033 : vector<1x16xi32> to vector<16xi32>
    %lt3A_1035 = arith.constant 0 : i32
    %lt3A_1036 = vector.broadcast %lt3A_1035 : i32 to vector<16xi32>
    %lt3A_1037 = arith.cmpi slt, %get3A_1034, %lt3A_1036 : vector<16xi32>
    %max3A_1038 = arith.constant 0 : i32
    %max3A_1039 = vector.broadcast %max3A_1038 : i32 to vector<16xi32>
    %max3A_1040 = arith.maxsi %get3A_1034, %max3A_1039 : vector<16xi32>
    %ge3A_1041 = arith.constant 45000 : i32
    %ge3A_1042 = vector.broadcast %ge3A_1041 : i32 to vector<16xi32>
    %ge3A_1043 = arith.cmpi sge, %max3A_1040, %ge3A_1042 : vector<16xi32>
    %sub3A_1044 = arith.constant 45000 : i32
    %sub3A_1045 = vector.broadcast %sub3A_1044 : i32 to vector<16xi32>
    %sub3A_1046 = arith.subi %max3A_1040, %sub3A_1045 : vector<16xi32>
    %select_n3A_1047 = arith.select %ge3A_1043, %sub3A_1046, %max3A_1040 : vector<16xi1>, vector<16xi32>
    %get3A_1048 = arith.constant 2 : i32
    %get3A_1049 = arith.index_cast %get3A_1048 : i32 to index
    %get3A_1050 = arith.constant 0 : index
    %get3A_1051 = tpu.vector_load %arg12[%get3A_1049, %get3A_1050] {strides = array<i32>} : memref<8x64xi32, #tpu.memory_space<vmem>>, vector<1x16xi32>,
    %get3A_1052 = vector.shape_cast %get3A_1051 : vector<1x16xi32> to vector<16xi32>
    %max3A_1053 = arith.constant 0 : i32
    %max3A_1054 = vector.broadcast %max3A_1053 : i32 to vector<16xi32>
    %max3A_1055 = arith.maxsi %get3A_1052, %max3A_1054 : vector<16xi32>
    %min3A_1056 = arith.constant 9999 : i32
    %min3A_1057 = vector.broadcast %min3A_1056 : i32 to vector<16xi32>
    %min3A_1058 = arith.minsi %max3A_1055, %min3A_1057 : vector<16xi32>
    %ge3A_1059 = arith.constant 5000 : i32
    %ge3A_1060 = vector.broadcast %ge3A_1059 : i32 to vector<16xi32>
    %ge3A_1061 = arith.cmpi sge, %min3A_1058, %ge3A_1060 : vector<16xi32>
    %sub3A_1062 = arith.constant 5000 : i32
    %sub3A_1063 = vector.broadcast %sub3A_1062 : i32 to vector<16xi32>
    %sub3A_1064 = arith.subi %min3A_1058, %sub3A_1063 : vector<16xi32>
    %select_n3A_1065 = arith.select %ge3A_1061, %sub3A_1064, %min3A_1058 : vector<16xi1>, vector<16xi32>
    %add3A_1066 = arith.constant 45000 : i32
    %add3A_1067 = vector.broadcast %add3A_1066 : i32 to vector<16xi32>
    %add3A_1068 = arith.addi %select_n3A_1065, %add3A_1067 : vector<16xi32>
    %select_n3A_1069 = arith.select %lt3A_1037, %add3A_1068, %select_n3A_1047 : vector<16xi1>, vector<16xi32>
    %select_n3A_1070 = arith.select %lt3A_1037, %ge3A_1061, %ge3A_1043 : vector<16xi1>, vector<16xi1>
    %min3A_1071 = arith.constant 49999 : i32
    %min3A_1072 = vector.broadcast %min3A_1071 : i32 to vector<16xi32>
    %min3A_1073 = arith.minsi %select_n3A_1069, %min3A_1072 : vector<16xi32>
    %swap3A_1074 = arith.constant 2 : i32
    %swap3A_1075 = arith.index_cast %swap3A_1074 : i32 to index
    %swap3A_1076 = arith.constant 0 : index
    %swap3A_1077 = tpu.vector_load %arg11[%swap3A_1075, %swap3A_1076] {strides = array<i32>} : memref<8x64xi32, #tpu.memory_space<vmem>>, vector<1x16xi32>,
    %swap3A_1078 = vector.shape_cast %swap3A_1077 : vector<1x16xi32> to vector<16xi32>
    %swap3A_1079 = vector.shape_cast %min3A_1073 : vector<16xi32> to vector<1x16xi32>
    tpu.vector_store %arg11[%swap3A_1075, %swap3A_1076], %swap3A_1079 {strides = array<i32>} : memref<8x64xi32, #tpu.memory_space<vmem>>, vector<1x16xi32>,
    %jit3A_1080 = arith.constant 1 : i32
    %jit3A_1081 = arith.constant 0 : i32
    %broadcast_in_dim3A_1082 = vector.broadcast %jit3A_1080 : i32 to vector<16xi32>
    %broadcast_in_dim3A_1083 = vector.broadcast %jit3A_1081 : i32 to vector<16xi32>
    %select_n3A_1084 = arith.select %select_n3A_1070, %broadcast_in_dim3A_1082, %broadcast_in_dim3A_1083 : vector<16xi1>, vector<16xi32>
    %jit3A_1085 = arith.constant 2 : i32
    %jit3A_1086 = arith.constant 0 : i32
    %broadcast_in_dim3A_1087 = vector.broadcast %jit3A_1085 : i32 to vector<16xi32>
    %broadcast_in_dim3A_1088 = vector.broadcast %jit3A_1086 : i32 to vector<16xi32>
    %select_n3A_1089 = arith.select %lt3A_1037, %broadcast_in_dim3A_1087, %broadcast_in_dim3A_1088 : vector<16xi1>, vector<16xi32>
    %add3A_1090 = arith.addi %select_n3A_1084, %select_n3A_1089 : vector<16xi32>
    %swap3A_1091 = arith.constant 2 : i32
    %swap3A_1092 = arith.index_cast %swap3A_1091 : i32 to index
    %swap3A_1093 = arith.constant 0 : index
    %swap3A_1094 = tpu.vector_load %arg12[%swap3A_1092, %swap3A_1093] {strides = array<i32>} : memref<8x64xi32, #tpu.memory_space<vmem>>, vector<1x16xi32>,
    %swap3A_1095 = vector.shape_cast %swap3A_1094 : vector<1x16xi32> to vector<16xi32>
    %swap3A_1096 = vector.shape_cast %add3A_1090 : vector<16xi32> to vector<1x16xi32>
    tpu.vector_store %arg12[%swap3A_1092, %swap3A_1093], %swap3A_1096 {strides = array<i32>} : memref<8x64xi32, #tpu.memory_space<vmem>>, vector<1x16xi32>,
    %get3A_1097 = arith.constant 2 : i32
    %get3A_1098 = arith.index_cast %get3A_1097 : i32 to index
    %get3A_1099 = arith.constant 16 : index
    %get3A_1100 = tpu.vector_load %arg11[%get3A_1098, %get3A_1099] {strides = array<i32>} : memref<8x64xi32, #tpu.memory_space<vmem>>, vector<1x16xi32>,
    %get3A_1101 = vector.shape_cast %get3A_1100 : vector<1x16xi32> to vector<16xi32>
    %lt3A_1102 = arith.constant 0 : i32
    %lt3A_1103 = vector.broadcast %lt3A_1102 : i32 to vector<16xi32>
    %lt3A_1104 = arith.cmpi slt, %get3A_1101, %lt3A_1103 : vector<16xi32>
    %max3A_1105 = arith.constant 0 : i32
    %max3A_1106 = vector.broadcast %max3A_1105 : i32 to vector<16xi32>
    %max3A_1107 = arith.maxsi %get3A_1101, %max3A_1106 : vector<16xi32>
    %ge3A_1108 = arith.constant 45000 : i32
    %ge3A_1109 = vector.broadcast %ge3A_1108 : i32 to vector<16xi32>
    %ge3A_1110 = arith.cmpi sge, %max3A_1107, %ge3A_1109 : vector<16xi32>
    %sub3A_1111 = arith.constant 45000 : i32
    %sub3A_1112 = vector.broadcast %sub3A_1111 : i32 to vector<16xi32>
    %sub3A_1113 = arith.subi %max3A_1107, %sub3A_1112 : vector<16xi32>
    %select_n3A_1114 = arith.select %ge3A_1110, %sub3A_1113, %max3A_1107 : vector<16xi1>, vector<16xi32>
    %get3A_1115 = arith.constant 2 : i32
    %get3A_1116 = arith.index_cast %get3A_1115 : i32 to index
    %get3A_1117 = arith.constant 16 : index
    %get3A_1118 = tpu.vector_load %arg12[%get3A_1116, %get3A_1117] {strides = array<i32>} : memref<8x64xi32, #tpu.memory_space<vmem>>, vector<1x16xi32>,
    %get3A_1119 = vector.shape_cast %get3A_1118 : vector<1x16xi32> to vector<16xi32>
    %max3A_1120 = arith.constant 0 : i32
    %max3A_1121 = vector.broadcast %max3A_1120 : i32 to vector<16xi32>
    %max3A_1122 = arith.maxsi %get3A_1119, %max3A_1121 : vector<16xi32>
    %min3A_1123 = arith.constant 9999 : i32
    %min3A_1124 = vector.broadcast %min3A_1123 : i32 to vector<16xi32>
    %min3A_1125 = arith.minsi %max3A_1122, %min3A_1124 : vector<16xi32>
    %ge3A_1126 = arith.constant 5000 : i32
    %ge3A_1127 = vector.broadcast %ge3A_1126 : i32 to vector<16xi32>
    %ge3A_1128 = arith.cmpi sge, %min3A_1125, %ge3A_1127 : vector<16xi32>
    %sub3A_1129 = arith.constant 5000 : i32
    %sub3A_1130 = vector.broadcast %sub3A_1129 : i32 to vector<16xi32>
    %sub3A_1131 = arith.subi %min3A_1125, %sub3A_1130 : vector<16xi32>
    %select_n3A_1132 = arith.select %ge3A_1128, %sub3A_1131, %min3A_1125 : vector<16xi1>, vector<16xi32>
    %add3A_1133 = arith.constant 45000 : i32
    %add3A_1134 = vector.broadcast %add3A_1133 : i32 to vector<16xi32>
    %add3A_1135 = arith.addi %select_n3A_1132, %add3A_1134 : vector<16xi32>
    %select_n3A_1136 = arith.select %lt3A_1104, %add3A_1135, %select_n3A_1114 : vector<16xi1>, vector<16xi32>
    %select_n3A_1137 = arith.select %lt3A_1104, %ge3A_1128, %ge3A_1110 : vector<16xi1>, vector<16xi1>
    %min3A_1138 = arith.constant 49999 : i32
    %min3A_1139 = vector.broadcast %min3A_1138 : i32 to vector<16xi32>
    %min3A_1140 = arith.minsi %select_n3A_1136, %min3A_1139 : vector<16xi32>
    %swap3A_1141 = arith.constant 2 : i32
    %swap3A_1142 = arith.index_cast %swap3A_1141 : i32 to index
    %swap3A_1143 = arith.constant 16 : index
    %swap3A_1144 = tpu.vector_load %arg11[%swap3A_1142, %swap3A_1143] {strides = array<i32>} : memref<8x64xi32, #tpu.memory_space<vmem>>, vector<1x16xi32>,
    %swap3A_1145 = vector.shape_cast %swap3A_1144 : vector<1x16xi32> to vector<16xi32>
    %swap3A_1146 = vector.shape_cast %min3A_1140 : vector<16xi32> to vector<1x16xi32>
    tpu.vector_store %arg11[%swap3A_1142, %swap3A_1143], %swap3A_1146 {strides = array<i32>} : memref<8x64xi32, #tpu.memory_space<vmem>>, vector<1x16xi32>,
    %jit3A_1147 = arith.constant 1 : i32
    %jit3A_1148 = arith.constant 0 : i32
    %broadcast_in_dim3A_1149 = vector.broadcast %jit3A_1147 : i32 to vector<16xi32>
    %broadcast_in_dim3A_1150 = vector.broadcast %jit3A_1148 : i32 to vector<16xi32>
    %select_n3A_1151 = arith.select %select_n3A_1137, %broadcast_in_dim3A_1149, %broadcast_in_dim3A_1150 : vector<16xi1>, vector<16xi32>
    %jit3A_1152 = arith.constant 2 : i32
    %jit3A_1153 = arith.constant 0 : i32
    %broadcast_in_dim3A_1154 = vector.broadcast %jit3A_1152 : i32 to vector<16xi32>
    %broadcast_in_dim3A_1155 = vector.broadcast %jit3A_1153 : i32 to vector<16xi32>
    %select_n3A_1156 = arith.select %lt3A_1104, %broadcast_in_dim3A_1154, %broadcast_in_dim3A_1155 : vector<16xi1>, vector<16xi32>
    %add3A_1157 = arith.addi %select_n3A_1151, %select_n3A_1156 : vector<16xi32>
    %swap3A_1158 = arith.constant 2 : i32
    %swap3A_1159 = arith.index_cast %swap3A_1158 : i32 to index
    %swap3A_1160 = arith.constant 16 : index
    %swap3A_1161 = tpu.vector_load %arg12[%swap3A_1159, %swap3A_1160] {strides = array<i32>} : memref<8x64xi32, #tpu.memory_space<vmem>>, vector<1x16xi32>,
    %swap3A_1162 = vector.shape_cast %swap3A_1161 : vector<1x16xi32> to vector<16xi32>
    %swap3A_1163 = vector.shape_cast %add3A_1157 : vector<16xi32> to vector<1x16xi32>
    tpu.vector_store %arg12[%swap3A_1159, %swap3A_1160], %swap3A_1163 {strides = array<i32>} : memref<8x64xi32, #tpu.memory_space<vmem>>, vector<1x16xi32>,
    %get3A_1164 = arith.constant 2 : i32
    %get3A_1165 = arith.index_cast %get3A_1164 : i32 to index
    %get3A_1166 = arith.constant 32 : index
    %get3A_1167 = tpu.vector_load %arg11[%get3A_1165, %get3A_1166] {strides = array<i32>} : memref<8x64xi32, #tpu.memory_space<vmem>>, vector<1x16xi32>,
    %get3A_1168 = vector.shape_cast %get3A_1167 : vector<1x16xi32> to vector<16xi32>
    %lt3A_1169 = arith.constant 0 : i32
    %lt3A_1170 = vector.broadcast %lt3A_1169 : i32 to vector<16xi32>
    %lt3A_1171 = arith.cmpi slt, %get3A_1168, %lt3A_1170 : vector<16xi32>
    %max3A_1172 = arith.constant 0 : i32
    %max3A_1173 = vector.broadcast %max3A_1172 : i32 to vector<16xi32>
    %max3A_1174 = arith.maxsi %get3A_1168, %max3A_1173 : vector<16xi32>
    %ge3A_1175 = arith.constant 45000 : i32
    %ge3A_1176 = vector.broadcast %ge3A_1175 : i32 to vector<16xi32>
    %ge3A_1177 = arith.cmpi sge, %max3A_1174, %ge3A_1176 : vector<16xi32>
    %sub3A_1178 = arith.constant 45000 : i32
    %sub3A_1179 = vector.broadcast %sub3A_1178 : i32 to vector<16xi32>
    %sub3A_1180 = arith.subi %max3A_1174, %sub3A_1179 : vector<16xi32>
    %select_n3A_1181 = arith.select %ge3A_1177, %sub3A_1180, %max3A_1174 : vector<16xi1>, vector<16xi32>
    %get3A_1182 = arith.constant 2 : i32
    %get3A_1183 = arith.index_cast %get3A_1182 : i32 to index
    %get3A_1184 = arith.constant 32 : index
    %get3A_1185 = tpu.vector_load %arg12[%get3A_1183, %get3A_1184] {strides = array<i32>} : memref<8x64xi32, #tpu.memory_space<vmem>>, vector<1x16xi32>,
    %get3A_1186 = vector.shape_cast %get3A_1185 : vector<1x16xi32> to vector<16xi32>
    %max3A_1187 = arith.constant 0 : i32
    %max3A_1188 = vector.broadcast %max3A_1187 : i32 to vector<16xi32>
    %max3A_1189 = arith.maxsi %get3A_1186, %max3A_1188 : vector<16xi32>
    %min3A_1190 = arith.constant 9999 : i32
    %min3A_1191 = vector.broadcast %min3A_1190 : i32 to vector<16xi32>
    %min3A_1192 = arith.minsi %max3A_1189, %min3A_1191 : vector<16xi32>
    %ge3A_1193 = arith.constant 5000 : i32
    %ge3A_1194 = vector.broadcast %ge3A_1193 : i32 to vector<16xi32>
    %ge3A_1195 = arith.cmpi sge, %min3A_1192, %ge3A_1194 : vector<16xi32>
    %sub3A_1196 = arith.constant 5000 : i32
    %sub3A_1197 = vector.broadcast %sub3A_1196 : i32 to vector<16xi32>
    %sub3A_1198 = arith.subi %min3A_1192, %sub3A_1197 : vector<16xi32>
    %select_n3A_1199 = arith.select %ge3A_1195, %sub3A_1198, %min3A_1192 : vector<16xi1>, vector<16xi32>
    %add3A_1200 = arith.constant 45000 : i32
    %add3A_1201 = vector.broadcast %add3A_1200 : i32 to vector<16xi32>
    %add3A_1202 = arith.addi %select_n3A_1199, %add3A_1201 : vector<16xi32>
    %select_n3A_1203 = arith.select %lt3A_1171, %add3A_1202, %select_n3A_1181 : vector<16xi1>, vector<16xi32>
    %select_n3A_1204 = arith.select %lt3A_1171, %ge3A_1195, %ge3A_1177 : vector<16xi1>, vector<16xi1>
    %min3A_1205 = arith.constant 49999 : i32
    %min3A_1206 = vector.broadcast %min3A_1205 : i32 to vector<16xi32>
    %min3A_1207 = arith.minsi %select_n3A_1203, %min3A_1206 : vector<16xi32>
    %swap3A_1208 = arith.constant 2 : i32
    %swap3A_1209 = arith.index_cast %swap3A_1208 : i32 to index
    %swap3A_1210 = arith.constant 32 : index
    %swap3A_1211 = tpu.vector_load %arg11[%swap3A_1209, %swap3A_1210] {strides = array<i32>} : memref<8x64xi32, #tpu.memory_space<vmem>>, vector<1x16xi32>,
    %swap3A_1212 = vector.shape_cast %swap3A_1211 : vector<1x16xi32> to vector<16xi32>
    %swap3A_1213 = vector.shape_cast %min3A_1207 : vector<16xi32> to vector<1x16xi32>
    tpu.vector_store %arg11[%swap3A_1209, %swap3A_1210], %swap3A_1213 {strides = array<i32>} : memref<8x64xi32, #tpu.memory_space<vmem>>, vector<1x16xi32>,
    %jit3A_1214 = arith.constant 1 : i32
    %jit3A_1215 = arith.constant 0 : i32
    %broadcast_in_dim3A_1216 = vector.broadcast %jit3A_1214 : i32 to vector<16xi32>
    %broadcast_in_dim3A_1217 = vector.broadcast %jit3A_1215 : i32 to vector<16xi32>
    %select_n3A_1218 = arith.select %select_n3A_1204, %broadcast_in_dim3A_1216, %broadcast_in_dim3A_1217 : vector<16xi1>, vector<16xi32>
    %jit3A_1219 = arith.constant 2 : i32
    %jit3A_1220 = arith.constant 0 : i32
    %broadcast_in_dim3A_1221 = vector.broadcast %jit3A_1219 : i32 to vector<16xi32>
    %broadcast_in_dim3A_1222 = vector.broadcast %jit3A_1220 : i32 to vector<16xi32>
    %select_n3A_1223 = arith.select %lt3A_1171, %broadcast_in_dim3A_1221, %broadcast_in_dim3A_1222 : vector<16xi1>, vector<16xi32>
    %add3A_1224 = arith.addi %select_n3A_1218, %select_n3A_1223 : vector<16xi32>
    %swap3A_1225 = arith.constant 2 : i32
    %swap3A_1226 = arith.index_cast %swap3A_1225 : i32 to index
    %swap3A_1227 = arith.constant 32 : index
    %swap3A_1228 = tpu.vector_load %arg12[%swap3A_1226, %swap3A_1227] {strides = array<i32>} : memref<8x64xi32, #tpu.memory_space<vmem>>, vector<1x16xi32>,
    %swap3A_1229 = vector.shape_cast %swap3A_1228 : vector<1x16xi32> to vector<16xi32>
    %swap3A_1230 = vector.shape_cast %add3A_1224 : vector<16xi32> to vector<1x16xi32>
    tpu.vector_store %arg12[%swap3A_1226, %swap3A_1227], %swap3A_1230 {strides = array<i32>} : memref<8x64xi32, #tpu.memory_space<vmem>>, vector<1x16xi32>,
    %get3A_1231 = arith.constant 2 : i32
    %get3A_1232 = arith.index_cast %get3A_1231 : i32 to index
    %get3A_1233 = arith.constant 48 : index
    %get3A_1234 = tpu.vector_load %arg11[%get3A_1232, %get3A_1233] {strides = array<i32>} : memref<8x64xi32, #tpu.memory_space<vmem>>, vector<1x16xi32>,
    %get3A_1235 = vector.shape_cast %get3A_1234 : vector<1x16xi32> to vector<16xi32>
    %lt3A_1236 = arith.constant 0 : i32
    %lt3A_1237 = vector.broadcast %lt3A_1236 : i32 to vector<16xi32>
    %lt3A_1238 = arith.cmpi slt, %get3A_1235, %lt3A_1237 : vector<16xi32>
    %max3A_1239 = arith.constant 0 : i32
    %max3A_1240 = vector.broadcast %max3A_1239 : i32 to vector<16xi32>
    %max3A_1241 = arith.maxsi %get3A_1235, %max3A_1240 : vector<16xi32>
    %ge3A_1242 = arith.constant 45000 : i32
    %ge3A_1243 = vector.broadcast %ge3A_1242 : i32 to vector<16xi32>
    %ge3A_1244 = arith.cmpi sge, %max3A_1241, %ge3A_1243 : vector<16xi32>
    %sub3A_1245 = arith.constant 45000 : i32
    %sub3A_1246 = vector.broadcast %sub3A_1245 : i32 to vector<16xi32>
    %sub3A_1247 = arith.subi %max3A_1241, %sub3A_1246 : vector<16xi32>
    %select_n3A_1248 = arith.select %ge3A_1244, %sub3A_1247, %max3A_1241 : vector<16xi1>, vector<16xi32>
    %get3A_1249 = arith.constant 2 : i32
    %get3A_1250 = arith.index_cast %get3A_1249 : i32 to index
    %get3A_1251 = arith.constant 48 : index
    %get3A_1252 = tpu.vector_load %arg12[%get3A_1250, %get3A_1251] {strides = array<i32>} : memref<8x64xi32, #tpu.memory_space<vmem>>, vector<1x16xi32>,
    %get3A_1253 = vector.shape_cast %get3A_1252 : vector<1x16xi32> to vector<16xi32>
    %max3A_1254 = arith.constant 0 : i32
    %max3A_1255 = vector.broadcast %max3A_1254 : i32 to vector<16xi32>
    %max3A_1256 = arith.maxsi %get3A_1253, %max3A_1255 : vector<16xi32>
    %min3A_1257 = arith.constant 9999 : i32
    %min3A_1258 = vector.broadcast %min3A_1257 : i32 to vector<16xi32>
    %min3A_1259 = arith.minsi %max3A_1256, %min3A_1258 : vector<16xi32>
    %ge3A_1260 = arith.constant 5000 : i32
    %ge3A_1261 = vector.broadcast %ge3A_1260 : i32 to vector<16xi32>
    %ge3A_1262 = arith.cmpi sge, %min3A_1259, %ge3A_1261 : vector<16xi32>
    %sub3A_1263 = arith.constant 5000 : i32
    %sub3A_1264 = vector.broadcast %sub3A_1263 : i32 to vector<16xi32>
    %sub3A_1265 = arith.subi %min3A_1259, %sub3A_1264 : vector<16xi32>
    %select_n3A_1266 = arith.select %ge3A_1262, %sub3A_1265, %min3A_1259 : vector<16xi1>, vector<16xi32>
    %add3A_1267 = arith.constant 45000 : i32
    %add3A_1268 = vector.broadcast %add3A_1267 : i32 to vector<16xi32>
    %add3A_1269 = arith.addi %select_n3A_1266, %add3A_1268 : vector<16xi32>
    %select_n3A_1270 = arith.select %lt3A_1238, %add3A_1269, %select_n3A_1248 : vector<16xi1>, vector<16xi32>
    %select_n3A_1271 = arith.select %lt3A_1238, %ge3A_1262, %ge3A_1244 : vector<16xi1>, vector<16xi1>
    %min3A_1272 = arith.constant 49999 : i32
    %min3A_1273 = vector.broadcast %min3A_1272 : i32 to vector<16xi32>
    %min3A_1274 = arith.minsi %select_n3A_1270, %min3A_1273 : vector<16xi32>
    %swap3A_1275 = arith.constant 2 : i32
    %swap3A_1276 = arith.index_cast %swap3A_1275 : i32 to index
    %swap3A_1277 = arith.constant 48 : index
    %swap3A_1278 = tpu.vector_load %arg11[%swap3A_1276, %swap3A_1277] {strides = array<i32>} : memref<8x64xi32, #tpu.memory_space<vmem>>, vector<1x16xi32>,
    %swap3A_1279 = vector.shape_cast %swap3A_1278 : vector<1x16xi32> to vector<16xi32>
    %swap3A_1280 = vector.shape_cast %min3A_1274 : vector<16xi32> to vector<1x16xi32>
    tpu.vector_store %arg11[%swap3A_1276, %swap3A_1277], %swap3A_1280 {strides = array<i32>} : memref<8x64xi32, #tpu.memory_space<vmem>>, vector<1x16xi32>,
    %jit3A_1281 = arith.constant 1 : i32
    %jit3A_1282 = arith.constant 0 : i32
    %broadcast_in_dim3A_1283 = vector.broadcast %jit3A_1281 : i32 to vector<16xi32>
    %broadcast_in_dim3A_1284 = vector.broadcast %jit3A_1282 : i32 to vector<16xi32>
    %select_n3A_1285 = arith.select %select_n3A_1271, %broadcast_in_dim3A_1283, %broadcast_in_dim3A_1284 : vector<16xi1>, vector<16xi32>
    %jit3A_1286 = arith.constant 2 : i32
    %jit3A_1287 = arith.constant 0 : i32
    %broadcast_in_dim3A_1288 = vector.broadcast %jit3A_1286 : i32 to vector<16xi32>
    %broadcast_in_dim3A_1289 = vector.broadcast %jit3A_1287 : i32 to vector<16xi32>
    %select_n3A_1290 = arith.select %lt3A_1238, %broadcast_in_dim3A_1288, %broadcast_in_dim3A_1289 : vector<16xi1>, vector<16xi32>
    %add3A_1291 = arith.addi %select_n3A_1285, %select_n3A_1290 : vector<16xi32>
    %swap3A_1292 = arith.constant 2 : i32
    %swap3A_1293 = arith.index_cast %swap3A_1292 : i32 to index
    %swap3A_1294 = arith.constant 48 : index
    %swap3A_1295 = tpu.vector_load %arg12[%swap3A_1293, %swap3A_1294] {strides = array<i32>} : memref<8x64xi32, #tpu.memory_space<vmem>>, vector<1x16xi32>,
    %swap3A_1296 = vector.shape_cast %swap3A_1295 : vector<1x16xi32> to vector<16xi32>
    %swap3A_1297 = vector.shape_cast %add3A_1291 : vector<16xi32> to vector<1x16xi32>
    tpu.vector_store %arg12[%swap3A_1293, %swap3A_1294], %swap3A_1297 {strides = array<i32>} : memref<8x64xi32, #tpu.memory_space<vmem>>, vector<1x16xi32>,
    %get3A_1298 = arith.constant 3 : i32
    %get3A_1299 = arith.index_cast %get3A_1298 : i32 to index
    %get3A_1300 = arith.constant 0 : index
    %get3A_1301 = tpu.vector_load %arg11[%get3A_1299, %get3A_1300] {strides = array<i32>} : memref<8x64xi32, #tpu.memory_space<vmem>>, vector<1x16xi32>,
    %get3A_1302 = vector.shape_cast %get3A_1301 : vector<1x16xi32> to vector<16xi32>
    %lt3A_1303 = arith.constant 0 : i32
    %lt3A_1304 = vector.broadcast %lt3A_1303 : i32 to vector<16xi32>
    %lt3A_1305 = arith.cmpi slt, %get3A_1302, %lt3A_1304 : vector<16xi32>
    %max3A_1306 = arith.constant 0 : i32
    %max3A_1307 = vector.broadcast %max3A_1306 : i32 to vector<16xi32>
    %max3A_1308 = arith.maxsi %get3A_1302, %max3A_1307 : vector<16xi32>
    %ge3A_1309 = arith.constant 45000 : i32
    %ge3A_1310 = vector.broadcast %ge3A_1309 : i32 to vector<16xi32>
    %ge3A_1311 = arith.cmpi sge, %max3A_1308, %ge3A_1310 : vector<16xi32>
    %sub3A_1312 = arith.constant 45000 : i32
    %sub3A_1313 = vector.broadcast %sub3A_1312 : i32 to vector<16xi32>
    %sub3A_1314 = arith.subi %max3A_1308, %sub3A_1313 : vector<16xi32>
    %select_n3A_1315 = arith.select %ge3A_1311, %sub3A_1314, %max3A_1308 : vector<16xi1>, vector<16xi32>
    %get3A_1316 = arith.constant 3 : i32
    %get3A_1317 = arith.index_cast %get3A_1316 : i32 to index
    %get3A_1318 = arith.constant 0 : index
    %get3A_1319 = tpu.vector_load %arg12[%get3A_1317, %get3A_1318] {strides = array<i32>} : memref<8x64xi32, #tpu.memory_space<vmem>>, vector<1x16xi32>,
    %get3A_1320 = vector.shape_cast %get3A_1319 : vector<1x16xi32> to vector<16xi32>
    %max3A_1321 = arith.constant 0 : i32
    %max3A_1322 = vector.broadcast %max3A_1321 : i32 to vector<16xi32>
    %max3A_1323 = arith.maxsi %get3A_1320, %max3A_1322 : vector<16xi32>
    %min3A_1324 = arith.constant 9999 : i32
    %min3A_1325 = vector.broadcast %min3A_1324 : i32 to vector<16xi32>
    %min3A_1326 = arith.minsi %max3A_1323, %min3A_1325 : vector<16xi32>
    %ge3A_1327 = arith.constant 5000 : i32
    %ge3A_1328 = vector.broadcast %ge3A_1327 : i32 to vector<16xi32>
    %ge3A_1329 = arith.cmpi sge, %min3A_1326, %ge3A_1328 : vector<16xi32>
    %sub3A_1330 = arith.constant 5000 : i32
    %sub3A_1331 = vector.broadcast %sub3A_1330 : i32 to vector<16xi32>
    %sub3A_1332 = arith.subi %min3A_1326, %sub3A_1331 : vector<16xi32>
    %select_n3A_1333 = arith.select %ge3A_1329, %sub3A_1332, %min3A_1326 : vector<16xi1>, vector<16xi32>
    %add3A_1334 = arith.constant 45000 : i32
    %add3A_1335 = vector.broadcast %add3A_1334 : i32 to vector<16xi32>
    %add3A_1336 = arith.addi %select_n3A_1333, %add3A_1335 : vector<16xi32>
    %select_n3A_1337 = arith.select %lt3A_1305, %add3A_1336, %select_n3A_1315 : vector<16xi1>, vector<16xi32>
    %select_n3A_1338 = arith.select %lt3A_1305, %ge3A_1329, %ge3A_1311 : vector<16xi1>, vector<16xi1>
    %min3A_1339 = arith.constant 49999 : i32
    %min3A_1340 = vector.broadcast %min3A_1339 : i32 to vector<16xi32>
    %min3A_1341 = arith.minsi %select_n3A_1337, %min3A_1340 : vector<16xi32>
    %swap3A_1342 = arith.constant 3 : i32
    %swap3A_1343 = arith.index_cast %swap3A_1342 : i32 to index
    %swap3A_1344 = arith.constant 0 : index
    %swap3A_1345 = tpu.vector_load %arg11[%swap3A_1343, %swap3A_1344] {strides = array<i32>} : memref<8x64xi32, #tpu.memory_space<vmem>>, vector<1x16xi32>,
    %swap3A_1346 = vector.shape_cast %swap3A_1345 : vector<1x16xi32> to vector<16xi32>
    %swap3A_1347 = vector.shape_cast %min3A_1341 : vector<16xi32> to vector<1x16xi32>
    tpu.vector_store %arg11[%swap3A_1343, %swap3A_1344], %swap3A_1347 {strides = array<i32>} : memref<8x64xi32, #tpu.memory_space<vmem>>, vector<1x16xi32>,
    %jit3A_1348 = arith.constant 1 : i32
    %jit3A_1349 = arith.constant 0 : i32
    %broadcast_in_dim3A_1350 = vector.broadcast %jit3A_1348 : i32 to vector<16xi32>
    %broadcast_in_dim3A_1351 = vector.broadcast %jit3A_1349 : i32 to vector<16xi32>
    %select_n3A_1352 = arith.select %select_n3A_1338, %broadcast_in_dim3A_1350, %broadcast_in_dim3A_1351 : vector<16xi1>, vector<16xi32>
    %jit3A_1353 = arith.constant 2 : i32
    %jit3A_1354 = arith.constant 0 : i32
    %broadcast_in_dim3A_1355 = vector.broadcast %jit3A_1353 : i32 to vector<16xi32>
    %broadcast_in_dim3A_1356 = vector.broadcast %jit3A_1354 : i32 to vector<16xi32>
    %select_n3A_1357 = arith.select %lt3A_1305, %broadcast_in_dim3A_1355, %broadcast_in_dim3A_1356 : vector<16xi1>, vector<16xi32>
    %add3A_1358 = arith.addi %select_n3A_1352, %select_n3A_1357 : vector<16xi32>
    %swap3A_1359 = arith.constant 3 : i32
    %swap3A_1360 = arith.index_cast %swap3A_1359 : i32 to index
    %swap3A_1361 = arith.constant 0 : index
    %swap3A_1362 = tpu.vector_load %arg12[%swap3A_1360, %swap3A_1361] {strides = array<i32>} : memref<8x64xi32, #tpu.memory_space<vmem>>, vector<1x16xi32>,
    %swap3A_1363 = vector.shape_cast %swap3A_1362 : vector<1x16xi32> to vector<16xi32>
    %swap3A_1364 = vector.shape_cast %add3A_1358 : vector<16xi32> to vector<1x16xi32>
    tpu.vector_store %arg12[%swap3A_1360, %swap3A_1361], %swap3A_1364 {strides = array<i32>} : memref<8x64xi32, #tpu.memory_space<vmem>>, vector<1x16xi32>,
    %get3A_1365 = arith.constant 3 : i32
    %get3A_1366 = arith.index_cast %get3A_1365 : i32 to index
    %get3A_1367 = arith.constant 16 : index
    %get3A_1368 = tpu.vector_load %arg11[%get3A_1366, %get3A_1367] {strides = array<i32>} : memref<8x64xi32, #tpu.memory_space<vmem>>, vector<1x16xi32>,
    %get3A_1369 = vector.shape_cast %get3A_1368 : vector<1x16xi32> to vector<16xi32>
    %lt3A_1370 = arith.constant 0 : i32
    %lt3A_1371 = vector.broadcast %lt3A_1370 : i32 to vector<16xi32>
    %lt3A_1372 = arith.cmpi slt, %get3A_1369, %lt3A_1371 : vector<16xi32>
    %max3A_1373 = arith.constant 0 : i32
    %max3A_1374 = vector.broadcast %max3A_1373 : i32 to vector<16xi32>
    %max3A_1375 = arith.maxsi %get3A_1369, %max3A_1374 : vector<16xi32>
    %ge3A_1376 = arith.constant 45000 : i32
    %ge3A_1377 = vector.broadcast %ge3A_1376 : i32 to vector<16xi32>
    %ge3A_1378 = arith.cmpi sge, %max3A_1375, %ge3A_1377 : vector<16xi32>
    %sub3A_1379 = arith.constant 45000 : i32
    %sub3A_1380 = vector.broadcast %sub3A_1379 : i32 to vector<16xi32>
    %sub3A_1381 = arith.subi %max3A_1375, %sub3A_1380 : vector<16xi32>
    %select_n3A_1382 = arith.select %ge3A_1378, %sub3A_1381, %max3A_1375 : vector<16xi1>, vector<16xi32>
    %get3A_1383 = arith.constant 3 : i32
    %get3A_1384 = arith.index_cast %get3A_1383 : i32 to index
    %get3A_1385 = arith.constant 16 : index
    %get3A_1386 = tpu.vector_load %arg12[%get3A_1384, %get3A_1385] {strides = array<i32>} : memref<8x64xi32, #tpu.memory_space<vmem>>, vector<1x16xi32>,
    %get3A_1387 = vector.shape_cast %get3A_1386 : vector<1x16xi32> to vector<16xi32>
    %max3A_1388 = arith.constant 0 : i32
    %max3A_1389 = vector.broadcast %max3A_1388 : i32 to vector<16xi32>
    %max3A_1390 = arith.maxsi %get3A_1387, %max3A_1389 : vector<16xi32>
    %min3A_1391 = arith.constant 9999 : i32
    %min3A_1392 = vector.broadcast %min3A_1391 : i32 to vector<16xi32>
    %min3A_1393 = arith.minsi %max3A_1390, %min3A_1392 : vector<16xi32>
    %ge3A_1394 = arith.constant 5000 : i32
    %ge3A_1395 = vector.broadcast %ge3A_1394 : i32 to vector<16xi32>
    %ge3A_1396 = arith.cmpi sge, %min3A_1393, %ge3A_1395 : vector<16xi32>
    %sub3A_1397 = arith.constant 5000 : i32
    %sub3A_1398 = vector.broadcast %sub3A_1397 : i32 to vector<16xi32>
    %sub3A_1399 = arith.subi %min3A_1393, %sub3A_1398 : vector<16xi32>
    %select_n3A_1400 = arith.select %ge3A_1396, %sub3A_1399, %min3A_1393 : vector<16xi1>, vector<16xi32>
    %add3A_1401 = arith.constant 45000 : i32
    %add3A_1402 = vector.broadcast %add3A_1401 : i32 to vector<16xi32>
    %add3A_1403 = arith.addi %select_n3A_1400, %add3A_1402 : vector<16xi32>
    %select_n3A_1404 = arith.select %lt3A_1372, %add3A_1403, %select_n3A_1382 : vector<16xi1>, vector<16xi32>
    %select_n3A_1405 = arith.select %lt3A_1372, %ge3A_1396, %ge3A_1378 : vector<16xi1>, vector<16xi1>
    %min3A_1406 = arith.constant 49999 : i32
    %min3A_1407 = vector.broadcast %min3A_1406 : i32 to vector<16xi32>
    %min3A_1408 = arith.minsi %select_n3A_1404, %min3A_1407 : vector<16xi32>
    %swap3A_1409 = arith.constant 3 : i32
    %swap3A_1410 = arith.index_cast %swap3A_1409 : i32 to index
    %swap3A_1411 = arith.constant 16 : index
    %swap3A_1412 = tpu.vector_load %arg11[%swap3A_1410, %swap3A_1411] {strides = array<i32>} : memref<8x64xi32, #tpu.memory_space<vmem>>, vector<1x16xi32>,
    %swap3A_1413 = vector.shape_cast %swap3A_1412 : vector<1x16xi32> to vector<16xi32>
    %swap3A_1414 = vector.shape_cast %min3A_1408 : vector<16xi32> to vector<1x16xi32>
    tpu.vector_store %arg11[%swap3A_1410, %swap3A_1411], %swap3A_1414 {strides = array<i32>} : memref<8x64xi32, #tpu.memory_space<vmem>>, vector<1x16xi32>,
    %jit3A_1415 = arith.constant 1 : i32
    %jit3A_1416 = arith.constant 0 : i32
    %broadcast_in_dim3A_1417 = vector.broadcast %jit3A_1415 : i32 to vector<16xi32>
    %broadcast_in_dim3A_1418 = vector.broadcast %jit3A_1416 : i32 to vector<16xi32>
    %select_n3A_1419 = arith.select %select_n3A_1405, %broadcast_in_dim3A_1417, %broadcast_in_dim3A_1418 : vector<16xi1>, vector<16xi32>
    %jit3A_1420 = arith.constant 2 : i32
    %jit3A_1421 = arith.constant 0 : i32
    %broadcast_in_dim3A_1422 = vector.broadcast %jit3A_1420 : i32 to vector<16xi32>
    %broadcast_in_dim3A_1423 = vector.broadcast %jit3A_1421 : i32 to vector<16xi32>
    %select_n3A_1424 = arith.select %lt3A_1372, %broadcast_in_dim3A_1422, %broadcast_in_dim3A_1423 : vector<16xi1>, vector<16xi32>
    %add3A_1425 = arith.addi %select_n3A_1419, %select_n3A_1424 : vector<16xi32>
    %swap3A_1426 = arith.constant 3 : i32
    %swap3A_1427 = arith.index_cast %swap3A_1426 : i32 to index
    %swap3A_1428 = arith.constant 16 : index
    %swap3A_1429 = tpu.vector_load %arg12[%swap3A_1427, %swap3A_1428] {strides = array<i32>} : memref<8x64xi32, #tpu.memory_space<vmem>>, vector<1x16xi32>,
    %swap3A_1430 = vector.shape_cast %swap3A_1429 : vector<1x16xi32> to vector<16xi32>
    %swap3A_1431 = vector.shape_cast %add3A_1425 : vector<16xi32> to vector<1x16xi32>
    tpu.vector_store %arg12[%swap3A_1427, %swap3A_1428], %swap3A_1431 {strides = array<i32>} : memref<8x64xi32, #tpu.memory_space<vmem>>, vector<1x16xi32>,
    %get3A_1432 = arith.constant 3 : i32
    %get3A_1433 = arith.index_cast %get3A_1432 : i32 to index
    %get3A_1434 = arith.constant 32 : index
    %get3A_1435 = tpu.vector_load %arg11[%get3A_1433, %get3A_1434] {strides = array<i32>} : memref<8x64xi32, #tpu.memory_space<vmem>>, vector<1x16xi32>,
    %get3A_1436 = vector.shape_cast %get3A_1435 : vector<1x16xi32> to vector<16xi32>
    %lt3A_1437 = arith.constant 0 : i32
    %lt3A_1438 = vector.broadcast %lt3A_1437 : i32 to vector<16xi32>
    %lt3A_1439 = arith.cmpi slt, %get3A_1436, %lt3A_1438 : vector<16xi32>
    %max3A_1440 = arith.constant 0 : i32
    %max3A_1441 = vector.broadcast %max3A_1440 : i32 to vector<16xi32>
    %max3A_1442 = arith.maxsi %get3A_1436, %max3A_1441 : vector<16xi32>
    %ge3A_1443 = arith.constant 45000 : i32
    %ge3A_1444 = vector.broadcast %ge3A_1443 : i32 to vector<16xi32>
    %ge3A_1445 = arith.cmpi sge, %max3A_1442, %ge3A_1444 : vector<16xi32>
    %sub3A_1446 = arith.constant 45000 : i32
    %sub3A_1447 = vector.broadcast %sub3A_1446 : i32 to vector<16xi32>
    %sub3A_1448 = arith.subi %max3A_1442, %sub3A_1447 : vector<16xi32>
    %select_n3A_1449 = arith.select %ge3A_1445, %sub3A_1448, %max3A_1442 : vector<16xi1>, vector<16xi32>
    %get3A_1450 = arith.constant 3 : i32
    %get3A_1451 = arith.index_cast %get3A_1450 : i32 to index
    %get3A_1452 = arith.constant 32 : index
    %get3A_1453 = tpu.vector_load %arg12[%get3A_1451, %get3A_1452] {strides = array<i32>} : memref<8x64xi32, #tpu.memory_space<vmem>>, vector<1x16xi32>,
    %get3A_1454 = vector.shape_cast %get3A_1453 : vector<1x16xi32> to vector<16xi32>
    %max3A_1455 = arith.constant 0 : i32
    %max3A_1456 = vector.broadcast %max3A_1455 : i32 to vector<16xi32>
    %max3A_1457 = arith.maxsi %get3A_1454, %max3A_1456 : vector<16xi32>
    %min3A_1458 = arith.constant 9999 : i32
    %min3A_1459 = vector.broadcast %min3A_1458 : i32 to vector<16xi32>
    %min3A_1460 = arith.minsi %max3A_1457, %min3A_1459 : vector<16xi32>
    %ge3A_1461 = arith.constant 5000 : i32
    %ge3A_1462 = vector.broadcast %ge3A_1461 : i32 to vector<16xi32>
    %ge3A_1463 = arith.cmpi sge, %min3A_1460, %ge3A_1462 : vector<16xi32>
    %sub3A_1464 = arith.constant 5000 : i32
    %sub3A_1465 = vector.broadcast %sub3A_1464 : i32 to vector<16xi32>
    %sub3A_1466 = arith.subi %min3A_1460, %sub3A_1465 : vector<16xi32>
    %select_n3A_1467 = arith.select %ge3A_1463, %sub3A_1466, %min3A_1460 : vector<16xi1>, vector<16xi32>
    %add3A_1468 = arith.constant 45000 : i32
    %add3A_1469 = vector.broadcast %add3A_1468 : i32 to vector<16xi32>
    %add3A_1470 = arith.addi %select_n3A_1467, %add3A_1469 : vector<16xi32>
    %select_n3A_1471 = arith.select %lt3A_1439, %add3A_1470, %select_n3A_1449 : vector<16xi1>, vector<16xi32>
    %select_n3A_1472 = arith.select %lt3A_1439, %ge3A_1463, %ge3A_1445 : vector<16xi1>, vector<16xi1>
    %min3A_1473 = arith.constant 49999 : i32
    %min3A_1474 = vector.broadcast %min3A_1473 : i32 to vector<16xi32>
    %min3A_1475 = arith.minsi %select_n3A_1471, %min3A_1474 : vector<16xi32>
    %swap3A_1476 = arith.constant 3 : i32
    %swap3A_1477 = arith.index_cast %swap3A_1476 : i32 to index
    %swap3A_1478 = arith.constant 32 : index
    %swap3A_1479 = tpu.vector_load %arg11[%swap3A_1477, %swap3A_1478] {strides = array<i32>} : memref<8x64xi32, #tpu.memory_space<vmem>>, vector<1x16xi32>,
    %swap3A_1480 = vector.shape_cast %swap3A_1479 : vector<1x16xi32> to vector<16xi32>
    %swap3A_1481 = vector.shape_cast %min3A_1475 : vector<16xi32> to vector<1x16xi32>
    tpu.vector_store %arg11[%swap3A_1477, %swap3A_1478], %swap3A_1481 {strides = array<i32>} : memref<8x64xi32, #tpu.memory_space<vmem>>, vector<1x16xi32>,
    %jit3A_1482 = arith.constant 1 : i32
    %jit3A_1483 = arith.constant 0 : i32
    %broadcast_in_dim3A_1484 = vector.broadcast %jit3A_1482 : i32 to vector<16xi32>
    %broadcast_in_dim3A_1485 = vector.broadcast %jit3A_1483 : i32 to vector<16xi32>
    %select_n3A_1486 = arith.select %select_n3A_1472, %broadcast_in_dim3A_1484, %broadcast_in_dim3A_1485 : vector<16xi1>, vector<16xi32>
    %jit3A_1487 = arith.constant 2 : i32
    %jit3A_1488 = arith.constant 0 : i32
    %broadcast_in_dim3A_1489 = vector.broadcast %jit3A_1487 : i32 to vector<16xi32>
    %broadcast_in_dim3A_1490 = vector.broadcast %jit3A_1488 : i32 to vector<16xi32>
    %select_n3A_1491 = arith.select %lt3A_1439, %broadcast_in_dim3A_1489, %broadcast_in_dim3A_1490 : vector<16xi1>, vector<16xi32>
    %add3A_1492 = arith.addi %select_n3A_1486, %select_n3A_1491 : vector<16xi32>
    %swap3A_1493 = arith.constant 3 : i32
    %swap3A_1494 = arith.index_cast %swap3A_1493 : i32 to index
    %swap3A_1495 = arith.constant 32 : index
    %swap3A_1496 = tpu.vector_load %arg12[%swap3A_1494, %swap3A_1495] {strides = array<i32>} : memref<8x64xi32, #tpu.memory_space<vmem>>, vector<1x16xi32>,
    %swap3A_1497 = vector.shape_cast %swap3A_1496 : vector<1x16xi32> to vector<16xi32>
    %swap3A_1498 = vector.shape_cast %add3A_1492 : vector<16xi32> to vector<1x16xi32>
    tpu.vector_store %arg12[%swap3A_1494, %swap3A_1495], %swap3A_1498 {strides = array<i32>} : memref<8x64xi32, #tpu.memory_space<vmem>>, vector<1x16xi32>,
    %get3A_1499 = arith.constant 3 : i32
    %get3A_1500 = arith.index_cast %get3A_1499 : i32 to index
    %get3A_1501 = arith.constant 48 : index
    %get3A_1502 = tpu.vector_load %arg11[%get3A_1500, %get3A_1501] {strides = array<i32>} : memref<8x64xi32, #tpu.memory_space<vmem>>, vector<1x16xi32>,
    %get3A_1503 = vector.shape_cast %get3A_1502 : vector<1x16xi32> to vector<16xi32>
    %lt3A_1504 = arith.constant 0 : i32
    %lt3A_1505 = vector.broadcast %lt3A_1504 : i32 to vector<16xi32>
    %lt3A_1506 = arith.cmpi slt, %get3A_1503, %lt3A_1505 : vector<16xi32>
    %max3A_1507 = arith.constant 0 : i32
    %max3A_1508 = vector.broadcast %max3A_1507 : i32 to vector<16xi32>
    %max3A_1509 = arith.maxsi %get3A_1503, %max3A_1508 : vector<16xi32>
    %ge3A_1510 = arith.constant 45000 : i32
    %ge3A_1511 = vector.broadcast %ge3A_1510 : i32 to vector<16xi32>
    %ge3A_1512 = arith.cmpi sge, %max3A_1509, %ge3A_1511 : vector<16xi32>
    %sub3A_1513 = arith.constant 45000 : i32
    %sub3A_1514 = vector.broadcast %sub3A_1513 : i32 to vector<16xi32>
    %sub3A_1515 = arith.subi %max3A_1509, %sub3A_1514 : vector<16xi32>
    %select_n3A_1516 = arith.select %ge3A_1512, %sub3A_1515, %max3A_1509 : vector<16xi1>, vector<16xi32>
    %get3A_1517 = arith.constant 3 : i32
    %get3A_1518 = arith.index_cast %get3A_1517 : i32 to index
    %get3A_1519 = arith.constant 48 : index
    %get3A_1520 = tpu.vector_load %arg12[%get3A_1518, %get3A_1519] {strides = array<i32>} : memref<8x64xi32, #tpu.memory_space<vmem>>, vector<1x16xi32>,
    %get3A_1521 = vector.shape_cast %get3A_1520 : vector<1x16xi32> to vector<16xi32>
    %max3A_1522 = arith.constant 0 : i32
    %max3A_1523 = vector.broadcast %max3A_1522 : i32 to vector<16xi32>
    %max3A_1524 = arith.maxsi %get3A_1521, %max3A_1523 : vector<16xi32>
    %min3A_1525 = arith.constant 9999 : i32
    %min3A_1526 = vector.broadcast %min3A_1525 : i32 to vector<16xi32>
    %min3A_1527 = arith.minsi %max3A_1524, %min3A_1526 : vector<16xi32>
    %ge3A_1528 = arith.constant 5000 : i32
    %ge3A_1529 = vector.broadcast %ge3A_1528 : i32 to vector<16xi32>
    %ge3A_1530 = arith.cmpi sge, %min3A_1527, %ge3A_1529 : vector<16xi32>
    %sub3A_1531 = arith.constant 5000 : i32
    %sub3A_1532 = vector.broadcast %sub3A_1531 : i32 to vector<16xi32>
    %sub3A_1533 = arith.subi %min3A_1527, %sub3A_1532 : vector<16xi32>
    %select_n3A_1534 = arith.select %ge3A_1530, %sub3A_1533, %min3A_1527 : vector<16xi1>, vector<16xi32>
    %add3A_1535 = arith.constant 45000 : i32
    %add3A_1536 = vector.broadcast %add3A_1535 : i32 to vector<16xi32>
    %add3A_1537 = arith.addi %select_n3A_1534, %add3A_1536 : vector<16xi32>
    %select_n3A_1538 = arith.select %lt3A_1506, %add3A_1537, %select_n3A_1516 : vector<16xi1>, vector<16xi32>
    %select_n3A_1539 = arith.select %lt3A_1506, %ge3A_1530, %ge3A_1512 : vector<16xi1>, vector<16xi1>
    %min3A_1540 = arith.constant 49999 : i32
    %min3A_1541 = vector.broadcast %min3A_1540 : i32 to vector<16xi32>
    %min3A_1542 = arith.minsi %select_n3A_1538, %min3A_1541 : vector<16xi32>
    %swap3A_1543 = arith.constant 3 : i32
    %swap3A_1544 = arith.index_cast %swap3A_1543 : i32 to index
    %swap3A_1545 = arith.constant 48 : index
    %swap3A_1546 = tpu.vector_load %arg11[%swap3A_1544, %swap3A_1545] {strides = array<i32>} : memref<8x64xi32, #tpu.memory_space<vmem>>, vector<1x16xi32>,
    %swap3A_1547 = vector.shape_cast %swap3A_1546 : vector<1x16xi32> to vector<16xi32>
    %swap3A_1548 = vector.shape_cast %min3A_1542 : vector<16xi32> to vector<1x16xi32>
    tpu.vector_store %arg11[%swap3A_1544, %swap3A_1545], %swap3A_1548 {strides = array<i32>} : memref<8x64xi32, #tpu.memory_space<vmem>>, vector<1x16xi32>,
    %jit3A_1549 = arith.constant 1 : i32
    %jit3A_1550 = arith.constant 0 : i32
    %broadcast_in_dim3A_1551 = vector.broadcast %jit3A_1549 : i32 to vector<16xi32>
    %broadcast_in_dim3A_1552 = vector.broadcast %jit3A_1550 : i32 to vector<16xi32>
    %select_n3A_1553 = arith.select %select_n3A_1539, %broadcast_in_dim3A_1551, %broadcast_in_dim3A_1552 : vector<16xi1>, vector<16xi32>
    %jit3A_1554 = arith.constant 2 : i32
    %jit3A_1555 = arith.constant 0 : i32
    %broadcast_in_dim3A_1556 = vector.broadcast %jit3A_1554 : i32 to vector<16xi32>
    %broadcast_in_dim3A_1557 = vector.broadcast %jit3A_1555 : i32 to vector<16xi32>
    %select_n3A_1558 = arith.select %lt3A_1506, %broadcast_in_dim3A_1556, %broadcast_in_dim3A_1557 : vector<16xi1>, vector<16xi32>
    %add3A_1559 = arith.addi %select_n3A_1553, %select_n3A_1558 : vector<16xi32>
    %swap3A_1560 = arith.constant 3 : i32
    %swap3A_1561 = arith.index_cast %swap3A_1560 : i32 to index
    %swap3A_1562 = arith.constant 48 : index
    %swap3A_1563 = tpu.vector_load %arg12[%swap3A_1561, %swap3A_1562] {strides = array<i32>} : memref<8x64xi32, #tpu.memory_space<vmem>>, vector<1x16xi32>,
    %swap3A_1564 = vector.shape_cast %swap3A_1563 : vector<1x16xi32> to vector<16xi32>
    %swap3A_1565 = vector.shape_cast %add3A_1559 : vector<16xi32> to vector<1x16xi32>
    tpu.vector_store %arg12[%swap3A_1561, %swap3A_1562], %swap3A_1565 {strides = array<i32>} : memref<8x64xi32, #tpu.memory_space<vmem>>, vector<1x16xi32>,
    %get3A_1566 = arith.constant 4 : i32
    %get3A_1567 = arith.index_cast %get3A_1566 : i32 to index
    %get3A_1568 = arith.constant 0 : index
    %get3A_1569 = tpu.vector_load %arg11[%get3A_1567, %get3A_1568] {strides = array<i32>} : memref<8x64xi32, #tpu.memory_space<vmem>>, vector<1x16xi32>,
    %get3A_1570 = vector.shape_cast %get3A_1569 : vector<1x16xi32> to vector<16xi32>
    %lt3A_1571 = arith.constant 0 : i32
    %lt3A_1572 = vector.broadcast %lt3A_1571 : i32 to vector<16xi32>
    %lt3A_1573 = arith.cmpi slt, %get3A_1570, %lt3A_1572 : vector<16xi32>
    %max3A_1574 = arith.constant 0 : i32
    %max3A_1575 = vector.broadcast %max3A_1574 : i32 to vector<16xi32>
    %max3A_1576 = arith.maxsi %get3A_1570, %max3A_1575 : vector<16xi32>
    %ge3A_1577 = arith.constant 45000 : i32
    %ge3A_1578 = vector.broadcast %ge3A_1577 : i32 to vector<16xi32>
    %ge3A_1579 = arith.cmpi sge, %max3A_1576, %ge3A_1578 : vector<16xi32>
    %sub3A_1580 = arith.constant 45000 : i32
    %sub3A_1581 = vector.broadcast %sub3A_1580 : i32 to vector<16xi32>
    %sub3A_1582 = arith.subi %max3A_1576, %sub3A_1581 : vector<16xi32>
    %select_n3A_1583 = arith.select %ge3A_1579, %sub3A_1582, %max3A_1576 : vector<16xi1>, vector<16xi32>
    %get3A_1584 = arith.constant 4 : i32
    %get3A_1585 = arith.index_cast %get3A_1584 : i32 to index
    %get3A_1586 = arith.constant 0 : index
    %get3A_1587 = tpu.vector_load %arg12[%get3A_1585, %get3A_1586] {strides = array<i32>} : memref<8x64xi32, #tpu.memory_space<vmem>>, vector<1x16xi32>,
    %get3A_1588 = vector.shape_cast %get3A_1587 : vector<1x16xi32> to vector<16xi32>
    %max3A_1589 = arith.constant 0 : i32
    %max3A_1590 = vector.broadcast %max3A_1589 : i32 to vector<16xi32>
    %max3A_1591 = arith.maxsi %get3A_1588, %max3A_1590 : vector<16xi32>
    %min3A_1592 = arith.constant 9999 : i32
    %min3A_1593 = vector.broadcast %min3A_1592 : i32 to vector<16xi32>
    %min3A_1594 = arith.minsi %max3A_1591, %min3A_1593 : vector<16xi32>
    %ge3A_1595 = arith.constant 5000 : i32
    %ge3A_1596 = vector.broadcast %ge3A_1595 : i32 to vector<16xi32>
    %ge3A_1597 = arith.cmpi sge, %min3A_1594, %ge3A_1596 : vector<16xi32>
    %sub3A_1598 = arith.constant 5000 : i32
    %sub3A_1599 = vector.broadcast %sub3A_1598 : i32 to vector<16xi32>
    %sub3A_1600 = arith.subi %min3A_1594, %sub3A_1599 : vector<16xi32>
    %select_n3A_1601 = arith.select %ge3A_1597, %sub3A_1600, %min3A_1594 : vector<16xi1>, vector<16xi32>
    %add3A_1602 = arith.constant 45000 : i32
    %add3A_1603 = vector.broadcast %add3A_1602 : i32 to vector<16xi32>
    %add3A_1604 = arith.addi %select_n3A_1601, %add3A_1603 : vector<16xi32>
    %select_n3A_1605 = arith.select %lt3A_1573, %add3A_1604, %select_n3A_1583 : vector<16xi1>, vector<16xi32>
    %select_n3A_1606 = arith.select %lt3A_1573, %ge3A_1597, %ge3A_1579 : vector<16xi1>, vector<16xi1>
    %min3A_1607 = arith.constant 49999 : i32
    %min3A_1608 = vector.broadcast %min3A_1607 : i32 to vector<16xi32>
    %min3A_1609 = arith.minsi %select_n3A_1605, %min3A_1608 : vector<16xi32>
    %swap3A_1610 = arith.constant 4 : i32
    %swap3A_1611 = arith.index_cast %swap3A_1610 : i32 to index
    %swap3A_1612 = arith.constant 0 : index
    %swap3A_1613 = tpu.vector_load %arg11[%swap3A_1611, %swap3A_1612] {strides = array<i32>} : memref<8x64xi32, #tpu.memory_space<vmem>>, vector<1x16xi32>,
    %swap3A_1614 = vector.shape_cast %swap3A_1613 : vector<1x16xi32> to vector<16xi32>
    %swap3A_1615 = vector.shape_cast %min3A_1609 : vector<16xi32> to vector<1x16xi32>
    tpu.vector_store %arg11[%swap3A_1611, %swap3A_1612], %swap3A_1615 {strides = array<i32>} : memref<8x64xi32, #tpu.memory_space<vmem>>, vector<1x16xi32>,
    %jit3A_1616 = arith.constant 1 : i32
    %jit3A_1617 = arith.constant 0 : i32
    %broadcast_in_dim3A_1618 = vector.broadcast %jit3A_1616 : i32 to vector<16xi32>
    %broadcast_in_dim3A_1619 = vector.broadcast %jit3A_1617 : i32 to vector<16xi32>
    %select_n3A_1620 = arith.select %select_n3A_1606, %broadcast_in_dim3A_1618, %broadcast_in_dim3A_1619 : vector<16xi1>, vector<16xi32>
    %jit3A_1621 = arith.constant 2 : i32
    %jit3A_1622 = arith.constant 0 : i32
    %broadcast_in_dim3A_1623 = vector.broadcast %jit3A_1621 : i32 to vector<16xi32>
    %broadcast_in_dim3A_1624 = vector.broadcast %jit3A_1622 : i32 to vector<16xi32>
    %select_n3A_1625 = arith.select %lt3A_1573, %broadcast_in_dim3A_1623, %broadcast_in_dim3A_1624 : vector<16xi1>, vector<16xi32>
    %add3A_1626 = arith.addi %select_n3A_1620, %select_n3A_1625 : vector<16xi32>
    %swap3A_1627 = arith.constant 4 : i32
    %swap3A_1628 = arith.index_cast %swap3A_1627 : i32 to index
    %swap3A_1629 = arith.constant 0 : index
    %swap3A_1630 = tpu.vector_load %arg12[%swap3A_1628, %swap3A_1629] {strides = array<i32>} : memref<8x64xi32, #tpu.memory_space<vmem>>, vector<1x16xi32>,
    %swap3A_1631 = vector.shape_cast %swap3A_1630 : vector<1x16xi32> to vector<16xi32>
    %swap3A_1632 = vector.shape_cast %add3A_1626 : vector<16xi32> to vector<1x16xi32>
    tpu.vector_store %arg12[%swap3A_1628, %swap3A_1629], %swap3A_1632 {strides = array<i32>} : memref<8x64xi32, #tpu.memory_space<vmem>>, vector<1x16xi32>,
    %get3A_1633 = arith.constant 4 : i32
    %get3A_1634 = arith.index_cast %get3A_1633 : i32 to index
    %get3A_1635 = arith.constant 16 : index
    %get3A_1636 = tpu.vector_load %arg11[%get3A_1634, %get3A_1635] {strides = array<i32>} : memref<8x64xi32, #tpu.memory_space<vmem>>, vector<1x16xi32>,
    %get3A_1637 = vector.shape_cast %get3A_1636 : vector<1x16xi32> to vector<16xi32>
    %lt3A_1638 = arith.constant 0 : i32
    %lt3A_1639 = vector.broadcast %lt3A_1638 : i32 to vector<16xi32>
    %lt3A_1640 = arith.cmpi slt, %get3A_1637, %lt3A_1639 : vector<16xi32>
    %max3A_1641 = arith.constant 0 : i32
    %max3A_1642 = vector.broadcast %max3A_1641 : i32 to vector<16xi32>
    %max3A_1643 = arith.maxsi %get3A_1637, %max3A_1642 : vector<16xi32>
    %ge3A_1644 = arith.constant 45000 : i32
    %ge3A_1645 = vector.broadcast %ge3A_1644 : i32 to vector<16xi32>
    %ge3A_1646 = arith.cmpi sge, %max3A_1643, %ge3A_1645 : vector<16xi32>
    %sub3A_1647 = arith.constant 45000 : i32
    %sub3A_1648 = vector.broadcast %sub3A_1647 : i32 to vector<16xi32>
    %sub3A_1649 = arith.subi %max3A_1643, %sub3A_1648 : vector<16xi32>
    %select_n3A_1650 = arith.select %ge3A_1646, %sub3A_1649, %max3A_1643 : vector<16xi1>, vector<16xi32>
    %get3A_1651 = arith.constant 4 : i32
    %get3A_1652 = arith.index_cast %get3A_1651 : i32 to index
    %get3A_1653 = arith.constant 16 : index
    %get3A_1654 = tpu.vector_load %arg12[%get3A_1652, %get3A_1653] {strides = array<i32>} : memref<8x64xi32, #tpu.memory_space<vmem>>, vector<1x16xi32>,
    %get3A_1655 = vector.shape_cast %get3A_1654 : vector<1x16xi32> to vector<16xi32>
    %max3A_1656 = arith.constant 0 : i32
    %max3A_1657 = vector.broadcast %max3A_1656 : i32 to vector<16xi32>
    %max3A_1658 = arith.maxsi %get3A_1655, %max3A_1657 : vector<16xi32>
    %min3A_1659 = arith.constant 9999 : i32
    %min3A_1660 = vector.broadcast %min3A_1659 : i32 to vector<16xi32>
    %min3A_1661 = arith.minsi %max3A_1658, %min3A_1660 : vector<16xi32>
    %ge3A_1662 = arith.constant 5000 : i32
    %ge3A_1663 = vector.broadcast %ge3A_1662 : i32 to vector<16xi32>
    %ge3A_1664 = arith.cmpi sge, %min3A_1661, %ge3A_1663 : vector<16xi32>
    %sub3A_1665 = arith.constant 5000 : i32
    %sub3A_1666 = vector.broadcast %sub3A_1665 : i32 to vector<16xi32>
    %sub3A_1667 = arith.subi %min3A_1661, %sub3A_1666 : vector<16xi32>
    %select_n3A_1668 = arith.select %ge3A_1664, %sub3A_1667, %min3A_1661 : vector<16xi1>, vector<16xi32>
    %add3A_1669 = arith.constant 45000 : i32
    %add3A_1670 = vector.broadcast %add3A_1669 : i32 to vector<16xi32>
    %add3A_1671 = arith.addi %select_n3A_1668, %add3A_1670 : vector<16xi32>
    %select_n3A_1672 = arith.select %lt3A_1640, %add3A_1671, %select_n3A_1650 : vector<16xi1>, vector<16xi32>
    %select_n3A_1673 = arith.select %lt3A_1640, %ge3A_1664, %ge3A_1646 : vector<16xi1>, vector<16xi1>
    %min3A_1674 = arith.constant 49999 : i32
    %min3A_1675 = vector.broadcast %min3A_1674 : i32 to vector<16xi32>
    %min3A_1676 = arith.minsi %select_n3A_1672, %min3A_1675 : vector<16xi32>
    %swap3A_1677 = arith.constant 4 : i32
    %swap3A_1678 = arith.index_cast %swap3A_1677 : i32 to index
    %swap3A_1679 = arith.constant 16 : index
    %swap3A_1680 = tpu.vector_load %arg11[%swap3A_1678, %swap3A_1679] {strides = array<i32>} : memref<8x64xi32, #tpu.memory_space<vmem>>, vector<1x16xi32>,
    %swap3A_1681 = vector.shape_cast %swap3A_1680 : vector<1x16xi32> to vector<16xi32>
    %swap3A_1682 = vector.shape_cast %min3A_1676 : vector<16xi32> to vector<1x16xi32>
    tpu.vector_store %arg11[%swap3A_1678, %swap3A_1679], %swap3A_1682 {strides = array<i32>} : memref<8x64xi32, #tpu.memory_space<vmem>>, vector<1x16xi32>,
    %jit3A_1683 = arith.constant 1 : i32
    %jit3A_1684 = arith.constant 0 : i32
    %broadcast_in_dim3A_1685 = vector.broadcast %jit3A_1683 : i32 to vector<16xi32>
    %broadcast_in_dim3A_1686 = vector.broadcast %jit3A_1684 : i32 to vector<16xi32>
    %select_n3A_1687 = arith.select %select_n3A_1673, %broadcast_in_dim3A_1685, %broadcast_in_dim3A_1686 : vector<16xi1>, vector<16xi32>
    %jit3A_1688 = arith.constant 2 : i32
    %jit3A_1689 = arith.constant 0 : i32
    %broadcast_in_dim3A_1690 = vector.broadcast %jit3A_1688 : i32 to vector<16xi32>
    %broadcast_in_dim3A_1691 = vector.broadcast %jit3A_1689 : i32 to vector<16xi32>
    %select_n3A_1692 = arith.select %lt3A_1640, %broadcast_in_dim3A_1690, %broadcast_in_dim3A_1691 : vector<16xi1>, vector<16xi32>
    %add3A_1693 = arith.addi %select_n3A_1687, %select_n3A_1692 : vector<16xi32>
    %swap3A_1694 = arith.constant 4 : i32
    %swap3A_1695 = arith.index_cast %swap3A_1694 : i32 to index
    %swap3A_1696 = arith.constant 16 : index
    %swap3A_1697 = tpu.vector_load %arg12[%swap3A_1695, %swap3A_1696] {strides = array<i32>} : memref<8x64xi32, #tpu.memory_space<vmem>>, vector<1x16xi32>,
    %swap3A_1698 = vector.shape_cast %swap3A_1697 : vector<1x16xi32> to vector<16xi32>
    %swap3A_1699 = vector.shape_cast %add3A_1693 : vector<16xi32> to vector<1x16xi32>
    tpu.vector_store %arg12[%swap3A_1695, %swap3A_1696], %swap3A_1699 {strides = array<i32>} : memref<8x64xi32, #tpu.memory_space<vmem>>, vector<1x16xi32>,
    %get3A_1700 = arith.constant 4 : i32
    %get3A_1701 = arith.index_cast %get3A_1700 : i32 to index
    %get3A_1702 = arith.constant 32 : index
    %get3A_1703 = tpu.vector_load %arg11[%get3A_1701, %get3A_1702] {strides = array<i32>} : memref<8x64xi32, #tpu.memory_space<vmem>>, vector<1x16xi32>,
    %get3A_1704 = vector.shape_cast %get3A_1703 : vector<1x16xi32> to vector<16xi32>
    %lt3A_1705 = arith.constant 0 : i32
    %lt3A_1706 = vector.broadcast %lt3A_1705 : i32 to vector<16xi32>
    %lt3A_1707 = arith.cmpi slt, %get3A_1704, %lt3A_1706 : vector<16xi32>
    %max3A_1708 = arith.constant 0 : i32
    %max3A_1709 = vector.broadcast %max3A_1708 : i32 to vector<16xi32>
    %max3A_1710 = arith.maxsi %get3A_1704, %max3A_1709 : vector<16xi32>
    %ge3A_1711 = arith.constant 45000 : i32
    %ge3A_1712 = vector.broadcast %ge3A_1711 : i32 to vector<16xi32>
    %ge3A_1713 = arith.cmpi sge, %max3A_1710, %ge3A_1712 : vector<16xi32>
    %sub3A_1714 = arith.constant 45000 : i32
    %sub3A_1715 = vector.broadcast %sub3A_1714 : i32 to vector<16xi32>
    %sub3A_1716 = arith.subi %max3A_1710, %sub3A_1715 : vector<16xi32>
    %select_n3A_1717 = arith.select %ge3A_1713, %sub3A_1716, %max3A_1710 : vector<16xi1>, vector<16xi32>
    %get3A_1718 = arith.constant 4 : i32
    %get3A_1719 = arith.index_cast %get3A_1718 : i32 to index
    %get3A_1720 = arith.constant 32 : index
    %get3A_1721 = tpu.vector_load %arg12[%get3A_1719, %get3A_1720] {strides = array<i32>} : memref<8x64xi32, #tpu.memory_space<vmem>>, vector<1x16xi32>,
    %get3A_1722 = vector.shape_cast %get3A_1721 : vector<1x16xi32> to vector<16xi32>
    %max3A_1723 = arith.constant 0 : i32
    %max3A_1724 = vector.broadcast %max3A_1723 : i32 to vector<16xi32>
    %max3A_1725 = arith.maxsi %get3A_1722, %max3A_1724 : vector<16xi32>
    %min3A_1726 = arith.constant 9999 : i32
    %min3A_1727 = vector.broadcast %min3A_1726 : i32 to vector<16xi32>
    %min3A_1728 = arith.minsi %max3A_1725, %min3A_1727 : vector<16xi32>
    %ge3A_1729 = arith.constant 5000 : i32
    %ge3A_1730 = vector.broadcast %ge3A_1729 : i32 to vector<16xi32>
    %ge3A_1731 = arith.cmpi sge, %min3A_1728, %ge3A_1730 : vector<16xi32>
    %sub3A_1732 = arith.constant 5000 : i32
    %sub3A_1733 = vector.broadcast %sub3A_1732 : i32 to vector<16xi32>
    %sub3A_1734 = arith.subi %min3A_1728, %sub3A_1733 : vector<16xi32>
    %select_n3A_1735 = arith.select %ge3A_1731, %sub3A_1734, %min3A_1728 : vector<16xi1>, vector<16xi32>
    %add3A_1736 = arith.constant 45000 : i32
    %add3A_1737 = vector.broadcast %add3A_1736 : i32 to vector<16xi32>
    %add3A_1738 = arith.addi %select_n3A_1735, %add3A_1737 : vector<16xi32>
    %select_n3A_1739 = arith.select %lt3A_1707, %add3A_1738, %select_n3A_1717 : vector<16xi1>, vector<16xi32>
    %select_n3A_1740 = arith.select %lt3A_1707, %ge3A_1731, %ge3A_1713 : vector<16xi1>, vector<16xi1>
    %min3A_1741 = arith.constant 49999 : i32
    %min3A_1742 = vector.broadcast %min3A_1741 : i32 to vector<16xi32>
    %min3A_1743 = arith.minsi %select_n3A_1739, %min3A_1742 : vector<16xi32>
    %swap3A_1744 = arith.constant 4 : i32
    %swap3A_1745 = arith.index_cast %swap3A_1744 : i32 to index
    %swap3A_1746 = arith.constant 32 : index
    %swap3A_1747 = tpu.vector_load %arg11[%swap3A_1745, %swap3A_1746] {strides = array<i32>} : memref<8x64xi32, #tpu.memory_space<vmem>>, vector<1x16xi32>,
    %swap3A_1748 = vector.shape_cast %swap3A_1747 : vector<1x16xi32> to vector<16xi32>
    %swap3A_1749 = vector.shape_cast %min3A_1743 : vector<16xi32> to vector<1x16xi32>
    tpu.vector_store %arg11[%swap3A_1745, %swap3A_1746], %swap3A_1749 {strides = array<i32>} : memref<8x64xi32, #tpu.memory_space<vmem>>, vector<1x16xi32>,
    %jit3A_1750 = arith.constant 1 : i32
    %jit3A_1751 = arith.constant 0 : i32
    %broadcast_in_dim3A_1752 = vector.broadcast %jit3A_1750 : i32 to vector<16xi32>
    %broadcast_in_dim3A_1753 = vector.broadcast %jit3A_1751 : i32 to vector<16xi32>
    %select_n3A_1754 = arith.select %select_n3A_1740, %broadcast_in_dim3A_1752, %broadcast_in_dim3A_1753 : vector<16xi1>, vector<16xi32>
    %jit3A_1755 = arith.constant 2 : i32
    %jit3A_1756 = arith.constant 0 : i32
    %broadcast_in_dim3A_1757 = vector.broadcast %jit3A_1755 : i32 to vector<16xi32>
    %broadcast_in_dim3A_1758 = vector.broadcast %jit3A_1756 : i32 to vector<16xi32>
    %select_n3A_1759 = arith.select %lt3A_1707, %broadcast_in_dim3A_1757, %broadcast_in_dim3A_1758 : vector<16xi1>, vector<16xi32>
    %add3A_1760 = arith.addi %select_n3A_1754, %select_n3A_1759 : vector<16xi32>
    %swap3A_1761 = arith.constant 4 : i32
    %swap3A_1762 = arith.index_cast %swap3A_1761 : i32 to index
    %swap3A_1763 = arith.constant 32 : index
    %swap3A_1764 = tpu.vector_load %arg12[%swap3A_1762, %swap3A_1763] {strides = array<i32>} : memref<8x64xi32, #tpu.memory_space<vmem>>, vector<1x16xi32>,
    %swap3A_1765 = vector.shape_cast %swap3A_1764 : vector<1x16xi32> to vector<16xi32>
    %swap3A_1766 = vector.shape_cast %add3A_1760 : vector<16xi32> to vector<1x16xi32>
    tpu.vector_store %arg12[%swap3A_1762, %swap3A_1763], %swap3A_1766 {strides = array<i32>} : memref<8x64xi32, #tpu.memory_space<vmem>>, vector<1x16xi32>,
    %get3A_1767 = arith.constant 4 : i32
    %get3A_1768 = arith.index_cast %get3A_1767 : i32 to index
    %get3A_1769 = arith.constant 48 : index
    %get3A_1770 = tpu.vector_load %arg11[%get3A_1768, %get3A_1769] {strides = array<i32>} : memref<8x64xi32, #tpu.memory_space<vmem>>, vector<1x16xi32>,
    %get3A_1771 = vector.shape_cast %get3A_1770 : vector<1x16xi32> to vector<16xi32>
    %lt3A_1772 = arith.constant 0 : i32
    %lt3A_1773 = vector.broadcast %lt3A_1772 : i32 to vector<16xi32>
    %lt3A_1774 = arith.cmpi slt, %get3A_1771, %lt3A_1773 : vector<16xi32>
    %max3A_1775 = arith.constant 0 : i32
    %max3A_1776 = vector.broadcast %max3A_1775 : i32 to vector<16xi32>
    %max3A_1777 = arith.maxsi %get3A_1771, %max3A_1776 : vector<16xi32>
    %ge3A_1778 = arith.constant 45000 : i32
    %ge3A_1779 = vector.broadcast %ge3A_1778 : i32 to vector<16xi32>
    %ge3A_1780 = arith.cmpi sge, %max3A_1777, %ge3A_1779 : vector<16xi32>
    %sub3A_1781 = arith.constant 45000 : i32
    %sub3A_1782 = vector.broadcast %sub3A_1781 : i32 to vector<16xi32>
    %sub3A_1783 = arith.subi %max3A_1777, %sub3A_1782 : vector<16xi32>
    %select_n3A_1784 = arith.select %ge3A_1780, %sub3A_1783, %max3A_1777 : vector<16xi1>, vector<16xi32>
    %get3A_1785 = arith.constant 4 : i32
    %get3A_1786 = arith.index_cast %get3A_1785 : i32 to index
    %get3A_1787 = arith.constant 48 : index
    %get3A_1788 = tpu.vector_load %arg12[%get3A_1786, %get3A_1787] {strides = array<i32>} : memref<8x64xi32, #tpu.memory_space<vmem>>, vector<1x16xi32>,
    %get3A_1789 = vector.shape_cast %get3A_1788 : vector<1x16xi32> to vector<16xi32>
    %max3A_1790 = arith.constant 0 : i32
    %max3A_1791 = vector.broadcast %max3A_1790 : i32 to vector<16xi32>
    %max3A_1792 = arith.maxsi %get3A_1789, %max3A_1791 : vector<16xi32>
    %min3A_1793 = arith.constant 9999 : i32
    %min3A_1794 = vector.broadcast %min3A_1793 : i32 to vector<16xi32>
    %min3A_1795 = arith.minsi %max3A_1792, %min3A_1794 : vector<16xi32>
    %ge3A_1796 = arith.constant 5000 : i32
    %ge3A_1797 = vector.broadcast %ge3A_1796 : i32 to vector<16xi32>
    %ge3A_1798 = arith.cmpi sge, %min3A_1795, %ge3A_1797 : vector<16xi32>
    %sub3A_1799 = arith.constant 5000 : i32
    %sub3A_1800 = vector.broadcast %sub3A_1799 : i32 to vector<16xi32>
    %sub3A_1801 = arith.subi %min3A_1795, %sub3A_1800 : vector<16xi32>
    %select_n3A_1802 = arith.select %ge3A_1798, %sub3A_1801, %min3A_1795 : vector<16xi1>, vector<16xi32>
    %add3A_1803 = arith.constant 45000 : i32
    %add3A_1804 = vector.broadcast %add3A_1803 : i32 to vector<16xi32>
    %add3A_1805 = arith.addi %select_n3A_1802, %add3A_1804 : vector<16xi32>
    %select_n3A_1806 = arith.select %lt3A_1774, %add3A_1805, %select_n3A_1784 : vector<16xi1>, vector<16xi32>
    %select_n3A_1807 = arith.select %lt3A_1774, %ge3A_1798, %ge3A_1780 : vector<16xi1>, vector<16xi1>
    %min3A_1808 = arith.constant 49999 : i32
    %min3A_1809 = vector.broadcast %min3A_1808 : i32 to vector<16xi32>
    %min3A_1810 = arith.minsi %select_n3A_1806, %min3A_1809 : vector<16xi32>
    %swap3A_1811 = arith.constant 4 : i32
    %swap3A_1812 = arith.index_cast %swap3A_1811 : i32 to index
    %swap3A_1813 = arith.constant 48 : index
    %swap3A_1814 = tpu.vector_load %arg11[%swap3A_1812, %swap3A_1813] {strides = array<i32>} : memref<8x64xi32, #tpu.memory_space<vmem>>, vector<1x16xi32>,
    %swap3A_1815 = vector.shape_cast %swap3A_1814 : vector<1x16xi32> to vector<16xi32>
    %swap3A_1816 = vector.shape_cast %min3A_1810 : vector<16xi32> to vector<1x16xi32>
    tpu.vector_store %arg11[%swap3A_1812, %swap3A_1813], %swap3A_1816 {strides = array<i32>} : memref<8x64xi32, #tpu.memory_space<vmem>>, vector<1x16xi32>,
    %jit3A_1817 = arith.constant 1 : i32
    %jit3A_1818 = arith.constant 0 : i32
    %broadcast_in_dim3A_1819 = vector.broadcast %jit3A_1817 : i32 to vector<16xi32>
    %broadcast_in_dim3A_1820 = vector.broadcast %jit3A_1818 : i32 to vector<16xi32>
    %select_n3A_1821 = arith.select %select_n3A_1807, %broadcast_in_dim3A_1819, %broadcast_in_dim3A_1820 : vector<16xi1>, vector<16xi32>
    %jit3A_1822 = arith.constant 2 : i32
    %jit3A_1823 = arith.constant 0 : i32
    %broadcast_in_dim3A_1824 = vector.broadcast %jit3A_1822 : i32 to vector<16xi32>
    %broadcast_in_dim3A_1825 = vector.broadcast %jit3A_1823 : i32 to vector<16xi32>
    %select_n3A_1826 = arith.select %lt3A_1774, %broadcast_in_dim3A_1824, %broadcast_in_dim3A_1825 : vector<16xi1>, vector<16xi32>
    %add3A_1827 = arith.addi %select_n3A_1821, %select_n3A_1826 : vector<16xi32>
    %swap3A_1828 = arith.constant 4 : i32
    %swap3A_1829 = arith.index_cast %swap3A_1828 : i32 to index
    %swap3A_1830 = arith.constant 48 : index
    %swap3A_1831 = tpu.vector_load %arg12[%swap3A_1829, %swap3A_1830] {strides = array<i32>} : memref<8x64xi32, #tpu.memory_space<vmem>>, vector<1x16xi32>,
    %swap3A_1832 = vector.shape_cast %swap3A_1831 : vector<1x16xi32> to vector<16xi32>
    %swap3A_1833 = vector.shape_cast %add3A_1827 : vector<16xi32> to vector<1x16xi32>
    tpu.vector_store %arg12[%swap3A_1829, %swap3A_1830], %swap3A_1833 {strides = array<i32>} : memref<8x64xi32, #tpu.memory_space<vmem>>, vector<1x16xi32>,
    %get3A_1834 = arith.constant 5 : i32
    %get3A_1835 = arith.index_cast %get3A_1834 : i32 to index
    %get3A_1836 = arith.constant 0 : index
    %get3A_1837 = tpu.vector_load %arg11[%get3A_1835, %get3A_1836] {strides = array<i32>} : memref<8x64xi32, #tpu.memory_space<vmem>>, vector<1x16xi32>,
    %get3A_1838 = vector.shape_cast %get3A_1837 : vector<1x16xi32> to vector<16xi32>
    %lt3A_1839 = arith.constant 0 : i32
    %lt3A_1840 = vector.broadcast %lt3A_1839 : i32 to vector<16xi32>
    %lt3A_1841 = arith.cmpi slt, %get3A_1838, %lt3A_1840 : vector<16xi32>
    %max3A_1842 = arith.constant 0 : i32
    %max3A_1843 = vector.broadcast %max3A_1842 : i32 to vector<16xi32>
    %max3A_1844 = arith.maxsi %get3A_1838, %max3A_1843 : vector<16xi32>
    %ge3A_1845 = arith.constant 45000 : i32
    %ge3A_1846 = vector.broadcast %ge3A_1845 : i32 to vector<16xi32>
    %ge3A_1847 = arith.cmpi sge, %max3A_1844, %ge3A_1846 : vector<16xi32>
    %sub3A_1848 = arith.constant 45000 : i32
    %sub3A_1849 = vector.broadcast %sub3A_1848 : i32 to vector<16xi32>
    %sub3A_1850 = arith.subi %max3A_1844, %sub3A_1849 : vector<16xi32>
    %select_n3A_1851 = arith.select %ge3A_1847, %sub3A_1850, %max3A_1844 : vector<16xi1>, vector<16xi32>
    %get3A_1852 = arith.constant 5 : i32
    %get3A_1853 = arith.index_cast %get3A_1852 : i32 to index
    %get3A_1854 = arith.constant 0 : index
    %get3A_1855 = tpu.vector_load %arg12[%get3A_1853, %get3A_1854] {strides = array<i32>} : memref<8x64xi32, #tpu.memory_space<vmem>>, vector<1x16xi32>,
    %get3A_1856 = vector.shape_cast %get3A_1855 : vector<1x16xi32> to vector<16xi32>
    %max3A_1857 = arith.constant 0 : i32
    %max3A_1858 = vector.broadcast %max3A_1857 : i32 to vector<16xi32>
    %max3A_1859 = arith.maxsi %get3A_1856, %max3A_1858 : vector<16xi32>
    %min3A_1860 = arith.constant 9999 : i32
    %min3A_1861 = vector.broadcast %min3A_1860 : i32 to vector<16xi32>
    %min3A_1862 = arith.minsi %max3A_1859, %min3A_1861 : vector<16xi32>
    %ge3A_1863 = arith.constant 5000 : i32
    %ge3A_1864 = vector.broadcast %ge3A_1863 : i32 to vector<16xi32>
    %ge3A_1865 = arith.cmpi sge, %min3A_1862, %ge3A_1864 : vector<16xi32>
    %sub3A_1866 = arith.constant 5000 : i32
    %sub3A_1867 = vector.broadcast %sub3A_1866 : i32 to vector<16xi32>
    %sub3A_1868 = arith.subi %min3A_1862, %sub3A_1867 : vector<16xi32>
    %select_n3A_1869 = arith.select %ge3A_1865, %sub3A_1868, %min3A_1862 : vector<16xi1>, vector<16xi32>
    %add3A_1870 = arith.constant 45000 : i32
    %add3A_1871 = vector.broadcast %add3A_1870 : i32 to vector<16xi32>
    %add3A_1872 = arith.addi %select_n3A_1869, %add3A_1871 : vector<16xi32>
    %select_n3A_1873 = arith.select %lt3A_1841, %add3A_1872, %select_n3A_1851 : vector<16xi1>, vector<16xi32>
    %select_n3A_1874 = arith.select %lt3A_1841, %ge3A_1865, %ge3A_1847 : vector<16xi1>, vector<16xi1>
    %min3A_1875 = arith.constant 49999 : i32
    %min3A_1876 = vector.broadcast %min3A_1875 : i32 to vector<16xi32>
    %min3A_1877 = arith.minsi %select_n3A_1873, %min3A_1876 : vector<16xi32>
    %swap3A_1878 = arith.constant 5 : i32
    %swap3A_1879 = arith.index_cast %swap3A_1878 : i32 to index
    %swap3A_1880 = arith.constant 0 : index
    %swap3A_1881 = tpu.vector_load %arg11[%swap3A_1879, %swap3A_1880] {strides = array<i32>} : memref<8x64xi32, #tpu.memory_space<vmem>>, vector<1x16xi32>,
    %swap3A_1882 = vector.shape_cast %swap3A_1881 : vector<1x16xi32> to vector<16xi32>
    %swap3A_1883 = vector.shape_cast %min3A_1877 : vector<16xi32> to vector<1x16xi32>
    tpu.vector_store %arg11[%swap3A_1879, %swap3A_1880], %swap3A_1883 {strides = array<i32>} : memref<8x64xi32, #tpu.memory_space<vmem>>, vector<1x16xi32>,
    %jit3A_1884 = arith.constant 1 : i32
    %jit3A_1885 = arith.constant 0 : i32
    %broadcast_in_dim3A_1886 = vector.broadcast %jit3A_1884 : i32 to vector<16xi32>
    %broadcast_in_dim3A_1887 = vector.broadcast %jit3A_1885 : i32 to vector<16xi32>
    %select_n3A_1888 = arith.select %select_n3A_1874, %broadcast_in_dim3A_1886, %broadcast_in_dim3A_1887 : vector<16xi1>, vector<16xi32>
    %jit3A_1889 = arith.constant 2 : i32
    %jit3A_1890 = arith.constant 0 : i32
    %broadcast_in_dim3A_1891 = vector.broadcast %jit3A_1889 : i32 to vector<16xi32>
    %broadcast_in_dim3A_1892 = vector.broadcast %jit3A_1890 : i32 to vector<16xi32>
    %select_n3A_1893 = arith.select %lt3A_1841, %broadcast_in_dim3A_1891, %broadcast_in_dim3A_1892 : vector<16xi1>, vector<16xi32>
    %add3A_1894 = arith.addi %select_n3A_1888, %select_n3A_1893 : vector<16xi32>
    %swap3A_1895 = arith.constant 5 : i32
    %swap3A_1896 = arith.index_cast %swap3A_1895 : i32 to index
    %swap3A_1897 = arith.constant 0 : index
    %swap3A_1898 = tpu.vector_load %arg12[%swap3A_1896, %swap3A_1897] {strides = array<i32>} : memref<8x64xi32, #tpu.memory_space<vmem>>, vector<1x16xi32>,
    %swap3A_1899 = vector.shape_cast %swap3A_1898 : vector<1x16xi32> to vector<16xi32>
    %swap3A_1900 = vector.shape_cast %add3A_1894 : vector<16xi32> to vector<1x16xi32>
    tpu.vector_store %arg12[%swap3A_1896, %swap3A_1897], %swap3A_1900 {strides = array<i32>} : memref<8x64xi32, #tpu.memory_space<vmem>>, vector<1x16xi32>,
    %get3A_1901 = arith.constant 5 : i32
    %get3A_1902 = arith.index_cast %get3A_1901 : i32 to index
    %get3A_1903 = arith.constant 16 : index
    %get3A_1904 = tpu.vector_load %arg11[%get3A_1902, %get3A_1903] {strides = array<i32>} : memref<8x64xi32, #tpu.memory_space<vmem>>, vector<1x16xi32>,
    %get3A_1905 = vector.shape_cast %get3A_1904 : vector<1x16xi32> to vector<16xi32>
    %lt3A_1906 = arith.constant 0 : i32
    %lt3A_1907 = vector.broadcast %lt3A_1906 : i32 to vector<16xi32>
    %lt3A_1908 = arith.cmpi slt, %get3A_1905, %lt3A_1907 : vector<16xi32>
    %max3A_1909 = arith.constant 0 : i32
    %max3A_1910 = vector.broadcast %max3A_1909 : i32 to vector<16xi32>
    %max3A_1911 = arith.maxsi %get3A_1905, %max3A_1910 : vector<16xi32>
    %ge3A_1912 = arith.constant 45000 : i32
    %ge3A_1913 = vector.broadcast %ge3A_1912 : i32 to vector<16xi32>
    %ge3A_1914 = arith.cmpi sge, %max3A_1911, %ge3A_1913 : vector<16xi32>
    %sub3A_1915 = arith.constant 45000 : i32
    %sub3A_1916 = vector.broadcast %sub3A_1915 : i32 to vector<16xi32>
    %sub3A_1917 = arith.subi %max3A_1911, %sub3A_1916 : vector<16xi32>
    %select_n3A_1918 = arith.select %ge3A_1914, %sub3A_1917, %max3A_1911 : vector<16xi1>, vector<16xi32>
    %get3A_1919 = arith.constant 5 : i32
    %get3A_1920 = arith.index_cast %get3A_1919 : i32 to index
    %get3A_1921 = arith.constant 16 : index
    %get3A_1922 = tpu.vector_load %arg12[%get3A_1920, %get3A_1921] {strides = array<i32>} : memref<8x64xi32, #tpu.memory_space<vmem>>, vector<1x16xi32>,
    %get3A_1923 = vector.shape_cast %get3A_1922 : vector<1x16xi32> to vector<16xi32>
    %max3A_1924 = arith.constant 0 : i32
    %max3A_1925 = vector.broadcast %max3A_1924 : i32 to vector<16xi32>
    %max3A_1926 = arith.maxsi %get3A_1923, %max3A_1925 : vector<16xi32>
    %min3A_1927 = arith.constant 9999 : i32
    %min3A_1928 = vector.broadcast %min3A_1927 : i32 to vector<16xi32>
    %min3A_1929 = arith.minsi %max3A_1926, %min3A_1928 : vector<16xi32>
    %ge3A_1930 = arith.constant 5000 : i32
    %ge3A_1931 = vector.broadcast %ge3A_1930 : i32 to vector<16xi32>
    %ge3A_1932 = arith.cmpi sge, %min3A_1929, %ge3A_1931 : vector<16xi32>
    %sub3A_1933 = arith.constant 5000 : i32
    %sub3A_1934 = vector.broadcast %sub3A_1933 : i32 to vector<16xi32>
    %sub3A_1935 = arith.subi %min3A_1929, %sub3A_1934 : vector<16xi32>
    %select_n3A_1936 = arith.select %ge3A_1932, %sub3A_1935, %min3A_1929 : vector<16xi1>, vector<16xi32>
    %add3A_1937 = arith.constant 45000 : i32
    %add3A_1938 = vector.broadcast %add3A_1937 : i32 to vector<16xi32>
    %add3A_1939 = arith.addi %select_n3A_1936, %add3A_1938 : vector<16xi32>
    %select_n3A_1940 = arith.select %lt3A_1908, %add3A_1939, %select_n3A_1918 : vector<16xi1>, vector<16xi32>
    %select_n3A_1941 = arith.select %lt3A_1908, %ge3A_1932, %ge3A_1914 : vector<16xi1>, vector<16xi1>
    %min3A_1942 = arith.constant 49999 : i32
    %min3A_1943 = vector.broadcast %min3A_1942 : i32 to vector<16xi32>
    %min3A_1944 = arith.minsi %select_n3A_1940, %min3A_1943 : vector<16xi32>
    %swap3A_1945 = arith.constant 5 : i32
    %swap3A_1946 = arith.index_cast %swap3A_1945 : i32 to index
    %swap3A_1947 = arith.constant 16 : index
    %swap3A_1948 = tpu.vector_load %arg11[%swap3A_1946, %swap3A_1947] {strides = array<i32>} : memref<8x64xi32, #tpu.memory_space<vmem>>, vector<1x16xi32>,
    %swap3A_1949 = vector.shape_cast %swap3A_1948 : vector<1x16xi32> to vector<16xi32>
    %swap3A_1950 = vector.shape_cast %min3A_1944 : vector<16xi32> to vector<1x16xi32>
    tpu.vector_store %arg11[%swap3A_1946, %swap3A_1947], %swap3A_1950 {strides = array<i32>} : memref<8x64xi32, #tpu.memory_space<vmem>>, vector<1x16xi32>,
    %jit3A_1951 = arith.constant 1 : i32
    %jit3A_1952 = arith.constant 0 : i32
    %broadcast_in_dim3A_1953 = vector.broadcast %jit3A_1951 : i32 to vector<16xi32>
    %broadcast_in_dim3A_1954 = vector.broadcast %jit3A_1952 : i32 to vector<16xi32>
    %select_n3A_1955 = arith.select %select_n3A_1941, %broadcast_in_dim3A_1953, %broadcast_in_dim3A_1954 : vector<16xi1>, vector<16xi32>
    %jit3A_1956 = arith.constant 2 : i32
    %jit3A_1957 = arith.constant 0 : i32
    %broadcast_in_dim3A_1958 = vector.broadcast %jit3A_1956 : i32 to vector<16xi32>
    %broadcast_in_dim3A_1959 = vector.broadcast %jit3A_1957 : i32 to vector<16xi32>
    %select_n3A_1960 = arith.select %lt3A_1908, %broadcast_in_dim3A_1958, %broadcast_in_dim3A_1959 : vector<16xi1>, vector<16xi32>
    %add3A_1961 = arith.addi %select_n3A_1955, %select_n3A_1960 : vector<16xi32>
    %swap3A_1962 = arith.constant 5 : i32
    %swap3A_1963 = arith.index_cast %swap3A_1962 : i32 to index
    %swap3A_1964 = arith.constant 16 : index
    %swap3A_1965 = tpu.vector_load %arg12[%swap3A_1963, %swap3A_1964] {strides = array<i32>} : memref<8x64xi32, #tpu.memory_space<vmem>>, vector<1x16xi32>,
    %swap3A_1966 = vector.shape_cast %swap3A_1965 : vector<1x16xi32> to vector<16xi32>
    %swap3A_1967 = vector.shape_cast %add3A_1961 : vector<16xi32> to vector<1x16xi32>
    tpu.vector_store %arg12[%swap3A_1963, %swap3A_1964], %swap3A_1967 {strides = array<i32>} : memref<8x64xi32, #tpu.memory_space<vmem>>, vector<1x16xi32>,
    %get3A_1968 = arith.constant 5 : i32
    %get3A_1969 = arith.index_cast %get3A_1968 : i32 to index
    %get3A_1970 = arith.constant 32 : index
    %get3A_1971 = tpu.vector_load %arg11[%get3A_1969, %get3A_1970] {strides = array<i32>} : memref<8x64xi32, #tpu.memory_space<vmem>>, vector<1x16xi32>,
    %get3A_1972 = vector.shape_cast %get3A_1971 : vector<1x16xi32> to vector<16xi32>
    %lt3A_1973 = arith.constant 0 : i32
    %lt3A_1974 = vector.broadcast %lt3A_1973 : i32 to vector<16xi32>
    %lt3A_1975 = arith.cmpi slt, %get3A_1972, %lt3A_1974 : vector<16xi32>
    %max3A_1976 = arith.constant 0 : i32
    %max3A_1977 = vector.broadcast %max3A_1976 : i32 to vector<16xi32>
    %max3A_1978 = arith.maxsi %get3A_1972, %max3A_1977 : vector<16xi32>
    %ge3A_1979 = arith.constant 45000 : i32
    %ge3A_1980 = vector.broadcast %ge3A_1979 : i32 to vector<16xi32>
    %ge3A_1981 = arith.cmpi sge, %max3A_1978, %ge3A_1980 : vector<16xi32>
    %sub3A_1982 = arith.constant 45000 : i32
    %sub3A_1983 = vector.broadcast %sub3A_1982 : i32 to vector<16xi32>
    %sub3A_1984 = arith.subi %max3A_1978, %sub3A_1983 : vector<16xi32>
    %select_n3A_1985 = arith.select %ge3A_1981, %sub3A_1984, %max3A_1978 : vector<16xi1>, vector<16xi32>
    %get3A_1986 = arith.constant 5 : i32
    %get3A_1987 = arith.index_cast %get3A_1986 : i32 to index
    %get3A_1988 = arith.constant 32 : index
    %get3A_1989 = tpu.vector_load %arg12[%get3A_1987, %get3A_1988] {strides = array<i32>} : memref<8x64xi32, #tpu.memory_space<vmem>>, vector<1x16xi32>,
    %get3A_1990 = vector.shape_cast %get3A_1989 : vector<1x16xi32> to vector<16xi32>
    %max3A_1991 = arith.constant 0 : i32
    %max3A_1992 = vector.broadcast %max3A_1991 : i32 to vector<16xi32>
    %max3A_1993 = arith.maxsi %get3A_1990, %max3A_1992 : vector<16xi32>
    %min3A_1994 = arith.constant 9999 : i32
    %min3A_1995 = vector.broadcast %min3A_1994 : i32 to vector<16xi32>
    %min3A_1996 = arith.minsi %max3A_1993, %min3A_1995 : vector<16xi32>
    %ge3A_1997 = arith.constant 5000 : i32
    %ge3A_1998 = vector.broadcast %ge3A_1997 : i32 to vector<16xi32>
    %ge3A_1999 = arith.cmpi sge, %min3A_1996, %ge3A_1998 : vector<16xi32>
    %sub3A_2000 = arith.constant 5000 : i32
    %sub3A_2001 = vector.broadcast %sub3A_2000 : i32 to vector<16xi32>
    %sub3A_2002 = arith.subi %min3A_1996, %sub3A_2001 : vector<16xi32>
    %select_n3A_2003 = arith.select %ge3A_1999, %sub3A_2002, %min3A_1996 : vector<16xi1>, vector<16xi32>
    %add3A_2004 = arith.constant 45000 : i32
    %add3A_2005 = vector.broadcast %add3A_2004 : i32 to vector<16xi32>
    %add3A_2006 = arith.addi %select_n3A_2003, %add3A_2005 : vector<16xi32>
    %select_n3A_2007 = arith.select %lt3A_1975, %add3A_2006, %select_n3A_1985 : vector<16xi1>, vector<16xi32>
    %select_n3A_2008 = arith.select %lt3A_1975, %ge3A_1999, %ge3A_1981 : vector<16xi1>, vector<16xi1>
    %min3A_2009 = arith.constant 49999 : i32
    %min3A_2010 = vector.broadcast %min3A_2009 : i32 to vector<16xi32>
    %min3A_2011 = arith.minsi %select_n3A_2007, %min3A_2010 : vector<16xi32>
    %swap3A_2012 = arith.constant 5 : i32
    %swap3A_2013 = arith.index_cast %swap3A_2012 : i32 to index
    %swap3A_2014 = arith.constant 32 : index
    %swap3A_2015 = tpu.vector_load %arg11[%swap3A_2013, %swap3A_2014] {strides = array<i32>} : memref<8x64xi32, #tpu.memory_space<vmem>>, vector<1x16xi32>,
    %swap3A_2016 = vector.shape_cast %swap3A_2015 : vector<1x16xi32> to vector<16xi32>
    %swap3A_2017 = vector.shape_cast %min3A_2011 : vector<16xi32> to vector<1x16xi32>
    tpu.vector_store %arg11[%swap3A_2013, %swap3A_2014], %swap3A_2017 {strides = array<i32>} : memref<8x64xi32, #tpu.memory_space<vmem>>, vector<1x16xi32>,
    %jit3A_2018 = arith.constant 1 : i32
    %jit3A_2019 = arith.constant 0 : i32
    %broadcast_in_dim3A_2020 = vector.broadcast %jit3A_2018 : i32 to vector<16xi32>
    %broadcast_in_dim3A_2021 = vector.broadcast %jit3A_2019 : i32 to vector<16xi32>
    %select_n3A_2022 = arith.select %select_n3A_2008, %broadcast_in_dim3A_2020, %broadcast_in_dim3A_2021 : vector<16xi1>, vector<16xi32>
    %jit3A_2023 = arith.constant 2 : i32
    %jit3A_2024 = arith.constant 0 : i32
    %broadcast_in_dim3A_2025 = vector.broadcast %jit3A_2023 : i32 to vector<16xi32>
    %broadcast_in_dim3A_2026 = vector.broadcast %jit3A_2024 : i32 to vector<16xi32>
    %select_n3A_2027 = arith.select %lt3A_1975, %broadcast_in_dim3A_2025, %broadcast_in_dim3A_2026 : vector<16xi1>, vector<16xi32>
    %add3A_2028 = arith.addi %select_n3A_2022, %select_n3A_2027 : vector<16xi32>
    %swap3A_2029 = arith.constant 5 : i32
    %swap3A_2030 = arith.index_cast %swap3A_2029 : i32 to index
    %swap3A_2031 = arith.constant 32 : index
    %swap3A_2032 = tpu.vector_load %arg12[%swap3A_2030, %swap3A_2031] {strides = array<i32>} : memref<8x64xi32, #tpu.memory_space<vmem>>, vector<1x16xi32>,
    %swap3A_2033 = vector.shape_cast %swap3A_2032 : vector<1x16xi32> to vector<16xi32>
    %swap3A_2034 = vector.shape_cast %add3A_2028 : vector<16xi32> to vector<1x16xi32>
    tpu.vector_store %arg12[%swap3A_2030, %swap3A_2031], %swap3A_2034 {strides = array<i32>} : memref<8x64xi32, #tpu.memory_space<vmem>>, vector<1x16xi32>,
    %get3A_2035 = arith.constant 5 : i32
    %get3A_2036 = arith.index_cast %get3A_2035 : i32 to index
    %get3A_2037 = arith.constant 48 : index
    %get3A_2038 = tpu.vector_load %arg11[%get3A_2036, %get3A_2037] {strides = array<i32>} : memref<8x64xi32, #tpu.memory_space<vmem>>, vector<1x16xi32>,
    %get3A_2039 = vector.shape_cast %get3A_2038 : vector<1x16xi32> to vector<16xi32>
    %lt3A_2040 = arith.constant 0 : i32
    %lt3A_2041 = vector.broadcast %lt3A_2040 : i32 to vector<16xi32>
    %lt3A_2042 = arith.cmpi slt, %get3A_2039, %lt3A_2041 : vector<16xi32>
    %max3A_2043 = arith.constant 0 : i32
    %max3A_2044 = vector.broadcast %max3A_2043 : i32 to vector<16xi32>
    %max3A_2045 = arith.maxsi %get3A_2039, %max3A_2044 : vector<16xi32>
    %ge3A_2046 = arith.constant 45000 : i32
    %ge3A_2047 = vector.broadcast %ge3A_2046 : i32 to vector<16xi32>
    %ge3A_2048 = arith.cmpi sge, %max3A_2045, %ge3A_2047 : vector<16xi32>
    %sub3A_2049 = arith.constant 45000 : i32
    %sub3A_2050 = vector.broadcast %sub3A_2049 : i32 to vector<16xi32>
    %sub3A_2051 = arith.subi %max3A_2045, %sub3A_2050 : vector<16xi32>
    %select_n3A_2052 = arith.select %ge3A_2048, %sub3A_2051, %max3A_2045 : vector<16xi1>, vector<16xi32>
    %get3A_2053 = arith.constant 5 : i32
    %get3A_2054 = arith.index_cast %get3A_2053 : i32 to index
    %get3A_2055 = arith.constant 48 : index
    %get3A_2056 = tpu.vector_load %arg12[%get3A_2054, %get3A_2055] {strides = array<i32>} : memref<8x64xi32, #tpu.memory_space<vmem>>, vector<1x16xi32>,
    %get3A_2057 = vector.shape_cast %get3A_2056 : vector<1x16xi32> to vector<16xi32>
    %max3A_2058 = arith.constant 0 : i32
    %max3A_2059 = vector.broadcast %max3A_2058 : i32 to vector<16xi32>
    %max3A_2060 = arith.maxsi %get3A_2057, %max3A_2059 : vector<16xi32>
    %min3A_2061 = arith.constant 9999 : i32
    %min3A_2062 = vector.broadcast %min3A_2061 : i32 to vector<16xi32>
    %min3A_2063 = arith.minsi %max3A_2060, %min3A_2062 : vector<16xi32>
    %ge3A_2064 = arith.constant 5000 : i32
    %ge3A_2065 = vector.broadcast %ge3A_2064 : i32 to vector<16xi32>
    %ge3A_2066 = arith.cmpi sge, %min3A_2063, %ge3A_2065 : vector<16xi32>
    %sub3A_2067 = arith.constant 5000 : i32
    %sub3A_2068 = vector.broadcast %sub3A_2067 : i32 to vector<16xi32>
    %sub3A_2069 = arith.subi %min3A_2063, %sub3A_2068 : vector<16xi32>
    %select_n3A_2070 = arith.select %ge3A_2066, %sub3A_2069, %min3A_2063 : vector<16xi1>, vector<16xi32>
    %add3A_2071 = arith.constant 45000 : i32
    %add3A_2072 = vector.broadcast %add3A_2071 : i32 to vector<16xi32>
    %add3A_2073 = arith.addi %select_n3A_2070, %add3A_2072 : vector<16xi32>
    %select_n3A_2074 = arith.select %lt3A_2042, %add3A_2073, %select_n3A_2052 : vector<16xi1>, vector<16xi32>
    %select_n3A_2075 = arith.select %lt3A_2042, %ge3A_2066, %ge3A_2048 : vector<16xi1>, vector<16xi1>
    %min3A_2076 = arith.constant 49999 : i32
    %min3A_2077 = vector.broadcast %min3A_2076 : i32 to vector<16xi32>
    %min3A_2078 = arith.minsi %select_n3A_2074, %min3A_2077 : vector<16xi32>
    %swap3A_2079 = arith.constant 5 : i32
    %swap3A_2080 = arith.index_cast %swap3A_2079 : i32 to index
    %swap3A_2081 = arith.constant 48 : index
    %swap3A_2082 = tpu.vector_load %arg11[%swap3A_2080, %swap3A_2081] {strides = array<i32>} : memref<8x64xi32, #tpu.memory_space<vmem>>, vector<1x16xi32>,
    %swap3A_2083 = vector.shape_cast %swap3A_2082 : vector<1x16xi32> to vector<16xi32>
    %swap3A_2084 = vector.shape_cast %min3A_2078 : vector<16xi32> to vector<1x16xi32>
    tpu.vector_store %arg11[%swap3A_2080, %swap3A_2081], %swap3A_2084 {strides = array<i32>} : memref<8x64xi32, #tpu.memory_space<vmem>>, vector<1x16xi32>,
    %jit3A_2085 = arith.constant 1 : i32
    %jit3A_2086 = arith.constant 0 : i32
    %broadcast_in_dim3A_2087 = vector.broadcast %jit3A_2085 : i32 to vector<16xi32>
    %broadcast_in_dim3A_2088 = vector.broadcast %jit3A_2086 : i32 to vector<16xi32>
    %select_n3A_2089 = arith.select %select_n3A_2075, %broadcast_in_dim3A_2087, %broadcast_in_dim3A_2088 : vector<16xi1>, vector<16xi32>
    %jit3A_2090 = arith.constant 2 : i32
    %jit3A_2091 = arith.constant 0 : i32
    %broadcast_in_dim3A_2092 = vector.broadcast %jit3A_2090 : i32 to vector<16xi32>
    %broadcast_in_dim3A_2093 = vector.broadcast %jit3A_2091 : i32 to vector<16xi32>
    %select_n3A_2094 = arith.select %lt3A_2042, %broadcast_in_dim3A_2092, %broadcast_in_dim3A_2093 : vector<16xi1>, vector<16xi32>
    %add3A_2095 = arith.addi %select_n3A_2089, %select_n3A_2094 : vector<16xi32>
    %swap3A_2096 = arith.constant 5 : i32
    %swap3A_2097 = arith.index_cast %swap3A_2096 : i32 to index
    %swap3A_2098 = arith.constant 48 : index
    %swap3A_2099 = tpu.vector_load %arg12[%swap3A_2097, %swap3A_2098] {strides = array<i32>} : memref<8x64xi32, #tpu.memory_space<vmem>>, vector<1x16xi32>,
    %swap3A_2100 = vector.shape_cast %swap3A_2099 : vector<1x16xi32> to vector<16xi32>
    %swap3A_2101 = vector.shape_cast %add3A_2095 : vector<16xi32> to vector<1x16xi32>
    tpu.vector_store %arg12[%swap3A_2097, %swap3A_2098], %swap3A_2101 {strides = array<i32>} : memref<8x64xi32, #tpu.memory_space<vmem>>, vector<1x16xi32>,
    %get3A_2102 = arith.constant 6 : i32
    %get3A_2103 = arith.index_cast %get3A_2102 : i32 to index
    %get3A_2104 = arith.constant 0 : index
    %get3A_2105 = tpu.vector_load %arg11[%get3A_2103, %get3A_2104] {strides = array<i32>} : memref<8x64xi32, #tpu.memory_space<vmem>>, vector<1x16xi32>,
    %get3A_2106 = vector.shape_cast %get3A_2105 : vector<1x16xi32> to vector<16xi32>
    %lt3A_2107 = arith.constant 0 : i32
    %lt3A_2108 = vector.broadcast %lt3A_2107 : i32 to vector<16xi32>
    %lt3A_2109 = arith.cmpi slt, %get3A_2106, %lt3A_2108 : vector<16xi32>
    %max3A_2110 = arith.constant 0 : i32
    %max3A_2111 = vector.broadcast %max3A_2110 : i32 to vector<16xi32>
    %max3A_2112 = arith.maxsi %get3A_2106, %max3A_2111 : vector<16xi32>
    %ge3A_2113 = arith.constant 45000 : i32
    %ge3A_2114 = vector.broadcast %ge3A_2113 : i32 to vector<16xi32>
    %ge3A_2115 = arith.cmpi sge, %max3A_2112, %ge3A_2114 : vector<16xi32>
    %sub3A_2116 = arith.constant 45000 : i32
    %sub3A_2117 = vector.broadcast %sub3A_2116 : i32 to vector<16xi32>
    %sub3A_2118 = arith.subi %max3A_2112, %sub3A_2117 : vector<16xi32>
    %select_n3A_2119 = arith.select %ge3A_2115, %sub3A_2118, %max3A_2112 : vector<16xi1>, vector<16xi32>
    %get3A_2120 = arith.constant 6 : i32
    %get3A_2121 = arith.index_cast %get3A_2120 : i32 to index
    %get3A_2122 = arith.constant 0 : index
    %get3A_2123 = tpu.vector_load %arg12[%get3A_2121, %get3A_2122] {strides = array<i32>} : memref<8x64xi32, #tpu.memory_space<vmem>>, vector<1x16xi32>,
    %get3A_2124 = vector.shape_cast %get3A_2123 : vector<1x16xi32> to vector<16xi32>
    %max3A_2125 = arith.constant 0 : i32
    %max3A_2126 = vector.broadcast %max3A_2125 : i32 to vector<16xi32>
    %max3A_2127 = arith.maxsi %get3A_2124, %max3A_2126 : vector<16xi32>
    %min3A_2128 = arith.constant 9999 : i32
    %min3A_2129 = vector.broadcast %min3A_2128 : i32 to vector<16xi32>
    %min3A_2130 = arith.minsi %max3A_2127, %min3A_2129 : vector<16xi32>
    %ge3A_2131 = arith.constant 5000 : i32
    %ge3A_2132 = vector.broadcast %ge3A_2131 : i32 to vector<16xi32>
    %ge3A_2133 = arith.cmpi sge, %min3A_2130, %ge3A_2132 : vector<16xi32>
    %sub3A_2134 = arith.constant 5000 : i32
    %sub3A_2135 = vector.broadcast %sub3A_2134 : i32 to vector<16xi32>
    %sub3A_2136 = arith.subi %min3A_2130, %sub3A_2135 : vector<16xi32>
    %select_n3A_2137 = arith.select %ge3A_2133, %sub3A_2136, %min3A_2130 : vector<16xi1>, vector<16xi32>
    %add3A_2138 = arith.constant 45000 : i32
    %add3A_2139 = vector.broadcast %add3A_2138 : i32 to vector<16xi32>
    %add3A_2140 = arith.addi %select_n3A_2137, %add3A_2139 : vector<16xi32>
    %select_n3A_2141 = arith.select %lt3A_2109, %add3A_2140, %select_n3A_2119 : vector<16xi1>, vector<16xi32>
    %select_n3A_2142 = arith.select %lt3A_2109, %ge3A_2133, %ge3A_2115 : vector<16xi1>, vector<16xi1>
    %min3A_2143 = arith.constant 49999 : i32
    %min3A_2144 = vector.broadcast %min3A_2143 : i32 to vector<16xi32>
    %min3A_2145 = arith.minsi %select_n3A_2141, %min3A_2144 : vector<16xi32>
    %swap3A_2146 = arith.constant 6 : i32
    %swap3A_2147 = arith.index_cast %swap3A_2146 : i32 to index
    %swap3A_2148 = arith.constant 0 : index
    %swap3A_2149 = tpu.vector_load %arg11[%swap3A_2147, %swap3A_2148] {strides = array<i32>} : memref<8x64xi32, #tpu.memory_space<vmem>>, vector<1x16xi32>,
    %swap3A_2150 = vector.shape_cast %swap3A_2149 : vector<1x16xi32> to vector<16xi32>
    %swap3A_2151 = vector.shape_cast %min3A_2145 : vector<16xi32> to vector<1x16xi32>
    tpu.vector_store %arg11[%swap3A_2147, %swap3A_2148], %swap3A_2151 {strides = array<i32>} : memref<8x64xi32, #tpu.memory_space<vmem>>, vector<1x16xi32>,
    %jit3A_2152 = arith.constant 1 : i32
    %jit3A_2153 = arith.constant 0 : i32
    %broadcast_in_dim3A_2154 = vector.broadcast %jit3A_2152 : i32 to vector<16xi32>
    %broadcast_in_dim3A_2155 = vector.broadcast %jit3A_2153 : i32 to vector<16xi32>
    %select_n3A_2156 = arith.select %select_n3A_2142, %broadcast_in_dim3A_2154, %broadcast_in_dim3A_2155 : vector<16xi1>, vector<16xi32>
    %jit3A_2157 = arith.constant 2 : i32
    %jit3A_2158 = arith.constant 0 : i32
    %broadcast_in_dim3A_2159 = vector.broadcast %jit3A_2157 : i32 to vector<16xi32>
    %broadcast_in_dim3A_2160 = vector.broadcast %jit3A_2158 : i32 to vector<16xi32>
    %select_n3A_2161 = arith.select %lt3A_2109, %broadcast_in_dim3A_2159, %broadcast_in_dim3A_2160 : vector<16xi1>, vector<16xi32>
    %add3A_2162 = arith.addi %select_n3A_2156, %select_n3A_2161 : vector<16xi32>
    %swap3A_2163 = arith.constant 6 : i32
    %swap3A_2164 = arith.index_cast %swap3A_2163 : i32 to index
    %swap3A_2165 = arith.constant 0 : index
    %swap3A_2166 = tpu.vector_load %arg12[%swap3A_2164, %swap3A_2165] {strides = array<i32>} : memref<8x64xi32, #tpu.memory_space<vmem>>, vector<1x16xi32>,
    %swap3A_2167 = vector.shape_cast %swap3A_2166 : vector<1x16xi32> to vector<16xi32>
    %swap3A_2168 = vector.shape_cast %add3A_2162 : vector<16xi32> to vector<1x16xi32>
    tpu.vector_store %arg12[%swap3A_2164, %swap3A_2165], %swap3A_2168 {strides = array<i32>} : memref<8x64xi32, #tpu.memory_space<vmem>>, vector<1x16xi32>,
    %get3A_2169 = arith.constant 6 : i32
    %get3A_2170 = arith.index_cast %get3A_2169 : i32 to index
    %get3A_2171 = arith.constant 16 : index
    %get3A_2172 = tpu.vector_load %arg11[%get3A_2170, %get3A_2171] {strides = array<i32>} : memref<8x64xi32, #tpu.memory_space<vmem>>, vector<1x16xi32>,
    %get3A_2173 = vector.shape_cast %get3A_2172 : vector<1x16xi32> to vector<16xi32>
    %lt3A_2174 = arith.constant 0 : i32
    %lt3A_2175 = vector.broadcast %lt3A_2174 : i32 to vector<16xi32>
    %lt3A_2176 = arith.cmpi slt, %get3A_2173, %lt3A_2175 : vector<16xi32>
    %max3A_2177 = arith.constant 0 : i32
    %max3A_2178 = vector.broadcast %max3A_2177 : i32 to vector<16xi32>
    %max3A_2179 = arith.maxsi %get3A_2173, %max3A_2178 : vector<16xi32>
    %ge3A_2180 = arith.constant 45000 : i32
    %ge3A_2181 = vector.broadcast %ge3A_2180 : i32 to vector<16xi32>
    %ge3A_2182 = arith.cmpi sge, %max3A_2179, %ge3A_2181 : vector<16xi32>
    %sub3A_2183 = arith.constant 45000 : i32
    %sub3A_2184 = vector.broadcast %sub3A_2183 : i32 to vector<16xi32>
    %sub3A_2185 = arith.subi %max3A_2179, %sub3A_2184 : vector<16xi32>
    %select_n3A_2186 = arith.select %ge3A_2182, %sub3A_2185, %max3A_2179 : vector<16xi1>, vector<16xi32>
    %get3A_2187 = arith.constant 6 : i32
    %get3A_2188 = arith.index_cast %get3A_2187 : i32 to index
    %get3A_2189 = arith.constant 16 : index
    %get3A_2190 = tpu.vector_load %arg12[%get3A_2188, %get3A_2189] {strides = array<i32>} : memref<8x64xi32, #tpu.memory_space<vmem>>, vector<1x16xi32>,
    %get3A_2191 = vector.shape_cast %get3A_2190 : vector<1x16xi32> to vector<16xi32>
    %max3A_2192 = arith.constant 0 : i32
    %max3A_2193 = vector.broadcast %max3A_2192 : i32 to vector<16xi32>
    %max3A_2194 = arith.maxsi %get3A_2191, %max3A_2193 : vector<16xi32>
    %min3A_2195 = arith.constant 9999 : i32
    %min3A_2196 = vector.broadcast %min3A_2195 : i32 to vector<16xi32>
    %min3A_2197 = arith.minsi %max3A_2194, %min3A_2196 : vector<16xi32>
    %ge3A_2198 = arith.constant 5000 : i32
    %ge3A_2199 = vector.broadcast %ge3A_2198 : i32 to vector<16xi32>
    %ge3A_2200 = arith.cmpi sge, %min3A_2197, %ge3A_2199 : vector<16xi32>
    %sub3A_2201 = arith.constant 5000 : i32
    %sub3A_2202 = vector.broadcast %sub3A_2201 : i32 to vector<16xi32>
    %sub3A_2203 = arith.subi %min3A_2197, %sub3A_2202 : vector<16xi32>
    %select_n3A_2204 = arith.select %ge3A_2200, %sub3A_2203, %min3A_2197 : vector<16xi1>, vector<16xi32>
    %add3A_2205 = arith.constant 45000 : i32
    %add3A_2206 = vector.broadcast %add3A_2205 : i32 to vector<16xi32>
    %add3A_2207 = arith.addi %select_n3A_2204, %add3A_2206 : vector<16xi32>
    %select_n3A_2208 = arith.select %lt3A_2176, %add3A_2207, %select_n3A_2186 : vector<16xi1>, vector<16xi32>
    %select_n3A_2209 = arith.select %lt3A_2176, %ge3A_2200, %ge3A_2182 : vector<16xi1>, vector<16xi1>
    %min3A_2210 = arith.constant 49999 : i32
    %min3A_2211 = vector.broadcast %min3A_2210 : i32 to vector<16xi32>
    %min3A_2212 = arith.minsi %select_n3A_2208, %min3A_2211 : vector<16xi32>
    %swap3A_2213 = arith.constant 6 : i32
    %swap3A_2214 = arith.index_cast %swap3A_2213 : i32 to index
    %swap3A_2215 = arith.constant 16 : index
    %swap3A_2216 = tpu.vector_load %arg11[%swap3A_2214, %swap3A_2215] {strides = array<i32>} : memref<8x64xi32, #tpu.memory_space<vmem>>, vector<1x16xi32>,
    %swap3A_2217 = vector.shape_cast %swap3A_2216 : vector<1x16xi32> to vector<16xi32>
    %swap3A_2218 = vector.shape_cast %min3A_2212 : vector<16xi32> to vector<1x16xi32>
    tpu.vector_store %arg11[%swap3A_2214, %swap3A_2215], %swap3A_2218 {strides = array<i32>} : memref<8x64xi32, #tpu.memory_space<vmem>>, vector<1x16xi32>,
    %jit3A_2219 = arith.constant 1 : i32
    %jit3A_2220 = arith.constant 0 : i32
    %broadcast_in_dim3A_2221 = vector.broadcast %jit3A_2219 : i32 to vector<16xi32>
    %broadcast_in_dim3A_2222 = vector.broadcast %jit3A_2220 : i32 to vector<16xi32>
    %select_n3A_2223 = arith.select %select_n3A_2209, %broadcast_in_dim3A_2221, %broadcast_in_dim3A_2222 : vector<16xi1>, vector<16xi32>
    %jit3A_2224 = arith.constant 2 : i32
    %jit3A_2225 = arith.constant 0 : i32
    %broadcast_in_dim3A_2226 = vector.broadcast %jit3A_2224 : i32 to vector<16xi32>
    %broadcast_in_dim3A_2227 = vector.broadcast %jit3A_2225 : i32 to vector<16xi32>
    %select_n3A_2228 = arith.select %lt3A_2176, %broadcast_in_dim3A_2226, %broadcast_in_dim3A_2227 : vector<16xi1>, vector<16xi32>
    %add3A_2229 = arith.addi %select_n3A_2223, %select_n3A_2228 : vector<16xi32>
    %swap3A_2230 = arith.constant 6 : i32
    %swap3A_2231 = arith.index_cast %swap3A_2230 : i32 to index
    %swap3A_2232 = arith.constant 16 : index
    %swap3A_2233 = tpu.vector_load %arg12[%swap3A_2231, %swap3A_2232] {strides = array<i32>} : memref<8x64xi32, #tpu.memory_space<vmem>>, vector<1x16xi32>,
    %swap3A_2234 = vector.shape_cast %swap3A_2233 : vector<1x16xi32> to vector<16xi32>
    %swap3A_2235 = vector.shape_cast %add3A_2229 : vector<16xi32> to vector<1x16xi32>
    tpu.vector_store %arg12[%swap3A_2231, %swap3A_2232], %swap3A_2235 {strides = array<i32>} : memref<8x64xi32, #tpu.memory_space<vmem>>, vector<1x16xi32>,
    %get3A_2236 = arith.constant 6 : i32
    %get3A_2237 = arith.index_cast %get3A_2236 : i32 to index
    %get3A_2238 = arith.constant 32 : index
    %get3A_2239 = tpu.vector_load %arg11[%get3A_2237, %get3A_2238] {strides = array<i32>} : memref<8x64xi32, #tpu.memory_space<vmem>>, vector<1x16xi32>,
    %get3A_2240 = vector.shape_cast %get3A_2239 : vector<1x16xi32> to vector<16xi32>
    %lt3A_2241 = arith.constant 0 : i32
    %lt3A_2242 = vector.broadcast %lt3A_2241 : i32 to vector<16xi32>
    %lt3A_2243 = arith.cmpi slt, %get3A_2240, %lt3A_2242 : vector<16xi32>
    %max3A_2244 = arith.constant 0 : i32
    %max3A_2245 = vector.broadcast %max3A_2244 : i32 to vector<16xi32>
    %max3A_2246 = arith.maxsi %get3A_2240, %max3A_2245 : vector<16xi32>
    %ge3A_2247 = arith.constant 45000 : i32
    %ge3A_2248 = vector.broadcast %ge3A_2247 : i32 to vector<16xi32>
    %ge3A_2249 = arith.cmpi sge, %max3A_2246, %ge3A_2248 : vector<16xi32>
    %sub3A_2250 = arith.constant 45000 : i32
    %sub3A_2251 = vector.broadcast %sub3A_2250 : i32 to vector<16xi32>
    %sub3A_2252 = arith.subi %max3A_2246, %sub3A_2251 : vector<16xi32>
    %select_n3A_2253 = arith.select %ge3A_2249, %sub3A_2252, %max3A_2246 : vector<16xi1>, vector<16xi32>
    %get3A_2254 = arith.constant 6 : i32
    %get3A_2255 = arith.index_cast %get3A_2254 : i32 to index
    %get3A_2256 = arith.constant 32 : index
    %get3A_2257 = tpu.vector_load %arg12[%get3A_2255, %get3A_2256] {strides = array<i32>} : memref<8x64xi32, #tpu.memory_space<vmem>>, vector<1x16xi32>,
    %get3A_2258 = vector.shape_cast %get3A_2257 : vector<1x16xi32> to vector<16xi32>
    %max3A_2259 = arith.constant 0 : i32
    %max3A_2260 = vector.broadcast %max3A_2259 : i32 to vector<16xi32>
    %max3A_2261 = arith.maxsi %get3A_2258, %max3A_2260 : vector<16xi32>
    %min3A_2262 = arith.constant 9999 : i32
    %min3A_2263 = vector.broadcast %min3A_2262 : i32 to vector<16xi32>
    %min3A_2264 = arith.minsi %max3A_2261, %min3A_2263 : vector<16xi32>
    %ge3A_2265 = arith.constant 5000 : i32
    %ge3A_2266 = vector.broadcast %ge3A_2265 : i32 to vector<16xi32>
    %ge3A_2267 = arith.cmpi sge, %min3A_2264, %ge3A_2266 : vector<16xi32>
    %sub3A_2268 = arith.constant 5000 : i32
    %sub3A_2269 = vector.broadcast %sub3A_2268 : i32 to vector<16xi32>
    %sub3A_2270 = arith.subi %min3A_2264, %sub3A_2269 : vector<16xi32>
    %select_n3A_2271 = arith.select %ge3A_2267, %sub3A_2270, %min3A_2264 : vector<16xi1>, vector<16xi32>
    %add3A_2272 = arith.constant 45000 : i32
    %add3A_2273 = vector.broadcast %add3A_2272 : i32 to vector<16xi32>
    %add3A_2274 = arith.addi %select_n3A_2271, %add3A_2273 : vector<16xi32>
    %select_n3A_2275 = arith.select %lt3A_2243, %add3A_2274, %select_n3A_2253 : vector<16xi1>, vector<16xi32>
    %select_n3A_2276 = arith.select %lt3A_2243, %ge3A_2267, %ge3A_2249 : vector<16xi1>, vector<16xi1>
    %min3A_2277 = arith.constant 49999 : i32
    %min3A_2278 = vector.broadcast %min3A_2277 : i32 to vector<16xi32>
    %min3A_2279 = arith.minsi %select_n3A_2275, %min3A_2278 : vector<16xi32>
    %swap3A_2280 = arith.constant 6 : i32
    %swap3A_2281 = arith.index_cast %swap3A_2280 : i32 to index
    %swap3A_2282 = arith.constant 32 : index
    %swap3A_2283 = tpu.vector_load %arg11[%swap3A_2281, %swap3A_2282] {strides = array<i32>} : memref<8x64xi32, #tpu.memory_space<vmem>>, vector<1x16xi32>,
    %swap3A_2284 = vector.shape_cast %swap3A_2283 : vector<1x16xi32> to vector<16xi32>
    %swap3A_2285 = vector.shape_cast %min3A_2279 : vector<16xi32> to vector<1x16xi32>
    tpu.vector_store %arg11[%swap3A_2281, %swap3A_2282], %swap3A_2285 {strides = array<i32>} : memref<8x64xi32, #tpu.memory_space<vmem>>, vector<1x16xi32>,
    %jit3A_2286 = arith.constant 1 : i32
    %jit3A_2287 = arith.constant 0 : i32
    %broadcast_in_dim3A_2288 = vector.broadcast %jit3A_2286 : i32 to vector<16xi32>
    %broadcast_in_dim3A_2289 = vector.broadcast %jit3A_2287 : i32 to vector<16xi32>
    %select_n3A_2290 = arith.select %select_n3A_2276, %broadcast_in_dim3A_2288, %broadcast_in_dim3A_2289 : vector<16xi1>, vector<16xi32>
    %jit3A_2291 = arith.constant 2 : i32
    %jit3A_2292 = arith.constant 0 : i32
    %broadcast_in_dim3A_2293 = vector.broadcast %jit3A_2291 : i32 to vector<16xi32>
    %broadcast_in_dim3A_2294 = vector.broadcast %jit3A_2292 : i32 to vector<16xi32>
    %select_n3A_2295 = arith.select %lt3A_2243, %broadcast_in_dim3A_2293, %broadcast_in_dim3A_2294 : vector<16xi1>, vector<16xi32>
    %add3A_2296 = arith.addi %select_n3A_2290, %select_n3A_2295 : vector<16xi32>
    %swap3A_2297 = arith.constant 6 : i32
    %swap3A_2298 = arith.index_cast %swap3A_2297 : i32 to index
    %swap3A_2299 = arith.constant 32 : index
    %swap3A_2300 = tpu.vector_load %arg12[%swap3A_2298, %swap3A_2299] {strides = array<i32>} : memref<8x64xi32, #tpu.memory_space<vmem>>, vector<1x16xi32>,
    %swap3A_2301 = vector.shape_cast %swap3A_2300 : vector<1x16xi32> to vector<16xi32>
    %swap3A_2302 = vector.shape_cast %add3A_2296 : vector<16xi32> to vector<1x16xi32>
    tpu.vector_store %arg12[%swap3A_2298, %swap3A_2299], %swap3A_2302 {strides = array<i32>} : memref<8x64xi32, #tpu.memory_space<vmem>>, vector<1x16xi32>,
    %get3A_2303 = arith.constant 6 : i32
    %get3A_2304 = arith.index_cast %get3A_2303 : i32 to index
    %get3A_2305 = arith.constant 48 : index
    %get3A_2306 = tpu.vector_load %arg11[%get3A_2304, %get3A_2305] {strides = array<i32>} : memref<8x64xi32, #tpu.memory_space<vmem>>, vector<1x16xi32>,
    %get3A_2307 = vector.shape_cast %get3A_2306 : vector<1x16xi32> to vector<16xi32>
    %lt3A_2308 = arith.constant 0 : i32
    %lt3A_2309 = vector.broadcast %lt3A_2308 : i32 to vector<16xi32>
    %lt3A_2310 = arith.cmpi slt, %get3A_2307, %lt3A_2309 : vector<16xi32>
    %max3A_2311 = arith.constant 0 : i32
    %max3A_2312 = vector.broadcast %max3A_2311 : i32 to vector<16xi32>
    %max3A_2313 = arith.maxsi %get3A_2307, %max3A_2312 : vector<16xi32>
    %ge3A_2314 = arith.constant 45000 : i32
    %ge3A_2315 = vector.broadcast %ge3A_2314 : i32 to vector<16xi32>
    %ge3A_2316 = arith.cmpi sge, %max3A_2313, %ge3A_2315 : vector<16xi32>
    %sub3A_2317 = arith.constant 45000 : i32
    %sub3A_2318 = vector.broadcast %sub3A_2317 : i32 to vector<16xi32>
    %sub3A_2319 = arith.subi %max3A_2313, %sub3A_2318 : vector<16xi32>
    %select_n3A_2320 = arith.select %ge3A_2316, %sub3A_2319, %max3A_2313 : vector<16xi1>, vector<16xi32>
    %get3A_2321 = arith.constant 6 : i32
    %get3A_2322 = arith.index_cast %get3A_2321 : i32 to index
    %get3A_2323 = arith.constant 48 : index
    %get3A_2324 = tpu.vector_load %arg12[%get3A_2322, %get3A_2323] {strides = array<i32>} : memref<8x64xi32, #tpu.memory_space<vmem>>, vector<1x16xi32>,
    %get3A_2325 = vector.shape_cast %get3A_2324 : vector<1x16xi32> to vector<16xi32>
    %max3A_2326 = arith.constant 0 : i32
    %max3A_2327 = vector.broadcast %max3A_2326 : i32 to vector<16xi32>
    %max3A_2328 = arith.maxsi %get3A_2325, %max3A_2327 : vector<16xi32>
    %min3A_2329 = arith.constant 9999 : i32
    %min3A_2330 = vector.broadcast %min3A_2329 : i32 to vector<16xi32>
    %min3A_2331 = arith.minsi %max3A_2328, %min3A_2330 : vector<16xi32>
    %ge3A_2332 = arith.constant 5000 : i32
    %ge3A_2333 = vector.broadcast %ge3A_2332 : i32 to vector<16xi32>
    %ge3A_2334 = arith.cmpi sge, %min3A_2331, %ge3A_2333 : vector<16xi32>
    %sub3A_2335 = arith.constant 5000 : i32
    %sub3A_2336 = vector.broadcast %sub3A_2335 : i32 to vector<16xi32>
    %sub3A_2337 = arith.subi %min3A_2331, %sub3A_2336 : vector<16xi32>
    %select_n3A_2338 = arith.select %ge3A_2334, %sub3A_2337, %min3A_2331 : vector<16xi1>, vector<16xi32>
    %add3A_2339 = arith.constant 45000 : i32
    %add3A_2340 = vector.broadcast %add3A_2339 : i32 to vector<16xi32>
    %add3A_2341 = arith.addi %select_n3A_2338, %add3A_2340 : vector<16xi32>
    %select_n3A_2342 = arith.select %lt3A_2310, %add3A_2341, %select_n3A_2320 : vector<16xi1>, vector<16xi32>
    %select_n3A_2343 = arith.select %lt3A_2310, %ge3A_2334, %ge3A_2316 : vector<16xi1>, vector<16xi1>
    %min3A_2344 = arith.constant 49999 : i32
    %min3A_2345 = vector.broadcast %min3A_2344 : i32 to vector<16xi32>
    %min3A_2346 = arith.minsi %select_n3A_2342, %min3A_2345 : vector<16xi32>
    %swap3A_2347 = arith.constant 6 : i32
    %swap3A_2348 = arith.index_cast %swap3A_2347 : i32 to index
    %swap3A_2349 = arith.constant 48 : index
    %swap3A_2350 = tpu.vector_load %arg11[%swap3A_2348, %swap3A_2349] {strides = array<i32>} : memref<8x64xi32, #tpu.memory_space<vmem>>, vector<1x16xi32>,
    %swap3A_2351 = vector.shape_cast %swap3A_2350 : vector<1x16xi32> to vector<16xi32>
    %swap3A_2352 = vector.shape_cast %min3A_2346 : vector<16xi32> to vector<1x16xi32>
    tpu.vector_store %arg11[%swap3A_2348, %swap3A_2349], %swap3A_2352 {strides = array<i32>} : memref<8x64xi32, #tpu.memory_space<vmem>>, vector<1x16xi32>,
    %jit3A_2353 = arith.constant 1 : i32
    %jit3A_2354 = arith.constant 0 : i32
    %broadcast_in_dim3A_2355 = vector.broadcast %jit3A_2353 : i32 to vector<16xi32>
    %broadcast_in_dim3A_2356 = vector.broadcast %jit3A_2354 : i32 to vector<16xi32>
    %select_n3A_2357 = arith.select %select_n3A_2343, %broadcast_in_dim3A_2355, %broadcast_in_dim3A_2356 : vector<16xi1>, vector<16xi32>
    %jit3A_2358 = arith.constant 2 : i32
    %jit3A_2359 = arith.constant 0 : i32
    %broadcast_in_dim3A_2360 = vector.broadcast %jit3A_2358 : i32 to vector<16xi32>
    %broadcast_in_dim3A_2361 = vector.broadcast %jit3A_2359 : i32 to vector<16xi32>
    %select_n3A_2362 = arith.select %lt3A_2310, %broadcast_in_dim3A_2360, %broadcast_in_dim3A_2361 : vector<16xi1>, vector<16xi32>
    %add3A_2363 = arith.addi %select_n3A_2357, %select_n3A_2362 : vector<16xi32>
    %swap3A_2364 = arith.constant 6 : i32
    %swap3A_2365 = arith.index_cast %swap3A_2364 : i32 to index
    %swap3A_2366 = arith.constant 48 : index
    %swap3A_2367 = tpu.vector_load %arg12[%swap3A_2365, %swap3A_2366] {strides = array<i32>} : memref<8x64xi32, #tpu.memory_space<vmem>>, vector<1x16xi32>,
    %swap3A_2368 = vector.shape_cast %swap3A_2367 : vector<1x16xi32> to vector<16xi32>
    %swap3A_2369 = vector.shape_cast %add3A_2363 : vector<16xi32> to vector<1x16xi32>
    tpu.vector_store %arg12[%swap3A_2365, %swap3A_2366], %swap3A_2369 {strides = array<i32>} : memref<8x64xi32, #tpu.memory_space<vmem>>, vector<1x16xi32>,
    %get3A_2370 = arith.constant 7 : i32
    %get3A_2371 = arith.index_cast %get3A_2370 : i32 to index
    %get3A_2372 = arith.constant 0 : index
    %get3A_2373 = tpu.vector_load %arg11[%get3A_2371, %get3A_2372] {strides = array<i32>} : memref<8x64xi32, #tpu.memory_space<vmem>>, vector<1x16xi32>,
    %get3A_2374 = vector.shape_cast %get3A_2373 : vector<1x16xi32> to vector<16xi32>
    %lt3A_2375 = arith.constant 0 : i32
    %lt3A_2376 = vector.broadcast %lt3A_2375 : i32 to vector<16xi32>
    %lt3A_2377 = arith.cmpi slt, %get3A_2374, %lt3A_2376 : vector<16xi32>
    %max3A_2378 = arith.constant 0 : i32
    %max3A_2379 = vector.broadcast %max3A_2378 : i32 to vector<16xi32>
    %max3A_2380 = arith.maxsi %get3A_2374, %max3A_2379 : vector<16xi32>
    %ge3A_2381 = arith.constant 45000 : i32
    %ge3A_2382 = vector.broadcast %ge3A_2381 : i32 to vector<16xi32>
    %ge3A_2383 = arith.cmpi sge, %max3A_2380, %ge3A_2382 : vector<16xi32>
    %sub3A_2384 = arith.constant 45000 : i32
    %sub3A_2385 = vector.broadcast %sub3A_2384 : i32 to vector<16xi32>
    %sub3A_2386 = arith.subi %max3A_2380, %sub3A_2385 : vector<16xi32>
    %select_n3A_2387 = arith.select %ge3A_2383, %sub3A_2386, %max3A_2380 : vector<16xi1>, vector<16xi32>
    %get3A_2388 = arith.constant 7 : i32
    %get3A_2389 = arith.index_cast %get3A_2388 : i32 to index
    %get3A_2390 = arith.constant 0 : index
    %get3A_2391 = tpu.vector_load %arg12[%get3A_2389, %get3A_2390] {strides = array<i32>} : memref<8x64xi32, #tpu.memory_space<vmem>>, vector<1x16xi32>,
    %get3A_2392 = vector.shape_cast %get3A_2391 : vector<1x16xi32> to vector<16xi32>
    %max3A_2393 = arith.constant 0 : i32
    %max3A_2394 = vector.broadcast %max3A_2393 : i32 to vector<16xi32>
    %max3A_2395 = arith.maxsi %get3A_2392, %max3A_2394 : vector<16xi32>
    %min3A_2396 = arith.constant 9999 : i32
    %min3A_2397 = vector.broadcast %min3A_2396 : i32 to vector<16xi32>
    %min3A_2398 = arith.minsi %max3A_2395, %min3A_2397 : vector<16xi32>
    %ge3A_2399 = arith.constant 5000 : i32
    %ge3A_2400 = vector.broadcast %ge3A_2399 : i32 to vector<16xi32>
    %ge3A_2401 = arith.cmpi sge, %min3A_2398, %ge3A_2400 : vector<16xi32>
    %sub3A_2402 = arith.constant 5000 : i32
    %sub3A_2403 = vector.broadcast %sub3A_2402 : i32 to vector<16xi32>
    %sub3A_2404 = arith.subi %min3A_2398, %sub3A_2403 : vector<16xi32>
    %select_n3A_2405 = arith.select %ge3A_2401, %sub3A_2404, %min3A_2398 : vector<16xi1>, vector<16xi32>
    %add3A_2406 = arith.constant 45000 : i32
    %add3A_2407 = vector.broadcast %add3A_2406 : i32 to vector<16xi32>
    %add3A_2408 = arith.addi %select_n3A_2405, %add3A_2407 : vector<16xi32>
    %select_n3A_2409 = arith.select %lt3A_2377, %add3A_2408, %select_n3A_2387 : vector<16xi1>, vector<16xi32>
    %select_n3A_2410 = arith.select %lt3A_2377, %ge3A_2401, %ge3A_2383 : vector<16xi1>, vector<16xi1>
    %min3A_2411 = arith.constant 49999 : i32
    %min3A_2412 = vector.broadcast %min3A_2411 : i32 to vector<16xi32>
    %min3A_2413 = arith.minsi %select_n3A_2409, %min3A_2412 : vector<16xi32>
    %swap3A_2414 = arith.constant 7 : i32
    %swap3A_2415 = arith.index_cast %swap3A_2414 : i32 to index
    %swap3A_2416 = arith.constant 0 : index
    %swap3A_2417 = tpu.vector_load %arg11[%swap3A_2415, %swap3A_2416] {strides = array<i32>} : memref<8x64xi32, #tpu.memory_space<vmem>>, vector<1x16xi32>,
    %swap3A_2418 = vector.shape_cast %swap3A_2417 : vector<1x16xi32> to vector<16xi32>
    %swap3A_2419 = vector.shape_cast %min3A_2413 : vector<16xi32> to vector<1x16xi32>
    tpu.vector_store %arg11[%swap3A_2415, %swap3A_2416], %swap3A_2419 {strides = array<i32>} : memref<8x64xi32, #tpu.memory_space<vmem>>, vector<1x16xi32>,
    %jit3A_2420 = arith.constant 1 : i32
    %jit3A_2421 = arith.constant 0 : i32
    %broadcast_in_dim3A_2422 = vector.broadcast %jit3A_2420 : i32 to vector<16xi32>
    %broadcast_in_dim3A_2423 = vector.broadcast %jit3A_2421 : i32 to vector<16xi32>
    %select_n3A_2424 = arith.select %select_n3A_2410, %broadcast_in_dim3A_2422, %broadcast_in_dim3A_2423 : vector<16xi1>, vector<16xi32>
    %jit3A_2425 = arith.constant 2 : i32
    %jit3A_2426 = arith.constant 0 : i32
    %broadcast_in_dim3A_2427 = vector.broadcast %jit3A_2425 : i32 to vector<16xi32>
    %broadcast_in_dim3A_2428 = vector.broadcast %jit3A_2426 : i32 to vector<16xi32>
    %select_n3A_2429 = arith.select %lt3A_2377, %broadcast_in_dim3A_2427, %broadcast_in_dim3A_2428 : vector<16xi1>, vector<16xi32>
    %add3A_2430 = arith.addi %select_n3A_2424, %select_n3A_2429 : vector<16xi32>
    %swap3A_2431 = arith.constant 7 : i32
    %swap3A_2432 = arith.index_cast %swap3A_2431 : i32 to index
    %swap3A_2433 = arith.constant 0 : index
    %swap3A_2434 = tpu.vector_load %arg12[%swap3A_2432, %swap3A_2433] {strides = array<i32>} : memref<8x64xi32, #tpu.memory_space<vmem>>, vector<1x16xi32>,
    %swap3A_2435 = vector.shape_cast %swap3A_2434 : vector<1x16xi32> to vector<16xi32>
    %swap3A_2436 = vector.shape_cast %add3A_2430 : vector<16xi32> to vector<1x16xi32>
    tpu.vector_store %arg12[%swap3A_2432, %swap3A_2433], %swap3A_2436 {strides = array<i32>} : memref<8x64xi32, #tpu.memory_space<vmem>>, vector<1x16xi32>,
    %get3A_2437 = arith.constant 7 : i32
    %get3A_2438 = arith.index_cast %get3A_2437 : i32 to index
    %get3A_2439 = arith.constant 16 : index
    %get3A_2440 = tpu.vector_load %arg11[%get3A_2438, %get3A_2439] {strides = array<i32>} : memref<8x64xi32, #tpu.memory_space<vmem>>, vector<1x16xi32>,
    %get3A_2441 = vector.shape_cast %get3A_2440 : vector<1x16xi32> to vector<16xi32>
    %lt3A_2442 = arith.constant 0 : i32
    %lt3A_2443 = vector.broadcast %lt3A_2442 : i32 to vector<16xi32>
    %lt3A_2444 = arith.cmpi slt, %get3A_2441, %lt3A_2443 : vector<16xi32>
    %max3A_2445 = arith.constant 0 : i32
    %max3A_2446 = vector.broadcast %max3A_2445 : i32 to vector<16xi32>
    %max3A_2447 = arith.maxsi %get3A_2441, %max3A_2446 : vector<16xi32>
    %ge3A_2448 = arith.constant 45000 : i32
    %ge3A_2449 = vector.broadcast %ge3A_2448 : i32 to vector<16xi32>
    %ge3A_2450 = arith.cmpi sge, %max3A_2447, %ge3A_2449 : vector<16xi32>
    %sub3A_2451 = arith.constant 45000 : i32
    %sub3A_2452 = vector.broadcast %sub3A_2451 : i32 to vector<16xi32>
    %sub3A_2453 = arith.subi %max3A_2447, %sub3A_2452 : vector<16xi32>
    %select_n3A_2454 = arith.select %ge3A_2450, %sub3A_2453, %max3A_2447 : vector<16xi1>, vector<16xi32>
    %get3A_2455 = arith.constant 7 : i32
    %get3A_2456 = arith.index_cast %get3A_2455 : i32 to index
    %get3A_2457 = arith.constant 16 : index
    %get3A_2458 = tpu.vector_load %arg12[%get3A_2456, %get3A_2457] {strides = array<i32>} : memref<8x64xi32, #tpu.memory_space<vmem>>, vector<1x16xi32>,
    %get3A_2459 = vector.shape_cast %get3A_2458 : vector<1x16xi32> to vector<16xi32>
    %max3A_2460 = arith.constant 0 : i32
    %max3A_2461 = vector.broadcast %max3A_2460 : i32 to vector<16xi32>
    %max3A_2462 = arith.maxsi %get3A_2459, %max3A_2461 : vector<16xi32>
    %min3A_2463 = arith.constant 9999 : i32
    %min3A_2464 = vector.broadcast %min3A_2463 : i32 to vector<16xi32>
    %min3A_2465 = arith.minsi %max3A_2462, %min3A_2464 : vector<16xi32>
    %ge3A_2466 = arith.constant 5000 : i32
    %ge3A_2467 = vector.broadcast %ge3A_2466 : i32 to vector<16xi32>
    %ge3A_2468 = arith.cmpi sge, %min3A_2465, %ge3A_2467 : vector<16xi32>
    %sub3A_2469 = arith.constant 5000 : i32
    %sub3A_2470 = vector.broadcast %sub3A_2469 : i32 to vector<16xi32>
    %sub3A_2471 = arith.subi %min3A_2465, %sub3A_2470 : vector<16xi32>
    %select_n3A_2472 = arith.select %ge3A_2468, %sub3A_2471, %min3A_2465 : vector<16xi1>, vector<16xi32>
    %add3A_2473 = arith.constant 45000 : i32
    %add3A_2474 = vector.broadcast %add3A_2473 : i32 to vector<16xi32>
    %add3A_2475 = arith.addi %select_n3A_2472, %add3A_2474 : vector<16xi32>
    %select_n3A_2476 = arith.select %lt3A_2444, %add3A_2475, %select_n3A_2454 : vector<16xi1>, vector<16xi32>
    %select_n3A_2477 = arith.select %lt3A_2444, %ge3A_2468, %ge3A_2450 : vector<16xi1>, vector<16xi1>
    %min3A_2478 = arith.constant 49999 : i32
    %min3A_2479 = vector.broadcast %min3A_2478 : i32 to vector<16xi32>
    %min3A_2480 = arith.minsi %select_n3A_2476, %min3A_2479 : vector<16xi32>
    %swap3A_2481 = arith.constant 7 : i32
    %swap3A_2482 = arith.index_cast %swap3A_2481 : i32 to index
    %swap3A_2483 = arith.constant 16 : index
    %swap3A_2484 = tpu.vector_load %arg11[%swap3A_2482, %swap3A_2483] {strides = array<i32>} : memref<8x64xi32, #tpu.memory_space<vmem>>, vector<1x16xi32>,
    %swap3A_2485 = vector.shape_cast %swap3A_2484 : vector<1x16xi32> to vector<16xi32>
    %swap3A_2486 = vector.shape_cast %min3A_2480 : vector<16xi32> to vector<1x16xi32>
    tpu.vector_store %arg11[%swap3A_2482, %swap3A_2483], %swap3A_2486 {strides = array<i32>} : memref<8x64xi32, #tpu.memory_space<vmem>>, vector<1x16xi32>,
    %jit3A_2487 = arith.constant 1 : i32
    %jit3A_2488 = arith.constant 0 : i32
    %broadcast_in_dim3A_2489 = vector.broadcast %jit3A_2487 : i32 to vector<16xi32>
    %broadcast_in_dim3A_2490 = vector.broadcast %jit3A_2488 : i32 to vector<16xi32>
    %select_n3A_2491 = arith.select %select_n3A_2477, %broadcast_in_dim3A_2489, %broadcast_in_dim3A_2490 : vector<16xi1>, vector<16xi32>
    %jit3A_2492 = arith.constant 2 : i32
    %jit3A_2493 = arith.constant 0 : i32
    %broadcast_in_dim3A_2494 = vector.broadcast %jit3A_2492 : i32 to vector<16xi32>
    %broadcast_in_dim3A_2495 = vector.broadcast %jit3A_2493 : i32 to vector<16xi32>
    %select_n3A_2496 = arith.select %lt3A_2444, %broadcast_in_dim3A_2494, %broadcast_in_dim3A_2495 : vector<16xi1>, vector<16xi32>
    %add3A_2497 = arith.addi %select_n3A_2491, %select_n3A_2496 : vector<16xi32>
    %swap3A_2498 = arith.constant 7 : i32
    %swap3A_2499 = arith.index_cast %swap3A_2498 : i32 to index
    %swap3A_2500 = arith.constant 16 : index
    %swap3A_2501 = tpu.vector_load %arg12[%swap3A_2499, %swap3A_2500] {strides = array<i32>} : memref<8x64xi32, #tpu.memory_space<vmem>>, vector<1x16xi32>,
    %swap3A_2502 = vector.shape_cast %swap3A_2501 : vector<1x16xi32> to vector<16xi32>
    %swap3A_2503 = vector.shape_cast %add3A_2497 : vector<16xi32> to vector<1x16xi32>
    tpu.vector_store %arg12[%swap3A_2499, %swap3A_2500], %swap3A_2503 {strides = array<i32>} : memref<8x64xi32, #tpu.memory_space<vmem>>, vector<1x16xi32>,
    %get3A_2504 = arith.constant 7 : i32
    %get3A_2505 = arith.index_cast %get3A_2504 : i32 to index
    %get3A_2506 = arith.constant 32 : index
    %get3A_2507 = tpu.vector_load %arg11[%get3A_2505, %get3A_2506] {strides = array<i32>} : memref<8x64xi32, #tpu.memory_space<vmem>>, vector<1x16xi32>,
    %get3A_2508 = vector.shape_cast %get3A_2507 : vector<1x16xi32> to vector<16xi32>
    %lt3A_2509 = arith.constant 0 : i32
    %lt3A_2510 = vector.broadcast %lt3A_2509 : i32 to vector<16xi32>
    %lt3A_2511 = arith.cmpi slt, %get3A_2508, %lt3A_2510 : vector<16xi32>
    %max3A_2512 = arith.constant 0 : i32
    %max3A_2513 = vector.broadcast %max3A_2512 : i32 to vector<16xi32>
    %max3A_2514 = arith.maxsi %get3A_2508, %max3A_2513 : vector<16xi32>
    %ge3A_2515 = arith.constant 45000 : i32
    %ge3A_2516 = vector.broadcast %ge3A_2515 : i32 to vector<16xi32>
    %ge3A_2517 = arith.cmpi sge, %max3A_2514, %ge3A_2516 : vector<16xi32>
    %sub3A_2518 = arith.constant 45000 : i32
    %sub3A_2519 = vector.broadcast %sub3A_2518 : i32 to vector<16xi32>
    %sub3A_2520 = arith.subi %max3A_2514, %sub3A_2519 : vector<16xi32>
    %select_n3A_2521 = arith.select %ge3A_2517, %sub3A_2520, %max3A_2514 : vector<16xi1>, vector<16xi32>
    %get3A_2522 = arith.constant 7 : i32
    %get3A_2523 = arith.index_cast %get3A_2522 : i32 to index
    %get3A_2524 = arith.constant 32 : index
    %get3A_2525 = tpu.vector_load %arg12[%get3A_2523, %get3A_2524] {strides = array<i32>} : memref<8x64xi32, #tpu.memory_space<vmem>>, vector<1x16xi32>,
    %get3A_2526 = vector.shape_cast %get3A_2525 : vector<1x16xi32> to vector<16xi32>
    %max3A_2527 = arith.constant 0 : i32
    %max3A_2528 = vector.broadcast %max3A_2527 : i32 to vector<16xi32>
    %max3A_2529 = arith.maxsi %get3A_2526, %max3A_2528 : vector<16xi32>
    %min3A_2530 = arith.constant 9999 : i32
    %min3A_2531 = vector.broadcast %min3A_2530 : i32 to vector<16xi32>
    %min3A_2532 = arith.minsi %max3A_2529, %min3A_2531 : vector<16xi32>
    %ge3A_2533 = arith.constant 5000 : i32
    %ge3A_2534 = vector.broadcast %ge3A_2533 : i32 to vector<16xi32>
    %ge3A_2535 = arith.cmpi sge, %min3A_2532, %ge3A_2534 : vector<16xi32>
    %sub3A_2536 = arith.constant 5000 : i32
    %sub3A_2537 = vector.broadcast %sub3A_2536 : i32 to vector<16xi32>
    %sub3A_2538 = arith.subi %min3A_2532, %sub3A_2537 : vector<16xi32>
    %select_n3A_2539 = arith.select %ge3A_2535, %sub3A_2538, %min3A_2532 : vector<16xi1>, vector<16xi32>
    %add3A_2540 = arith.constant 45000 : i32
    %add3A_2541 = vector.broadcast %add3A_2540 : i32 to vector<16xi32>
    %add3A_2542 = arith.addi %select_n3A_2539, %add3A_2541 : vector<16xi32>
    %select_n3A_2543 = arith.select %lt3A_2511, %add3A_2542, %select_n3A_2521 : vector<16xi1>, vector<16xi32>
    %select_n3A_2544 = arith.select %lt3A_2511, %ge3A_2535, %ge3A_2517 : vector<16xi1>, vector<16xi1>
    %min3A_2545 = arith.constant 49999 : i32
    %min3A_2546 = vector.broadcast %min3A_2545 : i32 to vector<16xi32>
    %min3A_2547 = arith.minsi %select_n3A_2543, %min3A_2546 : vector<16xi32>
    %swap3A_2548 = arith.constant 7 : i32
    %swap3A_2549 = arith.index_cast %swap3A_2548 : i32 to index
    %swap3A_2550 = arith.constant 32 : index
    %swap3A_2551 = tpu.vector_load %arg11[%swap3A_2549, %swap3A_2550] {strides = array<i32>} : memref<8x64xi32, #tpu.memory_space<vmem>>, vector<1x16xi32>,
    %swap3A_2552 = vector.shape_cast %swap3A_2551 : vector<1x16xi32> to vector<16xi32>
    %swap3A_2553 = vector.shape_cast %min3A_2547 : vector<16xi32> to vector<1x16xi32>
    tpu.vector_store %arg11[%swap3A_2549, %swap3A_2550], %swap3A_2553 {strides = array<i32>} : memref<8x64xi32, #tpu.memory_space<vmem>>, vector<1x16xi32>,
    %jit3A_2554 = arith.constant 1 : i32
    %jit3A_2555 = arith.constant 0 : i32
    %broadcast_in_dim3A_2556 = vector.broadcast %jit3A_2554 : i32 to vector<16xi32>
    %broadcast_in_dim3A_2557 = vector.broadcast %jit3A_2555 : i32 to vector<16xi32>
    %select_n3A_2558 = arith.select %select_n3A_2544, %broadcast_in_dim3A_2556, %broadcast_in_dim3A_2557 : vector<16xi1>, vector<16xi32>
    %jit3A_2559 = arith.constant 2 : i32
    %jit3A_2560 = arith.constant 0 : i32
    %broadcast_in_dim3A_2561 = vector.broadcast %jit3A_2559 : i32 to vector<16xi32>
    %broadcast_in_dim3A_2562 = vector.broadcast %jit3A_2560 : i32 to vector<16xi32>
    %select_n3A_2563 = arith.select %lt3A_2511, %broadcast_in_dim3A_2561, %broadcast_in_dim3A_2562 : vector<16xi1>, vector<16xi32>
    %add3A_2564 = arith.addi %select_n3A_2558, %select_n3A_2563 : vector<16xi32>
    %swap3A_2565 = arith.constant 7 : i32
    %swap3A_2566 = arith.index_cast %swap3A_2565 : i32 to index
    %swap3A_2567 = arith.constant 32 : index
    %swap3A_2568 = tpu.vector_load %arg12[%swap3A_2566, %swap3A_2567] {strides = array<i32>} : memref<8x64xi32, #tpu.memory_space<vmem>>, vector<1x16xi32>,
    %swap3A_2569 = vector.shape_cast %swap3A_2568 : vector<1x16xi32> to vector<16xi32>
    %swap3A_2570 = vector.shape_cast %add3A_2564 : vector<16xi32> to vector<1x16xi32>
    tpu.vector_store %arg12[%swap3A_2566, %swap3A_2567], %swap3A_2570 {strides = array<i32>} : memref<8x64xi32, #tpu.memory_space<vmem>>, vector<1x16xi32>,
    %get3A_2571 = arith.constant 7 : i32
    %get3A_2572 = arith.index_cast %get3A_2571 : i32 to index
    %get3A_2573 = arith.constant 48 : index
    %get3A_2574 = tpu.vector_load %arg11[%get3A_2572, %get3A_2573] {strides = array<i32>} : memref<8x64xi32, #tpu.memory_space<vmem>>, vector<1x16xi32>,
    %get3A_2575 = vector.shape_cast %get3A_2574 : vector<1x16xi32> to vector<16xi32>
    %lt3A_2576 = arith.constant 0 : i32
    %lt3A_2577 = vector.broadcast %lt3A_2576 : i32 to vector<16xi32>
    %lt3A_2578 = arith.cmpi slt, %get3A_2575, %lt3A_2577 : vector<16xi32>
    %max3A_2579 = arith.constant 0 : i32
    %max3A_2580 = vector.broadcast %max3A_2579 : i32 to vector<16xi32>
    %max3A_2581 = arith.maxsi %get3A_2575, %max3A_2580 : vector<16xi32>
    %ge3A_2582 = arith.constant 45000 : i32
    %ge3A_2583 = vector.broadcast %ge3A_2582 : i32 to vector<16xi32>
    %ge3A_2584 = arith.cmpi sge, %max3A_2581, %ge3A_2583 : vector<16xi32>
    %sub3A_2585 = arith.constant 45000 : i32
    %sub3A_2586 = vector.broadcast %sub3A_2585 : i32 to vector<16xi32>
    %sub3A_2587 = arith.subi %max3A_2581, %sub3A_2586 : vector<16xi32>
    %select_n3A_2588 = arith.select %ge3A_2584, %sub3A_2587, %max3A_2581 : vector<16xi1>, vector<16xi32>
    %get3A_2589 = arith.constant 7 : i32
    %get3A_2590 = arith.index_cast %get3A_2589 : i32 to index
    %get3A_2591 = arith.constant 48 : index
    %get3A_2592 = tpu.vector_load %arg12[%get3A_2590, %get3A_2591] {strides = array<i32>} : memref<8x64xi32, #tpu.memory_space<vmem>>, vector<1x16xi32>,
    %get3A_2593 = vector.shape_cast %get3A_2592 : vector<1x16xi32> to vector<16xi32>
    %max3A_2594 = arith.constant 0 : i32
    %max3A_2595 = vector.broadcast %max3A_2594 : i32 to vector<16xi32>
    %max3A_2596 = arith.maxsi %get3A_2593, %max3A_2595 : vector<16xi32>
    %min3A_2597 = arith.constant 9999 : i32
    %min3A_2598 = vector.broadcast %min3A_2597 : i32 to vector<16xi32>
    %min3A_2599 = arith.minsi %max3A_2596, %min3A_2598 : vector<16xi32>
    %ge3A_2600 = arith.constant 5000 : i32
    %ge3A_2601 = vector.broadcast %ge3A_2600 : i32 to vector<16xi32>
    %ge3A_2602 = arith.cmpi sge, %min3A_2599, %ge3A_2601 : vector<16xi32>
    %sub3A_2603 = arith.constant 5000 : i32
    %sub3A_2604 = vector.broadcast %sub3A_2603 : i32 to vector<16xi32>
    %sub3A_2605 = arith.subi %min3A_2599, %sub3A_2604 : vector<16xi32>
    %select_n3A_2606 = arith.select %ge3A_2602, %sub3A_2605, %min3A_2599 : vector<16xi1>, vector<16xi32>
    %add3A_2607 = arith.constant 45000 : i32
    %add3A_2608 = vector.broadcast %add3A_2607 : i32 to vector<16xi32>
    %add3A_2609 = arith.addi %select_n3A_2606, %add3A_2608 : vector<16xi32>
    %select_n3A_2610 = arith.select %lt3A_2578, %add3A_2609, %select_n3A_2588 : vector<16xi1>, vector<16xi32>
    %select_n3A_2611 = arith.select %lt3A_2578, %ge3A_2602, %ge3A_2584 : vector<16xi1>, vector<16xi1>
    %min3A_2612 = arith.constant 49999 : i32
    %min3A_2613 = vector.broadcast %min3A_2612 : i32 to vector<16xi32>
    %min3A_2614 = arith.minsi %select_n3A_2610, %min3A_2613 : vector<16xi32>
    %swap3A_2615 = arith.constant 7 : i32
    %swap3A_2616 = arith.index_cast %swap3A_2615 : i32 to index
    %swap3A_2617 = arith.constant 48 : index
    %swap3A_2618 = tpu.vector_load %arg11[%swap3A_2616, %swap3A_2617] {strides = array<i32>} : memref<8x64xi32, #tpu.memory_space<vmem>>, vector<1x16xi32>,
    %swap3A_2619 = vector.shape_cast %swap3A_2618 : vector<1x16xi32> to vector<16xi32>
    %swap3A_2620 = vector.shape_cast %min3A_2614 : vector<16xi32> to vector<1x16xi32>
    tpu.vector_store %arg11[%swap3A_2616, %swap3A_2617], %swap3A_2620 {strides = array<i32>} : memref<8x64xi32, #tpu.memory_space<vmem>>, vector<1x16xi32>,
    %jit3A_2621 = arith.constant 1 : i32
    %jit3A_2622 = arith.constant 0 : i32
    %broadcast_in_dim3A_2623 = vector.broadcast %jit3A_2621 : i32 to vector<16xi32>
    %broadcast_in_dim3A_2624 = vector.broadcast %jit3A_2622 : i32 to vector<16xi32>
    %select_n3A_2625 = arith.select %select_n3A_2611, %broadcast_in_dim3A_2623, %broadcast_in_dim3A_2624 : vector<16xi1>, vector<16xi32>
    %jit3A_2626 = arith.constant 2 : i32
    %jit3A_2627 = arith.constant 0 : i32
    %broadcast_in_dim3A_2628 = vector.broadcast %jit3A_2626 : i32 to vector<16xi32>
    %broadcast_in_dim3A_2629 = vector.broadcast %jit3A_2627 : i32 to vector<16xi32>
    %select_n3A_2630 = arith.select %lt3A_2578, %broadcast_in_dim3A_2628, %broadcast_in_dim3A_2629 : vector<16xi1>, vector<16xi32>
    %add3A_2631 = arith.addi %select_n3A_2625, %select_n3A_2630 : vector<16xi32>
    %swap3A_2632 = arith.constant 7 : i32
    %swap3A_2633 = arith.index_cast %swap3A_2632 : i32 to index
    %swap3A_2634 = arith.constant 48 : index
    %swap3A_2635 = tpu.vector_load %arg12[%swap3A_2633, %swap3A_2634] {strides = array<i32>} : memref<8x64xi32, #tpu.memory_space<vmem>>, vector<1x16xi32>,
    %swap3A_2636 = vector.shape_cast %swap3A_2635 : vector<1x16xi32> to vector<16xi32>
    %swap3A_2637 = vector.shape_cast %add3A_2631 : vector<16xi32> to vector<1x16xi32>
    tpu.vector_store %arg12[%swap3A_2633, %swap3A_2634], %swap3A_2637 {strides = array<i32>} : memref<8x64xi32, #tpu.memory_space<vmem>>, vector<1x16xi32>,
    %dma_start3A_2638 = arith.constant 0 : i32
    %dma_start3A_2639 = arith.constant 0 : i32
    %dma_start3A_2640 = tpu.memref_slice %arg9[%add3A, %dma_start3A_2638, %dma_start3A_2639] : memref<32x8x64xi32, #tpu.memory_space<hbm>> -> memref<1x8x64xi32, #tpu.memory_space<hbm>>
    %dma_start3A_2641 = tpu.memref_squeeze %dma_start3A_2640 : memref<1x8x64xi32, #tpu.memory_space<hbm>> -> memref<8x64xi32, #tpu.memory_space<hbm>>
    %dma_start3A_2642 = arith.constant 0 : i32
    %dma_start3A_2643 = arith.constant 0 : i32
    %dma_start3A_2644 = tpu.memref_slice %arg9[%add3A, %dma_start3A_2642, %dma_start3A_2643] : memref<32x8x64xi32, #tpu.memory_space<hbm>> -> memref<1x8x64xi32, #tpu.memory_space<hbm>>
    %dma_start3A_2645 = tpu.memref_squeeze %dma_start3A_2644 : memref<1x8x64xi32, #tpu.memory_space<hbm>> -> memref<8x64xi32, #tpu.memory_space<hbm>>
    tpu.enqueue_dma source(%arg12 : memref<8x64xi32, #tpu.memory_space<vmem>>) target(%dma_start3A_2645 : memref<8x64xi32, #tpu.memory_space<hbm>>) target_semaphore(%arg17 : memref<!tpu.dma_semaphore, #tpu.memory_space<semaphore_mem>>)
    %dma_start3A_2646 = arith.constant 0 : i32
    %dma_start3A_2647 = arith.constant 0 : i32
    %dma_start3A_2648 = tpu.memref_slice %arg8[%add3A, %dma_start3A_2646, %dma_start3A_2647] : memref<32x8x64xf32, #tpu.memory_space<hbm>> -> memref<1x8x64xf32, #tpu.memory_space<hbm>>
    %dma_start3A_2649 = tpu.memref_squeeze %dma_start3A_2648 : memref<1x8x64xf32, #tpu.memory_space<hbm>> -> memref<8x64xf32, #tpu.memory_space<hbm>>
    %dma_start3A_2650 = arith.constant 0 : i32
    %dma_start3A_2651 = arith.constant 0 : i32
    %dma_start3A_2652 = tpu.memref_slice %arg8[%add3A, %dma_start3A_2650, %dma_start3A_2651] : memref<32x8x64xf32, #tpu.memory_space<hbm>> -> memref<1x8x64xf32, #tpu.memory_space<hbm>>
    %dma_start3A_2653 = tpu.memref_squeeze %dma_start3A_2652 : memref<1x8x64xf32, #tpu.memory_space<hbm>> -> memref<8x64xf32, #tpu.memory_space<hbm>>
    tpu.enqueue_dma source(%arg13 : memref<8x64xf32, #tpu.memory_space<vmem>>) target(%dma_start3A_2653 : memref<8x64xf32, #tpu.memory_space<hbm>>) target_semaphore(%arg17 : memref<!tpu.dma_semaphore, #tpu.memory_space<semaphore_mem>>)
    %dma_start3A_2654 = arith.constant 0 : i32
    %dma_start3A_2655 = arith.constant 0 : i32
    %dma_start3A_2656 = arith.constant 0 : i32
    %dma_start3A_2657 = tpu.memref_slice %arg14[%dma_start3A_2655, %dma_start3A_2656] : memref<512x128xf32, #tpu.memory_space<vmem>> -> memref<64x128xf32, #tpu.memory_space<vmem>>
    %dma_start3A_2658 = arith.constant 0 : i32
    %dma_start3A_2659 = tpu.memref_slice %arg11[%dma_start3A_2654, %dma_start3A_2658] : memref<8x64xi32, #tpu.memory_space<vmem>> -> memref<1x64xi32, #tpu.memory_space<vmem>>
    %dma_start3A_2660 = tpu.memref_squeeze %dma_start3A_2659 : memref<1x64xi32, #tpu.memory_space<vmem>> -> memref<64xi32, #tpu.memory_space<vmem>>
    %dma_start3A_2661 = arith.constant 0 : i32
    %dma_start3A_2662 = arith.constant 0 : i32
    %dma_start3A_2663 = tpu.memref_slice %arg6[%dma_start3A_2661, %dma_start3A_2662] : memref<50000x128xf32, #tpu.memory_space<hbm>> -> memref<50000x128xf32, #tpu.memory_space<hbm>>
    tpu.enqueue_indirect_dma source(%dma_start3A_2663 : memref<50000x128xf32, #tpu.memory_space<hbm>>) target(%dma_start3A_2657 : memref<64x128xf32, #tpu.memory_space<vmem>>) offsets(%dma_start3A_2660 : memref<64xi32, #tpu.memory_space<vmem>>) semaphore(%arg16 : memref<!tpu.dma_semaphore, #tpu.memory_space<semaphore_mem>>)
    %dma_start3A_2664 = arith.constant 1 : i32
    %dma_start3A_2665 = arith.constant 64 : i32
    %dma_start3A_2666 = arith.constant 0 : i32
    %dma_start3A_2667 = tpu.memref_slice %arg14[%dma_start3A_2665, %dma_start3A_2666] : memref<512x128xf32, #tpu.memory_space<vmem>> -> memref<64x128xf32, #tpu.memory_space<vmem>>
    %dma_start3A_2668 = arith.constant 0 : i32
    %dma_start3A_2669 = tpu.memref_slice %arg11[%dma_start3A_2664, %dma_start3A_2668] : memref<8x64xi32, #tpu.memory_space<vmem>> -> memref<1x64xi32, #tpu.memory_space<vmem>>
    %dma_start3A_2670 = tpu.memref_squeeze %dma_start3A_2669 : memref<1x64xi32, #tpu.memory_space<vmem>> -> memref<64xi32, #tpu.memory_space<vmem>>
    %dma_start3A_2671 = arith.constant 0 : i32
    %dma_start3A_2672 = arith.constant 0 : i32
    %dma_start3A_2673 = tpu.memref_slice %arg6[%dma_start3A_2671, %dma_start3A_2672] : memref<50000x128xf32, #tpu.memory_space<hbm>> -> memref<50000x128xf32, #tpu.memory_space<hbm>>
    tpu.enqueue_indirect_dma source(%dma_start3A_2673 : memref<50000x128xf32, #tpu.memory_space<hbm>>) target(%dma_start3A_2667 : memref<64x128xf32, #tpu.memory_space<vmem>>) offsets(%dma_start3A_2670 : memref<64xi32, #tpu.memory_space<vmem>>) semaphore(%arg16 : memref<!tpu.dma_semaphore, #tpu.memory_space<semaphore_mem>>)
    %dma_start3A_2674 = arith.constant 2 : i32
    %dma_start3A_2675 = arith.constant 128 : i32
    %dma_start3A_2676 = arith.constant 0 : i32
    %dma_start3A_2677 = tpu.memref_slice %arg14[%dma_start3A_2675, %dma_start3A_2676] : memref<512x128xf32, #tpu.memory_space<vmem>> -> memref<64x128xf32, #tpu.memory_space<vmem>>
    %dma_start3A_2678 = arith.constant 0 : i32
    %dma_start3A_2679 = tpu.memref_slice %arg11[%dma_start3A_2674, %dma_start3A_2678] : memref<8x64xi32, #tpu.memory_space<vmem>> -> memref<1x64xi32, #tpu.memory_space<vmem>>
    %dma_start3A_2680 = tpu.memref_squeeze %dma_start3A_2679 : memref<1x64xi32, #tpu.memory_space<vmem>> -> memref<64xi32, #tpu.memory_space<vmem>>
    %dma_start3A_2681 = arith.constant 0 : i32
    %dma_start3A_2682 = arith.constant 0 : i32
    %dma_start3A_2683 = tpu.memref_slice %arg6[%dma_start3A_2681, %dma_start3A_2682] : memref<50000x128xf32, #tpu.memory_space<hbm>> -> memref<50000x128xf32, #tpu.memory_space<hbm>>
    tpu.enqueue_indirect_dma source(%dma_start3A_2683 : memref<50000x128xf32, #tpu.memory_space<hbm>>) target(%dma_start3A_2677 : memref<64x128xf32, #tpu.memory_space<vmem>>) offsets(%dma_start3A_2680 : memref<64xi32, #tpu.memory_space<vmem>>) semaphore(%arg16 : memref<!tpu.dma_semaphore, #tpu.memory_space<semaphore_mem>>)
    %dma_start3A_2684 = arith.constant 3 : i32
    %dma_start3A_2685 = arith.constant 192 : i32
    %dma_start3A_2686 = arith.constant 0 : i32
    %dma_start3A_2687 = tpu.memref_slice %arg14[%dma_start3A_2685, %dma_start3A_2686] : memref<512x128xf32, #tpu.memory_space<vmem>> -> memref<64x128xf32, #tpu.memory_space<vmem>>
    %dma_start3A_2688 = arith.constant 0 : i32
    %dma_start3A_2689 = tpu.memref_slice %arg11[%dma_start3A_2684, %dma_start3A_2688] : memref<8x64xi32, #tpu.memory_space<vmem>> -> memref<1x64xi32, #tpu.memory_space<vmem>>
    %dma_start3A_2690 = tpu.memref_squeeze %dma_start3A_2689 : memref<1x64xi32, #tpu.memory_space<vmem>> -> memref<64xi32, #tpu.memory_space<vmem>>
    %dma_start3A_2691 = arith.constant 0 : i32
    %dma_start3A_2692 = arith.constant 0 : i32
    %dma_start3A_2693 = tpu.memref_slice %arg6[%dma_start3A_2691, %dma_start3A_2692] : memref<50000x128xf32, #tpu.memory_space<hbm>> -> memref<50000x128xf32, #tpu.memory_space<hbm>>
    tpu.enqueue_indirect_dma source(%dma_start3A_2693 : memref<50000x128xf32, #tpu.memory_space<hbm>>) target(%dma_start3A_2687 : memref<64x128xf32, #tpu.memory_space<vmem>>) offsets(%dma_start3A_2690 : memref<64xi32, #tpu.memory_space<vmem>>) semaphore(%arg16 : memref<!tpu.dma_semaphore, #tpu.memory_space<semaphore_mem>>)
    %dma_start3A_2694 = arith.constant 4 : i32
    %dma_start3A_2695 = arith.constant 256 : i32
    %dma_start3A_2696 = arith.constant 0 : i32
    %dma_start3A_2697 = tpu.memref_slice %arg14[%dma_start3A_2695, %dma_start3A_2696] : memref<512x128xf32, #tpu.memory_space<vmem>> -> memref<64x128xf32, #tpu.memory_space<vmem>>
    %dma_start3A_2698 = arith.constant 0 : i32
    %dma_start3A_2699 = tpu.memref_slice %arg11[%dma_start3A_2694, %dma_start3A_2698] : memref<8x64xi32, #tpu.memory_space<vmem>> -> memref<1x64xi32, #tpu.memory_space<vmem>>
    %dma_start3A_2700 = tpu.memref_squeeze %dma_start3A_2699 : memref<1x64xi32, #tpu.memory_space<vmem>> -> memref<64xi32, #tpu.memory_space<vmem>>
    %dma_start3A_2701 = arith.constant 0 : i32
    %dma_start3A_2702 = arith.constant 0 : i32
    %dma_start3A_2703 = tpu.memref_slice %arg6[%dma_start3A_2701, %dma_start3A_2702] : memref<50000x128xf32, #tpu.memory_space<hbm>> -> memref<50000x128xf32, #tpu.memory_space<hbm>>
    tpu.enqueue_indirect_dma source(%dma_start3A_2703 : memref<50000x128xf32, #tpu.memory_space<hbm>>) target(%dma_start3A_2697 : memref<64x128xf32, #tpu.memory_space<vmem>>) offsets(%dma_start3A_2700 : memref<64xi32, #tpu.memory_space<vmem>>) semaphore(%arg16 : memref<!tpu.dma_semaphore, #tpu.memory_space<semaphore_mem>>)
    %dma_start3A_2704 = arith.constant 5 : i32
    %dma_start3A_2705 = arith.constant 320 : i32
    %dma_start3A_2706 = arith.constant 0 : i32
    %dma_start3A_2707 = tpu.memref_slice %arg14[%dma_start3A_2705, %dma_start3A_2706] : memref<512x128xf32, #tpu.memory_space<vmem>> -> memref<64x128xf32, #tpu.memory_space<vmem>>
    %dma_start3A_2708 = arith.constant 0 : i32
    %dma_start3A_2709 = tpu.memref_slice %arg11[%dma_start3A_2704, %dma_start3A_2708] : memref<8x64xi32, #tpu.memory_space<vmem>> -> memref<1x64xi32, #tpu.memory_space<vmem>>
    %dma_start3A_2710 = tpu.memref_squeeze %dma_start3A_2709 : memref<1x64xi32, #tpu.memory_space<vmem>> -> memref<64xi32, #tpu.memory_space<vmem>>
    %dma_start3A_2711 = arith.constant 0 : i32
    %dma_start3A_2712 = arith.constant 0 : i32
    %dma_start3A_2713 = tpu.memref_slice %arg6[%dma_start3A_2711, %dma_start3A_2712] : memref<50000x128xf32, #tpu.memory_space<hbm>> -> memref<50000x128xf32, #tpu.memory_space<hbm>>
    tpu.enqueue_indirect_dma source(%dma_start3A_2713 : memref<50000x128xf32, #tpu.memory_space<hbm>>) target(%dma_start3A_2707 : memref<64x128xf32, #tpu.memory_space<vmem>>) offsets(%dma_start3A_2710 : memref<64xi32, #tpu.memory_space<vmem>>) semaphore(%arg16 : memref<!tpu.dma_semaphore, #tpu.memory_space<semaphore_mem>>)
    %dma_start3A_2714 = arith.constant 6 : i32
    %dma_start3A_2715 = arith.constant 384 : i32
    %dma_start3A_2716 = arith.constant 0 : i32
    %dma_start3A_2717 = tpu.memref_slice %arg14[%dma_start3A_2715, %dma_start3A_2716] : memref<512x128xf32, #tpu.memory_space<vmem>> -> memref<64x128xf32, #tpu.memory_space<vmem>>
    %dma_start3A_2718 = arith.constant 0 : i32
    %dma_start3A_2719 = tpu.memref_slice %arg11[%dma_start3A_2714, %dma_start3A_2718] : memref<8x64xi32, #tpu.memory_space<vmem>> -> memref<1x64xi32, #tpu.memory_space<vmem>>
    %dma_start3A_2720 = tpu.memref_squeeze %dma_start3A_2719 : memref<1x64xi32, #tpu.memory_space<vmem>> -> memref<64xi32, #tpu.memory_space<vmem>>
    %dma_start3A_2721 = arith.constant 0 : i32
    %dma_start3A_2722 = arith.constant 0 : i32
    %dma_start3A_2723 = tpu.memref_slice %arg6[%dma_start3A_2721, %dma_start3A_2722] : memref<50000x128xf32, #tpu.memory_space<hbm>> -> memref<50000x128xf32, #tpu.memory_space<hbm>>
    tpu.enqueue_indirect_dma source(%dma_start3A_2723 : memref<50000x128xf32, #tpu.memory_space<hbm>>) target(%dma_start3A_2717 : memref<64x128xf32, #tpu.memory_space<vmem>>) offsets(%dma_start3A_2720 : memref<64xi32, #tpu.memory_space<vmem>>) semaphore(%arg16 : memref<!tpu.dma_semaphore, #tpu.memory_space<semaphore_mem>>)
    %dma_start3A_2724 = arith.constant 7 : i32
    %dma_start3A_2725 = arith.constant 448 : i32
    %dma_start3A_2726 = arith.constant 0 : i32
    %dma_start3A_2727 = tpu.memref_slice %arg14[%dma_start3A_2725, %dma_start3A_2726] : memref<512x128xf32, #tpu.memory_space<vmem>> -> memref<64x128xf32, #tpu.memory_space<vmem>>
    %dma_start3A_2728 = arith.constant 0 : i32
    %dma_start3A_2729 = tpu.memref_slice %arg11[%dma_start3A_2724, %dma_start3A_2728] : memref<8x64xi32, #tpu.memory_space<vmem>> -> memref<1x64xi32, #tpu.memory_space<vmem>>
    %dma_start3A_2730 = tpu.memref_squeeze %dma_start3A_2729 : memref<1x64xi32, #tpu.memory_space<vmem>> -> memref<64xi32, #tpu.memory_space<vmem>>
    %dma_start3A_2731 = arith.constant 0 : i32
    %dma_start3A_2732 = arith.constant 0 : i32
    %dma_start3A_2733 = tpu.memref_slice %arg6[%dma_start3A_2731, %dma_start3A_2732] : memref<50000x128xf32, #tpu.memory_space<hbm>> -> memref<50000x128xf32, #tpu.memory_space<hbm>>
    tpu.enqueue_indirect_dma source(%dma_start3A_2733 : memref<50000x128xf32, #tpu.memory_space<hbm>>) target(%dma_start3A_2727 : memref<64x128xf32, #tpu.memory_space<vmem>>) offsets(%dma_start3A_2730 : memref<64xi32, #tpu.memory_space<vmem>>) semaphore(%arg16 : memref<!tpu.dma_semaphore, #tpu.memory_space<semaphore_mem>>)
    %dma_wait3A_2734 = arith.constant 0 : i32
    %dma_wait3A_2735 = arith.constant 0 : i32
    %dma_wait3A_2736 = arith.constant 0 : i32
    %dma_wait3A_2737 = tpu.memref_slice %arg14[%dma_wait3A_2735, %dma_wait3A_2736] : memref<512x128xf32, #tpu.memory_space<vmem>> -> memref<64x128xf32, #tpu.memory_space<vmem>>
    %dma_wait3A_2738 = arith.constant 0 : i32
    %dma_wait3A_2739 = tpu.memref_slice %arg11[%dma_wait3A_2734, %dma_wait3A_2738] : memref<8x64xi32, #tpu.memory_space<vmem>> -> memref<1x64xi32, #tpu.memory_space<vmem>>
    %dma_wait3A_2740 = tpu.memref_squeeze %dma_wait3A_2739 : memref<1x64xi32, #tpu.memory_space<vmem>> -> memref<64xi32, #tpu.memory_space<vmem>>
    %dma_wait3A_2741 = arith.constant 0 : i32
    %dma_wait3A_2742 = arith.constant 0 : i32
    %dma_wait3A_2743 = tpu.memref_slice %arg6[%dma_wait3A_2741, %dma_wait3A_2742] : memref<50000x128xf32, #tpu.memory_space<hbm>> -> memref<50000x128xf32, #tpu.memory_space<hbm>>
    tpu.wait_indirect_dma semaphore(%arg16 : memref<!tpu.dma_semaphore, #tpu.memory_space<semaphore_mem>>) src(%dma_wait3A_2743 : memref<50000x128xf32, #tpu.memory_space<hbm>>) dst(%dma_wait3A_2737 : memref<64x128xf32, #tpu.memory_space<vmem>>)
    %dma_wait3A_2744 = arith.constant 1 : i32
    %dma_wait3A_2745 = arith.constant 64 : i32
    %dma_wait3A_2746 = arith.constant 0 : i32
    %dma_wait3A_2747 = tpu.memref_slice %arg14[%dma_wait3A_2745, %dma_wait3A_2746] : memref<512x128xf32, #tpu.memory_space<vmem>> -> memref<64x128xf32, #tpu.memory_space<vmem>>
    %dma_wait3A_2748 = arith.constant 0 : i32
    %dma_wait3A_2749 = tpu.memref_slice %arg11[%dma_wait3A_2744, %dma_wait3A_2748] : memref<8x64xi32, #tpu.memory_space<vmem>> -> memref<1x64xi32, #tpu.memory_space<vmem>>
    %dma_wait3A_2750 = tpu.memref_squeeze %dma_wait3A_2749 : memref<1x64xi32, #tpu.memory_space<vmem>> -> memref<64xi32, #tpu.memory_space<vmem>>
    %dma_wait3A_2751 = arith.constant 0 : i32
    %dma_wait3A_2752 = arith.constant 0 : i32
    %dma_wait3A_2753 = tpu.memref_slice %arg6[%dma_wait3A_2751, %dma_wait3A_2752] : memref<50000x128xf32, #tpu.memory_space<hbm>> -> memref<50000x128xf32, #tpu.memory_space<hbm>>
    tpu.wait_indirect_dma semaphore(%arg16 : memref<!tpu.dma_semaphore, #tpu.memory_space<semaphore_mem>>) src(%dma_wait3A_2753 : memref<50000x128xf32, #tpu.memory_space<hbm>>) dst(%dma_wait3A_2747 : memref<64x128xf32, #tpu.memory_space<vmem>>)
    %dma_wait3A_2754 = arith.constant 2 : i32
    %dma_wait3A_2755 = arith.constant 128 : i32
    %dma_wait3A_2756 = arith.constant 0 : i32
    %dma_wait3A_2757 = tpu.memref_slice %arg14[%dma_wait3A_2755, %dma_wait3A_2756] : memref<512x128xf32, #tpu.memory_space<vmem>> -> memref<64x128xf32, #tpu.memory_space<vmem>>
    %dma_wait3A_2758 = arith.constant 0 : i32
    %dma_wait3A_2759 = tpu.memref_slice %arg11[%dma_wait3A_2754, %dma_wait3A_2758] : memref<8x64xi32, #tpu.memory_space<vmem>> -> memref<1x64xi32, #tpu.memory_space<vmem>>
    %dma_wait3A_2760 = tpu.memref_squeeze %dma_wait3A_2759 : memref<1x64xi32, #tpu.memory_space<vmem>> -> memref<64xi32, #tpu.memory_space<vmem>>
    %dma_wait3A_2761 = arith.constant 0 : i32
    %dma_wait3A_2762 = arith.constant 0 : i32
    %dma_wait3A_2763 = tpu.memref_slice %arg6[%dma_wait3A_2761, %dma_wait3A_2762] : memref<50000x128xf32, #tpu.memory_space<hbm>> -> memref<50000x128xf32, #tpu.memory_space<hbm>>
    tpu.wait_indirect_dma semaphore(%arg16 : memref<!tpu.dma_semaphore, #tpu.memory_space<semaphore_mem>>) src(%dma_wait3A_2763 : memref<50000x128xf32, #tpu.memory_space<hbm>>) dst(%dma_wait3A_2757 : memref<64x128xf32, #tpu.memory_space<vmem>>)
    %dma_wait3A_2764 = arith.constant 3 : i32
    %dma_wait3A_2765 = arith.constant 192 : i32
    %dma_wait3A_2766 = arith.constant 0 : i32
    %dma_wait3A_2767 = tpu.memref_slice %arg14[%dma_wait3A_2765, %dma_wait3A_2766] : memref<512x128xf32, #tpu.memory_space<vmem>> -> memref<64x128xf32, #tpu.memory_space<vmem>>
    %dma_wait3A_2768 = arith.constant 0 : i32
    %dma_wait3A_2769 = tpu.memref_slice %arg11[%dma_wait3A_2764, %dma_wait3A_2768] : memref<8x64xi32, #tpu.memory_space<vmem>> -> memref<1x64xi32, #tpu.memory_space<vmem>>
    %dma_wait3A_2770 = tpu.memref_squeeze %dma_wait3A_2769 : memref<1x64xi32, #tpu.memory_space<vmem>> -> memref<64xi32, #tpu.memory_space<vmem>>
    %dma_wait3A_2771 = arith.constant 0 : i32
    %dma_wait3A_2772 = arith.constant 0 : i32
    %dma_wait3A_2773 = tpu.memref_slice %arg6[%dma_wait3A_2771, %dma_wait3A_2772] : memref<50000x128xf32, #tpu.memory_space<hbm>> -> memref<50000x128xf32, #tpu.memory_space<hbm>>
    tpu.wait_indirect_dma semaphore(%arg16 : memref<!tpu.dma_semaphore, #tpu.memory_space<semaphore_mem>>) src(%dma_wait3A_2773 : memref<50000x128xf32, #tpu.memory_space<hbm>>) dst(%dma_wait3A_2767 : memref<64x128xf32, #tpu.memory_space<vmem>>)
    %dma_wait3A_2774 = arith.constant 4 : i32
    %dma_wait3A_2775 = arith.constant 256 : i32
    %dma_wait3A_2776 = arith.constant 0 : i32
    %dma_wait3A_2777 = tpu.memref_slice %arg14[%dma_wait3A_2775, %dma_wait3A_2776] : memref<512x128xf32, #tpu.memory_space<vmem>> -> memref<64x128xf32, #tpu.memory_space<vmem>>
    %dma_wait3A_2778 = arith.constant 0 : i32
    %dma_wait3A_2779 = tpu.memref_slice %arg11[%dma_wait3A_2774, %dma_wait3A_2778] : memref<8x64xi32, #tpu.memory_space<vmem>> -> memref<1x64xi32, #tpu.memory_space<vmem>>
    %dma_wait3A_2780 = tpu.memref_squeeze %dma_wait3A_2779 : memref<1x64xi32, #tpu.memory_space<vmem>> -> memref<64xi32, #tpu.memory_space<vmem>>
    %dma_wait3A_2781 = arith.constant 0 : i32
    %dma_wait3A_2782 = arith.constant 0 : i32
    %dma_wait3A_2783 = tpu.memref_slice %arg6[%dma_wait3A_2781, %dma_wait3A_2782] : memref<50000x128xf32, #tpu.memory_space<hbm>> -> memref<50000x128xf32, #tpu.memory_space<hbm>>
    tpu.wait_indirect_dma semaphore(%arg16 : memref<!tpu.dma_semaphore, #tpu.memory_space<semaphore_mem>>) src(%dma_wait3A_2783 : memref<50000x128xf32, #tpu.memory_space<hbm>>) dst(%dma_wait3A_2777 : memref<64x128xf32, #tpu.memory_space<vmem>>)
    %dma_wait3A_2784 = arith.constant 5 : i32
    %dma_wait3A_2785 = arith.constant 320 : i32
    %dma_wait3A_2786 = arith.constant 0 : i32
    %dma_wait3A_2787 = tpu.memref_slice %arg14[%dma_wait3A_2785, %dma_wait3A_2786] : memref<512x128xf32, #tpu.memory_space<vmem>> -> memref<64x128xf32, #tpu.memory_space<vmem>>
    %dma_wait3A_2788 = arith.constant 0 : i32
    %dma_wait3A_2789 = tpu.memref_slice %arg11[%dma_wait3A_2784, %dma_wait3A_2788] : memref<8x64xi32, #tpu.memory_space<vmem>> -> memref<1x64xi32, #tpu.memory_space<vmem>>
    %dma_wait3A_2790 = tpu.memref_squeeze %dma_wait3A_2789 : memref<1x64xi32, #tpu.memory_space<vmem>> -> memref<64xi32, #tpu.memory_space<vmem>>
    %dma_wait3A_2791 = arith.constant 0 : i32
    %dma_wait3A_2792 = arith.constant 0 : i32
    %dma_wait3A_2793 = tpu.memref_slice %arg6[%dma_wait3A_2791, %dma_wait3A_2792] : memref<50000x128xf32, #tpu.memory_space<hbm>> -> memref<50000x128xf32, #tpu.memory_space<hbm>>
    tpu.wait_indirect_dma semaphore(%arg16 : memref<!tpu.dma_semaphore, #tpu.memory_space<semaphore_mem>>) src(%dma_wait3A_2793 : memref<50000x128xf32, #tpu.memory_space<hbm>>) dst(%dma_wait3A_2787 : memref<64x128xf32, #tpu.memory_space<vmem>>)
    %dma_wait3A_2794 = arith.constant 6 : i32
    %dma_wait3A_2795 = arith.constant 384 : i32
    %dma_wait3A_2796 = arith.constant 0 : i32
    %dma_wait3A_2797 = tpu.memref_slice %arg14[%dma_wait3A_2795, %dma_wait3A_2796] : memref<512x128xf32, #tpu.memory_space<vmem>> -> memref<64x128xf32, #tpu.memory_space<vmem>>
    %dma_wait3A_2798 = arith.constant 0 : i32
    %dma_wait3A_2799 = tpu.memref_slice %arg11[%dma_wait3A_2794, %dma_wait3A_2798] : memref<8x64xi32, #tpu.memory_space<vmem>> -> memref<1x64xi32, #tpu.memory_space<vmem>>
    %dma_wait3A_2800 = tpu.memref_squeeze %dma_wait3A_2799 : memref<1x64xi32, #tpu.memory_space<vmem>> -> memref<64xi32, #tpu.memory_space<vmem>>
    %dma_wait3A_2801 = arith.constant 0 : i32
    %dma_wait3A_2802 = arith.constant 0 : i32
    %dma_wait3A_2803 = tpu.memref_slice %arg6[%dma_wait3A_2801, %dma_wait3A_2802] : memref<50000x128xf32, #tpu.memory_space<hbm>> -> memref<50000x128xf32, #tpu.memory_space<hbm>>
    tpu.wait_indirect_dma semaphore(%arg16 : memref<!tpu.dma_semaphore, #tpu.memory_space<semaphore_mem>>) src(%dma_wait3A_2803 : memref<50000x128xf32, #tpu.memory_space<hbm>>) dst(%dma_wait3A_2797 : memref<64x128xf32, #tpu.memory_space<vmem>>)
    %dma_wait3A_2804 = arith.constant 7 : i32
    %dma_wait3A_2805 = arith.constant 448 : i32
    %dma_wait3A_2806 = arith.constant 0 : i32
    %dma_wait3A_2807 = tpu.memref_slice %arg14[%dma_wait3A_2805, %dma_wait3A_2806] : memref<512x128xf32, #tpu.memory_space<vmem>> -> memref<64x128xf32, #tpu.memory_space<vmem>>
    %dma_wait3A_2808 = arith.constant 0 : i32
    %dma_wait3A_2809 = tpu.memref_slice %arg11[%dma_wait3A_2804, %dma_wait3A_2808] : memref<8x64xi32, #tpu.memory_space<vmem>> -> memref<1x64xi32, #tpu.memory_space<vmem>>
    %dma_wait3A_2810 = tpu.memref_squeeze %dma_wait3A_2809 : memref<1x64xi32, #tpu.memory_space<vmem>> -> memref<64xi32, #tpu.memory_space<vmem>>
    %dma_wait3A_2811 = arith.constant 0 : i32
    %dma_wait3A_2812 = arith.constant 0 : i32
    %dma_wait3A_2813 = tpu.memref_slice %arg6[%dma_wait3A_2811, %dma_wait3A_2812] : memref<50000x128xf32, #tpu.memory_space<hbm>> -> memref<50000x128xf32, #tpu.memory_space<hbm>>
    tpu.wait_indirect_dma semaphore(%arg16 : memref<!tpu.dma_semaphore, #tpu.memory_space<semaphore_mem>>) src(%dma_wait3A_2813 : memref<50000x128xf32, #tpu.memory_space<hbm>>) dst(%dma_wait3A_2807 : memref<64x128xf32, #tpu.memory_space<vmem>>)
    "tpu.region"() ({
      %run_scoped3A_2830 = tpu.sem_alloc : memref<!tpu.dma_semaphore, #tpu.memory_space<semaphore_mem>>
      %dma_start3A_2831 = arith.constant 0 : i32
      %dma_start3A_2832 = tpu.memref_slice %arg7[%mul3A_2, %dma_start3A_2831] : memref<16384x128xf32, #tpu.memory_space<hbm>> -> memref<512x128xf32, #tpu.memory_space<hbm>>
      %dma_start3A_2833 = arith.constant 0 : i32
      %dma_start3A_2834 = tpu.memref_slice %arg7[%mul3A_2, %dma_start3A_2833] : memref<16384x128xf32, #tpu.memory_space<hbm>> -> memref<512x128xf32, #tpu.memory_space<hbm>>
      tpu.enqueue_dma source(%arg14 : memref<512x128xf32, #tpu.memory_space<vmem>>) target(%dma_start3A_2834 : memref<512x128xf32, #tpu.memory_space<hbm>>) target_semaphore(%run_scoped3A_2830 : memref<!tpu.dma_semaphore, #tpu.memory_space<semaphore_mem>>)
      %dma_wait3A_2835 = arith.constant 0 : i32
      %dma_wait3A_2836 = tpu.memref_slice %arg7[%mul3A_2, %dma_wait3A_2835] : memref<16384x128xf32, #tpu.memory_space<hbm>> -> memref<512x128xf32, #tpu.memory_space<hbm>>
      %dma_wait3A_2837 = arith.constant 0 : i32
      %dma_wait3A_2838 = tpu.memref_slice %arg7[%mul3A_2, %dma_wait3A_2837] : memref<16384x128xf32, #tpu.memory_space<hbm>> -> memref<512x128xf32, #tpu.memory_space<hbm>>
      tpu.wait_dma2 semaphore(%run_scoped3A_2830 : memref<!tpu.dma_semaphore, #tpu.memory_space<semaphore_mem>>) src(%arg14 : memref<512x128xf32, #tpu.memory_space<vmem>>) dst(%dma_wait3A_2838 : memref<512x128xf32, #tpu.memory_space<hbm>>)
      tpu.yield
    }) : () -> ()
    %dma_wait3A_2814 = arith.constant 0 : i32
    %dma_wait3A_2815 = arith.constant 0 : i32
    %dma_wait3A_2816 = tpu.memref_slice %arg9[%add3A, %dma_wait3A_2814, %dma_wait3A_2815] : memref<32x8x64xi32, #tpu.memory_space<hbm>> -> memref<1x8x64xi32, #tpu.memory_space<hbm>>
    %dma_wait3A_2817 = tpu.memref_squeeze %dma_wait3A_2816 : memref<1x8x64xi32, #tpu.memory_space<hbm>> -> memref<8x64xi32, #tpu.memory_space<hbm>>
    %dma_wait3A_2818 = arith.constant 0 : i32
    %dma_wait3A_2819 = arith.constant 0 : i32
    %dma_wait3A_2820 = tpu.memref_slice %arg9[%add3A, %dma_wait3A_2818, %dma_wait3A_2819] : memref<32x8x64xi32, #tpu.memory_space<hbm>> -> memref<1x8x64xi32, #tpu.memory_space<hbm>>
    %dma_wait3A_2821 = tpu.memref_squeeze %dma_wait3A_2820 : memref<1x8x64xi32, #tpu.memory_space<hbm>> -> memref<8x64xi32, #tpu.memory_space<hbm>>
    tpu.wait_dma2 semaphore(%arg17 : memref<!tpu.dma_semaphore, #tpu.memory_space<semaphore_mem>>) src(%arg12 : memref<8x64xi32, #tpu.memory_space<vmem>>) dst(%dma_wait3A_2821 : memref<8x64xi32, #tpu.memory_space<hbm>>)
    %dma_wait3A_2822 = arith.constant 0 : i32
    %dma_wait3A_2823 = arith.constant 0 : i32
    %dma_wait3A_2824 = tpu.memref_slice %arg8[%add3A, %dma_wait3A_2822, %dma_wait3A_2823] : memref<32x8x64xf32, #tpu.memory_space<hbm>> -> memref<1x8x64xf32, #tpu.memory_space<hbm>>
    %dma_wait3A_2825 = tpu.memref_squeeze %dma_wait3A_2824 : memref<1x8x64xf32, #tpu.memory_space<hbm>> -> memref<8x64xf32, #tpu.memory_space<hbm>>
    %dma_wait3A_2826 = arith.constant 0 : i32
    %dma_wait3A_2827 = arith.constant 0 : i32
    %dma_wait3A_2828 = tpu.memref_slice %arg8[%add3A, %dma_wait3A_2826, %dma_wait3A_2827] : memref<32x8x64xf32, #tpu.memory_space<hbm>> -> memref<1x8x64xf32, #tpu.memory_space<hbm>>
    %dma_wait3A_2829 = tpu.memref_squeeze %dma_wait3A_2828 : memref<1x8x64xf32, #tpu.memory_space<hbm>> -> memref<8x64xf32, #tpu.memory_space<hbm>>
    tpu.wait_dma2 semaphore(%arg17 : memref<!tpu.dma_semaphore, #tpu.memory_space<semaphore_mem>>) src(%arg13 : memref<8x64xf32, #tpu.memory_space<vmem>>) dst(%dma_wait3A_2829 : memref<8x64xf32, #tpu.memory_space<hbm>>)
    return
  }
}

module attributes {stable_mosaic.version = 14 : i64} {
  func.func @_proj_body(%arg0: i32, %arg1: memref<1800x768xf32, #tpu.memory_space<vmem>>, %arg2: memref<1800x768xf32, #tpu.memory_space<vmem>>, %arg3: memref<64x768xf32, #tpu.memory_space<vmem>>, %arg4: memref<1x64xf32, #tpu.memory_space<vmem>>, %arg5: memref<1800x128xf32, #tpu.memory_space<vmem>>) attributes {dimension_semantics = [#tpu.dimension_semantics<arbitrary>], iteration_bounds = array<i64: 25>, scalar_prefetch = 0 : i64, scratch_operands = 0 : i64, tpu.core_type = #tpu.core_type<tc>, window_params = [{transform_indices = @transform_0, window_bounds = array<i64: 1800, 768>}, {transform_indices = @transform_1, window_bounds = array<i64: 1800, 768>}, {pipeline_mode = #tpu.pipeline_mode<synchronous>, transform_indices = @transform_2, window_bounds = array<i64: 64, 768>}, {pipeline_mode = #tpu.pipeline_mode<synchronous>, transform_indices = @transform_3, window_bounds = array<i64: 1, 64>}, {transform_indices = @transform_4, window_bounds = array<i64: 1800, 128>}]} {
    %get3A = arith.constant 0 : index
    %get3A_0 = arith.constant 0 : index
    %get3A_1 = vector.load %arg3[%get3A, %get3A_0] : memref<64x768xf32, #tpu.memory_space<vmem>>, vector<64x768xf32>
    %get3A_2 = arith.constant 0 : index
    %get3A_3 = arith.constant 0 : index
    %get3A_4 = vector.load %arg4[%get3A_2, %get3A_3] : memref<1x64xf32, #tpu.memory_space<vmem>>, vector<1x64xf32>
    %get3A_5 = arith.constant 0 : index
    %get3A_6 = arith.constant 0 : index
    %get3A_7 = vector.load %arg1[%get3A_5, %get3A_6] : memref<1800x768xf32, #tpu.memory_space<vmem>>, vector<1800x768xf32>
    %dot_general3A = arith.constant dense<0.000000e+00> : vector<1800x64xf32>
    %dot_general3A_8 = tpu.matmul %get3A_7, %get3A_1, %dot_general3A {dimension_numbers = #tpu.dot_dimension_numbers<[1], [1], [0], [0], [0, 0, 1, 0], [], []>, transpose_lhs_hint = false} : vector<1800x768xf32>, vector<64x768xf32>, vector<1800x64xf32> -> vector<1800x64xf32>
    %add3A = vector.broadcast %get3A_4 : vector<1x64xf32> to vector<1800x64xf32>
    %add3A_9 = arith.addf %dot_general3A_8, %add3A : vector<1800x64xf32>
    %reduce_sum3A = arith.constant dense<0.000000e+00> : vector<1800xf32>
    %reduce_sum3A_10 = vector.multi_reduction <add>, %add3A_9, %reduce_sum3A [1] : vector<1800x64xf32> to vector<1800xf32>
    %broadcast_in_dim3A = vector.shape_cast %reduce_sum3A_10 : vector<1800xf32> to vector<1800x1xf32>
    %div3A = arith.constant 6.400000e+01 : f32
    %div3A_11 = vector.broadcast %div3A : f32 to vector<1800x1xf32>
    %div3A_12 = arith.divf %broadcast_in_dim3A, %div3A_11 : vector<1800x1xf32>
    %sub3A = vector.broadcast %div3A_12 : vector<1800x1xf32> to vector<1800x64xf32>
    %sub3A_13 = arith.subf %add3A_9, %sub3A : vector<1800x64xf32>
    %mul3A = arith.mulf %sub3A_13, %sub3A_13 : vector<1800x64xf32>
    %reduce_sum3A_14 = arith.constant dense<0.000000e+00> : vector<1800xf32>
    %reduce_sum3A_15 = vector.multi_reduction <add>, %mul3A, %reduce_sum3A_14 [1] : vector<1800x64xf32> to vector<1800xf32>
    %broadcast_in_dim3A_16 = vector.shape_cast %reduce_sum3A_15 : vector<1800xf32> to vector<1800x1xf32>
    %mul3A_17 = arith.constant 0.0158730168 : f32
    %mul3A_18 = vector.broadcast %mul3A_17 : f32 to vector<1800x1xf32>
    %mul3A_19 = arith.mulf %broadcast_in_dim3A_16, %mul3A_18 : vector<1800x1xf32>
    %rsqrt3A = math.rsqrt %mul3A_19 : vector<1800x1xf32>
    %mul3A_20 = vector.broadcast %rsqrt3A : vector<1800x1xf32> to vector<1800x64xf32>
    %mul3A_21 = arith.mulf %add3A_9, %mul3A_20 : vector<1800x64xf32>
    %get3A_22 = arith.constant 0 : index
    %get3A_23 = arith.constant 0 : index
    %get3A_24 = vector.load %arg2[%get3A_22, %get3A_23] : memref<1800x768xf32, #tpu.memory_space<vmem>>, vector<1800x768xf32>
    %dot_general3A_25 = arith.constant dense<0.000000e+00> : vector<1800x64xf32>
    %dot_general3A_26 = tpu.matmul %get3A_24, %get3A_1, %dot_general3A_25 {dimension_numbers = #tpu.dot_dimension_numbers<[1], [1], [0], [0], [0, 0, 1, 0], [], []>, transpose_lhs_hint = false} : vector<1800x768xf32>, vector<64x768xf32>, vector<1800x64xf32> -> vector<1800x64xf32>
    %add3A_27 = vector.broadcast %get3A_4 : vector<1x64xf32> to vector<1800x64xf32>
    %add3A_28 = arith.addf %dot_general3A_26, %add3A_27 : vector<1800x64xf32>
    %reduce_sum3A_29 = arith.constant dense<0.000000e+00> : vector<1800xf32>
    %reduce_sum3A_30 = vector.multi_reduction <add>, %add3A_28, %reduce_sum3A_29 [1] : vector<1800x64xf32> to vector<1800xf32>
    %broadcast_in_dim3A_31 = vector.shape_cast %reduce_sum3A_30 : vector<1800xf32> to vector<1800x1xf32>
    %div3A_32 = arith.constant 6.400000e+01 : f32
    %div3A_33 = vector.broadcast %div3A_32 : f32 to vector<1800x1xf32>
    %div3A_34 = arith.divf %broadcast_in_dim3A_31, %div3A_33 : vector<1800x1xf32>
    %sub3A_35 = vector.broadcast %div3A_34 : vector<1800x1xf32> to vector<1800x64xf32>
    %sub3A_36 = arith.subf %add3A_28, %sub3A_35 : vector<1800x64xf32>
    %mul3A_37 = arith.mulf %sub3A_36, %sub3A_36 : vector<1800x64xf32>
    %reduce_sum3A_38 = arith.constant dense<0.000000e+00> : vector<1800xf32>
    %reduce_sum3A_39 = vector.multi_reduction <add>, %mul3A_37, %reduce_sum3A_38 [1] : vector<1800x64xf32> to vector<1800xf32>
    %broadcast_in_dim3A_40 = vector.shape_cast %reduce_sum3A_39 : vector<1800xf32> to vector<1800x1xf32>
    %mul3A_41 = arith.constant 0.0158730168 : f32
    %mul3A_42 = vector.broadcast %mul3A_41 : f32 to vector<1800x1xf32>
    %mul3A_43 = arith.mulf %broadcast_in_dim3A_40, %mul3A_42 : vector<1800x1xf32>
    %rsqrt3A_44 = math.rsqrt %mul3A_43 : vector<1800x1xf32>
    %mul3A_45 = vector.broadcast %rsqrt3A_44 : vector<1800x1xf32> to vector<1800x64xf32>
    %mul3A_46 = arith.mulf %add3A_28, %mul3A_45 : vector<1800x64xf32>
    %concatenate3A = tpu.concatenate %mul3A_21, %mul3A_46 in 1 : vector<1800x64xf32>, vector<1800x64xf32> -> vector<1800x128xf32>
    %swap3A = arith.constant 0 : index
    %swap3A_47 = arith.constant 0 : index
    %swap3A_48 = vector.load %arg5[%swap3A, %swap3A_47] : memref<1800x128xf32, #tpu.memory_space<vmem>>, vector<1800x128xf32>
    tpu.vector_store %arg5[%swap3A, %swap3A_47], %concatenate3A {strides = array<i32>} : memref<1800x128xf32, #tpu.memory_space<vmem>>, vector<1800x128xf32>,
    return
  }
  func.func @transform_0(%arg0: i32) -> (i32, i32) {
    %c0_i32 = arith.constant 0 : i32
    %c0_i32_0 = arith.constant 0 : i32
    return %arg0, %c0_i32 : i32, i32
  }
  func.func @transform_1(%arg0: i32) -> (i32, i32) {
    %add3A = arith.constant 25 : i32
    %add3A_0 = arith.addi %add3A, %arg0 : i32
    %c0_i32 = arith.constant 0 : i32
    %c0_i32_1 = arith.constant 0 : i32
    return %add3A_0, %c0_i32 : i32, i32
  }
  func.func @transform_2(%arg0: i32) -> (i32, i32) {
    %c0_i32 = arith.constant 0 : i32
    %c0_i32_0 = arith.constant 0 : i32
    %c0_i32_1 = arith.constant 0 : i32
    return %c0_i32, %c0_i32_0 : i32, i32
  }
  func.func @transform_3(%arg0: i32) -> (i32, i32) {
    %c0_i32 = arith.constant 0 : i32
    %c0_i32_0 = arith.constant 0 : i32
    %c0_i32_1 = arith.constant 0 : i32
    return %c0_i32, %c0_i32_0 : i32, i32
  }
  func.func @transform_4(%arg0: i32) -> (i32, i32) {
    %c0_i32 = arith.constant 0 : i32
    %c0_i32_0 = arith.constant 0 : i32
    return %arg0, %c0_i32 : i32, i32
  }
}

module attributes {stable_mosaic.version = 14 : i64} {
  func.func @_miss_body(%arg0: i32, %arg1: memref<1000x64xf32, #tpu.memory_space<vmem>>, %arg2: memref<1000x64xf32, #tpu.memory_space<vmem>>, %arg3: memref<8x128xf32, #tpu.memory_space<vmem>>, %arg4: memref<1000x128xf32, #tpu.memory_space<vmem>>) attributes {dimension_semantics = [#tpu.dimension_semantics<arbitrary>], iteration_bounds = array<i64: 5>, scalar_prefetch = 0 : i64, scratch_operands = 0 : i64, tpu.core_type = #tpu.core_type<tc>, window_params = [{transform_indices = @transform_0, window_bounds = array<i64: 1000, 64>}, {transform_indices = @transform_1, window_bounds = array<i64: 1000, 64>}, {transform_indices = @transform_2, window_bounds = array<i64: 8, 128>}, {transform_indices = @transform_3, window_bounds = array<i64: 1000, 128>}]} {
    %get3A = arith.constant 0 : index
    %get3A_0 = arith.constant 0 : index
    %get3A_1 = vector.load %arg1[%get3A, %get3A_0] : memref<1000x64xf32, #tpu.memory_space<vmem>>, vector<1000x64xf32>
    %get3A_2 = arith.constant 0 : index
    %get3A_3 = arith.constant 0 : index
    %get3A_4 = vector.load %arg2[%get3A_2, %get3A_3] : memref<1000x64xf32, #tpu.memory_space<vmem>>, vector<1000x64xf32>
    %concatenate3A = tpu.concatenate %get3A_1, %get3A_4 in 1 : vector<1000x64xf32>, vector<1000x64xf32> -> vector<1000x128xf32>
    %swap3A = arith.constant 0 : index
    %swap3A_5 = arith.constant 0 : index
    %swap3A_6 = vector.load %arg4[%swap3A, %swap3A_5] : memref<1000x128xf32, #tpu.memory_space<vmem>>, vector<1000x128xf32>
    tpu.vector_store %arg4[%swap3A, %swap3A_5], %concatenate3A {strides = array<i32>} : memref<1000x128xf32, #tpu.memory_space<vmem>>, vector<1000x128xf32>,
    return
  }
  func.func @transform_0(%arg0: i32) -> (i32, i32) {
    %c0_i32 = arith.constant 0 : i32
    %c0_i32_0 = arith.constant 0 : i32
    return %arg0, %c0_i32 : i32, i32
  }
  func.func @transform_1(%arg0: i32) -> (i32, i32) {
    %add3A = arith.constant 5 : i32
    %add3A_0 = arith.addi %add3A, %arg0 : i32
    %c0_i32 = arith.constant 0 : i32
    %c0_i32_1 = arith.constant 0 : i32
    return %add3A_0, %c0_i32 : i32, i32
  }
  func.func @transform_2(%arg0: i32) -> (i32, i32) {
    %c0_i32 = arith.constant 0 : i32
    %c0_i32_0 = arith.constant 0 : i32
    %c0_i32_1 = arith.constant 0 : i32
    return %c0_i32, %c0_i32_0 : i32, i32
  }
  func.func @transform_3(%arg0: i32) -> (i32, i32) {
    %add3A = arith.constant 45 : i32
    %add3A_0 = arith.addi %add3A, %arg0 : i32
    %c0_i32 = arith.constant 0 : i32
    %c0_i32_1 = arith.constant 0 : i32
    return %add3A_0, %c0_i32 : i32, i32
  }
}

module attributes {stable_mosaic.version = 14 : i64} {
  func.func @_final_body(%arg0: i32, %arg1: memref<2048x128xf32, #tpu.memory_space<vmem>>, %arg2: memref<2048x1xf32, #tpu.memory_space<vmem>>, %arg3: memref<2048x1xi32, #tpu.memory_space<vmem>>, %arg4: memref<2048x64xf32, #tpu.memory_space<vmem>>) attributes {dimension_semantics = [#tpu.dimension_semantics<arbitrary>], iteration_bounds = array<i64: 8>, scalar_prefetch = 0 : i64, scratch_operands = 0 : i64, tpu.core_type = #tpu.core_type<tc>, window_params = [{transform_indices = @transform_0, window_bounds = array<i64: 2048, 128>}, {transform_indices = @transform_1, window_bounds = array<i64: 2048, 1>}, {transform_indices = @transform_2, window_bounds = array<i64: 2048, 1>}, {transform_indices = @transform_3, window_bounds = array<i64: 2048, 64>}]} {
    %get3A = arith.constant 0 : index
    %get3A_0 = arith.constant 0 : index
    %get3A_1 = vector.load %arg1[%get3A, %get3A_0] : memref<2048x128xf32, #tpu.memory_space<vmem>>, vector<2048x128xf32>
    %get3A_2 = arith.constant 0 : index
    %get3A_3 = arith.constant 0 : index
    %get3A_4 = vector.load %arg3[%get3A_2, %get3A_3] : memref<2048x1xi32, #tpu.memory_space<vmem>>, vector<2048x1xi32>
    %rem3A = arith.constant 2 : i32
    %rem3A_5 = vector.broadcast %rem3A : i32 to vector<2048x1xi32>
    %rem3A_6 = arith.remsi %get3A_4, %rem3A_5 : vector<2048x1xi32>
    %eq3A = arith.constant 1 : i32
    %eq3A_7 = vector.broadcast %eq3A : i32 to vector<2048x1xi32>
    %eq3A_8 = arith.cmpi eq, %rem3A_6, %eq3A_7 : vector<2048x1xi32>
    %slice3A = vector.extract_strided_slice %get3A_1 {offsets = [0, 64], sizes = [2048, 64], strides = [1, 1]} : vector<2048x128xf32> to vector<2048x64xf32>
    %slice3A_9 = vector.extract_strided_slice %get3A_1 {offsets = [0, 0], sizes = [2048, 64], strides = [1, 1]} : vector<2048x128xf32> to vector<2048x64xf32>
    %broadcast_in_dim3A = vector.shape_cast %eq3A_8 : vector<2048x1xi1> to vector<2048x1xi1>
    %broadcast_in_dim3A_10 = vector.broadcast %broadcast_in_dim3A : vector<2048x1xi1> to vector<2048x64xi1>
    %select_n3A = arith.select %broadcast_in_dim3A_10, %slice3A, %slice3A_9 : vector<2048x64xi1>, vector<2048x64xf32>
    %ge3A = arith.constant 2 : i32
    %ge3A_11 = vector.broadcast %ge3A : i32 to vector<2048x1xi32>
    %ge3A_12 = arith.cmpi sge, %get3A_4, %ge3A_11 : vector<2048x1xi32>
    %get3A_13 = arith.constant 0 : index
    %get3A_14 = arith.constant 0 : index
    %get3A_15 = vector.load %arg2[%get3A_13, %get3A_14] : memref<2048x1xf32, #tpu.memory_space<vmem>>, vector<2048x1xf32>
    %mul3A = vector.broadcast %get3A_15 : vector<2048x1xf32> to vector<2048x64xf32>
    %mul3A_16 = arith.mulf %mul3A, %select_n3A : vector<2048x64xf32>
    %broadcast_in_dim3A_17 = vector.shape_cast %ge3A_12 : vector<2048x1xi1> to vector<2048x1xi1>
    %broadcast_in_dim3A_18 = vector.broadcast %broadcast_in_dim3A_17 : vector<2048x1xi1> to vector<2048x64xi1>
    %select_n3A_19 = arith.select %broadcast_in_dim3A_18, %select_n3A, %mul3A_16 : vector<2048x64xi1>, vector<2048x64xf32>
    %swap3A = arith.constant 0 : index
    %swap3A_20 = arith.constant 0 : index
    %swap3A_21 = vector.load %arg4[%swap3A, %swap3A_20] : memref<2048x64xf32, #tpu.memory_space<vmem>>, vector<2048x64xf32>
    tpu.vector_store %arg4[%swap3A, %swap3A_20], %select_n3A_19 {strides = array<i32>} : memref<2048x64xf32, #tpu.memory_space<vmem>>, vector<2048x64xf32>,
    return
  }
  func.func @transform_0(%arg0: i32) -> (i32, i32) {
    %c0_i32 = arith.constant 0 : i32
    %c0_i32_0 = arith.constant 0 : i32
    return %arg0, %c0_i32 : i32, i32
  }
  func.func @transform_1(%arg0: i32) -> (i32, i32) {
    %c0_i32 = arith.constant 0 : i32
    %c0_i32_0 = arith.constant 0 : i32
    return %arg0, %c0_i32 : i32, i32
  }
  func.func @transform_2(%arg0: i32) -> (i32, i32) {
    %c0_i32 = arith.constant 0 : i32
    %c0_i32_0 = arith.constant 0 : i32
    return %arg0, %c0_i32 : i32, i32
  }
  func.func @transform_3(%arg0: i32) -> (i32, i32) {
    %c0_i32 = arith.constant 0 : i32
    %c0_i32_0 = arith.constant 0 : i32
    return %arg0, %c0_i32 : i32, i32
  }
}

</mosaic_0001>

<sc_bundles>
// kernel: kernel.6.cloned.1.call-start
scs
__scs_entry_jumppad:
0x0: {  	(pc) =	sbr.rel $0x88, $3  }
0x1: {  	(tag) =	ssettag $0x0;
	lr =	simm.s32 $0x1  }
0x2: {  	[smem:$0x3F99] =	sst lr;
	_ =	strace $0xD0000000  }
0x3: {  	_ = 	snop  }
0x4: {  	_ = 	snop  }
0x5: {  	_ = 	snop  }
0x6: {  	_ = 	snop  }
0x7: {  	_ = 	snop  }
__scs_overlays_trampoline_lowered:
0x8: {  	[smem:$0x3FA8] =	sst s0  }
0x9: {  	[smem:$0x3FA9] =	sst s1  }
0xa: {  	[smem:$0x3FAA] =	sst s2  }
0xb: {  	[smem:$0x3FAB] =	sst s3  }
0xc: {  	[smem:$0x3FAC] =	sst s4  }
0xd: {  	[smem:$0x3FAD] =	sst s5  }
0xe: {  	[smem:$0x3FAE] =	sst s6  }
0xf: {  	[smem:$0x3FAF] =	sst s7  }
0x10: {  	[smem:$0x3FB0] =	sst s8  }
0x11: {  	[smem:$0x3FB1] =	sst s9;
	s0 =	simm.s32 @!p0 $0x0  }
0x12: {  	s1 =	sld [smem:$0x3F97];
	s0 =	simm.s32 @p0 $0x1  }
0x13: {  	[smem:$0x3FB2] =	sst s0;
	s0 =	simm.s32 @!p1 $0x0  }
0x14: {  	s2 =	sld [smem:$0x3F96];
	s0 =	simm.s32 @p1 $0x1  }
0x15: {  	[smem:$0x3FB3] =	sst s0;
	s0 =	simm.s32 @!p2 $0x0  }
0x16: {  	s3 =	sld [smem:$0x3FDB];
	s0 =	simm.s32 @p2 $0x1  }
0x17: {  	s4 =	simm.s32 $0x1BF5;
	[smem:$0x3FB5] =	sst s0  }
0x18: {  	s0 =	sld [smem:$0x3F98];
	_ =	swait.ge [sflag:s4], $0x0  }
0x19: {  	s7 =	sld [smem:$0x3F99]  }
0x1a: {  	s8 =	sadd.s32 $0xFFFFE003, lr  }
0x1b: {  	s9 =	sadd.s32 $0xFFFFFEF7, lr;
	s5 =	simm.s32 $0xFFFFFFFF;
	p2 =	slt.u32 s8, $0xFFFFF086  }
0x1c: {  	p1 =	slt.u32 s9, $0xF7A;
	s5 =	simm.s32 @!p2 $0x0  }
0x1d: {  	s5 =	simm.s32 @p1 $0x1;
	p0 =	seq.s32 s7, s2  }
0x1e: {  	s7 =	smul.u32 @!p0 $0xF7A, s2;
	p2 =	seq.s32 @!p0 s5, $0x0  }
0x1f: {  	s9 =	smul.u32 $0xF7A, s1;
	s8 =	simm.s32 @!p0 $0x1BF5;
	p2 =	por !p2, p0  }
0x20: {  	[sflag:s8] =	ssyncset.s32 @!p0 $0xFFFFF086;
	s6 =	sadd.s32 @!p0 s3, s7;
	s7 =	simm.s32 @!p0 $0x108  }
0x21: {  	s3 =	sadd.s32 s3, s9;
	s6 =	sadd.s32 @!p0 $0x88, s6;
	s7 =	simm.s32 @p2 $0x1082  }
0x22: {  	[simem:s7], [sflag:s8] =	dma.local @!p0 [hbm:s6], $0xF7A  }
0x23: {  	s9 =	sor.u32 $0xD0000000, s2;
	s6 =	simm.s32 $0x108;
	_ =	swait.ge @!p0 [sflag:s8], $0x0  }
0x24: {  	s3 =	sadd.s32 $0x88, s3;
	s6 =	simm.s32 @!p1 $0x1082;
	[sflag:s4] =	ssyncset.s32 $0xFFFFF086  }
0x25: {  	[simem:s6], [sflag:s4] =	dma.local [hbm:s3], $0xF7A  }
0x26: {  	[smem:$0x3F99] =	sst s1;
	(tag) =	ssettag s2;
	_ =	strace s9  }
0x27: {  	s1 =	sld [smem:$0x3FA9]  }
0x28: {  	s2 =	sld [smem:$0x3FAA]  }
0x29: {  	s4 =	sld [smem:$0x3FAC]  }
0x2a: {  	p0 =	seq.s32 s5, $0x0;
	s5 =	sld [smem:$0x3FAD]  }
0x2b: {  	s6 =	sld [smem:$0x3FAE]  }
0x2c: {  	s7 =	sld [smem:$0x3FAF]  }
0x2d: {  	s3 =	simm.s32 $0x108;
	s8 =	sld [smem:$0x3FB0]  }
0x2e: {  	s3 =	simm.s32 @!p0 $0x1082;
	s9 =	sld [smem:$0x3FB1]  }
0x2f: {  	lr =	sadd.s32 s0, s3;
	s0 =	sld [smem:$0x3FA8]  }
0x30: {  	s3 =	sld [smem:$0x3FAB]  }
0x31: {  	[smem:$0x3FB4] =	sst s10  }
0x32: {  	s10 =	sld [smem:$0x3FB2];
	_ =	sdelay $0x3  }
0x33: {  	p0 =	seq.s32 s10, $0x1;
	s10 =	sld [smem:$0x3FB4];
	_ =	sdelay $0x3  }
0x34: {  	[smem:$0x3FB4] =	sst s10  }
0x35: {  	s10 =	sld [smem:$0x3FB3];
	_ =	sdelay $0x3  }
0x36: {  	p1 =	seq.s32 s10, $0x1;
	s10 =	sld [smem:$0x3FB4];
	_ =	sdelay $0x3  }
0x37: {  	[smem:$0x3FB4] =	sst s10  }
0x38: {  	s10 =	sld [smem:$0x3FB5]  }
0x39: {  	_ = 	snop;
	(pc) =	sbr.ind lr, $3  }
0x3a: {  	_ = 	snop  }
0x3b: {  	_ = 	snop  }
0x3c: {  	p2 =	seq.s32 s10, $0x1;
	s10 =	sld [smem:$0x3FB4]  }
0x3d: {  	_ =	shalt  }
0x3e: {  	_ =	shalt  }
0x3f: {  	_ =	shalt  }
0x40: {  	_ =	shalt  }
0x41: {  	_ =	shalt  }
0x42: {  	_ =	shalt  }
0x43: {  	_ =	shalt  }
0x44: {  	_ =	shalt  }
0x45: {  	_ =	shalt  }
0x46: {  	_ =	shalt  }
0x47: {  	_ =	shalt  }
0x48: {  	_ =	shalt  }
0x49: {  	_ =	shalt  }
0x4a: {  	_ =	shalt  }
0x4b: {  	_ =	shalt  }
0x4c: {  	_ =	shalt  }
0x4d: {  	_ =	shalt  }
0x4e: {  	_ =	shalt  }
0x4f: {  	_ =	shalt  }
0x50: {  	_ =	shalt  }
0x51: {  	_ =	shalt  }
0x52: {  	_ =	shalt  }
0x53: {  	_ =	shalt  }
0x54: {  	_ =	shalt  }
0x55: {  	_ =	shalt  }
0x56: {  	_ =	shalt  }
0x57: {  	_ =	shalt  }
0x58: {  	_ =	shalt  }
0x59: {  	_ =	shalt  }
0x5a: {  	_ =	shalt  }
0x5b: {  	_ =	shalt  }
0x5c: {  	_ =	shalt  }
0x5d: {  	_ =	shalt  }
0x5e: {  	_ =	shalt  }
0x5f: {  	_ =	shalt  }
0x60: {  	_ =	shalt  }
0x61: {  	_ =	shalt  }
0x62: {  	_ =	shalt  }
0x63: {  	_ =	shalt  }
0x64: {  	_ =	shalt  }
0x65: {  	_ =	shalt  }
0x66: {  	_ =	shalt  }
0x67: {  	_ =	shalt  }
0x68: {  	_ =	shalt  }
0x69: {  	_ =	shalt  }
0x6a: {  	_ =	shalt  }
0x6b: {  	_ =	shalt  }
0x6c: {  	_ =	shalt  }
0x6d: {  	_ =	shalt  }
0x6e: {  	_ =	shalt  }
0x6f: {  	_ =	shalt  }
0x70: {  	_ =	shalt  }
0x71: {  	_ =	shalt  }
0x72: {  	_ =	shalt  }
0x73: {  	_ =	shalt  }
0x74: {  	_ =	shalt  }
0x75: {  	_ =	shalt  }
0x76: {  	_ =	shalt  }
0x77: {  	_ =	shalt  }
0x78: {  	_ =	shalt  }
0x79: {  	_ =	shalt  }
0x7a: {  	_ =	shalt  }
0x7b: {  	_ =	shalt  }
0x7c: {  	_ =	shalt  }
0x7d: {  	_ =	shalt  }
0x7e: {  	_ =	shalt  }
0x7f: {  	_ =	shalt  }
0x80: {  	_ =	shalt  }
0x81: {  	_ =	shalt  }
0x82: {  	_ =	shalt  }
0x83: {  	_ =	shalt  }
0x84: {  	_ =	shalt  }
0x85: {  	_ =	shalt  }
0x86: {  	_ =	shalt  }
0x87: {  	_ =	shalt  }
.Lfunc_end0:
.L_simem_size_0:
called_computation_lowered:
.L_overlay_start_0:
0x88: {  	s2 =	sld [smem:$0x3FD9]  }
0x89: {  	s3 =	sld [smem:$0x3FFE];
	_ =	sdelay $0x1  }
0x8a: {  	s1 =	srdreg.scid  }
0x8b: {  	s0 =	sand.u32 $0x1, s1  }
0x8c: {  	s17 =	sshll.u32 s0, $0xA;
	s2 =	sadd.s32 s3, s2  }
0x8d: {  	s2 =	sadd.s32 s2, s17  }
0x8e: {  	[smem:$0x3FC0] =	sst s2  }
0x8f: {  	_ = 	snop  }
0x90: {  	s2 =	sld [smem:$0x3FC9]  }
0x91: {  	s18 =	sld [smem:$0x3FC8]  }
0x92: {  	s4 =	sld [smem:$0x3FC7]  }
0x93: {  	s5 =	sld [smem:$0x3FD0];
	(tm) =	ssettm $0x1  }
0x94: {  	s6 =	sld [smem:$0x3FFB];
	_ =	sdelay $0x3  }
0x95: {  	_ =	strace s6  }
0x96: {  	s6 =	sld [smem:$0x3FFC];
	_ =	sdelay $0x3  }
0x97: {  	_ =	strace s6  }
0x98: {  	s6 =	sld [smem:$0x3FFD];
	_ =	sdelay $0x3  }
0x99: {  	_ =	strace s6  }
0x9a: {  	_ =	strace $0x8FFFFFFF  }
0x9b: {  	s19 =	sld [smem:$0x3FDB];
	_ =	sdelay $0x1  }
0x9c: {  	s7 =	simm.s32 $_scs_section_size  }
0x9d: {  	s8 =	simm.s32 $_size__tile_overlayer_lowered;
	s9 =	simm.s32 $_tile_overlayer_lowered  }
0x9e: {  	s22 =	simm.s32 $0x1BFF;
	s21 =	sshll.u32 s9, $0x1;
	s6 =	sadd.s32 s7, s19  }
0x9f: {  	s10 =	simm.s32 $0x0;
	s20 =	sshll.u32 s8, $0x1;
	s8 =	sadd.s32 s21, s6  }
0xa0: {  	[timem:s10], [sflag:s22] =	dma.local [hbm:s8], s20  }
0xa1: {  	_ =	swait.ge [sflag:s22], s20  }
0xa2: {  	s7 =	ssub.s32 $0x0, s20;
	[sflag:s22] =	ssyncset.done $0x0  }
0xa3: {  	[sflag:s22] =	ssyncadd.s32 s7;
	_ =	sdelay $0x1  }
0xa4: {  	s23 =	simm.s32 $0x1B8B  }
0xa5: {  	_ =	swait.ge [sflag:s23], $0x1  }
0xa6: {  	[sflag:s23] =	ssyncset.done $0x0  }
0xa7: {  	s25 =	simm.s32 $0x1B8E;
	s24 =	sld [smem:$0x3FFE];
	[sflag:s23] =	ssyncadd.s32 $0xFFFFFFFF  }
0xa8: {  	s26 =	simm.s32 $execute0_lowered;
	[smem:$0x3FD2] =	sst s25  }
0xa9: {  	s8 =	sshll.u32 s26, $0x1;
	_ =	strace $0x80000046;
	[dreg:$0x1] =	wrdreg $0xFFFFFFFF  }
0xaa: {  	s28 =	simm.s32 $_size_execute0_lowered;
	s6 =	sadd.s32 s6, s8;
	[dreg:$0x0] =	wrdreg $0x0  }
0xab: {  	s8 =	sshll.u32 s28, $0x1;
	[dreg:$0x2] =	wrdreg s6  }
0xac: {  	[dreg:$0x3] =	wrdreg s8  }
0xad: {  	[dreg:$0x4] =	wrdreg $0xC0  }
0xae: {  	_ =	task [dreg:s10], $0x5FFFF  }
0xaf: {  	[dreg:$0x1] =	wrdreg $0xFFFFFFFF  }
0xb0: {  	[dreg:$0x0] =	wrdreg $0x60  }
0xb1: {  	[dreg:$0x2] =	wrdreg s2  }
0xb2: {  	[dreg:$0x3] =	wrdreg s18  }
0xb3: {  	[dreg:$0x4] =	wrdreg s4  }
0xb4: {  	[dreg:$0x5] =	wrdreg s5  }
0xb5: {  	[dreg:$0x6] =	wrdreg s24  }
0xb6: {  	[dreg:$0x7] =	wrdreg $0x9  }
0xb7: {  	_ =	task.clear_ibuf [dreg:s10], $0x8FFFF;
	_ =	strace $0x90000046  }
0xb8: {  	s29 =	simm.s32 $0x9;
	_ =	strace $0x80000048  }
0xb9: {  	_ =	swait.ge [sflag:s29], $0x1  }
0xba: {  	[sflag:s29] =	ssyncadd.s32 $0xFFFFFFFF  }
0xbb: {  	_ =	strace $0x90000048  }
0xbc: {  	_ =	sfence  }
0xbd: {  	s30 =	sld [smem:$0x0];
	_ =	sdelay $0x2  }
0xbe: {  	s31 =	sshll.u32 s1, $0xD;
	s1 =	sshrl.u32 s1, $0x2  }
0xbf: {  	s3 =	sand.u32 $0x4000, s31;
	s1 =	sadd.s32 s1, s30  }
0xc0: {  	s0 =	sor.u32 s3, s0;
	s1 =	sshll.u32 s1, $0x11  }
0xc1: {  	s0 =	sor.u32 s1, s0  }
0xc2: {  	s0 =	sadd.s32 $0x8F2B, s0  }
0xc3: {  	[sflag:s0] =	ssyncadd.remote.s32 $0x1  }
0xc4: {  	_ =	sfence.sel $0xFFFF  }
0xc5: {  	[dreg:$0x0] =	wrdreg $0xFFFFFFFF;
	(pc) =	sbr.abs _section_cstart, $3  }
0xc6: {  	[dreg:$0x1] =	wrdreg $0xFFFFFFFF  }
0xc7: {  	_ =	task.clear_ibuf [dreg:s10], $0x2FFFF;
	_ =	strace $0x9FFFFFFF  }
0xc8: {  	(tm) =	ssettm $0x7FFFFFFF  }
0xc9: {  	_ =	shalt  }
tec
execute0_lowered:
.L_overlay_start_1:
0x0: {  	(tag) =	ssettag $0x1  }
0x1: {  	s3 =	rddreg [dreg:$0x0]  }
0x2: {  	s1 =	rddreg [dreg:$0x1]  }
0x3: {  	s2 =	rddreg [dreg:$0x2]  }
0x4: {  	s5 =	srdreg.scid;
	s4 =	rddreg [dreg:$0x3]  }
0x5: {  	s7 =	rddreg [dreg:$0x4];
	s8 =	sand.u32 $0x1, s5;
	s5 =	simm.s32 $0x0  }
0x6: {  	s0 =	stileid.u32;
	s23 =	simm.s32 $0xC80;
	[smem:$0x7FF] =	sst s5  }
0x7: {  	s24 =	simm.s32 $0x880;
	_ =	strace $0x80000047;
	[dreg:$0x10] =	wrdreg s23  }
0x8: {  	s25 =	simm.s32 $0xD00;
	s11 =	simm.s32 $0x980;
	[dreg:$0x11] =	wrdreg s24  }
0x9: {  	s13 =	sshll.u32 s0, $0x1;
	s0 =	simm.s32 $0x900;
	[dreg:$0x12] =	wrdreg s25  }
0xa: {  	s12 =	simm.s32 $0xE00;
	s29 =	simm.s32 $0x1;
	[dreg:$0x13] =	wrdreg s0  }
0xb: {  	s31 =	simm.s32 $0x2;
	s9 =	sor.u32 s8, s13;
	[dreg:$0x15] =	wrdreg s11  }
0xc: {  	s8 =	ssub.s32 $0x2, s8;
	s13 =	simm.s32 $0xA00;
	[dreg:$0x16] =	wrdreg s12  }
0xd: {  	s6 =	sshll.u32 s9, $0x6;
	[dreg:$0x17] =	wrdreg s13;
	s23 =	simm.s32 $0x9000  }
0xe: {  	s26 =	sshrl.u32 s8, $0x1;
	s24 =	simm.s32 $0xB000;
	[smem:$0x7FA] =	sst s23  }
0xf: {  	s25 =	simm.s32 $0xD000;
	s6 =	sadd.s32 s3, s6;
	[smem:$0x7FB] =	sst s24  }
0x10: {  	s8 =	ssub.s32 s8, s26;
	[smem:$0x7FC] =	sst s25;
	s26 =	simm.s32 $0xF000  }
0x11: {  	s28 =	simm.s32 $0x700;
	s3 =	sadd.s32 $0x8, s6;
	[smem:$0x7FD] =	sst s26  }
0x12: {  	s30 =	simm.s32 $0x780;
	s14 =	sadd.s32 $0x10, s6;
	[dreg:$0x6] =	wrdreg s3  }
0x13: {  	s10 =	sshll.u32 s9, $0x7;
	s15 =	sadd.s32 $0x18, s6;
	[dreg:$0x7] =	wrdreg s14  }
0x14: {  	s9 =	sshll.u32 s9, $0xD;
	s16 =	sadd.s32 $0x20, s6;
	[dreg:$0x8] =	wrdreg s15  }
0x15: {  	s11 =	simm.s32 $0x100;
	s17 =	sadd.s32 $0x28, s6;
	[dreg:$0x9] =	wrdreg s16  }
0x16: {  	s12 =	simm.s32 $0x180;
	s18 =	sadd.s32 $0x30, s6;
	[dreg:$0xa] =	wrdreg s17  }
0x17: {  	s10 =	sadd.s32 s10, s7;
	s19 =	sadd.s32 $0x38, s6;
	[dreg:$0xb] =	wrdreg s18  }
0x18: {  	s13 =	simm.s32 $0x200;
	s20 =	sadd.s32 $0x2600, s10;
	[dreg:$0xc] =	wrdreg s19  }
0x19: {  	s9 =	sadd.s32 s9, s7;
	s21 =	sadd.s32 $0x1600, s10;
	[dreg:$0xd] =	wrdreg s20  }
0x1a: {  	s7 =	sadd.s32 $0x28800, s7;
	s22 =	sadd.s32 $0xEBE00, s9;
	[dreg:$0xe] =	wrdreg s21  }
0x1b: {  	s23 =	simm.s32 $0x500;
	s10 =	simm.s32 $0xD80;
	[dreg:$0xf] =	wrdreg s22  }
0x1c: {  	s24 =	simm.s32 $0x580;
	[dreg:$0x14] =	wrdreg s10;
	s14 =	simm.s32 $0xE80  }
0x1d: {  	s25 =	simm.s32 $0x600;
	s15 =	simm.s32 $0xA80;
	[dreg:$0x18] =	wrdreg s14  }
0x1e: {  	s8 =	smax.u32 s8, $0x1;
	s16 =	simm.s32 $0xF00;
	[dreg:$0x19] =	wrdreg s15  }
0x1f: {  	s9 =	simm.s32 $0x4;
	s17 =	simm.s32 $0xB00;
	[dreg:$0x1a] =	wrdreg s16  }
0x20: {  	s26 =	simm.s32 $0x680;
	s18 =	simm.s32 $0xF80;
	[dreg:$0x1b] =	wrdreg s17  }
0x21: {  	s10 =	simm.s32 $0x80;
	s19 =	simm.s32 $0xB80;
	[dreg:$0x1c] =	wrdreg s18  }
0x22: {  	s20 =	simm.s32 $0x3000;
	s21 =	simm.s32 $0x5000;
	[dreg:$0x1d] =	wrdreg s19  }
0x23: {  	s22 =	simm.s32 $0x7000;
	s3 =	simm.s32 $0x3;
	[dreg:$0x1e] =	wrdreg s20  }
0x24: {  	s14 =	simm.s32 $0x280;
	s15 =	simm.s32 $0x300;
	[dreg:$0x1f] =	wrdreg s21  }
0x25: {  	s16 =	simm.s32 $0x380;
	s17 =	simm.s32 $0x40;
	[smem:$0x7F9] =	sst s22  }
0x26: {  	v0 =	vimm.s32 $0x0;
	v1 =	vimm.s32 $0xAFC8;
	s19 =	simm.s32 $0x400;
	s21 =	simm.s32 $0x800;
	s22 =	simm.s32 $0x480  }
.LBB2_1:
0x27: {  	[tilespmem:s5], [sflag:$0x4] =	stream.linear.gather [hbm4b:s6+s5], $0x40, $0x38;
	[tilespmem:$0x11000] =	vst v63  }
0x28: {  	_ =	swait.ge [sflag:s9], $0x40  }
0x29: {  	[sflag:s9] =	ssyncset.done $0x0  }
0x2a: {  	s0 =	rddreg [dreg:$0x6];
	[sflag:s9] =	ssyncadd.s32 $0xFFFFFFC0  }
0x2b: {  	[tilespmem:s10], [sflag:$0x4] =	stream.linear.gather [hbm4b:s0+s5], $0x40, $0x38;
	[tilespmem:$0x11000] =	vst v63  }
0x2c: {  	_ =	swait.ge [sflag:s9], $0x40  }
0x2d: {  	[sflag:s9] =	ssyncset.done $0x0  }
0x2e: {  	s18 =	rddreg [dreg:$0x7];
	[sflag:s9] =	ssyncadd.s32 $0xFFFFFFC0  }
0x2f: {  	[tilespmem:s11], [sflag:$0x4] =	stream.linear.gather [hbm4b:s18+s5], $0x40, $0x38;
	[tilespmem:$0x11000] =	vst v63  }
0x30: {  	_ =	swait.ge [sflag:s9], $0x40  }
0x31: {  	[sflag:s9] =	ssyncset.done $0x0  }
0x32: {  	s20 =	rddreg [dreg:$0x8];
	[sflag:s9] =	ssyncadd.s32 $0xFFFFFFC0  }
0x33: {  	[tilespmem:s12], [sflag:$0x4] =	stream.linear.gather [hbm4b:s20+s5], $0x40, $0x38;
	[tilespmem:$0x11000] =	vst v63  }
0x34: {  	_ =	swait.ge [sflag:s9], $0x40  }
0x35: {  	[sflag:s9] =	ssyncset.done $0x0  }
0x36: {  	s18 =	rddreg [dreg:$0x9];
	[sflag:s9] =	ssyncadd.s32 $0xFFFFFFC0  }
0x37: {  	[tilespmem:s13], [sflag:$0x4] =	stream.linear.gather [hbm4b:s18+s5], $0x40, $0x38;
	[tilespmem:$0x11000] =	vst v63  }
0x38: {  	_ =	swait.ge [sflag:s9], $0x40  }
0x39: {  	[sflag:s9] =	ssyncset.done $0x0  }
0x3a: {  	s20 =	rddreg [dreg:$0xa];
	[sflag:s9] =	ssyncadd.s32 $0xFFFFFFC0  }
0x3b: {  	[tilespmem:s14], [sflag:$0x4] =	stream.linear.gather [hbm4b:s20+s5], $0x40, $0x38;
	[tilespmem:$0x11000] =	vst v63  }
0x3c: {  	_ =	swait.ge [sflag:s9], $0x40  }
0x3d: {  	[sflag:s9] =	ssyncset.done $0x0  }
0x3e: {  	s18 =	rddreg [dreg:$0xb];
	[sflag:s9] =	ssyncadd.s32 $0xFFFFFFC0  }
0x3f: {  	[tilespmem:s15], [sflag:$0x4] =	stream.linear.gather [hbm4b:s18+s5], $0x40, $0x38;
	[tilespmem:$0x11000] =	vst v63  }
0x40: {  	_ =	swait.ge [sflag:s9], $0x40  }
0x41: {  	[sflag:s9] =	ssyncset.done $0x0  }
0x42: {  	s20 =	rddreg [dreg:$0xc];
	[sflag:s9] =	ssyncadd.s32 $0xFFFFFFC0  }
0x43: {  	[tilespmem:s16], [sflag:$0x4] =	stream.linear.gather [hbm4b:s20+s5], $0x40, $0x38;
	[tilespmem:$0x11000] =	vst v63  }
0x44: {  	_ =	swait.ge [sflag:s9], $0x40  }
0x45: {  	[sflag:s9] =	ssyncset.done $0x0  }
0x46: {  	[sflag:s9] =	ssyncadd.s32 $0xFFFFFFC0  }
0x47: {  	[tilespmem:s19], [sflag:$0x1] =	stream.indirect.gather [hbm4b:s1+s17], $0x1, s5, s17, $0xb8;
	[tilespmem:$0x11000] =	vst v63  }
0x48: {  	s20 =	simm.s32 $0xC00  }
0x49: {  	[tilespmem:s20], [sflag:$0x1] =	stream.indirect.gather [hbm4b:s4+s17], $0x1, s5, s17, $0xb8;
	[tilespmem:$0x11000] =	vst v63  }
0x4a: {  	_ = 	snop  }
0x4b: {  	[tilespmem:s21], [sflag:$0x1] =	stream.indirect.gather [hbm4b:s2+s17], $0x1, s5, s17, $0xb8;
	[tilespmem:$0x11000] =	vst v63  }
0x4c: {  	_ = 	snop  }
0x4d: {  	[tilespmem:s22], [sflag:$0x1] =	stream.indirect.gather [hbm4b:s1+s17], $0x1, s10, s17, $0xb8;
	[tilespmem:$0x11000] =	vst v63  }
0x4e: {  	s0 =	rddreg [dreg:$0x10]  }
0x4f: {  	[tilespmem:s0], [sflag:$0x1] =	stream.indirect.gather [hbm4b:s4+s17], $0x1, s10, s17, $0xb8;
	[tilespmem:$0x11000] =	vst v63  }
0x50: {  	s18 =	rddreg [dreg:$0x11]  }
0x51: {  	[tilespmem:s18], [sflag:$0x1] =	stream.indirect.gather [hbm4b:s2+s17], $0x1, s10, s17, $0xb8;
	[tilespmem:$0x11000] =	vst v63  }
0x52: {  	_ = 	snop  }
0x53: {  	[tilespmem:s23], [sflag:$0x1] =	stream.indirect.gather [hbm4b:s1+s17], $0x1, s11, s17, $0xb8;
	[tilespmem:$0x11000] =	vst v63  }
0x54: {  	s0 =	rddreg [dreg:$0x12]  }
0x55: {  	[tilespmem:s0], [sflag:$0x1] =	stream.indirect.gather [hbm4b:s4+s17], $0x1, s11, s17, $0xb8;
	[tilespmem:$0x11000] =	vst v63  }
0x56: {  	s18 =	rddreg [dreg:$0x13]  }
0x57: {  	[tilespmem:s18], [sflag:$0x1] =	stream.indirect.gather [hbm4b:s2+s17], $0x1, s11, s17, $0xb8;
	[tilespmem:$0x11000] =	vst v63  }
0x58: {  	_ = 	snop  }
0x59: {  	[tilespmem:s24], [sflag:$0x1] =	stream.indirect.gather [hbm4b:s1+s17], $0x1, s12, s17, $0xb8;
	[tilespmem:$0x11000] =	vst v63  }
0x5a: {  	s0 =	rddreg [dreg:$0x14]  }
0x5b: {  	[tilespmem:s0], [sflag:$0x1] =	stream.indirect.gather [hbm4b:s4+s17], $0x1, s12, s17, $0xb8;
	[tilespmem:$0x11000] =	vst v63  }
0x5c: {  	s18 =	rddreg [dreg:$0x15]  }
0x5d: {  	[tilespmem:s18], [sflag:$0x1] =	stream.indirect.gather [hbm4b:s2+s17], $0x1, s12, s17, $0xb8;
	[tilespmem:$0x11000] =	vst v63  }
0x5e: {  	_ = 	snop  }
0x5f: {  	[tilespmem:s25], [sflag:$0x1] =	stream.indirect.gather [hbm4b:s1+s17], $0x1, s13, s17, $0xb8;
	[tilespmem:$0x11000] =	vst v63  }
0x60: {  	s0 =	rddreg [dreg:$0x16]  }
0x61: {  	[tilespmem:s0], [sflag:$0x1] =	stream.indirect.gather [hbm4b:s4+s17], $0x1, s13, s17, $0xb8;
	[tilespmem:$0x11000] =	vst v63  }
0x62: {  	s18 =	rddreg [dreg:$0x17]  }
0x63: {  	[tilespmem:s18], [sflag:$0x1] =	stream.indirect.gather [hbm4b:s2+s17], $0x1, s13, s17, $0xb8;
	[tilespmem:$0x11000] =	vst v63  }
0x64: {  	_ = 	snop  }
0x65: {  	[tilespmem:s26], [sflag:$0x1] =	stream.indirect.gather [hbm4b:s1+s17], $0x1, s14, s17, $0xb8;
	[tilespmem:$0x11000] =	vst v63  }
0x66: {  	s0 =	rddreg [dreg:$0x18]  }
0x67: {  	[tilespmem:s0], [sflag:$0x1] =	stream.indirect.gather [hbm4b:s4+s17], $0x1, s14, s17, $0xb8;
	[tilespmem:$0x11000] =	vst v63  }
0x68: {  	s18 =	rddreg [dreg:$0x19]  }
0x69: {  	[tilespmem:s18], [sflag:$0x1] =	stream.indirect.gather [hbm4b:s2+s17], $0x1, s14, s17, $0xb8;
	[tilespmem:$0x11000] =	vst v63  }
0x6a: {  	_ = 	snop  }
0x6b: {  	[tilespmem:s28], [sflag:$0x1] =	stream.indirect.gather [hbm4b:s1+s17], $0x1, s15, s17, $0xb8;
	[tilespmem:$0x11000] =	vst v63  }
0x6c: {  	s0 =	rddreg [dreg:$0x1a]  }
0x6d: {  	[tilespmem:s0], [sflag:$0x1] =	stream.indirect.gather [hbm4b:s4+s17], $0x1, s15, s17, $0xb8;
	[tilespmem:$0x11000] =	vst v63  }
0x6e: {  	s18 =	rddreg [dreg:$0x1b]  }
0x6f: {  	[tilespmem:s18], [sflag:$0x1] =	stream.indirect.gather [hbm4b:s2+s17], $0x1, s15, s17, $0xb8;
	[tilespmem:$0x11000] =	vst v63  }
0x70: {  	_ = 	snop  }
0x71: {  	[tilespmem:s30], [sflag:$0x1] =	stream.indirect.gather [hbm4b:s1+s17], $0x1, s16, s17, $0xb8;
	[tilespmem:$0x11000] =	vst v63  }
0x72: {  	s0 =	rddreg [dreg:$0x1c]  }
0x73: {  	[tilespmem:s0], [sflag:$0x1] =	stream.indirect.gather [hbm4b:s4+s17], $0x1, s16, s17, $0xb8;
	[tilespmem:$0x11000] =	vst v63  }
0x74: {  	s18 =	rddreg [dreg:$0x1d]  }
0x75: {  	[tilespmem:s18], [sflag:$0x1] =	stream.indirect.gather [hbm4b:s2+s17], $0x1, s16, s17, $0xb8;
	[tilespmem:$0x11000] =	vst v63  }
0x76: {  	_ =	swait.ge [sflag:s29], $0x40  }
0x77: {  	[sflag:s29] =	ssyncset.done $0x0  }
0x78: {  	[sflag:s29] =	ssyncadd.s32 $0xFFFFFFC0  }
0x79: {  	_ =	swait.ge [sflag:s29], $0x40  }
0x7a: {  	[sflag:s29] =	ssyncset.done $0x0  }
0x7b: {  	[sflag:s29] =	ssyncadd.s32 $0xFFFFFFC0  }
0x7c: {  	_ =	swait.ge [sflag:s29], $0x40  }
0x7d: {  	[sflag:s29] =	ssyncset.done $0x0  }
0x7e: {  	[sflag:s29] =	ssyncadd.s32 $0xFFFFFFC0  }
0x7f: {  	_ =	swait.ge [sflag:s29], $0x40  }
0x80: {  	[sflag:s29] =	ssyncset.done $0x0  }
0x81: {  	[sflag:s29] =	ssyncadd.s32 $0xFFFFFFC0  }
0x82: {  	_ =	swait.ge [sflag:s29], $0x40  }
0x83: {  	[sflag:s29] =	ssyncset.done $0x0  }
0x84: {  	[sflag:s29] =	ssyncadd.s32 $0xFFFFFFC0  }
0x85: {  	_ =	swait.ge [sflag:s29], $0x40  }
0x86: {  	[sflag:s29] =	ssyncset.done $0x0  }
0x87: {  	[sflag:s29] =	ssyncadd.s32 $0xFFFFFFC0  }
0x88: {  	_ =	swait.ge [sflag:s29], $0x40  }
0x89: {  	[sflag:s29] =	ssyncset.done $0x0  }
0x8a: {  	[sflag:s29] =	ssyncadd.s32 $0xFFFFFFC0  }
0x8b: {  	_ =	swait.ge [sflag:s29], $0x40  }
0x8c: {  	[sflag:s29] =	ssyncset.done $0x0  }
0x8d: {  	[sflag:s29] =	ssyncadd.s32 $0xFFFFFFC0  }
0x8e: {  	_ =	swait.ge [sflag:s29], $0x40  }
0x8f: {  	[sflag:s29] =	ssyncset.done $0x0  }
0x90: {  	[sflag:s29] =	ssyncadd.s32 $0xFFFFFFC0  }
0x91: {  	_ =	swait.ge [sflag:s29], $0x40  }
0x92: {  	[sflag:s29] =	ssyncset.done $0x0  }
0x93: {  	[sflag:s29] =	ssyncadd.s32 $0xFFFFFFC0  }
0x94: {  	_ =	swait.ge [sflag:s29], $0x40  }
0x95: {  	[sflag:s29] =	ssyncset.done $0x0  }
0x96: {  	[sflag:s29] =	ssyncadd.s32 $0xFFFFFFC0  }
0x97: {  	_ =	swait.ge [sflag:s29], $0x40  }
0x98: {  	[sflag:s29] =	ssyncset.done $0x0  }
0x99: {  	[sflag:s29] =	ssyncadd.s32 $0xFFFFFFC0  }
0x9a: {  	_ =	swait.ge [sflag:s29], $0x40  }
0x9b: {  	[sflag:s29] =	ssyncset.done $0x0  }
0x9c: {  	[sflag:s29] =	ssyncadd.s32 $0xFFFFFFC0  }
0x9d: {  	_ =	swait.ge [sflag:s29], $0x40  }
0x9e: {  	[sflag:s29] =	ssyncset.done $0x0  }
0x9f: {  	[sflag:s29] =	ssyncadd.s32 $0xFFFFFFC0  }
0xa0: {  	_ =	swait.ge [sflag:s29], $0x40  }
0xa1: {  	[sflag:s29] =	ssyncset.done $0x0  }
0xa2: {  	[sflag:s29] =	ssyncadd.s32 $0xFFFFFFC0  }
0xa3: {  	_ =	swait.ge [sflag:s29], $0x40  }
0xa4: {  	[sflag:s29] =	ssyncset.done $0x0  }
0xa5: {  	[sflag:s29] =	ssyncadd.s32 $0xFFFFFFC0  }
0xa6: {  	_ =	swait.ge [sflag:s29], $0x40  }
0xa7: {  	[sflag:s29] =	ssyncset.done $0x0  }
0xa8: {  	[sflag:s29] =	ssyncadd.s32 $0xFFFFFFC0  }
0xa9: {  	_ =	swait.ge [sflag:s29], $0x40  }
0xaa: {  	[sflag:s29] =	ssyncset.done $0x0  }
0xab: {  	[sflag:s29] =	ssyncadd.s32 $0xFFFFFFC0  }
0xac: {  	_ =	swait.ge [sflag:s29], $0x40  }
0xad: {  	[sflag:s29] =	ssyncset.done $0x0  }
0xae: {  	[sflag:s29] =	ssyncadd.s32 $0xFFFFFFC0  }
0xaf: {  	_ =	swait.ge [sflag:s29], $0x40  }
0xb0: {  	[sflag:s29] =	ssyncset.done $0x0  }
0xb1: {  	[sflag:s29] =	ssyncadd.s32 $0xFFFFFFC0  }
0xb2: {  	_ =	swait.ge [sflag:s29], $0x40  }
0xb3: {  	[sflag:s29] =	ssyncset.done $0x0  }
0xb4: {  	[sflag:s29] =	ssyncadd.s32 $0xFFFFFFC0  }
0xb5: {  	_ =	swait.ge [sflag:s29], $0x40  }
0xb6: {  	[sflag:s29] =	ssyncset.done $0x0  }
0xb7: {  	[sflag:s29] =	ssyncadd.s32 $0xFFFFFFC0  }
0xb8: {  	_ =	swait.ge [sflag:s29], $0x40  }
0xb9: {  	[sflag:s29] =	ssyncset.done $0x0  }
0xba: {  	[sflag:s29] =	ssyncadd.s32 $0xFFFFFFC0  }
0xbb: {  	_ =	swait.ge [sflag:s29], $0x40  }
0xbc: {  	[sflag:s29] =	ssyncset.done $0x0  }
0xbd: {  	[sflag:s29] =	ssyncadd.s32 $0xFFFFFFC0  }
0xbe: {  	v2 =	vld [tilespmem:$0x400]  }
0xbf: {  	v3 =	vld [tilespmem:$0x800]  }
0xc0: {  	v7 =	vld [tilespmem:$0x810]  }
0xc1: {  	v58 =	vld [tilespmem:$0x420]  }
0xc2: {  	v10 =	vld [tilespmem:$0x820];
	_ =	sdelay $0x2  }
0xc3: {  	vm0 =	vlt.s32 v2, $0x0;
	vm1 =	vgt.s32 v3, $0x0  }
0xc4: {  	vm2 =	vgt.s32 v2, $0xAFC7;
	vm7 =	vgt.s32 v3, $0x1387;
	vm10 =	vgt.s32 v7, $0x0  }
0xc5: {  	vm12 =	vgt.s32 v7, $0x1387;
	vm15 =	vlt.s32 v58, $0x0;
	vm6 =	vgt.s32 v10, $0x0  }
0xc6: {  	v4 =	vsel vm0, $0x0, v2;
	v2 =	vnsel vm1, $0x0, v3;
	v6 =	vsel vm7, $0x9C40, v1  }
0xc7: {  	vm3 =	vmneg vm0;
	vm1 =	vmand vm0, vm7;
	v56 =	vsel vm0, $0x2, v0  }
0xc8: {  	v3 =	vld [tilespmem:$0x410];
	v9 =	vsel vm12, $0x9C40, v1;
	v61 =	vsel vm15, $0x0, v58;
	vm7 =	vgt.s32 v58, $0xAFC7  }
0xc9: {  	v62 =	vnsel vm6, $0x0, v10;
	v5 =	vadd.s32 $0xFFFF5038, v4;
	v2 =	vmin.u32 v2, $0x270F  }
0xca: {  	v4 =	vsel vm2, v5, v4;
	v2 =	vadd.s32 v2, v6;
	vm2 =	vmand vm3, vm2  }
0xcb: {  	v12 =	vld [tilespmem:$0x830];
	v18 =	vsel vm15, $0x2, v0;
	v2 =	vsel vm0, v2, v4;
	vm1 =	vmor vm1, vm2  }
0xcc: {  	v14 =	vld [tilespmem:$0x880];
	v16 =	vadd.s32 $0xFFFF5038, v61;
	vm8 =	vlt.s32 v2, $0xC34F;
	v55 =	vsel vm1, $0x1, v0  }
0xcd: {  	v2 =	vnsel vm8, $0xC34F, v2;
	vm9 =	vlt.s32 v3, $0x0;
	vm11 =	vgt.s32 v3, $0xAFC7  }
0xce: {  	v63 =	vld [tilespmem:$0x430];
	v4 =	vor.u32 v55, v56;
	vm8 =	vgt.s32 v10, $0x1387;
	v57 =	vsel vm9, $0x0, v3  }
0xcf: {  	v3 =	vnsel vm10, $0x0, v7;
	vm13 =	vmneg vm9;
	vm0 =	vmand vm9, vm12  }
0xd0: {  	v60 =	vsel vm9, $0x2, v0;
	v7 =	vmin.u32 v62, $0x270F;
	v11 =	vsel vm8, $0x9C40, v1  }
0xd1: {  	vm1 =	vmand vm15, vm8;
	vm12 =	vgt.s32 v12, $0x0;
	vm8 =	vgt.s32 v14, $0x0  }
0xd2: {  	v8 =	vadd.s32 $0xFFFF5038, v57;
	v3 =	vmin.u32 v3, $0x270F;
	vm2 =	vmand vm13, vm11  }
0xd3: {  	v7 =	vadd.s32 v7, v11;
	vm13 =	vgt.s32 v63, $0xAFC7;
	v20 =	vnsel vm12, $0x0, v12  }
0xd4: {  	v26 =	vnsel vm8, $0x0, v14;
	v6 =	vsel vm11, v8, v57;
	v3 =	vadd.s32 v3, v9  }
0xd5: {  	v21 =	vld [tilespmem:$0x480];
	vm0 =	vmor vm0, vm2;
	v8 =	vsel vm7, v16, v61;
	vm11 =	vlt.s32 v63, $0x0  }
0xd6: {  	v9 =	vmin.u32 v20, $0x270F;
	v11 =	vmin.u32 v26, $0x270F;
	v3 =	vsel vm9, v3, v6  }
0xd7: {  	v59 =	vsel vm0, $0x1, v0;
	vm9 =	vmneg vm15;
	v7 =	vsel vm15, v7, v8  }
0xd8: {  	v19 =	vsel vm11, $0x0, v63;
	vm15 =	vmneg vm11;
	v24 =	vsel vm11, $0x2, v0  }
0xd9: {  	v27 =	vld [tilespmem:$0x490];
	vm14 =	vlt.s32 v3, $0xC34F;
	vm2 =	vmand vm9, vm7;
	v6 =	vor.u32 v59, v60  }
0xda: {  	vm10 =	vlt.s32 v7, $0xC34F;
	v22 =	vadd.s32 $0xFFFF5038, v19;
	vm7 =	vlt.s32 v21, $0x0  }
0xdb: {  	vm9 =	vgt.s32 v21, $0xAFC7;
	v3 =	vnsel vm14, $0xC34F, v3;
	vm1 =	vmor vm1, vm2  }
0xdc: {  	v5 =	vnsel vm10, $0xC34F, v7;
	vm14 =	vgt.s32 v12, $0x1387;
	v10 =	vsel vm13, v22, v19  }
0xdd: {  	vm2 =	vmand vm15, vm13;
	v25 =	vsel vm7, $0x0, v21;
	vm10 =	vgt.s32 v14, $0x1387  }
0xde: {  	v16 =	vld [tilespmem:$0x890];
	vm13 =	vlt.s32 v27, $0x0;
	v30 =	vsel vm7, $0x2, v0;
	vm15 =	vgt.s32 v27, $0xAFC7  }
0xdf: {  	v17 =	vsel vm1, $0x1, v0;
	v13 =	vsel vm14, $0x9C40, v1;
	vm0 =	vmand vm11, vm14  }
0xe0: {  	v28 =	vadd.s32 $0xFFFF5038, v25;
	v15 =	vsel vm10, $0x9C40, v1;
	vm1 =	vmand vm7, vm10  }
0xe1: {  	v31 =	vsel vm13, $0x0, v27;
	v36 =	vsel vm13, $0x2, v0;
	v9 =	vadd.s32 v9, v13  }
0xe2: {  	v8 =	vor.u32 v17, v18;
	vm0 =	vmor vm0, vm2;
	v12 =	vsel vm9, v28, v25  }
0xe3: {  	v33 =	vld [tilespmem:$0x4A0];
	v11 =	vadd.s32 v11, v15;
	vm14 =	vgt.s32 v16, $0x0;
	v34 =	vadd.s32 $0xFFFF5038, v31  }
0xe4: {  	v9 =	vsel vm11, v9, v10;
	v23 =	vsel vm0, $0x1, v0;
	vm11 =	vmneg vm7  }
0xe5: {  	v39 =	vld [tilespmem:$0x4B0];
	v11 =	vsel vm7, v11, v12;
	v32 =	vnsel vm14, $0x0, v16;
	v14 =	vsel vm15, v34, v31  }
0xe6: {  	vm7 =	vmneg vm13;
	vm6 =	vlt.s32 v9, $0xC34F;
	vm2 =	vmand vm11, vm9  }
0xe7: {  	v10 =	vor.u32 v23, v24;
	vm12 =	vlt.s32 v11, $0xC34F;
	v13 =	vmin.u32 v32, $0x270F  }
0xe8: {  	v20 =	vld [tilespmem:$0x8B0];
	vm9 =	vlt.s32 v33, $0x0;
	vm11 =	vgt.s32 v33, $0xAFC7;
	v7 =	vnsel vm6, $0xC34F, v9  }
0xe9: {  	vm1 =	vmor vm1, vm2;
	v9 =	vnsel vm12, $0xC34F, v11;
	vm6 =	vgt.s32 v16, $0x1387  }
0xea: {  	v18 =	vld [tilespmem:$0x8A0];
	vm2 =	vmand vm7, vm15;
	v37 =	vsel vm9, $0x0, v33;
	vm15 =	vlt.s32 v39, $0x0  }
0xeb: {  	v42 =	vsel vm9, $0x2, v0;
	vm7 =	vgt.s32 v39, $0xAFC7;
	v29 =	vsel vm1, $0x1, v0  }
0xec: {  	v17 =	vsel vm6, $0x9C40, v1;
	vm0 =	vmand vm13, vm6;
	v40 =	vadd.s32 $0xFFFF5038, v37  }
0xed: {  	v43 =	vsel vm15, $0x0, v39;
	vm6 =	vgt.s32 v20, $0x0;
	v48 =	vsel vm15, $0x2, v0  }
0xee: {  	v22 =	vld [tilespmem:$0x900];
	v13 =	vadd.s32 v13, v17;
	v12 =	vor.u32 v29, v30;
	vm0 =	vmor vm0, vm2  }
0xef: {  	vm10 =	vgt.s32 v18, $0x0;
	vm12 =	vgt.s32 v18, $0x1387;
	v16 =	vsel vm11, v40, v37  }
0xf0: {  	v45 =	vld [tilespmem:$0x500];
	v44 =	vnsel vm6, $0x0, v20;
	v46 =	vadd.s32 $0xFFFF5038, v43;
	v13 =	vsel vm13, v13, v14  }
0xf1: {  	v35 =	vsel vm0, $0x1, v0;
	v38 =	vnsel vm10, $0x0, v18;
	v19 =	vsel vm12, $0x9C40, v1  }
0xf2: {  	vm13 =	vmneg vm9;
	vm1 =	vmand vm9, vm12;
	v17 =	vmin.u32 v44, $0x270F  }
0xf3: {  	v18 =	vsel vm7, v46, v43;
	vm12 =	vgt.s32 v22, $0x0;
	vm8 =	vlt.s32 v13, $0xC34F  }
0xf4: {  	v15 =	vmin.u32 v38, $0x270F;
	vm2 =	vmand vm13, vm11;
	v14 =	vor.u32 v35, v36  }
0xf5: {  	v24 =	vld [tilespmem:$0x910];
	vm11 =	vlt.s32 v45, $0x0;
	vm13 =	vgt.s32 v45, $0xAFC7;
	v50 =	vnsel vm12, $0x0, v22  }
0xf6: {  	v11 =	vnsel vm8, $0xC34F, v13;
	v15 =	vadd.s32 v15, v19;
	vm1 =	vmor vm1, vm2  }
0xf7: {  	v51 =	vld [tilespmem:$0x510];
	vm8 =	vgt.s32 v20, $0x1387;
	v49 =	vsel vm11, $0x0, v45;
	v19 =	vmin.u32 v50, $0x270F  }
0xf8: {  	v54 =	vsel vm11, $0x2, v0;
	v15 =	vsel vm9, v15, v16;
	v41 =	vsel vm1, $0x1, v0  }
0xf9: {  	v21 =	vsel vm8, $0x9C40, v1;
	vm9 =	vmneg vm15;
	vm0 =	vmand vm15, vm8  }
0xfa: {  	v52 =	vadd.s32 $0xFFFF5038, v49;
	vm8 =	vgt.s32 v24, $0x0;
	vm14 =	vlt.s32 v15, $0xC34F  }
0xfb: {  	v17 =	vadd.s32 v17, v21;
	vm2 =	vmand vm9, vm7;
	v16 =	vor.u32 v41, v42  }
0xfc: {  	v57 =	vld [tilespmem:$0x520];
	v20 =	vsel vm13, v52, v49;
	vm7 =	vlt.s32 v51, $0x0;
	vm9 =	vgt.s32 v51, $0xAFC7  }
0xfd: {  	v26 =	vld [tilespmem:$0x920];
	v56 =	vnsel vm8, $0x0, v24;
	v13 =	vnsel vm14, $0xC34F, v15;
	v17 =	vsel vm15, v17, v18  }
0xfe: {  	vm0 =	vmor vm0, vm2;
	vm14 =	vgt.s32 v22, $0x1387;
	vm15 =	vmneg vm11  }
0xff: {  	v55 =	vsel vm7, $0x0, v51;
	v21 =	vmin.u32 v56, $0x270F;
	v60 =	vsel vm7, $0x2, v0  }
0x100: {  	vm10 =	vlt.s32 v17, $0xC34F;
	v47 =	vsel vm0, $0x1, v0;
	v23 =	vsel vm14, $0x9C40, v1  }
0x101: {  	vm1 =	vmand vm11, vm14;
	vm2 =	vmand vm15, vm13;
	v58 =	vadd.s32 $0xFFFF5038, v55  }
0x102: {  	vm13 =	vlt.s32 v57, $0x0;
	vm14 =	vgt.s32 v26, $0x0;
	vm15 =	vgt.s32 v57, $0xAFC7  }
0x103: {  	v28 =	vld [tilespmem:$0x930];
	v15 =	vnsel vm10, $0xC34F, v17;
	v19 =	vadd.s32 v19, v23;
	v18 =	vor.u32 v47, v48  }
0x104: {  	vm1 =	vmor vm1, vm2;
	vm10 =	vgt.s32 v24, $0x1387;
	v22 =	vsel vm9, v58, v55  }
0x105: {  	v63 =	vld [tilespmem:$0x530];
	v61 =	vsel vm13, $0x0, v57;
	v62 =	vnsel vm14, $0x0, v26;
	v34 =	vsel vm13, $0x2, v0  }
0x106: {  	v19 =	vsel vm11, v19, v20;
	v53 =	vsel vm1, $0x1, v0;
	v25 =	vsel vm10, $0x9C40, v1  }
0x107: {  	vm11 =	vmneg vm7;
	vm0 =	vmand vm7, vm10;
	v32 =	vadd.s32 $0xFFFF5038, v61  }
0x108: {  	v23 =	vmin.u32 v62, $0x270F;
	vm10 =	vgt.s32 v28, $0x0;
	vm6 =	vlt.s32 v19, $0xC34F  }
0x109: {  	v21 =	vadd.s32 v21, v25;
	vm2 =	vmand vm11, vm9;
	v20 =	vor.u32 v53, v54  }
0x10a: {  	v37 =	vld [tilespmem:$0x580];
	v24 =	vsel vm15, v32, v61;
	vm9 =	vlt.s32 v63, $0x0;
	vm11 =	vgt.s32 v63, $0xAFC7  }
0x10b: {  	v30 =	vld [tilespmem:$0x980];
	v36 =	vnsel vm10, $0x0, v28;
	v17 =	vnsel vm6, $0xC34F, v19;
	v21 =	vsel vm7, v21, v22  }
0x10c: {  	vm0 =	vmor vm0, vm2;
	vm6 =	vgt.s32 v26, $0x1387;
	vm7 =	vmneg vm13  }
0x10d: {  	v35 =	vsel vm9, $0x0, v63;
	v25 =	vmin.u32 v36, $0x270F;
	v40 =	vsel vm9, $0x2, v0  }
0x10e: {  	vm12 =	vlt.s32 v21, $0xC34F;
	v59 =	vsel vm0, $0x1, v0;
	v27 =	vsel vm6, $0x9C40, v1  }
0x10f: {  	vm1 =	vmand vm13, vm6;
	vm2 =	vmand vm7, vm15;
	v38 =	vadd.s32 $0xFFFF5038, v35  }
0x110: {  	vm15 =	vlt.s32 v37, $0x0;
	vm6 =	vgt.s32 v30, $0x0;
	vm7 =	vgt.s32 v37, $0xAFC7  }
0x111: {  	v19 =	vnsel vm12, $0xC34F, v21;
	v23 =	vadd.s32 v23, v27;
	v22 =	vor.u32 v59, v60  }
0x112: {  	v43 =	vld [tilespmem:$0x590];
	vm1 =	vmor vm1, vm2;
	vm12 =	vgt.s32 v28, $0x1387;
	v26 =	vsel vm11, v38, v35  }
0x113: {  	v32 =	vld [tilespmem:$0x990];
	v41 =	vsel vm15, $0x0, v37;
	v42 =	vnsel vm6, $0x0, v30;
	v46 =	vsel vm15, $0x2, v0  }
0x114: {  	v23 =	vsel vm13, v23, v24;
	v33 =	vsel vm1, $0x1, v0;
	v29 =	vsel vm12, $0x9C40, v1  }
0x115: {  	vm13 =	vmneg vm9;
	vm0 =	vmand vm9, vm12;
	v44 =	vadd.s32 $0xFFFF5038, v41  }
0x116: {  	v27 =	vmin.u32 v42, $0x270F;
	vm8 =	vlt.s32 v23, $0xC34F;
	v25 =	vadd.s32 v25, v29  }
0x117: {  	vm2 =	vmand vm13, vm11;
	v24 =	vor.u32 v33, v34;
	v28 =	vsel vm7, v44, v41  }
0x118: {  	vm11 =	vlt.s32 v43, $0x0;
	vm12 =	vgt.s32 v32, $0x0;
	vm13 =	vgt.s32 v43, $0xAFC7  }
0x119: {  	v49 =	vld [tilespmem:$0x5A0];
	v21 =	vnsel vm8, $0xC34F, v23;
	v25 =	vsel vm9, v25, v26;
	vm0 =	vmor vm0, vm2  }
0x11a: {  	vm8 =	vgt.s32 v30, $0x1387;
	vm9 =	vmneg vm15;
	v47 =	vsel vm11, $0x0, v43  }
0x11b: {  	v48 =	vnsel vm12, $0x0, v32;
	v52 =	vsel vm11, $0x2, v0;
	vm14 =	vlt.s32 v25, $0xC34F  }
0x11c: {  	v39 =	vsel vm0, $0x1, v0;
	v31 =	vsel vm8, $0x9C40, v1;
	vm1 =	vmand vm15, vm8  }
0x11d: {  	vm2 =	vmand vm9, vm7;
	v50 =	vadd.s32 $0xFFFF5038, v47;
	v29 =	vmin.u32 v48, $0x270F  }
0x11e: {  	v36 =	vld [tilespmem:$0x9B0];
	vm7 =	vlt.s32 v49, $0x0;
	vm9 =	vgt.s32 v49, $0xAFC7;
	v23 =	vnsel vm14, $0xC34F, v25  }
0x11f: {  	v55 =	vld [tilespmem:$0x5B0];
	v27 =	vadd.s32 v27, v31;
	v26 =	vor.u32 v39, v40;
	vm1 =	vmor vm1, vm2  }
0x120: {  	v34 =	vld [tilespmem:$0x9A0];
	vm14 =	vgt.s32 v32, $0x1387;
	v30 =	vsel vm13, v50, v47;
	v53 =	vsel vm7, $0x0, v49  }
0x121: {  	v58 =	vsel vm7, $0x2, v0;
	v27 =	vsel vm15, v27, v28;
	v45 =	vsel vm1, $0x1, v0  }
0x122: {  	v33 =	vsel vm14, $0x9C40, v1;
	vm15 =	vmneg vm11;
	vm0 =	vmand vm11, vm14  }
0x123: {  	v56 =	vadd.s32 $0xFFFF5038, v53;
	vm14 =	vgt.s32 v36, $0x0;
	vm10 =	vlt.s32 v27, $0xC34F  }
0x124: {  	v29 =	vadd.s32 v29, v33;
	vm2 =	vmand vm15, vm13;
	v28 =	vor.u32 v45, v46  }
0x125: {  	vm8 =	vgt.s32 v34, $0x0;
	v32 =	vsel vm9, v56, v53;
	vm13 =	vlt.s32 v55, $0x0  }
0x126: {  	v61 =	vld [tilespmem:$0x600];
	vm15 =	vgt.s32 v55, $0xAFC7;
	v60 =	vnsel vm14, $0x0, v36;
	v25 =	vnsel vm10, $0xC34F, v27  }
0x127: {  	v38 =	vld [tilespmem:$0xA00];
	v29 =	vsel vm11, v29, v30;
	vm0 =	vmor vm0, vm2;
	v54 =	vnsel vm8, $0x0, v34  }
0x128: {  	vm10 =	vgt.s32 v34, $0x1387;
	vm11 =	vmneg vm7;
	v59 =	vsel vm13, $0x0, v55  }
0x129: {  	v33 =	vmin.u32 v60, $0x270F;
	v50 =	vsel vm13, $0x2, v0;
	vm6 =	vlt.s32 v29, $0xC34F  }
0x12a: {  	v40 =	vld [tilespmem:$0x610];
	v51 =	vsel vm0, $0x1, v0;
	v31 =	vmin.u32 v54, $0x270F;
	v35 =	vsel vm10, $0x9C40, v1  }
0x12b: {  	vm1 =	vmand vm7, vm10;
	vm2 =	vmand vm11, vm9;
	v62 =	vadd.s32 $0xFFFF5038, v59  }
0x12c: {  	vm9 =	vlt.s32 v61, $0x0;
	vm10 =	vgt.s32 v38, $0x0;
	vm11 =	vgt.s32 v61, $0xAFC7  }
0x12d: {  	v27 =	vnsel vm6, $0xC34F, v29;
	v31 =	vadd.s32 v31, v35;
	v30 =	vor.u32 v51, v52  }
0x12e: {  	vm1 =	vmor vm1, vm2;
	vm6 =	vgt.s32 v36, $0x1387;
	v34 =	vsel vm15, v62, v59  }
0x12f: {  	v42 =	vld [tilespmem:$0xA10];
	v63 =	vsel vm9, $0x0, v61;
	v41 =	vnsel vm10, $0x0, v38;
	vm4 =	vgt.s32 v40, $0xAFC7  }
0x130: {  	v53 =	vsel vm9, $0x2, v0;
	v31 =	vsel vm7, v31, v32;
	v57 =	vsel vm1, $0x1, v0  }
0x131: {  	v37 =	vsel vm6, $0x9C40, v1;
	vm7 =	vmneg vm13;
	vm0 =	vmand vm13, vm6  }
0x132: {  	v43 =	vadd.s32 $0xFFFF5038, v63;
	v35 =	vmin.u32 v41, $0x270F;
	vm12 =	vlt.s32 v31, $0xC34F  }
0x133: {  	v39 =	vld [tilespmem:$0xA20];
	v33 =	vadd.s32 v33, v37;
	vm1 =	vmand vm7, vm15;
	v32 =	vor.u32 v57, v58  }
0x134: {  	v46 =	vld [tilespmem:$0x620];
	vm15 =	vgt.s32 v42, $0x0;
	vm7 =	vgt.s32 v42, $0x1387;
	v29 =	vnsel vm12, $0xC34F, v31  }
0x135: {  	v33 =	vsel vm13, v33, v34;
	vm0 =	vmor vm0, vm1;
	vm12 =	vgt.s32 v38, $0x1387  }
0x136: {  	vm13 =	vmneg vm9;
	v45 =	vnsel vm15, $0x0, v42;
	v48 =	vsel vm7, $0x9C40, v1  }
0x137: {  	vm8 =	vlt.s32 v33, $0xC34F;
	v49 =	vsel vm0, $0x1, v0;
	v38 =	vsel vm12, $0x9C40, v1  }
0x138: {  	vm0 =	vmand vm9, vm12;
	vm2 =	vmand vm13, vm11;
	v34 =	vmin.u32 v45, $0x270F  }
0x139: {  	vm12 =	vgt.s32 v39, $0x0;
	vm13 =	vgt.s32 v46, $0xAFC7;
	v31 =	vnsel vm8, $0xC34F, v33  }
0x13a: {  	v33 =	vsel vm11, v43, v63;
	v35 =	vadd.s32 v35, v38;
	vm2 =	vmor vm0, vm2  }
0x13b: {  	vm0 =	vlt.s32 v40, $0x0;
	v34 =	vadd.s32 v34, v48;
	vm11 =	vlt.s32 v46, $0x0  }
0x13c: {  	v56 =	vld [tilespmem:$0x630];
	v55 =	vnsel vm12, $0x0, v39;
	v50 =	vor.u32 v49, v50;
	v33 =	vsel vm9, v35, v33  }
0x13d: {  	v59 =	vld [tilespmem:$0x680];
	v44 =	vsel vm0, $0x0, v40;
	v52 =	vsel vm2, $0x1, v0;
	vm8 =	vmneg vm0  }
0x13e: {  	vm9 =	vmand vm0, vm7;
	v54 =	vsel vm11, $0x0, v46;
	v36 =	vmin.u32 v55, $0x270F  }
0x13f: {  	vm15 =	vmneg vm11;
	v51 =	vsel vm0, $0x2, v0;
	v42 =	vsel vm11, $0x2, v0  }
0x140: {  	vm14 =	vlt.s32 v33, $0xC34F;
	v47 =	vadd.s32 $0xFFFF5038, v44;
	vm1 =	vmand vm8, vm4  }
0x141: {  	v57 =	vadd.s32 $0xFFFF5038, v54;
	vm3 =	vmand vm15, vm13;
	vm8 =	vlt.s32 v56, $0x0  }
0x142: {  	v61 =	vld [tilespmem:$0xA80];
	vm15 =	vgt.s32 v59, $0xAFC7;
	v52 =	vor.u32 v52, v53;
	v33 =	vnsel vm14, $0xC34F, v33  }
0x143: {  	v45 =	vld [tilespmem:$0xA90];
	v35 =	vsel vm4, v47, v44;
	vm1 =	vmor vm9, vm1;
	vm14 =	vgt.s32 v39, $0x1387  }
0x144: {  	v58 =	vsel vm8, $0x0, v56;
	vm12 =	vmneg vm8;
	v47 =	vsel vm8, $0x2, v0  }
0x145: {  	v40 =	vld [tilespmem:$0xA30];
	v34 =	vsel vm0, v34, v35;
	v48 =	vsel vm1, $0x1, v0;
	v39 =	vsel vm14, $0x9C40, v1  }
0x146: {  	v35 =	vsel vm13, v57, v54;
	vm1 =	vmand vm11, vm14;
	v62 =	vadd.s32 $0xFFFF5038, v58  }
0x147: {  	vm14 =	vgt.s32 v61, $0x0;
	vm10 =	vlt.s32 v34, $0xC34F;
	v36 =	vadd.s32 v36, v39  }
0x148: {  	v55 =	vld [tilespmem:$0x690];
	vm6 =	vmor vm1, vm3;
	v54 =	vnsel vm14, $0x0, v61;
	vm14 =	vgt.s32 v45, $0x1387  }
0x149: {  	[tilespmem:$0x4A0] =	vst v13;
	v13 =	vor.u32 v48, v51;
	v34 =	vnsel vm10, $0xC34F, v34;
	v35 =	vsel vm11, v36, v35  }
0x14a: {  	v41 =	vsel vm6, $0x1, v0;
	vm9 =	vgt.s32 v40, $0x0;
	vm10 =	vgt.s32 v56, $0xAFC7  }
0x14b: {  	vm11 =	vgt.s32 v40, $0x1387;
	v38 =	vmin.u32 v54, $0x270F;
	vm7 =	vlt.s32 v35, $0xC34F  }
0x14c: {  	v60 =	vnsel vm9, $0x0, v40;
	v43 =	vsel vm11, $0x9C40, v1;
	v36 =	vsel vm10, v62, v58  }
0x14d: {  	vm0 =	vmand vm8, vm11;
	vm2 =	vmand vm12, vm10;
	vm11 =	vlt.s32 v55, $0x0  }
0x14e: {  	vm12 =	vgt.s32 v45, $0x0;
	v41 =	vor.u32 v41, v42;
	v35 =	vnsel vm7, $0xC34F, v35  }
0x14f: {  	v37 =	vmin.u32 v60, $0x270F;
	vm2 =	vmor vm0, vm2;
	vm0 =	vlt.s32 v59, $0x0  }
0x150: {  	vm7 =	vgt.s32 v61, $0x1387;
	v57 =	vsel vm11, $0x0, v55;
	v58 =	vnsel vm12, $0x0, v45  }
0x151: {  	v45 =	vsel vm14, $0x9C40, v1;
	v46 =	vsel vm11, $0x2, v0;
	v37 =	vadd.s32 v37, v43  }
0x152: {  	v63 =	vsel vm0, $0x0, v59;
	v44 =	vsel vm7, $0x9C40, v1;
	v43 =	vsel vm2, $0x1, v0  }
0x153: {  	v54 =	vld [tilespmem:$0x6A0];
	vm9 =	vmand vm0, vm7;
	v59 =	vadd.s32 $0xFFFF5038, v57;
	v40 =	vmin.u32 v58, $0x270F  }
0x154: {  	v36 =	vsel vm8, v37, v36;
	v56 =	vadd.s32 $0xFFFF5038, v63;
	v38 =	vadd.s32 v38, v44  }
0x155: {  	vm8 =	vmneg vm0;
	v40 =	vadd.s32 v40, v45;
	v44 =	vsel vm0, $0x2, v0  }
0x156: {  	v62 =	vld [tilespmem:$0xAB0];
	vm13 =	vlt.s32 v36, $0xC34F;
	v37 =	vsel vm15, v56, v63;
	vm1 =	vmand vm8, vm15  }
0x157: {  	vm15 =	vmneg vm11;
	v36 =	vnsel vm13, $0xC34F, v36;
	v37 =	vsel vm0, v38, v37  }
0x158: {  	vm1 =	vmor vm9, vm1;
	vm13 =	vgt.s32 v55, $0xAFC7;
	vm0 =	vlt.s32 v54, $0x0  }
0x159: {  	vm10 =	vlt.s32 v37, $0xC34F;
	v39 =	vsel vm1, $0x1, v0;
	v38 =	vsel vm13, v59, v57  }
0x15a: {  	vm1 =	vmand vm11, vm14;
	vm3 =	vmand vm15, vm13;
	v60 =	vsel vm0, $0x0, v54  }
0x15b: {  	[tilespmem:$0x800] =	vst v4;
	v56 =	vld [tilespmem:$0x6B0];
	vm12 =	vmneg vm0;
	vm14 =	vgt.s32 v62, $0x0;
	v4 =	vsel vm0, $0x2, v0  }
0x15c: {  	v55 =	vld [tilespmem:$0xAA0];
	v37 =	vnsel vm10, $0xC34F, v37;
	v38 =	vsel vm11, v40, v38;
	vm7 =	vmor vm1, vm3  }
0x15d: {  	vm10 =	vgt.s32 v54, $0xAFC7;
	v57 =	vadd.s32 $0xFFFF5038, v60;
	v63 =	vnsel vm14, $0x0, v62  }
0x15e: {  	[tilespmem:$0x990] =	vst v30;
	v30 =	vor.u32 v39, v44;
	vm8 =	vlt.s32 v38, $0xC34F;
	v45 =	vsel vm7, $0x1, v0  }
0x15f: {  	v40 =	vsel vm10, v57, v60;
	vm2 =	vmand vm12, vm10;
	v38 =	vnsel vm8, $0xC34F, v38  }
0x160: {  	[tilespmem:$0x5B0] =	vst v31;
	v60 =	vld [tilespmem:$0x700];
	vm15 =	vgt.s32 v56, $0xAFC7;
	vm8 =	vgt.s32 v62, $0x1387;
	v31 =	vor.u32 v45, v46  }
0x161: {  	vm9 =	vgt.s32 v55, $0x0;
	vm11 =	vgt.s32 v55, $0x1387;
	v62 =	vsel vm8, $0x9C40, v1  }
0x162: {  	v61 =	vnsel vm9, $0x0, v55;
	v58 =	vsel vm11, $0x9C40, v1;
	vm1 =	vmand vm0, vm11  }
0x163: {  	v54 =	vmin.u32 v61, $0x270F;
	vm2 =	vmor vm1, vm2;
	vm1 =	vlt.s32 v56, $0x0  }
0x164: {  	v54 =	vadd.s32 v54, v58;
	v49 =	vsel vm2, $0x1, v0;
	vm9 =	vmneg vm1  }
0x165: {  	vm10 =	vmand vm1, vm8;
	vm12 =	vlt.s32 v60, $0x0;
	vm14 =	vgt.s32 v60, $0xAFC7  }
0x166: {  	[tilespmem:$0x810] =	vst v6;
	v59 =	vld [tilespmem:$0xB00];
	v6 =	vsel vm1, $0x2, v0;
	v40 =	vsel vm0, v54, v40;
	v54 =	vsel vm1, $0x0, v56  }
0x167: {  	[tilespmem:$0x410] =	vst v3;
	v56 =	vmin.u32 v63, $0x270F;
	vm2 =	vmand vm9, vm15;
	v3 =	vsel vm12, $0x0, v60  }
0x168: {  	[tilespmem:$0x830] =	vst v10;
	vm5 =	vmneg vm12;
	v10 =	vsel vm12, $0x2, v0;
	v4 =	vor.u32 v49, v4  }
0x169: {  	vm13 =	vlt.s32 v40, $0xC34F;
	v61 =	vadd.s32 $0xFFFF5038, v54;
	v57 =	vadd.s32 v56, v62  }
0x16a: {  	v60 =	vld [tilespmem:$0x710];
	vm2 =	vmor vm10, vm2;
	v40 =	vnsel vm13, $0xC34F, v40;
	v63 =	vsel vm15, v61, v54  }
0x16b: {  	vm13 =	vgt.s32 v59, $0x0;
	vm15 =	vgt.s32 v59, $0x1387;
	v61 =	vadd.s32 $0xFFFF5038, v3  }
0x16c: {  	[tilespmem:$0x400] =	vst v2;
	v56 =	vld [tilespmem:$0x720];
	v2 =	vsel vm1, v57, v63;
	v58 =	vnsel vm13, $0x0, v59;
	v62 =	vsel vm15, $0x9C40, v1  }
0x16d: {  	[tilespmem:$0x420] =	vst v5;
	v3 =	vsel vm14, v61, v3;
	vm11 =	vlt.s32 v2, $0xC34F;
	v5 =	vmin.u32 v58, $0x270F  }
0x16e: {  	[tilespmem:$0x820] =	vst v8;
	vm6 =	vmand vm12, vm15;
	v2 =	vnsel vm11, $0xC34F, v2;
	v5 =	vadd.s32 v5, v62  }
0x16f: {  	[tilespmem:$0x430] =	vst v7;
	v63 =	vld [tilespmem:$0xB10];
	vm1 =	vlt.s32 v60, $0x0;
	vm9 =	vgt.s32 v60, $0xAFC7;
	v3 =	vsel vm12, v5, v3  }
0x170: {  	[tilespmem:$0x480] =	vst v9;
	v59 =	vld [tilespmem:$0xB20];
	v5 =	vsel vm2, $0x1, v0;
	vm2 =	vmand vm5, vm14;
	v53 =	vsel vm1, $0x0, v60  }
0x171: {  	[tilespmem:$0x880] =	vst v12;
	vm11 =	vmneg vm1;
	vm0 =	vlt.s32 v56, $0x0;
	vm15 =	vgt.s32 v56, $0xAFC7  }
0x172: {  	[tilespmem:$0x890] =	vst v14;
	v48 =	vsel vm1, $0x2, v0;
	vm2 =	vmor vm6, vm2;
	vm7 =	vlt.s32 v3, $0xC34F  }
0x173: {  	[tilespmem:$0x490] =	vst v11;
	v57 =	vadd.s32 $0xFFFF5038, v53;
	v60 =	vsel vm0, $0x0, v56;
	v5 =	vor.u32 v5, v6  }
0x174: {  	[tilespmem:$0x8A0] =	vst v16;
	v62 =	vld [tilespmem:$0x730];
	v3 =	vnsel vm7, $0xC34F, v3;
	vm8 =	vgt.s32 v63, $0x0;
	vm10 =	vgt.s32 v63, $0x1387  }
0x175: {  	[tilespmem:$0x4B0] =	vst v15;
	v7 =	vsel vm9, v57, v53;
	vm14 =	vgt.s32 v59, $0x0;
	v54 =	vnsel vm8, $0x0, v63  }
0x176: {  	[tilespmem:$0x8B0] =	vst v18;
	v58 =	vsel vm10, $0x9C40, v1;
	vm12 =	vmand vm1, vm10;
	v61 =	vnsel vm14, $0x0, v59  }
0x177: {  	[tilespmem:$0x900] =	vst v20;
	vm8 =	vgt.s32 v59, $0x1387;
	v63 =	vadd.s32 $0xFFFF5038, v60;
	v8 =	vmin.u32 v54, $0x270F  }
0x178: {  	[tilespmem:$0x500] =	vst v17;
	v9 =	vmin.u32 v61, $0x270F;
	v20 =	vsel vm8, $0x9C40, v1;
	v11 =	vsel vm15, v63, v60  }
0x179: {  	[tilespmem:$0x510] =	vst v19;
	vm10 =	vmand vm0, vm8;
	vm14 =	vgt.s32 v62, $0xAFC7;
	v60 =	vsel vm0, $0x2, v0  }
0x17a: {  	[tilespmem:$0x910] =	vst v22;
	v8 =	vadd.s32 v8, v58;
	v9 =	vadd.s32 v9, v20;
	v58 =	vor.u32 v43, v47  }
0x17b: {  	v22 =	vld [tilespmem:$0xB30];
	[tilespmem:$0x920] =	vst v24;
	v7 =	vsel vm1, v8, v7;
	v8 =	vsel vm2, $0x1, v0;
	vm2 =	vmand vm11, vm9  }
0x17c: {  	[tilespmem:$0x520] =	vst v21;
	v57 =	vld [tilespmem:$0xB80];
	v9 =	vsel vm0, v9, v11;
	vm9 =	vmneg vm0;
	vm2 =	vmor vm12, vm2  }
0x17d: {  	[tilespmem:$0x530] =	vst v23;
	vm13 =	vlt.s32 v7, $0xC34F;
	vm11 =	vlt.s32 v9, $0xC34F;
	vm12 =	vlt.s32 v62, $0x0  }
0x17e: {  	[tilespmem:$0x930] =	vst v26;
	v54 =	vld [tilespmem:$0x780];
	v8 =	vor.u32 v8, v10;
	v7 =	vnsel vm13, $0xC34F, v7;
	v42 =	vsel vm2, $0x1, v0  }
0x17f: {  	[tilespmem:$0x980] =	vst v28;
	vm2 =	vmand vm9, vm15;
	v9 =	vnsel vm11, $0xC34F, v9;
	v51 =	vsel vm12, $0x0, v62  }
0x180: {  	[tilespmem:$0x580] =	vst v25;
	v63 =	vld [tilespmem:$0x790];
	vm13 =	vgt.s32 v22, $0x0;
	vm15 =	vgt.s32 v22, $0x1387;
	vm6 =	vmneg vm12  }
0x181: {  	[tilespmem:$0x610] =	vst v34;
	vm9 =	vgt.s32 v57, $0x0;
	vm11 =	vgt.s32 v57, $0x1387;
	v34 =	vsel vm12, $0x2, v0  }
0x182: {  	[tilespmem:$0x590] =	vst v27;
	vm2 =	vmor vm10, vm2;
	v53 =	vnsel vm13, $0x0, v22;
	v55 =	vadd.s32 $0xFFFF5038, v51  }
0x183: {  	[tilespmem:$0x9A0] =	vst v32;
	v56 =	vsel vm15, $0x9C40, v1;
	vm7 =	vmand vm12, vm15;
	vm0 =	vlt.s32 v54, $0x0  }
0x184: {  	[tilespmem:$0x5A0] =	vst v29;
	vm10 =	vgt.s32 v54, $0xAFC7;
	v62 =	vnsel vm9, $0x0, v57;
	v29 =	vsel vm11, $0x9C40, v1  }
0x185: {  	[tilespmem:$0xA20] =	vst v41;
	vm1 =	vlt.s32 v63, $0x0;
	v41 =	vor.u32 v42, v48;
	v12 =	vmin.u32 v53, $0x270F  }
0x186: {  	[tilespmem:$0x9B0] =	vst v50;
	v15 =	vsel vm14, v55, v51;
	v59 =	vsel vm2, $0x1, v0;
	vm2 =	vmand vm6, vm14  }
0x187: {  	[tilespmem:$0x600] =	vst v33;
	v61 =	vsel vm0, $0x0, v54;
	v16 =	vmin.u32 v62, $0x270F;
	vm13 =	vmneg vm0  }
0x188: {  	v33 =	vld [tilespmem:$0xB90];
	[tilespmem:$0x620] =	vst v35;
	v35 =	vsel vm1, $0x0, v63;
	vm9 =	vmneg vm1;
	v46 =	vsel vm0, $0x2, v0  }
0x189: {  	[tilespmem:$0xA00] =	vst v52;
	v55 =	vsel vm1, $0x2, v0;
	v12 =	vadd.s32 v12, v56;
	vm2 =	vmor vm7, vm2  }
0x18a: {  	[tilespmem:$0xA10] =	vst v13;
	v39 =	vld [tilespmem:$0x7A0];
	v28 =	vadd.s32 $0xFFFF5038, v61;
	v16 =	vadd.s32 v16, v29;
	vm14 =	vmand vm13, vm10  }
0x18b: {  	[tilespmem:$0x630] =	vst v36;
	v49 =	vld [tilespmem:$0x7B0];
	v36 =	vadd.s32 $0xFFFF5038, v35;
	v43 =	vor.u32 v59, v60;
	v12 =	vsel vm12, v12, v15  }
0x18c: {  	[tilespmem:$0x680] =	vst v37;
	v19 =	vsel vm10, v28, v61;
	v32 =	vsel vm2, $0x1, v0;
	vm12 =	vmand vm0, vm11  }
0x18d: {  	[tilespmem:$0xA80] =	vst v30;
	v42 =	vld [tilespmem:$0xBA0];
	vm10 =	vgt.s32 v33, $0x0;
	vm11 =	vgt.s32 v33, $0x1387;
	vm8 =	vlt.s32 v12, $0xC34F  }
0x18e: {  	[tilespmem:$0x690] =	vst v38;
	v16 =	vsel vm0, v16, v19;
	vm2 =	vmor vm12, vm14;
	v37 =	vnsel vm10, $0x0, v33  }
0x18f: {  	[tilespmem:$0xA90] =	vst v31;
	v19 =	vsel vm11, $0x9C40, v1;
	v44 =	vor.u32 v32, v34;
	vm12 =	vmand vm1, vm11  }
0x190: {  	[tilespmem:$0xAA0] =	vst v4;
	v54 =	vld [tilespmem:$0xBB0];
	vm14 =	vgt.s32 v39, $0xAFC7;
	vm10 =	vgt.s32 v49, $0xAFC7;
	v12 =	vnsel vm8, $0xC34F, v12  }
0x191: {  	[tilespmem:$0x6A0] =	vst v40;
	vm15 =	vlt.s32 v16, $0xC34F;
	vm8 =	vgt.s32 v63, $0xAFC7;
	v38 =	vmin.u32 v37, $0x270F  }
0x192: {  	[tilespmem:$0x6B0] =	vst v2;
	v45 =	vsel vm2, $0x1, v0;
	vm6 =	vgt.s32 v42, $0x1387;
	v16 =	vnsel vm15, $0xC34F, v16  }
0x193: {  	[tilespmem:$0xAB0] =	vst v5;
	v17 =	vsel vm8, v36, v35;
	vm3 =	vmand vm9, vm8;
	v6 =	vadd.s32 v38, v19  }
0x194: {  	[tilespmem:$0x700] =	vst v3;
	v2 =	vor.u32 v45, v46;
	vm15 =	vgt.s32 v42, $0x0;
	v53 =	vsel vm6, $0x9C40, v1  }
0x195: {  	[tilespmem:$0xA30] =	vst v58;
	vm8 =	vlt.s32 v49, $0x0;
	vm11 =	vgt.s32 v54, $0x0;
	v6 =	vsel vm1, v6, v17  }
0x196: {  	[tilespmem:$0xB00] =	vst v8;
	vm0 =	vmor vm12, vm3;
	v50 =	vnsel vm15, $0x0, v42;
	v56 =	vsel vm8, $0x0, v49  }
0x197: {  	[tilespmem:$0x710] =	vst v7;
	vm12 =	vgt.s32 v54, $0x1387;
	v59 =	vnsel vm11, $0x0, v54;
	vm13 =	vlt.s32 v6, $0xC34F  }
0x198: {  	[tilespmem:$0x720] =	vst v9;
	v48 =	vsel vm0, $0x1, v0;
	vm0 =	vlt.s32 v39, $0x0;
	v52 =	vmin.u32 v50, $0x270F  }
0x199: {  	[tilespmem:$0xB80] =	vst v2;
	v57 =	vadd.s32 $0xFFFF5038, v56;
	v2 =	vmin.u32 v59, $0x270F;
	v60 =	vsel vm12, $0x9C40, v1  }
0x19a: {  	[tilespmem:$0xB10] =	vst v41;
	v47 =	vnsel vm13, $0xC34F, v6;
	v3 =	vsel vm0, $0x0, v39;
	v7 =	vadd.s32 v52, v53  }
0x19b: {  	[tilespmem:$0xB20] =	vst v43;
	vm7 =	vmneg vm0;
	vm3 =	vmand vm0, vm6;
	v6 =	vsel vm10, v57, v56  }
0x19c: {  	[tilespmem:$0xB30] =	vst v44;
	vm13 =	vmneg vm8;
	v61 =	vor.u32 v48, v55;
	v51 =	vadd.s32 $0xFFFF5038, v3  }
0x19d: {  	[tilespmem:$0x730] =	vst v12;
	v2 =	vadd.s32 v2, v60;
	v62 =	vsel vm0, $0x2, v0;
	v3 =	vsel vm14, v51, v3  }
0x19e: {  	[tilespmem:$0x780] =	vst v16;
	vm2 =	vmand vm7, vm14;
	v2 =	vsel vm8, v2, v6;
	v3 =	vsel vm0, v7, v3  }
0x19f: {  	[tilespmem:$0x790] =	vst v47;
	vm2 =	vmor vm3, vm2;
	vm3 =	vmand vm13, vm10;
	vm9 =	vlt.s32 v3, $0xC34F  }
0x1a0: {  	[tilespmem:$0xB90] =	vst v61;
	vm14 =	vmand vm8, vm12;
	v58 =	vsel vm2, $0x1, v0;
	v3 =	vnsel vm9, $0xC34F, v3  }
0x1a1: {  	vm15 =	vlt.s32 v2, $0xC34F;
	vm0 =	vmor vm14, vm3;
	[tilespmem:$0x7A0] =	vst v3;
	v3 =	vor.u32 v58, v62  }
0x1a2: {  	v63 =	vsel vm8, $0x2, v0;
	v2 =	vnsel vm15, $0xC34F, v2;
	[tilespmem:$0xBA0] =	vst v3;
	v3 =	vsel vm0, $0x1, v0  }
0x1a3: {  	[tilespmem:$0x7B0] =	vst v2;
	v2 =	vor.u32 v3, v63  }
0x1a4: {  	s0 =	rddreg [dreg:$0xd];
	[tilespmem:$0xBB0] =	vst v2  }
0x1a5: {  	[hbm4b:s0+s5] =	stream.linear.scatter [tilespmem:s21], [sflag:$0x3], $0x400, $0x38;
	[tilespmem:$0x11000] =	vst v63  }
0x1a6: {  	s18 =	rddreg [dreg:$0xe]  }
0x1a7: {  	[hbm4b:s18+s5] =	stream.linear.scatter [tilespmem:s20], [sflag:$0x3], $0x400, $0x38;
	[tilespmem:$0x11000] =	vst v63  }
0x1a8: {  	s0 =	rddreg [dreg:$0x1e];
	s20 =	simm.s32 $0x1000  }
0x1a9: {  	[tilespmem:s20], [sflag:$0x2] =	stream.indirect.gather [hbm4b:s7+s17], $0x80, s19, s17, $0xb8;
	[tilespmem:$0x11000] =	vst v63  }
0x1aa: {  	s18 =	rddreg [dreg:$0x1f]  }
0x1ab: {  	[tilespmem:s0], [sflag:$0x2] =	stream.indirect.gather [hbm4b:s7+s17], $0x80, s22, s17, $0xb8;
	[tilespmem:$0x11000] =	vst v63  }
0x1ac: {  	s0 =	sld [smem:$0x7F9]  }
0x1ad: {  	[tilespmem:s18], [sflag:$0x2] =	stream.indirect.gather [hbm4b:s7+s17], $0x80, s23, s17, $0xb8;
	[tilespmem:$0x11000] =	vst v63  }
0x1ae: {  	s18 =	sld [smem:$0x7FA]  }
0x1af: {  	[tilespmem:s0], [sflag:$0x2] =	stream.indirect.gather [hbm4b:s7+s17], $0x80, s24, s17, $0xb8;
	[tilespmem:$0x11000] =	vst v63  }
0x1b0: {  	s0 =	sld [smem:$0x7FB]  }
0x1b1: {  	[tilespmem:s18], [sflag:$0x2] =	stream.indirect.gather [hbm4b:s7+s17], $0x80, s25, s17, $0xb8;
	[tilespmem:$0x11000] =	vst v63  }
0x1b2: {  	s18 =	sld [smem:$0x7FC]  }
0x1b3: {  	[tilespmem:s0], [sflag:$0x2] =	stream.indirect.gather [hbm4b:s7+s17], $0x80, s26, s17, $0xb8;
	[tilespmem:$0x11000] =	vst v63  }
0x1b4: {  	s0 =	sld [smem:$0x7FD]  }
0x1b5: {  	[tilespmem:s18], [sflag:$0x2] =	stream.indirect.gather [hbm4b:s7+s17], $0x80, s28, s17, $0xb8;
	[tilespmem:$0x11000] =	vst v63  }
0x1b6: {  	_ = 	snop  }
0x1b7: {  	[tilespmem:s0], [sflag:$0x2] =	stream.indirect.gather [hbm4b:s7+s17], $0x80, s30, s17, $0xb8;
	[tilespmem:$0x11000] =	vst v63  }
0x1b8: {  	_ =	swait.ge [sflag:s31], $0x2000  }
0x1b9: {  	[sflag:s31] =	ssyncset.done $0x0  }
0x1ba: {  	[sflag:s31] =	ssyncadd.s32 $0xFFFFE000  }
0x1bb: {  	_ =	swait.ge [sflag:s31], $0x2000  }
0x1bc: {  	[sflag:s31] =	ssyncset.done $0x0  }
0x1bd: {  	[sflag:s31] =	ssyncadd.s32 $0xFFFFE000  }
0x1be: {  	_ =	swait.ge [sflag:s31], $0x2000  }
0x1bf: {  	[sflag:s31] =	ssyncset.done $0x0  }
0x1c0: {  	[sflag:s31] =	ssyncadd.s32 $0xFFFFE000  }
0x1c1: {  	_ =	swait.ge [sflag:s31], $0x2000  }
0x1c2: {  	[sflag:s31] =	ssyncset.done $0x0  }
0x1c3: {  	[sflag:s31] =	ssyncadd.s32 $0xFFFFE000  }
0x1c4: {  	_ =	swait.ge [sflag:s31], $0x2000  }
0x1c5: {  	[sflag:s31] =	ssyncset.done $0x0  }
0x1c6: {  	[sflag:s31] =	ssyncadd.s32 $0xFFFFE000  }
0x1c7: {  	_ =	swait.ge [sflag:s31], $0x2000  }
0x1c8: {  	[sflag:s31] =	ssyncset.done $0x0  }
0x1c9: {  	[sflag:s31] =	ssyncadd.s32 $0xFFFFE000  }
0x1ca: {  	_ =	swait.ge [sflag:s31], $0x2000  }
0x1cb: {  	[sflag:s31] =	ssyncset.done $0x0  }
0x1cc: {  	[sflag:s31] =	ssyncadd.s32 $0xFFFFE000  }
0x1cd: {  	_ =	swait.ge [sflag:s31], $0x2000  }
0x1ce: {  	[sflag:s31] =	ssyncset.done $0x0  }
0x1cf: {  	s18 =	rddreg [dreg:$0xf];
	[sflag:s31] =	ssyncadd.s32 $0xFFFFE000  }
0x1d0: {  	[hbm4b:s18+s5] =	stream.linear.scatter [tilespmem:s20], [sflag:$0x4], $0x10000, $0x38;
	[tilespmem:$0x11000] =	vst v63  }
0x1d1: {  	_ =	swait.ge [sflag:s9], $0x10000  }
0x1d2: {  	[sflag:s9] =	ssyncset.done $0x0  }
0x1d3: {  	[sflag:s9] =	ssyncadd.s32 $0xFFFF0000  }
0x1d4: {  	p0 =	sne.s32 s8, $0x1;
	_ =	swait.ge [sflag:s3], $0x400  }
.Ltmp0:
0x1d5: {  	[sflag:s3] =	ssyncset.done $0x0;
	(pc) =	sbr.rel @p0 .LBB2_1-.Ltmp0, $4  }
0x1d6: {  	[sflag:s3] =	ssyncadd.s32 $0xFFFFFC00  }
0x1d7: {  	_ =	swait.ge [sflag:s3], $0x400  }
0x1d8: {  	[sflag:s3] =	ssyncset.done $0x0  }
0x1d9: {  	s8 =	sadd.s32 $0xFFFFFFFF, s8;
	[sflag:s3] =	ssyncadd.s32 $0xFFFFFC00  }
0x1da: {  	_ =	sfence.sel $0x180000  }
0x1db: {  	[bflag:$0x0] =	sbarrier.arrive $0xFFFF  }
0x1dc: {  	_ =	strace $0x90000047  }
0x1dd: {  	s0 =	stileid.u32;
	[bflag:$0x2] =	sbarrier.arrive $0xFFFF  }
0x1de: {  	p0 =	sne.s32 s0, $0x0;
	s0 =	rddreg [dreg:$0x5]  }
0x1df: {  	s0 =	sadd.s32 @!p0 $0x100000, s0  }
0x1e0: {  	[sflag:s0] =	ssyncadd.tile.s32 @!p0 $0x1;
	_ =	shalt  }
.Lfunc_end2:
_tile_overlayer_lowered:
.L_overlay_start_2:
0x1e1: {  	(tag) =	ssettag $0x2  }
0x1e2: {  	s0 =	rddreg [dreg:$0x0];
	s2 =	stileid.u32  }
0x1e3: {  	s1 =	rddreg [dreg:$0x1];
	p0 =	sne.s32 s2, $0x0  }
0x1e4: {  	s3 =	rddreg [dreg:$0x2];
	[bflag:$0x3] =	sbarrier.arrive $0xFFFF;
	s2 =	simm.s32 @!p0 $0x1C04  }
0x1e5: {  	[timem:s3], [sflag:s2] =	dma.local @!p0 [hbm:s0], s1  }
0x1e6: {  	s0 =	simm.s32 @!p0 $0x4  }
0x1e7: {  	_ =	swait.ge @!p0 [sflag:s0], s1  }
0x1e8: {  	s1 =	ssub.s32 @!p0 $0x0, s1;
	[sflag:s0] =	ssyncset.done @!p0 $0x0  }
0x1e9: {  	[sflag:s0] =	ssyncadd.s32 @!p0 s1  }
0x1ea: {  	[bflag:$0x3] =	sbarrier.arrive $0xFFFF  }
0x1eb: {  	_ =	shalt  }

</sc_bundles>
